<compile_context>
chip_gen: v7x
topology: tpu7x:2x2x1
jax: 0.10.2.dev20260603
libtpu: 0.0.44.dev20260713+nightly
codegen_flags: <defaults>
</compile_context>

<pallas_src>
import functools

import jax
import jax.numpy as jnp
from jax import lax
from jax.experimental import pallas as pl
from jax.experimental.pallas import tpu as pltpu
from jax.experimental.pallas import tpu_sc as plsc

B = 1024
L = 200
V = 100000

NH = 4
HB = B // NH
BB = 16
NW = 32
GPT = HB // (8 * NW)
EPG = 8 * L
NVEC = EPG // 16
CW = 4992
NCH = 20
TW = 160
TS = NCH * CW
TK = NCH


def _val_idx_block(loc_ref, m_ref, rw_ref, fw_ref, row_ref, chk_ref, col_ref,
                   val_ref):
    loc = loc_ref[...]
    m = m_ref[...]
    rw = rw_ref[0]
    fw = fw_ref[0]
    t = lax.broadcasted_iota(jnp.int32, (1, L), 1).astype(jnp.float32)
    rf = jnp.exp((jnp.float32(L - 1) - t) * jnp.log(rw))
    rv = rf * m
    eq = (loc[:, :, None] == loc[:, None, :]).astype(jnp.float32)
    cnt = jnp.sum(eq * m[:, None, :], axis=2)
    rec = jnp.max(eq * rv[:, None, :], axis=2)
    maxf = jnp.maximum(jnp.max(cnt, axis=1, keepdims=True), 1.0)
    val_ref[...] = rec + fw * cnt / maxf
    i = pl.program_id(0)
    rows = i * BB + lax.broadcasted_iota(jnp.int32, (BB, L), 0)
    row_ref[...] = rows & 7
    k = loc // CW
    chk_ref[...] = k
    col_ref[...] = loc - k * CW


def _val_idx_call(loc_seq, mask, rw, fw):
    return pl.pallas_call(
        _val_idx_block,
        grid=(HB // BB,),
        in_specs=[
            pl.BlockSpec((BB, L), lambda i: (i, 0)),
            pl.BlockSpec((BB, L), lambda i: (i, 0)),
            pl.BlockSpec(memory_space=pltpu.SMEM),
            pl.BlockSpec(memory_space=pltpu.SMEM),
        ],
        out_specs=[
            pl.BlockSpec((BB, L), lambda i: (i, 0)),
            pl.BlockSpec((BB, L), lambda i: (i, 0)),
            pl.BlockSpec((BB, L), lambda i: (i, 0)),
            pl.BlockSpec((BB, L), lambda i: (i, 0)),
        ],
        out_shape=[
            jax.ShapeDtypeStruct((HB, L), jnp.int32),
            jax.ShapeDtypeStruct((HB, L), jnp.int32),
            jax.ShapeDtypeStruct((HB, L), jnp.int32),
            jax.ShapeDtypeStruct((HB, L), jnp.float32),
        ],
    )(loc_seq, mask, rw, fw)


def _make_sc_body(goff):

    def _sc_body(out_hbm, row_hbm, chk_hbm, col_hbm, val_hbm,
                 row_v, chk_v, col_v, val_v, buf0, buf1, tbuf, sem0, sem1):
        c = lax.axis_index("c")
        s = lax.axis_index("s")
        w = c * 16 + s

        z16f = jnp.zeros((16,), jnp.float32)

        def zmain(i, carry):
            r = i // (CW // 16)
            o = (i % (CW // 16)) * 16
            buf0[r, pl.ds(o, 16)] = z16f
            buf1[r, pl.ds(o, 16)] = z16f
            return carry

        lax.fori_loop(0, 8 * (CW // 16), zmain, 0)

        def ztail(i, carry):
            r = i // (TW // 16)
            o = (i % (TW // 16)) * 16
            tbuf[r, pl.ds(o, 16)] = z16f
            return carry

        lax.fori_loop(0, 8 * (TW // 16), ztail, 0)

        pltpu.sync_copy(row_hbm.at[w], row_v)
        pltpu.sync_copy(chk_hbm.at[w], chk_v)
        pltpu.sync_copy(col_hbm.at[w], col_v)
        pltpu.sync_copy(val_hbm.at[w], val_v)

        bufs = (buf0, buf1)
        sems = (sem0, sem1)

        def scan(a, k, buf, zero):
            def body(i, carry):
                rv = row_v[a, pl.ds(i * 16, 16)]
                kv = chk_v[a, pl.ds(i * 16, 16)]
                cv = col_v[a, pl.ds(i * 16, 16)]
                vv = z16f if zero else val_v[a, pl.ds(i * 16, 16)]
                plsc.store_scatter(buf, [rv, cv], vv, mask=kv == k)
                return carry
            lax.fori_loop(0, NVEC, body, 0)

        def chunk_dma(ch, buf, sem):
            a = ch // NCH
            k = ch % NCH
            g = (goff + w * GPT + a) * 8
            cs = pl.multiple_of(k * CW, 128)
            return pltpu.make_async_copy(
                buf, out_hbm.at[pl.ds(g, 8), pl.ds(cs, CW)], sem)

        def piped(j, carry):
            for sl in (0, 1):
                ch = 2 * j + sl

                @pl.when(j > 0)
                def _():
                    prev = ch - 2
                    chunk_dma(prev, bufs[sl], sems[sl]).wait()
                    scan(prev // NCH, prev % NCH, bufs[sl], zero=True)

                scan(ch // NCH, ch % NCH, bufs[sl], zero=False)
                chunk_dma(ch, bufs[sl], sems[sl]).start()
            return carry

        lax.fori_loop(0, (GPT * NCH) // 2, piped, 0)
        for sl in (0, 1):
            chunk_dma(GPT * NCH - 2 + sl, bufs[sl], sems[sl]).wait()

        def tail(a, carry):
            g = (goff + w * GPT + a) * 8
            scan(a, TK, tbuf, zero=False)
            tdma = pltpu.make_async_copy(
                tbuf, out_hbm.at[pl.ds(g, 8), pl.ds(TS, TW)], sem0)
            tdma.start()
            tdma.wait()
            scan(a, TK, tbuf, zero=True)
            return carry

        lax.fori_loop(0, GPT, tail, 0)

    return _sc_body


@functools.cache
def _sc_call(half):
    mesh = plsc.VectorSubcoreMesh(core_axis_name="c", subcore_axis_name="s")
    return pl.kernel(
        _make_sc_body(half * NW * GPT),
        out_type=(),
        mesh=mesh,
        compiler_params=pltpu.CompilerParams(needs_layout_passes=False),
        scratch_types=[
            pltpu.VMEM((GPT, EPG), jnp.int32),
            pltpu.VMEM((GPT, EPG), jnp.int32),
            pltpu.VMEM((GPT, EPG), jnp.int32),
            pltpu.VMEM((GPT, EPG), jnp.float32),
            pltpu.VMEM((8, CW), jnp.float32),
            pltpu.VMEM((8, CW), jnp.float32),
            pltpu.VMEM((8, TW), jnp.float32),
            pltpu.SemaphoreType.DMA,
            pltpu.SemaphoreType.DMA,
        ],
    )


def kernel(loc_seq, mask, recency_weight, frequency_weight):
    rw = jnp.asarray(recency_weight, jnp.float32).reshape(1)
    fw = jnp.asarray(frequency_weight, jnp.float32).reshape(1)
    out_ref = jax.new_ref(lax.empty((B, V), jnp.float32))
    for h in range(NH):
        sl = slice(h * HB, (h + 1) * HB)
        row, chk, col, val = _val_idx_call(loc_seq[sl], mask[sl], rw, fw)
        _sc_call(h)(out_ref,
                    row.reshape(NW, GPT, EPG),
                    chk.reshape(NW, GPT, EPG),
                    col.reshape(NW, GPT, EPG),
                    val.reshape(NW, GPT, EPG))
    return jax.freeze(out_ref)

# --- scband reference (transcript-rebuilt; emitter-appended) ---
"""Pipeline reference for scband-location-history-encoder-5875515261483 (READ-ONLY COPY).

The authoritative reference and input builder live on the scoring server;
editing this copy changes nothing except your own understanding.
"""

import jax, jax.numpy as jnp
import numpy as np

B = 1024
L = 200
V = 100000


def setup_inputs(seed: int = 0) -> dict:
    key = jax.random.key(seed)
    k1, k2 = jax.random.split(key)
    loc_seq = jax.random.randint(k1, (B, L), 0, V, dtype=jnp.int32)
    mask = jnp.ones((B, L), dtype=jnp.float32)
    recency_weight = jnp.asarray(0.85, dtype=jnp.float32)
    frequency_weight = jnp.asarray(1.5, dtype=jnp.float32)
    return {
        "loc_seq": loc_seq,
        "mask": mask,
        "recency_weight": recency_weight,
        "frequency_weight": frequency_weight,
    }


def reference(loc_seq, mask, recency_weight, frequency_weight):
    b, l = loc_seq.shape
    # position_from_end = L - 1 - t  for t in [0, L)
    pos_from_end = (l - 1) - jnp.arange(l, dtype=jnp.float32)
    recency_factor = jnp.power(recency_weight, pos_from_end)  # (L,)
    recency_vals = recency_factor[None, :] * mask  # (B, L)
    rows = jnp.broadcast_to(jnp.arange(b)[:, None], (b, l))
    # elementwise max of per-step scatters against zero-initialized accumulator
    # == scatter-max into zeros (all recency_vals >= 0)
    recency_scores = jnp.zeros((b, V), dtype=jnp.float32).at[rows, loc_seq].max(recency_vals)
    # scatter_add_ accumulation of validity mask
    frequency_counts = jnp.zeros((b, V), dtype=jnp.float32).at[rows, loc_seq].add(mask)
    max_freq = jnp.clip(jnp.max(frequency_counts, axis=1, keepdims=True), 1.0, None)
    frequency_normalized = frequency_counts / max_freq
    history_scores = recency_scores + frequency_weight * frequency_normalized
    return history_scores

if __name__ == "__main__":
    import jax
    _d = setup_inputs()
    print(jax.jit(kernel)(*tuple(_d.values())))

</pallas_src>

<mosaic_0001>
#map = affine_map<(d0, d1) -> (0, 0)>
#map1 = affine_map<(d0, d1) -> (0, 0, 0)>
module attributes {stable_mosaic.version = 14 : i64} {
  func.func @new_body(%arg0: i32, %arg1: i32, %arg2: memref<1024x100000xf32, #tpu.memory_space<hbm>>, %arg3: memref<32x1x1600xi32, #tpu.memory_space<hbm>>, %arg4: memref<32x1x1600xi32, #tpu.memory_space<hbm>>, %arg5: memref<32x1x1600xi32, #tpu.memory_space<hbm>>, %arg6: memref<32x1x1600xf32, #tpu.memory_space<hbm>>, %arg7: memref<1024x100000xf32, #tpu.memory_space<hbm>>, %arg8: memref<1x1600xi32, #tpu.memory_space<vmem>>, %arg9: memref<1x1600xi32, #tpu.memory_space<vmem>>, %arg10: memref<1x1600xi32, #tpu.memory_space<vmem>>, %arg11: memref<1x1600xf32, #tpu.memory_space<vmem>>, %arg12: memref<8x4992xf32, #tpu.memory_space<vmem>>, %arg13: memref<8x4992xf32, #tpu.memory_space<vmem>>, %arg14: memref<8x160xf32, #tpu.memory_space<vmem>>, %arg15: memref<!tpu.dma_semaphore, #tpu.memory_space<semaphore_mem>>, %arg16: memref<!tpu.dma_semaphore, #tpu.memory_space<semaphore_mem>>) attributes {dimension_semantics = [#tpu.dimension_semantics<core_parallel>, #tpu.dimension_semantics<subcore_parallel>], iteration_bounds = array<i64: 2, 16>, scalar_prefetch = 0 : i64, scratch_operands = 9 : i64, tpu.core_type = #tpu.core_type<sc_vector_subcore>, window_params = [{transform_indices = #map}, {transform_indices = #map1}, {transform_indices = #map1}, {transform_indices = #map1}, {transform_indices = #map1}, {transform_indices = #map}]} {
    %mul3A = arith.constant 16 : i32
    %mul3A_0 = arith.muli %arg0, %mul3A : i32
    %add3A = arith.addi %mul3A_0, %arg1 : i32
    %broadcast_in_dim3A = arith.constant 0.000000e+00 : f32
    %broadcast_in_dim3A_1 = vector.broadcast %broadcast_in_dim3A : f32 to vector<16xf32>
    %scan3A = arith.constant 0 : i32
    %scan3A_2 = arith.constant 0 : i32
    %scan3A_3 = arith.constant 2496 : i32
    %scan3A_4 = arith.addi %scan3A_2, %scan3A_3 : i32
    %scan3A_5 = arith.constant 1 : i32
    scf.for %scan3A_70 = %scan3A_2 to %scan3A_4 step %scan3A_5  : i32 {
      %jit3A = arith.constant 312 : i32
      %div3A = arith.divsi %scan3A_70, %jit3A : i32
      %sign3A = arith.constant 0 : i32
      %sign3A_71 = arith.cmpi sgt, %scan3A_70, %sign3A : i32
      %sign3A_72 = arith.extui %sign3A_71 : i1 to i32
      %sign3A_73 = arith.constant 0 : i32
      %sign3A_74 = arith.cmpi slt, %scan3A_70, %sign3A_73 : i32
      %sign3A_75 = arith.extui %sign3A_74 : i1 to i32
      %sign3A_76 = arith.subi %sign3A_72, %sign3A_75 : i32
      %sign3A_77 = arith.constant 0 : i32
      %sign3A_78 = arith.cmpi sgt, %jit3A, %sign3A_77 : i32
      %sign3A_79 = arith.extui %sign3A_78 : i1 to i32
      %sign3A_80 = arith.constant 0 : i32
      %sign3A_81 = arith.cmpi slt, %jit3A, %sign3A_80 : i32
      %sign3A_82 = arith.extui %sign3A_81 : i1 to i32
      %sign3A_83 = arith.subi %sign3A_79, %sign3A_82 : i32
      %ne3A = arith.cmpi ne, %sign3A_76, %sign3A_83 : i32
      %rem3A = arith.remsi %scan3A_70, %jit3A : i32
      %ne3A_84 = arith.constant 0 : i32
      %ne3A_85 = arith.cmpi ne, %rem3A, %ne3A_84 : i32
      %and3A = arith.andi %ne3A, %ne3A_85 : i1
      %sub3A = arith.constant 1 : i32
      %sub3A_86 = arith.subi %div3A, %sub3A : i32
      %select_n3A = arith.select %and3A, %sub3A_86, %div3A : i32
      %jit3A_87 = arith.constant 312 : i32
      %eq3A = arith.constant 0 : i32
      %eq3A_88 = arith.cmpi eq, %jit3A_87, %eq3A : i32
      %jit3A_89 = arith.constant 1 : i32
      %select_n3A_90 = arith.select %eq3A_88, %jit3A_89, %jit3A_87 : i32
      %rem3A_91 = arith.remsi %scan3A_70, %select_n3A_90 : i32
      %ne3A_92 = arith.constant 0 : i32
      %ne3A_93 = arith.cmpi ne, %rem3A_91, %ne3A_92 : i32
      %lt3A = arith.constant 0 : i32
      %lt3A_94 = arith.cmpi slt, %rem3A_91, %lt3A : i32
      %lt3A_95 = arith.constant 0 : i32
      %lt3A_96 = arith.cmpi slt, %select_n3A_90, %lt3A_95 : i32
      %ne3A_97 = arith.xori %lt3A_94, %lt3A_96 : i1
      %and3A_98 = arith.andi %ne3A_97, %ne3A_93 : i1
      %add3A_99 = arith.addi %rem3A_91, %select_n3A_90 : i32
      %select_n3A_100 = arith.select %and3A_98, %add3A_99, %rem3A_91 : i32
      %mul3A_101 = arith.constant 16 : i32
      %mul3A_102 = arith.muli %select_n3A_100, %mul3A_101 : i32
      %swap3A = arith.index_cast %select_n3A : i32 to index
      %swap3A_103 = arith.index_cast %mul3A_102 : i32 to index
      %swap3A_104 = tpu.vector_load %arg12[%swap3A, %swap3A_103] {strides = array<i32>} : memref<8x4992xf32, #tpu.memory_space<vmem>>, vector<16xf32>,
      tpu.vector_store %arg12[%swap3A, %swap3A_103], %broadcast_in_dim3A_1 {strides = array<i32>} : memref<8x4992xf32, #tpu.memory_space<vmem>>, vector<16xf32>,
      %swap3A_105 = arith.index_cast %select_n3A : i32 to index
      %swap3A_106 = arith.index_cast %mul3A_102 : i32 to index
      %swap3A_107 = tpu.vector_load %arg13[%swap3A_105, %swap3A_106] {strides = array<i32>} : memref<8x4992xf32, #tpu.memory_space<vmem>>, vector<16xf32>,
      tpu.vector_store %arg13[%swap3A_105, %swap3A_106], %broadcast_in_dim3A_1 {strides = array<i32>} : memref<8x4992xf32, #tpu.memory_space<vmem>>, vector<16xf32>,
    }
    %scan3A_6 = arith.constant 2496 : i32
    %scan3A_7 = arith.constant 0 : i32
    %scan3A_8 = arith.constant 0 : i32
    %scan3A_9 = arith.constant 80 : i32
    %scan3A_10 = arith.addi %scan3A_8, %scan3A_9 : i32
    %scan3A_11 = arith.constant 1 : i32
    scf.for %scan3A_70 = %scan3A_8 to %scan3A_10 step %scan3A_11  : i32 {
      %jit3A = arith.constant 10 : i32
      %div3A = arith.divsi %scan3A_70, %jit3A : i32
      %sign3A = arith.constant 0 : i32
      %sign3A_71 = arith.cmpi sgt, %scan3A_70, %sign3A : i32
      %sign3A_72 = arith.extui %sign3A_71 : i1 to i32
      %sign3A_73 = arith.constant 0 : i32
      %sign3A_74 = arith.cmpi slt, %scan3A_70, %sign3A_73 : i32
      %sign3A_75 = arith.extui %sign3A_74 : i1 to i32
      %sign3A_76 = arith.subi %sign3A_72, %sign3A_75 : i32
      %sign3A_77 = arith.constant 0 : i32
      %sign3A_78 = arith.cmpi sgt, %jit3A, %sign3A_77 : i32
      %sign3A_79 = arith.extui %sign3A_78 : i1 to i32
      %sign3A_80 = arith.constant 0 : i32
      %sign3A_81 = arith.cmpi slt, %jit3A, %sign3A_80 : i32
      %sign3A_82 = arith.extui %sign3A_81 : i1 to i32
      %sign3A_83 = arith.subi %sign3A_79, %sign3A_82 : i32
      %ne3A = arith.cmpi ne, %sign3A_76, %sign3A_83 : i32
      %rem3A = arith.remsi %scan3A_70, %jit3A : i32
      %ne3A_84 = arith.constant 0 : i32
      %ne3A_85 = arith.cmpi ne, %rem3A, %ne3A_84 : i32
      %and3A = arith.andi %ne3A, %ne3A_85 : i1
      %sub3A = arith.constant 1 : i32
      %sub3A_86 = arith.subi %div3A, %sub3A : i32
      %select_n3A = arith.select %and3A, %sub3A_86, %div3A : i32
      %jit3A_87 = arith.constant 10 : i32
      %eq3A = arith.constant 0 : i32
      %eq3A_88 = arith.cmpi eq, %jit3A_87, %eq3A : i32
      %jit3A_89 = arith.constant 1 : i32
      %select_n3A_90 = arith.select %eq3A_88, %jit3A_89, %jit3A_87 : i32
      %rem3A_91 = arith.remsi %scan3A_70, %select_n3A_90 : i32
      %ne3A_92 = arith.constant 0 : i32
      %ne3A_93 = arith.cmpi ne, %rem3A_91, %ne3A_92 : i32
      %lt3A = arith.constant 0 : i32
      %lt3A_94 = arith.cmpi slt, %rem3A_91, %lt3A : i32
      %lt3A_95 = arith.constant 0 : i32
      %lt3A_96 = arith.cmpi slt, %select_n3A_90, %lt3A_95 : i32
      %ne3A_97 = arith.xori %lt3A_94, %lt3A_96 : i1
      %and3A_98 = arith.andi %ne3A_97, %ne3A_93 : i1
      %add3A_99 = arith.addi %rem3A_91, %select_n3A_90 : i32
      %select_n3A_100 = arith.select %and3A_98, %add3A_99, %rem3A_91 : i32
      %mul3A_101 = arith.constant 16 : i32
      %mul3A_102 = arith.muli %select_n3A_100, %mul3A_101 : i32
      %swap3A = arith.index_cast %select_n3A : i32 to index
      %swap3A_103 = arith.index_cast %mul3A_102 : i32 to index
      %swap3A_104 = tpu.vector_load %arg14[%swap3A, %swap3A_103] {strides = array<i32>} : memref<8x160xf32, #tpu.memory_space<vmem>>, vector<16xf32>,
      tpu.vector_store %arg14[%swap3A, %swap3A_103], %broadcast_in_dim3A_1 {strides = array<i32>} : memref<8x160xf32, #tpu.memory_space<vmem>>, vector<16xf32>,
    }
    %scan3A_12 = arith.constant 80 : i32
    "tpu.region"() ({
      %run_scoped3A = tpu.sem_alloc : memref<!tpu.dma_semaphore, #tpu.memory_space<semaphore_mem>>
      %dma_start3A_70 = arith.constant 0 : i32
      %dma_start3A_71 = arith.constant 0 : i32
      %dma_start3A_72 = tpu.memref_slice %arg3[%add3A, %dma_start3A_70, %dma_start3A_71] : memref<32x1x1600xi32, #tpu.memory_space<hbm>> -> memref<1x1x1600xi32, #tpu.memory_space<hbm>>
      %dma_start3A_73 = tpu.memref_squeeze %dma_start3A_72 : memref<1x1x1600xi32, #tpu.memory_space<hbm>> -> memref<1x1600xi32, #tpu.memory_space<hbm>>
      %dma_start3A_74 = arith.constant 0 : i32
      %dma_start3A_75 = arith.constant 0 : i32
      %dma_start3A_76 = tpu.memref_slice %arg3[%add3A, %dma_start3A_74, %dma_start3A_75] : memref<32x1x1600xi32, #tpu.memory_space<hbm>> -> memref<1x1x1600xi32, #tpu.memory_space<hbm>>
      %dma_start3A_77 = tpu.memref_squeeze %dma_start3A_76 : memref<1x1x1600xi32, #tpu.memory_space<hbm>> -> memref<1x1600xi32, #tpu.memory_space<hbm>>
      tpu.enqueue_dma source(%dma_start3A_77 : memref<1x1600xi32, #tpu.memory_space<hbm>>) target(%arg8 : memref<1x1600xi32, #tpu.memory_space<vmem>>) target_semaphore(%run_scoped3A : memref<!tpu.dma_semaphore, #tpu.memory_space<semaphore_mem>>)
      %dma_wait3A_78 = arith.constant 0 : i32
      %dma_wait3A_79 = arith.constant 0 : i32
      %dma_wait3A_80 = tpu.memref_slice %arg3[%add3A, %dma_wait3A_78, %dma_wait3A_79] : memref<32x1x1600xi32, #tpu.memory_space<hbm>> -> memref<1x1x1600xi32, #tpu.memory_space<hbm>>
      %dma_wait3A_81 = tpu.memref_squeeze %dma_wait3A_80 : memref<1x1x1600xi32, #tpu.memory_space<hbm>> -> memref<1x1600xi32, #tpu.memory_space<hbm>>
      %dma_wait3A_82 = arith.constant 0 : i32
      %dma_wait3A_83 = arith.constant 0 : i32
      %dma_wait3A_84 = tpu.memref_slice %arg3[%add3A, %dma_wait3A_82, %dma_wait3A_83] : memref<32x1x1600xi32, #tpu.memory_space<hbm>> -> memref<1x1x1600xi32, #tpu.memory_space<hbm>>
      %dma_wait3A_85 = tpu.memref_squeeze %dma_wait3A_84 : memref<1x1x1600xi32, #tpu.memory_space<hbm>> -> memref<1x1600xi32, #tpu.memory_space<hbm>>
      tpu.wait_dma2 semaphore(%run_scoped3A : memref<!tpu.dma_semaphore, #tpu.memory_space<semaphore_mem>>) src(%dma_wait3A_85 : memref<1x1600xi32, #tpu.memory_space<hbm>>) dst(%arg8 : memref<1x1600xi32, #tpu.memory_space<vmem>>)
      tpu.yield
    }) : () -> ()
    "tpu.region"() ({
      %run_scoped3A = tpu.sem_alloc : memref<!tpu.dma_semaphore, #tpu.memory_space<semaphore_mem>>
      %dma_start3A_70 = arith.constant 0 : i32
      %dma_start3A_71 = arith.constant 0 : i32
      %dma_start3A_72 = tpu.memref_slice %arg4[%add3A, %dma_start3A_70, %dma_start3A_71] : memref<32x1x1600xi32, #tpu.memory_space<hbm>> -> memref<1x1x1600xi32, #tpu.memory_space<hbm>>
      %dma_start3A_73 = tpu.memref_squeeze %dma_start3A_72 : memref<1x1x1600xi32, #tpu.memory_space<hbm>> -> memref<1x1600xi32, #tpu.memory_space<hbm>>
      %dma_start3A_74 = arith.constant 0 : i32
      %dma_start3A_75 = arith.constant 0 : i32
      %dma_start3A_76 = tpu.memref_slice %arg4[%add3A, %dma_start3A_74, %dma_start3A_75] : memref<32x1x1600xi32, #tpu.memory_space<hbm>> -> memref<1x1x1600xi32, #tpu.memory_space<hbm>>
      %dma_start3A_77 = tpu.memref_squeeze %dma_start3A_76 : memref<1x1x1600xi32, #tpu.memory_space<hbm>> -> memref<1x1600xi32, #tpu.memory_space<hbm>>
      tpu.enqueue_dma source(%dma_start3A_77 : memref<1x1600xi32, #tpu.memory_space<hbm>>) target(%arg9 : memref<1x1600xi32, #tpu.memory_space<vmem>>) target_semaphore(%run_scoped3A : memref<!tpu.dma_semaphore, #tpu.memory_space<semaphore_mem>>)
      %dma_wait3A_78 = arith.constant 0 : i32
      %dma_wait3A_79 = arith.constant 0 : i32
      %dma_wait3A_80 = tpu.memref_slice %arg4[%add3A, %dma_wait3A_78, %dma_wait3A_79] : memref<32x1x1600xi32, #tpu.memory_space<hbm>> -> memref<1x1x1600xi32, #tpu.memory_space<hbm>>
      %dma_wait3A_81 = tpu.memref_squeeze %dma_wait3A_80 : memref<1x1x1600xi32, #tpu.memory_space<hbm>> -> memref<1x1600xi32, #tpu.memory_space<hbm>>
      %dma_wait3A_82 = arith.constant 0 : i32
      %dma_wait3A_83 = arith.constant 0 : i32
      %dma_wait3A_84 = tpu.memref_slice %arg4[%add3A, %dma_wait3A_82, %dma_wait3A_83] : memref<32x1x1600xi32, #tpu.memory_space<hbm>> -> memref<1x1x1600xi32, #tpu.memory_space<hbm>>
      %dma_wait3A_85 = tpu.memref_squeeze %dma_wait3A_84 : memref<1x1x1600xi32, #tpu.memory_space<hbm>> -> memref<1x1600xi32, #tpu.memory_space<hbm>>
      tpu.wait_dma2 semaphore(%run_scoped3A : memref<!tpu.dma_semaphore, #tpu.memory_space<semaphore_mem>>) src(%dma_wait3A_85 : memref<1x1600xi32, #tpu.memory_space<hbm>>) dst(%arg9 : memref<1x1600xi32, #tpu.memory_space<vmem>>)
      tpu.yield
    }) : () -> ()
    "tpu.region"() ({
      %run_scoped3A = tpu.sem_alloc : memref<!tpu.dma_semaphore, #tpu.memory_space<semaphore_mem>>
      %dma_start3A_70 = arith.constant 0 : i32
      %dma_start3A_71 = arith.constant 0 : i32
      %dma_start3A_72 = tpu.memref_slice %arg5[%add3A, %dma_start3A_70, %dma_start3A_71] : memref<32x1x1600xi32, #tpu.memory_space<hbm>> -> memref<1x1x1600xi32, #tpu.memory_space<hbm>>
      %dma_start3A_73 = tpu.memref_squeeze %dma_start3A_72 : memref<1x1x1600xi32, #tpu.memory_space<hbm>> -> memref<1x1600xi32, #tpu.memory_space<hbm>>
      %dma_start3A_74 = arith.constant 0 : i32
      %dma_start3A_75 = arith.constant 0 : i32
      %dma_start3A_76 = tpu.memref_slice %arg5[%add3A, %dma_start3A_74, %dma_start3A_75] : memref<32x1x1600xi32, #tpu.memory_space<hbm>> -> memref<1x1x1600xi32, #tpu.memory_space<hbm>>
      %dma_start3A_77 = tpu.memref_squeeze %dma_start3A_76 : memref<1x1x1600xi32, #tpu.memory_space<hbm>> -> memref<1x1600xi32, #tpu.memory_space<hbm>>
      tpu.enqueue_dma source(%dma_start3A_77 : memref<1x1600xi32, #tpu.memory_space<hbm>>) target(%arg10 : memref<1x1600xi32, #tpu.memory_space<vmem>>) target_semaphore(%run_scoped3A : memref<!tpu.dma_semaphore, #tpu.memory_space<semaphore_mem>>)
      %dma_wait3A_78 = arith.constant 0 : i32
      %dma_wait3A_79 = arith.constant 0 : i32
      %dma_wait3A_80 = tpu.memref_slice %arg5[%add3A, %dma_wait3A_78, %dma_wait3A_79] : memref<32x1x1600xi32, #tpu.memory_space<hbm>> -> memref<1x1x1600xi32, #tpu.memory_space<hbm>>
      %dma_wait3A_81 = tpu.memref_squeeze %dma_wait3A_80 : memref<1x1x1600xi32, #tpu.memory_space<hbm>> -> memref<1x1600xi32, #tpu.memory_space<hbm>>
      %dma_wait3A_82 = arith.constant 0 : i32
      %dma_wait3A_83 = arith.constant 0 : i32
      %dma_wait3A_84 = tpu.memref_slice %arg5[%add3A, %dma_wait3A_82, %dma_wait3A_83] : memref<32x1x1600xi32, #tpu.memory_space<hbm>> -> memref<1x1x1600xi32, #tpu.memory_space<hbm>>
      %dma_wait3A_85 = tpu.memref_squeeze %dma_wait3A_84 : memref<1x1x1600xi32, #tpu.memory_space<hbm>> -> memref<1x1600xi32, #tpu.memory_space<hbm>>
      tpu.wait_dma2 semaphore(%run_scoped3A : memref<!tpu.dma_semaphore, #tpu.memory_space<semaphore_mem>>) src(%dma_wait3A_85 : memref<1x1600xi32, #tpu.memory_space<hbm>>) dst(%arg10 : memref<1x1600xi32, #tpu.memory_space<vmem>>)
      tpu.yield
    }) : () -> ()
    "tpu.region"() ({
      %run_scoped3A = tpu.sem_alloc : memref<!tpu.dma_semaphore, #tpu.memory_space<semaphore_mem>>
      %dma_start3A_70 = arith.constant 0 : i32
      %dma_start3A_71 = arith.constant 0 : i32
      %dma_start3A_72 = tpu.memref_slice %arg6[%add3A, %dma_start3A_70, %dma_start3A_71] : memref<32x1x1600xf32, #tpu.memory_space<hbm>> -> memref<1x1x1600xf32, #tpu.memory_space<hbm>>
      %dma_start3A_73 = tpu.memref_squeeze %dma_start3A_72 : memref<1x1x1600xf32, #tpu.memory_space<hbm>> -> memref<1x1600xf32, #tpu.memory_space<hbm>>
      %dma_start3A_74 = arith.constant 0 : i32
      %dma_start3A_75 = arith.constant 0 : i32
      %dma_start3A_76 = tpu.memref_slice %arg6[%add3A, %dma_start3A_74, %dma_start3A_75] : memref<32x1x1600xf32, #tpu.memory_space<hbm>> -> memref<1x1x1600xf32, #tpu.memory_space<hbm>>
      %dma_start3A_77 = tpu.memref_squeeze %dma_start3A_76 : memref<1x1x1600xf32, #tpu.memory_space<hbm>> -> memref<1x1600xf32, #tpu.memory_space<hbm>>
      tpu.enqueue_dma source(%dma_start3A_77 : memref<1x1600xf32, #tpu.memory_space<hbm>>) target(%arg11 : memref<1x1600xf32, #tpu.memory_space<vmem>>) target_semaphore(%run_scoped3A : memref<!tpu.dma_semaphore, #tpu.memory_space<semaphore_mem>>)
      %dma_wait3A_78 = arith.constant 0 : i32
      %dma_wait3A_79 = arith.constant 0 : i32
      %dma_wait3A_80 = tpu.memref_slice %arg6[%add3A, %dma_wait3A_78, %dma_wait3A_79] : memref<32x1x1600xf32, #tpu.memory_space<hbm>> -> memref<1x1x1600xf32, #tpu.memory_space<hbm>>
      %dma_wait3A_81 = tpu.memref_squeeze %dma_wait3A_80 : memref<1x1x1600xf32, #tpu.memory_space<hbm>> -> memref<1x1600xf32, #tpu.memory_space<hbm>>
      %dma_wait3A_82 = arith.constant 0 : i32
      %dma_wait3A_83 = arith.constant 0 : i32
      %dma_wait3A_84 = tpu.memref_slice %arg6[%add3A, %dma_wait3A_82, %dma_wait3A_83] : memref<32x1x1600xf32, #tpu.memory_space<hbm>> -> memref<1x1x1600xf32, #tpu.memory_space<hbm>>
      %dma_wait3A_85 = tpu.memref_squeeze %dma_wait3A_84 : memref<1x1x1600xf32, #tpu.memory_space<hbm>> -> memref<1x1600xf32, #tpu.memory_space<hbm>>
      tpu.wait_dma2 semaphore(%run_scoped3A : memref<!tpu.dma_semaphore, #tpu.memory_space<semaphore_mem>>) src(%dma_wait3A_85 : memref<1x1600xf32, #tpu.memory_space<hbm>>) dst(%arg11 : memref<1x1600xf32, #tpu.memory_space<vmem>>)
      tpu.yield
    }) : () -> ()
    %scan3A_13 = arith.constant 0 : i32
    %scan3A_14 = arith.constant 0 : i32
    %scan3A_15 = arith.constant 10 : i32
    %scan3A_16 = arith.addi %scan3A_14, %scan3A_15 : i32
    %scan3A_17 = arith.constant 1 : i32
    scf.for %scan3A_70 = %scan3A_14 to %scan3A_16 step %scan3A_17  : i32 {
      %mul3A_71 = arith.constant 2 : i32
      %mul3A_72 = arith.muli %mul3A_71, %scan3A_70 : i32
      %add3A_73 = arith.constant 0 : i32
      %add3A_74 = arith.addi %mul3A_72, %add3A_73 : i32
      %gt3A = arith.constant 0 : i32
      %gt3A_75 = arith.cmpi sgt, %scan3A_70, %gt3A : i32
      %convert_element_type3A = arith.extui %gt3A_75 : i1 to i32
      %cond3A = arith.constant 0 : i32
      %cond3A_76 = arith.cmpi ne, %convert_element_type3A, %cond3A : i32
      scf.if %cond3A_76 {
        %sub3A_272 = arith.constant 2 : i32
        %sub3A_273 = arith.subi %add3A_74, %sub3A_272 : i32
        %jit3A_274 = arith.constant 20 : i32
        %div3A_275 = arith.divsi %sub3A_273, %jit3A_274 : i32
        %sign3A_276 = arith.constant 0 : i32
        %sign3A_277 = arith.cmpi sgt, %sub3A_273, %sign3A_276 : i32
        %sign3A_278 = arith.extui %sign3A_277 : i1 to i32
        %sign3A_279 = arith.constant 0 : i32
        %sign3A_280 = arith.cmpi slt, %sub3A_273, %sign3A_279 : i32
        %sign3A_281 = arith.extui %sign3A_280 : i1 to i32
        %sign3A_282 = arith.subi %sign3A_278, %sign3A_281 : i32
        %sign3A_283 = arith.constant 0 : i32
        %sign3A_284 = arith.cmpi sgt, %jit3A_274, %sign3A_283 : i32
        %sign3A_285 = arith.extui %sign3A_284 : i1 to i32
        %sign3A_286 = arith.constant 0 : i32
        %sign3A_287 = arith.cmpi slt, %jit3A_274, %sign3A_286 : i32
        %sign3A_288 = arith.extui %sign3A_287 : i1 to i32
        %sign3A_289 = arith.subi %sign3A_285, %sign3A_288 : i32
        %ne3A_290 = arith.cmpi ne, %sign3A_282, %sign3A_289 : i32
        %rem3A_291 = arith.remsi %sub3A_273, %jit3A_274 : i32
        %ne3A_292 = arith.constant 0 : i32
        %ne3A_293 = arith.cmpi ne, %rem3A_291, %ne3A_292 : i32
        %and3A_294 = arith.andi %ne3A_290, %ne3A_293 : i1
        %sub3A_295 = arith.constant 1 : i32
        %sub3A_296 = arith.subi %div3A_275, %sub3A_295 : i32
        %select_n3A_297 = arith.select %and3A_294, %sub3A_296, %div3A_275 : i32
        %jit3A_298 = arith.constant 20 : i32
        %eq3A_299 = arith.constant 0 : i32
        %eq3A_300 = arith.cmpi eq, %jit3A_298, %eq3A_299 : i32
        %jit3A_301 = arith.constant 1 : i32
        %select_n3A_302 = arith.select %eq3A_300, %jit3A_301, %jit3A_298 : i32
        %rem3A_303 = arith.remsi %sub3A_273, %select_n3A_302 : i32
        %ne3A_304 = arith.constant 0 : i32
        %ne3A_305 = arith.cmpi ne, %rem3A_303, %ne3A_304 : i32
        %lt3A_306 = arith.constant 0 : i32
        %lt3A_307 = arith.cmpi slt, %rem3A_303, %lt3A_306 : i32
        %lt3A_308 = arith.constant 0 : i32
        %lt3A_309 = arith.cmpi slt, %select_n3A_302, %lt3A_308 : i32
        %ne3A_310 = arith.xori %lt3A_307, %lt3A_309 : i1
        %and3A_311 = arith.andi %ne3A_310, %ne3A_305 : i1
        %add3A_312 = arith.addi %rem3A_303, %select_n3A_302 : i32
        %select_n3A_313 = arith.select %and3A_311, %add3A_312, %rem3A_303 : i32
        %mul3A_314 = arith.constant 1 : i32
        %mul3A_315 = arith.muli %add3A, %mul3A_314 : i32
        %add3A_316 = arith.constant 64 : i32
        %add3A_317 = arith.addi %add3A_316, %mul3A_315 : i32
        %add3A_318 = arith.addi %add3A_317, %select_n3A_297 : i32
        %mul3A_319 = arith.constant 8 : i32
        %mul3A_320 = arith.muli %add3A_318, %mul3A_319 : i32
        %mul3A_321 = arith.constant 4992 : i32
        %mul3A_322 = arith.muli %select_n3A_313, %mul3A_321 : i32
        %multiple_of3A_323 = tpu.assume_multiple %mul3A_322, 128 : i32
        %dma_wait3A_324 = tpu.memref_slice %arg2[%mul3A_320, %multiple_of3A_323] : memref<1024x100000xf32, #tpu.memory_space<hbm>> -> memref<8x4992xf32, #tpu.memory_space<hbm>>
        %dma_wait3A_325 = tpu.memref_slice %arg2[%mul3A_320, %multiple_of3A_323] : memref<1024x100000xf32, #tpu.memory_space<hbm>> -> memref<8x4992xf32, #tpu.memory_space<hbm>>
        tpu.wait_dma2 semaphore(%arg15 : memref<!tpu.dma_semaphore, #tpu.memory_space<semaphore_mem>>) src(%arg12 : memref<8x4992xf32, #tpu.memory_space<vmem>>) dst(%dma_wait3A_325 : memref<8x4992xf32, #tpu.memory_space<hbm>>)
        %jit3A_326 = arith.constant 20 : i32
        %div3A_327 = arith.divsi %sub3A_273, %jit3A_326 : i32
        %sign3A_328 = arith.constant 0 : i32
        %sign3A_329 = arith.cmpi sgt, %sub3A_273, %sign3A_328 : i32
        %sign3A_330 = arith.extui %sign3A_329 : i1 to i32
        %sign3A_331 = arith.constant 0 : i32
        %sign3A_332 = arith.cmpi slt, %sub3A_273, %sign3A_331 : i32
        %sign3A_333 = arith.extui %sign3A_332 : i1 to i32
        %sign3A_334 = arith.subi %sign3A_330, %sign3A_333 : i32
        %sign3A_335 = arith.constant 0 : i32
        %sign3A_336 = arith.cmpi sgt, %jit3A_326, %sign3A_335 : i32
        %sign3A_337 = arith.extui %sign3A_336 : i1 to i32
        %sign3A_338 = arith.constant 0 : i32
        %sign3A_339 = arith.cmpi slt, %jit3A_326, %sign3A_338 : i32
        %sign3A_340 = arith.extui %sign3A_339 : i1 to i32
        %sign3A_341 = arith.subi %sign3A_337, %sign3A_340 : i32
        %ne3A_342 = arith.cmpi ne, %sign3A_334, %sign3A_341 : i32
        %rem3A_343 = arith.remsi %sub3A_273, %jit3A_326 : i32
        %ne3A_344 = arith.constant 0 : i32
        %ne3A_345 = arith.cmpi ne, %rem3A_343, %ne3A_344 : i32
        %and3A_346 = arith.andi %ne3A_342, %ne3A_345 : i1
        %sub3A_347 = arith.constant 1 : i32
        %sub3A_348 = arith.subi %div3A_327, %sub3A_347 : i32
        %select_n3A_349 = arith.select %and3A_346, %sub3A_348, %div3A_327 : i32
        %jit3A_350 = arith.constant 20 : i32
        %eq3A_351 = arith.constant 0 : i32
        %eq3A_352 = arith.cmpi eq, %jit3A_350, %eq3A_351 : i32
        %jit3A_353 = arith.constant 1 : i32
        %select_n3A_354 = arith.select %eq3A_352, %jit3A_353, %jit3A_350 : i32
        %rem3A_355 = arith.remsi %sub3A_273, %select_n3A_354 : i32
        %ne3A_356 = arith.constant 0 : i32
        %ne3A_357 = arith.cmpi ne, %rem3A_355, %ne3A_356 : i32
        %lt3A_358 = arith.constant 0 : i32
        %lt3A_359 = arith.cmpi slt, %rem3A_355, %lt3A_358 : i32
        %lt3A_360 = arith.constant 0 : i32
        %lt3A_361 = arith.cmpi slt, %select_n3A_354, %lt3A_360 : i32
        %ne3A_362 = arith.xori %lt3A_359, %lt3A_361 : i1
        %and3A_363 = arith.andi %ne3A_362, %ne3A_357 : i1
        %add3A_364 = arith.addi %rem3A_355, %select_n3A_354 : i32
        %select_n3A_365 = arith.select %and3A_363, %add3A_364, %rem3A_355 : i32
        %scan3A_366 = arith.constant 0 : i32
        %scan3A_367 = arith.constant 0 : i32
        %scan3A_368 = arith.constant 100 : i32
        %scan3A_369 = arith.addi %scan3A_367, %scan3A_368 : i32
        %scan3A_370 = arith.constant 1 : i32
        scf.for %scan3A_372 = %scan3A_367 to %scan3A_369 step %scan3A_370  : i32 {
          %mul3A_373 = arith.constant 16 : i32
          %mul3A_374 = arith.muli %scan3A_372, %mul3A_373 : i32
          %get3A = arith.index_cast %select_n3A_349 : i32 to index
          %get3A_375 = arith.index_cast %mul3A_374 : i32 to index
          %get3A_376 = tpu.vector_load %arg8[%get3A, %get3A_375] {strides = array<i32>} : memref<1x1600xi32, #tpu.memory_space<vmem>>, vector<16xi32>,
          %mul3A_377 = arith.constant 16 : i32
          %mul3A_378 = arith.muli %scan3A_372, %mul3A_377 : i32
          %get3A_379 = arith.index_cast %select_n3A_349 : i32 to index
          %get3A_380 = arith.index_cast %mul3A_378 : i32 to index
          %get3A_381 = tpu.vector_load %arg9[%get3A_379, %get3A_380] {strides = array<i32>} : memref<1x1600xi32, #tpu.memory_space<vmem>>, vector<16xi32>,
          %mul3A_382 = arith.constant 16 : i32
          %mul3A_383 = arith.muli %scan3A_372, %mul3A_382 : i32
          %get3A_384 = arith.index_cast %select_n3A_349 : i32 to index
          %get3A_385 = arith.index_cast %mul3A_383 : i32 to index
          %get3A_386 = tpu.vector_load %arg10[%get3A_384, %get3A_385] {strides = array<i32>} : memref<1x1600xi32, #tpu.memory_space<vmem>>, vector<16xi32>,
          %eq3A_387 = vector.broadcast %select_n3A_365 : i32 to vector<16xi32>
          %eq3A_388 = arith.cmpi eq, %get3A_381, %eq3A_387 : vector<16xi32>
          tpu.vector_store_idx %arg12[%get3A_376, %get3A_386], %broadcast_in_dim3A_1 masked %eq3A_388 : memref<8x4992xf32, #tpu.memory_space<vmem>>[vector<16xi32>, vector<16xi32>], vector<16xf32>, vector<16xi1>
        }
        %scan3A_371 = arith.constant 100 : i32
      } else {
      }
      %jit3A = arith.constant 20 : i32
      %div3A = arith.divsi %add3A_74, %jit3A : i32
      %sign3A = arith.constant 0 : i32
      %sign3A_77 = arith.cmpi sgt, %add3A_74, %sign3A : i32
      %sign3A_78 = arith.extui %sign3A_77 : i1 to i32
      %sign3A_79 = arith.constant 0 : i32
      %sign3A_80 = arith.cmpi slt, %add3A_74, %sign3A_79 : i32
      %sign3A_81 = arith.extui %sign3A_80 : i1 to i32
      %sign3A_82 = arith.subi %sign3A_78, %sign3A_81 : i32
      %sign3A_83 = arith.constant 0 : i32
      %sign3A_84 = arith.cmpi sgt, %jit3A, %sign3A_83 : i32
      %sign3A_85 = arith.extui %sign3A_84 : i1 to i32
      %sign3A_86 = arith.constant 0 : i32
      %sign3A_87 = arith.cmpi slt, %jit3A, %sign3A_86 : i32
      %sign3A_88 = arith.extui %sign3A_87 : i1 to i32
      %sign3A_89 = arith.subi %sign3A_85, %sign3A_88 : i32
      %ne3A = arith.cmpi ne, %sign3A_82, %sign3A_89 : i32
      %rem3A = arith.remsi %add3A_74, %jit3A : i32
      %ne3A_90 = arith.constant 0 : i32
      %ne3A_91 = arith.cmpi ne, %rem3A, %ne3A_90 : i32
      %and3A = arith.andi %ne3A, %ne3A_91 : i1
      %sub3A = arith.constant 1 : i32
      %sub3A_92 = arith.subi %div3A, %sub3A : i32
      %select_n3A = arith.select %and3A, %sub3A_92, %div3A : i32
      %jit3A_93 = arith.constant 20 : i32
      %eq3A = arith.constant 0 : i32
      %eq3A_94 = arith.cmpi eq, %jit3A_93, %eq3A : i32
      %jit3A_95 = arith.constant 1 : i32
      %select_n3A_96 = arith.select %eq3A_94, %jit3A_95, %jit3A_93 : i32
      %rem3A_97 = arith.remsi %add3A_74, %select_n3A_96 : i32
      %ne3A_98 = arith.constant 0 : i32
      %ne3A_99 = arith.cmpi ne, %rem3A_97, %ne3A_98 : i32
      %lt3A = arith.constant 0 : i32
      %lt3A_100 = arith.cmpi slt, %rem3A_97, %lt3A : i32
      %lt3A_101 = arith.constant 0 : i32
      %lt3A_102 = arith.cmpi slt, %select_n3A_96, %lt3A_101 : i32
      %ne3A_103 = arith.xori %lt3A_100, %lt3A_102 : i1
      %and3A_104 = arith.andi %ne3A_103, %ne3A_99 : i1
      %add3A_105 = arith.addi %rem3A_97, %select_n3A_96 : i32
      %select_n3A_106 = arith.select %and3A_104, %add3A_105, %rem3A_97 : i32
      %scan3A_107 = arith.constant 0 : i32
      %scan3A_108 = arith.constant 0 : i32
      %scan3A_109 = arith.constant 100 : i32
      %scan3A_110 = arith.addi %scan3A_108, %scan3A_109 : i32
      %scan3A_111 = arith.constant 1 : i32
      scf.for %scan3A_272 = %scan3A_108 to %scan3A_110 step %scan3A_111  : i32 {
        %mul3A_273 = arith.constant 16 : i32
        %mul3A_274 = arith.muli %scan3A_272, %mul3A_273 : i32
        %get3A = arith.index_cast %select_n3A : i32 to index
        %get3A_275 = arith.index_cast %mul3A_274 : i32 to index
        %get3A_276 = tpu.vector_load %arg8[%get3A, %get3A_275] {strides = array<i32>} : memref<1x1600xi32, #tpu.memory_space<vmem>>, vector<16xi32>,
        %mul3A_277 = arith.constant 16 : i32
        %mul3A_278 = arith.muli %scan3A_272, %mul3A_277 : i32
        %get3A_279 = arith.index_cast %select_n3A : i32 to index
        %get3A_280 = arith.index_cast %mul3A_278 : i32 to index
        %get3A_281 = tpu.vector_load %arg9[%get3A_279, %get3A_280] {strides = array<i32>} : memref<1x1600xi32, #tpu.memory_space<vmem>>, vector<16xi32>,
        %mul3A_282 = arith.constant 16 : i32
        %mul3A_283 = arith.muli %scan3A_272, %mul3A_282 : i32
        %get3A_284 = arith.index_cast %select_n3A : i32 to index
        %get3A_285 = arith.index_cast %mul3A_283 : i32 to index
        %get3A_286 = tpu.vector_load %arg10[%get3A_284, %get3A_285] {strides = array<i32>} : memref<1x1600xi32, #tpu.memory_space<vmem>>, vector<16xi32>,
        %mul3A_287 = arith.constant 16 : i32
        %mul3A_288 = arith.muli %scan3A_272, %mul3A_287 : i32
        %get3A_289 = arith.index_cast %select_n3A : i32 to index
        %get3A_290 = arith.index_cast %mul3A_288 : i32 to index
        %get3A_291 = tpu.vector_load %arg11[%get3A_289, %get3A_290] {strides = array<i32>} : memref<1x1600xf32, #tpu.memory_space<vmem>>, vector<16xf32>,
        %eq3A_292 = vector.broadcast %select_n3A_106 : i32 to vector<16xi32>
        %eq3A_293 = arith.cmpi eq, %get3A_281, %eq3A_292 : vector<16xi32>
        tpu.vector_store_idx %arg12[%get3A_276, %get3A_286], %get3A_291 masked %eq3A_293 : memref<8x4992xf32, #tpu.memory_space<vmem>>[vector<16xi32>, vector<16xi32>], vector<16xf32>, vector<16xi1>
      }
      %scan3A_112 = arith.constant 100 : i32
      %jit3A_113 = arith.constant 20 : i32
      %div3A_114 = arith.divsi %add3A_74, %jit3A_113 : i32
      %sign3A_115 = arith.constant 0 : i32
      %sign3A_116 = arith.cmpi sgt, %add3A_74, %sign3A_115 : i32
      %sign3A_117 = arith.extui %sign3A_116 : i1 to i32
      %sign3A_118 = arith.constant 0 : i32
      %sign3A_119 = arith.cmpi slt, %add3A_74, %sign3A_118 : i32
      %sign3A_120 = arith.extui %sign3A_119 : i1 to i32
      %sign3A_121 = arith.subi %sign3A_117, %sign3A_120 : i32
      %sign3A_122 = arith.constant 0 : i32
      %sign3A_123 = arith.cmpi sgt, %jit3A_113, %sign3A_122 : i32
      %sign3A_124 = arith.extui %sign3A_123 : i1 to i32
      %sign3A_125 = arith.constant 0 : i32
      %sign3A_126 = arith.cmpi slt, %jit3A_113, %sign3A_125 : i32
      %sign3A_127 = arith.extui %sign3A_126 : i1 to i32
      %sign3A_128 = arith.subi %sign3A_124, %sign3A_127 : i32
      %ne3A_129 = arith.cmpi ne, %sign3A_121, %sign3A_128 : i32
      %rem3A_130 = arith.remsi %add3A_74, %jit3A_113 : i32
      %ne3A_131 = arith.constant 0 : i32
      %ne3A_132 = arith.cmpi ne, %rem3A_130, %ne3A_131 : i32
      %and3A_133 = arith.andi %ne3A_129, %ne3A_132 : i1
      %sub3A_134 = arith.constant 1 : i32
      %sub3A_135 = arith.subi %div3A_114, %sub3A_134 : i32
      %select_n3A_136 = arith.select %and3A_133, %sub3A_135, %div3A_114 : i32
      %jit3A_137 = arith.constant 20 : i32
      %eq3A_138 = arith.constant 0 : i32
      %eq3A_139 = arith.cmpi eq, %jit3A_137, %eq3A_138 : i32
      %jit3A_140 = arith.constant 1 : i32
      %select_n3A_141 = arith.select %eq3A_139, %jit3A_140, %jit3A_137 : i32
      %rem3A_142 = arith.remsi %add3A_74, %select_n3A_141 : i32
      %ne3A_143 = arith.constant 0 : i32
      %ne3A_144 = arith.cmpi ne, %rem3A_142, %ne3A_143 : i32
      %lt3A_145 = arith.constant 0 : i32
      %lt3A_146 = arith.cmpi slt, %rem3A_142, %lt3A_145 : i32
      %lt3A_147 = arith.constant 0 : i32
      %lt3A_148 = arith.cmpi slt, %select_n3A_141, %lt3A_147 : i32
      %ne3A_149 = arith.xori %lt3A_146, %lt3A_148 : i1
      %and3A_150 = arith.andi %ne3A_149, %ne3A_144 : i1
      %add3A_151 = arith.addi %rem3A_142, %select_n3A_141 : i32
      %select_n3A_152 = arith.select %and3A_150, %add3A_151, %rem3A_142 : i32
      %mul3A_153 = arith.constant 1 : i32
      %mul3A_154 = arith.muli %add3A, %mul3A_153 : i32
      %add3A_155 = arith.constant 64 : i32
      %add3A_156 = arith.addi %add3A_155, %mul3A_154 : i32
      %add3A_157 = arith.addi %add3A_156, %select_n3A_136 : i32
      %mul3A_158 = arith.constant 8 : i32
      %mul3A_159 = arith.muli %add3A_157, %mul3A_158 : i32
      %mul3A_160 = arith.constant 4992 : i32
      %mul3A_161 = arith.muli %select_n3A_152, %mul3A_160 : i32
      %multiple_of3A_162 = tpu.assume_multiple %mul3A_161, 128 : i32
      %dma_start3A_163 = tpu.memref_slice %arg2[%mul3A_159, %multiple_of3A_162] : memref<1024x100000xf32, #tpu.memory_space<hbm>> -> memref<8x4992xf32, #tpu.memory_space<hbm>>
      %dma_start3A_164 = tpu.memref_slice %arg2[%mul3A_159, %multiple_of3A_162] : memref<1024x100000xf32, #tpu.memory_space<hbm>> -> memref<8x4992xf32, #tpu.memory_space<hbm>>
      tpu.enqueue_dma source(%arg12 : memref<8x4992xf32, #tpu.memory_space<vmem>>) target(%dma_start3A_164 : memref<8x4992xf32, #tpu.memory_space<hbm>>) target_semaphore(%arg15 : memref<!tpu.dma_semaphore, #tpu.memory_space<semaphore_mem>>)
      %mul3A_165 = arith.constant 2 : i32
      %mul3A_166 = arith.muli %mul3A_165, %scan3A_70 : i32
      %add3A_167 = arith.constant 1 : i32
      %add3A_168 = arith.addi %mul3A_166, %add3A_167 : i32
      %gt3A_169 = arith.constant 0 : i32
      %gt3A_170 = arith.cmpi sgt, %scan3A_70, %gt3A_169 : i32
      %convert_element_type3A_171 = arith.extui %gt3A_170 : i1 to i32
      %cond3A_172 = arith.constant 0 : i32
      %cond3A_173 = arith.cmpi ne, %convert_element_type3A_171, %cond3A_172 : i32
      scf.if %cond3A_173 {
        %sub3A_272 = arith.constant 2 : i32
        %sub3A_273 = arith.subi %add3A_168, %sub3A_272 : i32
        %jit3A_274 = arith.constant 20 : i32
        %div3A_275 = arith.divsi %sub3A_273, %jit3A_274 : i32
        %sign3A_276 = arith.constant 0 : i32
        %sign3A_277 = arith.cmpi sgt, %sub3A_273, %sign3A_276 : i32
        %sign3A_278 = arith.extui %sign3A_277 : i1 to i32
        %sign3A_279 = arith.constant 0 : i32
        %sign3A_280 = arith.cmpi slt, %sub3A_273, %sign3A_279 : i32
        %sign3A_281 = arith.extui %sign3A_280 : i1 to i32
        %sign3A_282 = arith.subi %sign3A_278, %sign3A_281 : i32
        %sign3A_283 = arith.constant 0 : i32
        %sign3A_284 = arith.cmpi sgt, %jit3A_274, %sign3A_283 : i32
        %sign3A_285 = arith.extui %sign3A_284 : i1 to i32
        %sign3A_286 = arith.constant 0 : i32
        %sign3A_287 = arith.cmpi slt, %jit3A_274, %sign3A_286 : i32
        %sign3A_288 = arith.extui %sign3A_287 : i1 to i32
        %sign3A_289 = arith.subi %sign3A_285, %sign3A_288 : i32
        %ne3A_290 = arith.cmpi ne, %sign3A_282, %sign3A_289 : i32
        %rem3A_291 = arith.remsi %sub3A_273, %jit3A_274 : i32
        %ne3A_292 = arith.constant 0 : i32
        %ne3A_293 = arith.cmpi ne, %rem3A_291, %ne3A_292 : i32
        %and3A_294 = arith.andi %ne3A_290, %ne3A_293 : i1
        %sub3A_295 = arith.constant 1 : i32
        %sub3A_296 = arith.subi %div3A_275, %sub3A_295 : i32
        %select_n3A_297 = arith.select %and3A_294, %sub3A_296, %div3A_275 : i32
        %jit3A_298 = arith.constant 20 : i32
        %eq3A_299 = arith.constant 0 : i32
        %eq3A_300 = arith.cmpi eq, %jit3A_298, %eq3A_299 : i32
        %jit3A_301 = arith.constant 1 : i32
        %select_n3A_302 = arith.select %eq3A_300, %jit3A_301, %jit3A_298 : i32
        %rem3A_303 = arith.remsi %sub3A_273, %select_n3A_302 : i32
        %ne3A_304 = arith.constant 0 : i32
        %ne3A_305 = arith.cmpi ne, %rem3A_303, %ne3A_304 : i32
        %lt3A_306 = arith.constant 0 : i32
        %lt3A_307 = arith.cmpi slt, %rem3A_303, %lt3A_306 : i32
        %lt3A_308 = arith.constant 0 : i32
        %lt3A_309 = arith.cmpi slt, %select_n3A_302, %lt3A_308 : i32
        %ne3A_310 = arith.xori %lt3A_307, %lt3A_309 : i1
        %and3A_311 = arith.andi %ne3A_310, %ne3A_305 : i1
        %add3A_312 = arith.addi %rem3A_303, %select_n3A_302 : i32
        %select_n3A_313 = arith.select %and3A_311, %add3A_312, %rem3A_303 : i32
        %mul3A_314 = arith.constant 1 : i32
        %mul3A_315 = arith.muli %add3A, %mul3A_314 : i32
        %add3A_316 = arith.constant 64 : i32
        %add3A_317 = arith.addi %add3A_316, %mul3A_315 : i32
        %add3A_318 = arith.addi %add3A_317, %select_n3A_297 : i32
        %mul3A_319 = arith.constant 8 : i32
        %mul3A_320 = arith.muli %add3A_318, %mul3A_319 : i32
        %mul3A_321 = arith.constant 4992 : i32
        %mul3A_322 = arith.muli %select_n3A_313, %mul3A_321 : i32
        %multiple_of3A_323 = tpu.assume_multiple %mul3A_322, 128 : i32
        %dma_wait3A_324 = tpu.memref_slice %arg2[%mul3A_320, %multiple_of3A_323] : memref<1024x100000xf32, #tpu.memory_space<hbm>> -> memref<8x4992xf32, #tpu.memory_space<hbm>>
        %dma_wait3A_325 = tpu.memref_slice %arg2[%mul3A_320, %multiple_of3A_323] : memref<1024x100000xf32, #tpu.memory_space<hbm>> -> memref<8x4992xf32, #tpu.memory_space<hbm>>
        tpu.wait_dma2 semaphore(%arg16 : memref<!tpu.dma_semaphore, #tpu.memory_space<semaphore_mem>>) src(%arg13 : memref<8x4992xf32, #tpu.memory_space<vmem>>) dst(%dma_wait3A_325 : memref<8x4992xf32, #tpu.memory_space<hbm>>)
        %jit3A_326 = arith.constant 20 : i32
        %div3A_327 = arith.divsi %sub3A_273, %jit3A_326 : i32
        %sign3A_328 = arith.constant 0 : i32
        %sign3A_329 = arith.cmpi sgt, %sub3A_273, %sign3A_328 : i32
        %sign3A_330 = arith.extui %sign3A_329 : i1 to i32
        %sign3A_331 = arith.constant 0 : i32
        %sign3A_332 = arith.cmpi slt, %sub3A_273, %sign3A_331 : i32
        %sign3A_333 = arith.extui %sign3A_332 : i1 to i32
        %sign3A_334 = arith.subi %sign3A_330, %sign3A_333 : i32
        %sign3A_335 = arith.constant 0 : i32
        %sign3A_336 = arith.cmpi sgt, %jit3A_326, %sign3A_335 : i32
        %sign3A_337 = arith.extui %sign3A_336 : i1 to i32
        %sign3A_338 = arith.constant 0 : i32
        %sign3A_339 = arith.cmpi slt, %jit3A_326, %sign3A_338 : i32
        %sign3A_340 = arith.extui %sign3A_339 : i1 to i32
        %sign3A_341 = arith.subi %sign3A_337, %sign3A_340 : i32
        %ne3A_342 = arith.cmpi ne, %sign3A_334, %sign3A_341 : i32
        %rem3A_343 = arith.remsi %sub3A_273, %jit3A_326 : i32
        %ne3A_344 = arith.constant 0 : i32
        %ne3A_345 = arith.cmpi ne, %rem3A_343, %ne3A_344 : i32
        %and3A_346 = arith.andi %ne3A_342, %ne3A_345 : i1
        %sub3A_347 = arith.constant 1 : i32
        %sub3A_348 = arith.subi %div3A_327, %sub3A_347 : i32
        %select_n3A_349 = arith.select %and3A_346, %sub3A_348, %div3A_327 : i32
        %jit3A_350 = arith.constant 20 : i32
        %eq3A_351 = arith.constant 0 : i32
        %eq3A_352 = arith.cmpi eq, %jit3A_350, %eq3A_351 : i32
        %jit3A_353 = arith.constant 1 : i32
        %select_n3A_354 = arith.select %eq3A_352, %jit3A_353, %jit3A_350 : i32
        %rem3A_355 = arith.remsi %sub3A_273, %select_n3A_354 : i32
        %ne3A_356 = arith.constant 0 : i32
        %ne3A_357 = arith.cmpi ne, %rem3A_355, %ne3A_356 : i32
        %lt3A_358 = arith.constant 0 : i32
        %lt3A_359 = arith.cmpi slt, %rem3A_355, %lt3A_358 : i32
        %lt3A_360 = arith.constant 0 : i32
        %lt3A_361 = arith.cmpi slt, %select_n3A_354, %lt3A_360 : i32
        %ne3A_362 = arith.xori %lt3A_359, %lt3A_361 : i1
        %and3A_363 = arith.andi %ne3A_362, %ne3A_357 : i1
        %add3A_364 = arith.addi %rem3A_355, %select_n3A_354 : i32
        %select_n3A_365 = arith.select %and3A_363, %add3A_364, %rem3A_355 : i32
        %scan3A_366 = arith.constant 0 : i32
        %scan3A_367 = arith.constant 0 : i32
        %scan3A_368 = arith.constant 100 : i32
        %scan3A_369 = arith.addi %scan3A_367, %scan3A_368 : i32
        %scan3A_370 = arith.constant 1 : i32
        scf.for %scan3A_372 = %scan3A_367 to %scan3A_369 step %scan3A_370  : i32 {
          %mul3A_373 = arith.constant 16 : i32
          %mul3A_374 = arith.muli %scan3A_372, %mul3A_373 : i32
          %get3A = arith.index_cast %select_n3A_349 : i32 to index
          %get3A_375 = arith.index_cast %mul3A_374 : i32 to index
          %get3A_376 = tpu.vector_load %arg8[%get3A, %get3A_375] {strides = array<i32>} : memref<1x1600xi32, #tpu.memory_space<vmem>>, vector<16xi32>,
          %mul3A_377 = arith.constant 16 : i32
          %mul3A_378 = arith.muli %scan3A_372, %mul3A_377 : i32
          %get3A_379 = arith.index_cast %select_n3A_349 : i32 to index
          %get3A_380 = arith.index_cast %mul3A_378 : i32 to index
          %get3A_381 = tpu.vector_load %arg9[%get3A_379, %get3A_380] {strides = array<i32>} : memref<1x1600xi32, #tpu.memory_space<vmem>>, vector<16xi32>,
          %mul3A_382 = arith.constant 16 : i32
          %mul3A_383 = arith.muli %scan3A_372, %mul3A_382 : i32
          %get3A_384 = arith.index_cast %select_n3A_349 : i32 to index
          %get3A_385 = arith.index_cast %mul3A_383 : i32 to index
          %get3A_386 = tpu.vector_load %arg10[%get3A_384, %get3A_385] {strides = array<i32>} : memref<1x1600xi32, #tpu.memory_space<vmem>>, vector<16xi32>,
          %eq3A_387 = vector.broadcast %select_n3A_365 : i32 to vector<16xi32>
          %eq3A_388 = arith.cmpi eq, %get3A_381, %eq3A_387 : vector<16xi32>
          tpu.vector_store_idx %arg13[%get3A_376, %get3A_386], %broadcast_in_dim3A_1 masked %eq3A_388 : memref<8x4992xf32, #tpu.memory_space<vmem>>[vector<16xi32>, vector<16xi32>], vector<16xf32>, vector<16xi1>
        }
        %scan3A_371 = arith.constant 100 : i32
      } else {
      }
      %jit3A_174 = arith.constant 20 : i32
      %div3A_175 = arith.divsi %add3A_168, %jit3A_174 : i32
      %sign3A_176 = arith.constant 0 : i32
      %sign3A_177 = arith.cmpi sgt, %add3A_168, %sign3A_176 : i32
      %sign3A_178 = arith.extui %sign3A_177 : i1 to i32
      %sign3A_179 = arith.constant 0 : i32
      %sign3A_180 = arith.cmpi slt, %add3A_168, %sign3A_179 : i32
      %sign3A_181 = arith.extui %sign3A_180 : i1 to i32
      %sign3A_182 = arith.subi %sign3A_178, %sign3A_181 : i32
      %sign3A_183 = arith.constant 0 : i32
      %sign3A_184 = arith.cmpi sgt, %jit3A_174, %sign3A_183 : i32
      %sign3A_185 = arith.extui %sign3A_184 : i1 to i32
      %sign3A_186 = arith.constant 0 : i32
      %sign3A_187 = arith.cmpi slt, %jit3A_174, %sign3A_186 : i32
      %sign3A_188 = arith.extui %sign3A_187 : i1 to i32
      %sign3A_189 = arith.subi %sign3A_185, %sign3A_188 : i32
      %ne3A_190 = arith.cmpi ne, %sign3A_182, %sign3A_189 : i32
      %rem3A_191 = arith.remsi %add3A_168, %jit3A_174 : i32
      %ne3A_192 = arith.constant 0 : i32
      %ne3A_193 = arith.cmpi ne, %rem3A_191, %ne3A_192 : i32
      %and3A_194 = arith.andi %ne3A_190, %ne3A_193 : i1
      %sub3A_195 = arith.constant 1 : i32
      %sub3A_196 = arith.subi %div3A_175, %sub3A_195 : i32
      %select_n3A_197 = arith.select %and3A_194, %sub3A_196, %div3A_175 : i32
      %jit3A_198 = arith.constant 20 : i32
      %eq3A_199 = arith.constant 0 : i32
      %eq3A_200 = arith.cmpi eq, %jit3A_198, %eq3A_199 : i32
      %jit3A_201 = arith.constant 1 : i32
      %select_n3A_202 = arith.select %eq3A_200, %jit3A_201, %jit3A_198 : i32
      %rem3A_203 = arith.remsi %add3A_168, %select_n3A_202 : i32
      %ne3A_204 = arith.constant 0 : i32
      %ne3A_205 = arith.cmpi ne, %rem3A_203, %ne3A_204 : i32
      %lt3A_206 = arith.constant 0 : i32
      %lt3A_207 = arith.cmpi slt, %rem3A_203, %lt3A_206 : i32
      %lt3A_208 = arith.constant 0 : i32
      %lt3A_209 = arith.cmpi slt, %select_n3A_202, %lt3A_208 : i32
      %ne3A_210 = arith.xori %lt3A_207, %lt3A_209 : i1
      %and3A_211 = arith.andi %ne3A_210, %ne3A_205 : i1
      %add3A_212 = arith.addi %rem3A_203, %select_n3A_202 : i32
      %select_n3A_213 = arith.select %and3A_211, %add3A_212, %rem3A_203 : i32
      %scan3A_214 = arith.constant 0 : i32
      %scan3A_215 = arith.constant 0 : i32
      %scan3A_216 = arith.constant 100 : i32
      %scan3A_217 = arith.addi %scan3A_215, %scan3A_216 : i32
      %scan3A_218 = arith.constant 1 : i32
      scf.for %scan3A_272 = %scan3A_215 to %scan3A_217 step %scan3A_218  : i32 {
        %mul3A_273 = arith.constant 16 : i32
        %mul3A_274 = arith.muli %scan3A_272, %mul3A_273 : i32
        %get3A = arith.index_cast %select_n3A_197 : i32 to index
        %get3A_275 = arith.index_cast %mul3A_274 : i32 to index
        %get3A_276 = tpu.vector_load %arg8[%get3A, %get3A_275] {strides = array<i32>} : memref<1x1600xi32, #tpu.memory_space<vmem>>, vector<16xi32>,
        %mul3A_277 = arith.constant 16 : i32
        %mul3A_278 = arith.muli %scan3A_272, %mul3A_277 : i32
        %get3A_279 = arith.index_cast %select_n3A_197 : i32 to index
        %get3A_280 = arith.index_cast %mul3A_278 : i32 to index
        %get3A_281 = tpu.vector_load %arg9[%get3A_279, %get3A_280] {strides = array<i32>} : memref<1x1600xi32, #tpu.memory_space<vmem>>, vector<16xi32>,
        %mul3A_282 = arith.constant 16 : i32
        %mul3A_283 = arith.muli %scan3A_272, %mul3A_282 : i32
        %get3A_284 = arith.index_cast %select_n3A_197 : i32 to index
        %get3A_285 = arith.index_cast %mul3A_283 : i32 to index
        %get3A_286 = tpu.vector_load %arg10[%get3A_284, %get3A_285] {strides = array<i32>} : memref<1x1600xi32, #tpu.memory_space<vmem>>, vector<16xi32>,
        %mul3A_287 = arith.constant 16 : i32
        %mul3A_288 = arith.muli %scan3A_272, %mul3A_287 : i32
        %get3A_289 = arith.index_cast %select_n3A_197 : i32 to index
        %get3A_290 = arith.index_cast %mul3A_288 : i32 to index
        %get3A_291 = tpu.vector_load %arg11[%get3A_289, %get3A_290] {strides = array<i32>} : memref<1x1600xf32, #tpu.memory_space<vmem>>, vector<16xf32>,
        %eq3A_292 = vector.broadcast %select_n3A_213 : i32 to vector<16xi32>
        %eq3A_293 = arith.cmpi eq, %get3A_281, %eq3A_292 : vector<16xi32>
        tpu.vector_store_idx %arg13[%get3A_276, %get3A_286], %get3A_291 masked %eq3A_293 : memref<8x4992xf32, #tpu.memory_space<vmem>>[vector<16xi32>, vector<16xi32>], vector<16xf32>, vector<16xi1>
      }
      %scan3A_219 = arith.constant 100 : i32
      %jit3A_220 = arith.constant 20 : i32
      %div3A_221 = arith.divsi %add3A_168, %jit3A_220 : i32
      %sign3A_222 = arith.constant 0 : i32
      %sign3A_223 = arith.cmpi sgt, %add3A_168, %sign3A_222 : i32
      %sign3A_224 = arith.extui %sign3A_223 : i1 to i32
      %sign3A_225 = arith.constant 0 : i32
      %sign3A_226 = arith.cmpi slt, %add3A_168, %sign3A_225 : i32
      %sign3A_227 = arith.extui %sign3A_226 : i1 to i32
      %sign3A_228 = arith.subi %sign3A_224, %sign3A_227 : i32
      %sign3A_229 = arith.constant 0 : i32
      %sign3A_230 = arith.cmpi sgt, %jit3A_220, %sign3A_229 : i32
      %sign3A_231 = arith.extui %sign3A_230 : i1 to i32
      %sign3A_232 = arith.constant 0 : i32
      %sign3A_233 = arith.cmpi slt, %jit3A_220, %sign3A_232 : i32
      %sign3A_234 = arith.extui %sign3A_233 : i1 to i32
      %sign3A_235 = arith.subi %sign3A_231, %sign3A_234 : i32
      %ne3A_236 = arith.cmpi ne, %sign3A_228, %sign3A_235 : i32
      %rem3A_237 = arith.remsi %add3A_168, %jit3A_220 : i32
      %ne3A_238 = arith.constant 0 : i32
      %ne3A_239 = arith.cmpi ne, %rem3A_237, %ne3A_238 : i32
      %and3A_240 = arith.andi %ne3A_236, %ne3A_239 : i1
      %sub3A_241 = arith.constant 1 : i32
      %sub3A_242 = arith.subi %div3A_221, %sub3A_241 : i32
      %select_n3A_243 = arith.select %and3A_240, %sub3A_242, %div3A_221 : i32
      %jit3A_244 = arith.constant 20 : i32
      %eq3A_245 = arith.constant 0 : i32
      %eq3A_246 = arith.cmpi eq, %jit3A_244, %eq3A_245 : i32
      %jit3A_247 = arith.constant 1 : i32
      %select_n3A_248 = arith.select %eq3A_246, %jit3A_247, %jit3A_244 : i32
      %rem3A_249 = arith.remsi %add3A_168, %select_n3A_248 : i32
      %ne3A_250 = arith.constant 0 : i32
      %ne3A_251 = arith.cmpi ne, %rem3A_249, %ne3A_250 : i32
      %lt3A_252 = arith.constant 0 : i32
      %lt3A_253 = arith.cmpi slt, %rem3A_249, %lt3A_252 : i32
      %lt3A_254 = arith.constant 0 : i32
      %lt3A_255 = arith.cmpi slt, %select_n3A_248, %lt3A_254 : i32
      %ne3A_256 = arith.xori %lt3A_253, %lt3A_255 : i1
      %and3A_257 = arith.andi %ne3A_256, %ne3A_251 : i1
      %add3A_258 = arith.addi %rem3A_249, %select_n3A_248 : i32
      %select_n3A_259 = arith.select %and3A_257, %add3A_258, %rem3A_249 : i32
      %mul3A_260 = arith.constant 1 : i32
      %mul3A_261 = arith.muli %add3A, %mul3A_260 : i32
      %add3A_262 = arith.constant 64 : i32
      %add3A_263 = arith.addi %add3A_262, %mul3A_261 : i32
      %add3A_264 = arith.addi %add3A_263, %select_n3A_243 : i32
      %mul3A_265 = arith.constant 8 : i32
      %mul3A_266 = arith.muli %add3A_264, %mul3A_265 : i32
      %mul3A_267 = arith.constant 4992 : i32
      %mul3A_268 = arith.muli %select_n3A_259, %mul3A_267 : i32
      %multiple_of3A_269 = tpu.assume_multiple %mul3A_268, 128 : i32
      %dma_start3A_270 = tpu.memref_slice %arg2[%mul3A_266, %multiple_of3A_269] : memref<1024x100000xf32, #tpu.memory_space<hbm>> -> memref<8x4992xf32, #tpu.memory_space<hbm>>
      %dma_start3A_271 = tpu.memref_slice %arg2[%mul3A_266, %multiple_of3A_269] : memref<1024x100000xf32, #tpu.memory_space<hbm>> -> memref<8x4992xf32, #tpu.memory_space<hbm>>
      tpu.enqueue_dma source(%arg13 : memref<8x4992xf32, #tpu.memory_space<vmem>>) target(%dma_start3A_271 : memref<8x4992xf32, #tpu.memory_space<hbm>>) target_semaphore(%arg16 : memref<!tpu.dma_semaphore, #tpu.memory_space<semaphore_mem>>)
    }
    %scan3A_18 = arith.constant 10 : i32
    %mul3A_19 = arith.constant 1 : i32
    %mul3A_20 = arith.muli %add3A, %mul3A_19 : i32
    %add3A_21 = arith.constant 64 : i32
    %add3A_22 = arith.addi %add3A_21, %mul3A_20 : i32
    %add3A_23 = arith.constant 0 : i32
    %add3A_24 = arith.addi %add3A_22, %add3A_23 : i32
    %mul3A_25 = arith.constant 8 : i32
    %mul3A_26 = arith.muli %add3A_24, %mul3A_25 : i32
    %multiple_of3A = arith.constant 89856 : i32
    %multiple_of3A_27 = tpu.assume_multiple %multiple_of3A, 128 : i32
    %dma_wait3A = tpu.memref_slice %arg2[%mul3A_26, %multiple_of3A_27] : memref<1024x100000xf32, #tpu.memory_space<hbm>> -> memref<8x4992xf32, #tpu.memory_space<hbm>>
    %dma_wait3A_28 = tpu.memref_slice %arg2[%mul3A_26, %multiple_of3A_27] : memref<1024x100000xf32, #tpu.memory_space<hbm>> -> memref<8x4992xf32, #tpu.memory_space<hbm>>
    tpu.wait_dma2 semaphore(%arg15 : memref<!tpu.dma_semaphore, #tpu.memory_space<semaphore_mem>>) src(%arg12 : memref<8x4992xf32, #tpu.memory_space<vmem>>) dst(%dma_wait3A_28 : memref<8x4992xf32, #tpu.memory_space<hbm>>)
    %mul3A_29 = arith.constant 1 : i32
    %mul3A_30 = arith.muli %add3A, %mul3A_29 : i32
    %add3A_31 = arith.constant 64 : i32
    %add3A_32 = arith.addi %add3A_31, %mul3A_30 : i32
    %add3A_33 = arith.constant 0 : i32
    %add3A_34 = arith.addi %add3A_32, %add3A_33 : i32
    %mul3A_35 = arith.constant 8 : i32
    %mul3A_36 = arith.muli %add3A_34, %mul3A_35 : i32
    %multiple_of3A_37 = arith.constant 94848 : i32
    %multiple_of3A_38 = tpu.assume_multiple %multiple_of3A_37, 128 : i32
    %dma_wait3A_39 = tpu.memref_slice %arg2[%mul3A_36, %multiple_of3A_38] : memref<1024x100000xf32, #tpu.memory_space<hbm>> -> memref<8x4992xf32, #tpu.memory_space<hbm>>
    %dma_wait3A_40 = tpu.memref_slice %arg2[%mul3A_36, %multiple_of3A_38] : memref<1024x100000xf32, #tpu.memory_space<hbm>> -> memref<8x4992xf32, #tpu.memory_space<hbm>>
    tpu.wait_dma2 semaphore(%arg16 : memref<!tpu.dma_semaphore, #tpu.memory_space<semaphore_mem>>) src(%arg13 : memref<8x4992xf32, #tpu.memory_space<vmem>>) dst(%dma_wait3A_40 : memref<8x4992xf32, #tpu.memory_space<hbm>>)
    %scan3A_41 = arith.constant 0 : i32
    %scan3A_42 = arith.constant 0 : i32
    %mul3A_43 = arith.constant 1 : i32
    %mul3A_44 = arith.muli %add3A, %mul3A_43 : i32
    %add3A_45 = arith.constant 64 : i32
    %add3A_46 = arith.addi %add3A_45, %mul3A_44 : i32
    %add3A_47 = arith.addi %add3A_46, %scan3A_42 : i32
    %mul3A_48 = arith.constant 8 : i32
    %mul3A_49 = arith.muli %add3A_47, %mul3A_48 : i32
    %scan3A_50 = arith.constant 0 : i32
    %scan3A_51 = arith.constant 0 : i32
    %scan3A_52 = arith.constant 100 : i32
    %scan3A_53 = arith.addi %scan3A_51, %scan3A_52 : i32
    %scan3A_54 = arith.constant 1 : i32
    scf.for %scan3A_70 = %scan3A_51 to %scan3A_53 step %scan3A_54  : i32 {
      %mul3A_71 = arith.constant 16 : i32
      %mul3A_72 = arith.muli %scan3A_70, %mul3A_71 : i32
      %get3A = arith.index_cast %scan3A_42 : i32 to index
      %get3A_73 = arith.index_cast %mul3A_72 : i32 to index
      %get3A_74 = tpu.vector_load %arg8[%get3A, %get3A_73] {strides = array<i32>} : memref<1x1600xi32, #tpu.memory_space<vmem>>, vector<16xi32>,
      %mul3A_75 = arith.constant 16 : i32
      %mul3A_76 = arith.muli %scan3A_70, %mul3A_75 : i32
      %get3A_77 = arith.index_cast %scan3A_42 : i32 to index
      %get3A_78 = arith.index_cast %mul3A_76 : i32 to index
      %get3A_79 = tpu.vector_load %arg9[%get3A_77, %get3A_78] {strides = array<i32>} : memref<1x1600xi32, #tpu.memory_space<vmem>>, vector<16xi32>,
      %mul3A_80 = arith.constant 16 : i32
      %mul3A_81 = arith.muli %scan3A_70, %mul3A_80 : i32
      %get3A_82 = arith.index_cast %scan3A_42 : i32 to index
      %get3A_83 = arith.index_cast %mul3A_81 : i32 to index
      %get3A_84 = tpu.vector_load %arg10[%get3A_82, %get3A_83] {strides = array<i32>} : memref<1x1600xi32, #tpu.memory_space<vmem>>, vector<16xi32>,
      %mul3A_85 = arith.constant 16 : i32
      %mul3A_86 = arith.muli %scan3A_70, %mul3A_85 : i32
      %get3A_87 = arith.index_cast %scan3A_42 : i32 to index
      %get3A_88 = arith.index_cast %mul3A_86 : i32 to index
      %get3A_89 = tpu.vector_load %arg11[%get3A_87, %get3A_88] {strides = array<i32>} : memref<1x1600xf32, #tpu.memory_space<vmem>>, vector<16xf32>,
      %eq3A = arith.constant 20 : i32
      %eq3A_90 = vector.broadcast %eq3A : i32 to vector<16xi32>
      %eq3A_91 = arith.cmpi eq, %get3A_79, %eq3A_90 : vector<16xi32>
      tpu.vector_store_idx %arg14[%get3A_74, %get3A_84], %get3A_89 masked %eq3A_91 : memref<8x160xf32, #tpu.memory_space<vmem>>[vector<16xi32>, vector<16xi32>], vector<16xf32>, vector<16xi1>
    }
    %scan3A_55 = arith.constant 100 : i32
    %dma_start3A = arith.constant 99840 : i32
    %dma_start3A_56 = tpu.memref_slice %arg2[%mul3A_49, %dma_start3A] : memref<1024x100000xf32, #tpu.memory_space<hbm>> -> memref<8x160xf32, #tpu.memory_space<hbm>>
    %dma_start3A_57 = arith.constant 99840 : i32
    %dma_start3A_58 = tpu.memref_slice %arg2[%mul3A_49, %dma_start3A_57] : memref<1024x100000xf32, #tpu.memory_space<hbm>> -> memref<8x160xf32, #tpu.memory_space<hbm>>
    tpu.enqueue_dma source(%arg14 : memref<8x160xf32, #tpu.memory_space<vmem>>) target(%dma_start3A_58 : memref<8x160xf32, #tpu.memory_space<hbm>>) target_semaphore(%arg15 : memref<!tpu.dma_semaphore, #tpu.memory_space<semaphore_mem>>)
    %dma_wait3A_59 = arith.constant 99840 : i32
    %dma_wait3A_60 = tpu.memref_slice %arg2[%mul3A_49, %dma_wait3A_59] : memref<1024x100000xf32, #tpu.memory_space<hbm>> -> memref<8x160xf32, #tpu.memory_space<hbm>>
    %dma_wait3A_61 = arith.constant 99840 : i32
    %dma_wait3A_62 = tpu.memref_slice %arg2[%mul3A_49, %dma_wait3A_61] : memref<1024x100000xf32, #tpu.memory_space<hbm>> -> memref<8x160xf32, #tpu.memory_space<hbm>>
    tpu.wait_dma2 semaphore(%arg15 : memref<!tpu.dma_semaphore, #tpu.memory_space<semaphore_mem>>) src(%arg14 : memref<8x160xf32, #tpu.memory_space<vmem>>) dst(%dma_wait3A_62 : memref<8x160xf32, #tpu.memory_space<hbm>>)
    %scan3A_63 = arith.constant 0 : i32
    %scan3A_64 = arith.constant 0 : i32
    %scan3A_65 = arith.constant 100 : i32
    %scan3A_66 = arith.addi %scan3A_64, %scan3A_65 : i32
    %scan3A_67 = arith.constant 1 : i32
    scf.for %scan3A_70 = %scan3A_64 to %scan3A_66 step %scan3A_67  : i32 {
      %mul3A_71 = arith.constant 16 : i32
      %mul3A_72 = arith.muli %scan3A_70, %mul3A_71 : i32
      %get3A = arith.index_cast %scan3A_42 : i32 to index
      %get3A_73 = arith.index_cast %mul3A_72 : i32 to index
      %get3A_74 = tpu.vector_load %arg8[%get3A, %get3A_73] {strides = array<i32>} : memref<1x1600xi32, #tpu.memory_space<vmem>>, vector<16xi32>,
      %mul3A_75 = arith.constant 16 : i32
      %mul3A_76 = arith.muli %scan3A_70, %mul3A_75 : i32
      %get3A_77 = arith.index_cast %scan3A_42 : i32 to index
      %get3A_78 = arith.index_cast %mul3A_76 : i32 to index
      %get3A_79 = tpu.vector_load %arg9[%get3A_77, %get3A_78] {strides = array<i32>} : memref<1x1600xi32, #tpu.memory_space<vmem>>, vector<16xi32>,
      %mul3A_80 = arith.constant 16 : i32
      %mul3A_81 = arith.muli %scan3A_70, %mul3A_80 : i32
      %get3A_82 = arith.index_cast %scan3A_42 : i32 to index
      %get3A_83 = arith.index_cast %mul3A_81 : i32 to index
      %get3A_84 = tpu.vector_load %arg10[%get3A_82, %get3A_83] {strides = array<i32>} : memref<1x1600xi32, #tpu.memory_space<vmem>>, vector<16xi32>,
      %eq3A = arith.constant 20 : i32
      %eq3A_85 = vector.broadcast %eq3A : i32 to vector<16xi32>
      %eq3A_86 = arith.cmpi eq, %get3A_79, %eq3A_85 : vector<16xi32>
      tpu.vector_store_idx %arg14[%get3A_74, %get3A_84], %broadcast_in_dim3A_1 masked %eq3A_86 : memref<8x160xf32, #tpu.memory_space<vmem>>[vector<16xi32>, vector<16xi32>], vector<16xf32>, vector<16xi1>
    }
    %scan3A_68 = arith.constant 100 : i32
    %scan3A_69 = arith.constant 1 : i32
    return
  }
}

#map = affine_map<(d0, d1) -> (0, 0)>
#map1 = affine_map<(d0, d1) -> (0, 0, 0)>
module attributes {stable_mosaic.version = 14 : i64} {
  func.func @new_body(%arg0: i32, %arg1: i32, %arg2: memref<1024x100000xf32, #tpu.memory_space<hbm>>, %arg3: memref<32x1x1600xi32, #tpu.memory_space<hbm>>, %arg4: memref<32x1x1600xi32, #tpu.memory_space<hbm>>, %arg5: memref<32x1x1600xi32, #tpu.memory_space<hbm>>, %arg6: memref<32x1x1600xf32, #tpu.memory_space<hbm>>, %arg7: memref<1024x100000xf32, #tpu.memory_space<hbm>>, %arg8: memref<1x1600xi32, #tpu.memory_space<vmem>>, %arg9: memref<1x1600xi32, #tpu.memory_space<vmem>>, %arg10: memref<1x1600xi32, #tpu.memory_space<vmem>>, %arg11: memref<1x1600xf32, #tpu.memory_space<vmem>>, %arg12: memref<8x4992xf32, #tpu.memory_space<vmem>>, %arg13: memref<8x4992xf32, #tpu.memory_space<vmem>>, %arg14: memref<8x160xf32, #tpu.memory_space<vmem>>, %arg15: memref<!tpu.dma_semaphore, #tpu.memory_space<semaphore_mem>>, %arg16: memref<!tpu.dma_semaphore, #tpu.memory_space<semaphore_mem>>) attributes {dimension_semantics = [#tpu.dimension_semantics<core_parallel>, #tpu.dimension_semantics<subcore_parallel>], iteration_bounds = array<i64: 2, 16>, scalar_prefetch = 0 : i64, scratch_operands = 9 : i64, tpu.core_type = #tpu.core_type<sc_vector_subcore>, window_params = [{transform_indices = #map}, {transform_indices = #map1}, {transform_indices = #map1}, {transform_indices = #map1}, {transform_indices = #map1}, {transform_indices = #map}]} {
    %mul3A = arith.constant 16 : i32
    %mul3A_0 = arith.muli %arg0, %mul3A : i32
    %add3A = arith.addi %mul3A_0, %arg1 : i32
    %broadcast_in_dim3A = arith.constant 0.000000e+00 : f32
    %broadcast_in_dim3A_1 = vector.broadcast %broadcast_in_dim3A : f32 to vector<16xf32>
    %scan3A = arith.constant 0 : i32
    %scan3A_2 = arith.constant 0 : i32
    %scan3A_3 = arith.constant 2496 : i32
    %scan3A_4 = arith.addi %scan3A_2, %scan3A_3 : i32
    %scan3A_5 = arith.constant 1 : i32
    scf.for %scan3A_70 = %scan3A_2 to %scan3A_4 step %scan3A_5  : i32 {
      %jit3A = arith.constant 312 : i32
      %div3A = arith.divsi %scan3A_70, %jit3A : i32
      %sign3A = arith.constant 0 : i32
      %sign3A_71 = arith.cmpi sgt, %scan3A_70, %sign3A : i32
      %sign3A_72 = arith.extui %sign3A_71 : i1 to i32
      %sign3A_73 = arith.constant 0 : i32
      %sign3A_74 = arith.cmpi slt, %scan3A_70, %sign3A_73 : i32
      %sign3A_75 = arith.extui %sign3A_74 : i1 to i32
      %sign3A_76 = arith.subi %sign3A_72, %sign3A_75 : i32
      %sign3A_77 = arith.constant 0 : i32
      %sign3A_78 = arith.cmpi sgt, %jit3A, %sign3A_77 : i32
      %sign3A_79 = arith.extui %sign3A_78 : i1 to i32
      %sign3A_80 = arith.constant 0 : i32
      %sign3A_81 = arith.cmpi slt, %jit3A, %sign3A_80 : i32
      %sign3A_82 = arith.extui %sign3A_81 : i1 to i32
      %sign3A_83 = arith.subi %sign3A_79, %sign3A_82 : i32
      %ne3A = arith.cmpi ne, %sign3A_76, %sign3A_83 : i32
      %rem3A = arith.remsi %scan3A_70, %jit3A : i32
      %ne3A_84 = arith.constant 0 : i32
      %ne3A_85 = arith.cmpi ne, %rem3A, %ne3A_84 : i32
      %and3A = arith.andi %ne3A, %ne3A_85 : i1
      %sub3A = arith.constant 1 : i32
      %sub3A_86 = arith.subi %div3A, %sub3A : i32
      %select_n3A = arith.select %and3A, %sub3A_86, %div3A : i32
      %jit3A_87 = arith.constant 312 : i32
      %eq3A = arith.constant 0 : i32
      %eq3A_88 = arith.cmpi eq, %jit3A_87, %eq3A : i32
      %jit3A_89 = arith.constant 1 : i32
      %select_n3A_90 = arith.select %eq3A_88, %jit3A_89, %jit3A_87 : i32
      %rem3A_91 = arith.remsi %scan3A_70, %select_n3A_90 : i32
      %ne3A_92 = arith.constant 0 : i32
      %ne3A_93 = arith.cmpi ne, %rem3A_91, %ne3A_92 : i32
      %lt3A = arith.constant 0 : i32
      %lt3A_94 = arith.cmpi slt, %rem3A_91, %lt3A : i32
      %lt3A_95 = arith.constant 0 : i32
      %lt3A_96 = arith.cmpi slt, %select_n3A_90, %lt3A_95 : i32
      %ne3A_97 = arith.xori %lt3A_94, %lt3A_96 : i1
      %and3A_98 = arith.andi %ne3A_97, %ne3A_93 : i1
      %add3A_99 = arith.addi %rem3A_91, %select_n3A_90 : i32
      %select_n3A_100 = arith.select %and3A_98, %add3A_99, %rem3A_91 : i32
      %mul3A_101 = arith.constant 16 : i32
      %mul3A_102 = arith.muli %select_n3A_100, %mul3A_101 : i32
      %swap3A = arith.index_cast %select_n3A : i32 to index
      %swap3A_103 = arith.index_cast %mul3A_102 : i32 to index
      %swap3A_104 = tpu.vector_load %arg12[%swap3A, %swap3A_103] {strides = array<i32>} : memref<8x4992xf32, #tpu.memory_space<vmem>>, vector<16xf32>,
      tpu.vector_store %arg12[%swap3A, %swap3A_103], %broadcast_in_dim3A_1 {strides = array<i32>} : memref<8x4992xf32, #tpu.memory_space<vmem>>, vector<16xf32>,
      %swap3A_105 = arith.index_cast %select_n3A : i32 to index
      %swap3A_106 = arith.index_cast %mul3A_102 : i32 to index
      %swap3A_107 = tpu.vector_load %arg13[%swap3A_105, %swap3A_106] {strides = array<i32>} : memref<8x4992xf32, #tpu.memory_space<vmem>>, vector<16xf32>,
      tpu.vector_store %arg13[%swap3A_105, %swap3A_106], %broadcast_in_dim3A_1 {strides = array<i32>} : memref<8x4992xf32, #tpu.memory_space<vmem>>, vector<16xf32>,
    }
    %scan3A_6 = arith.constant 2496 : i32
    %scan3A_7 = arith.constant 0 : i32
    %scan3A_8 = arith.constant 0 : i32
    %scan3A_9 = arith.constant 80 : i32
    %scan3A_10 = arith.addi %scan3A_8, %scan3A_9 : i32
    %scan3A_11 = arith.constant 1 : i32
    scf.for %scan3A_70 = %scan3A_8 to %scan3A_10 step %scan3A_11  : i32 {
      %jit3A = arith.constant 10 : i32
      %div3A = arith.divsi %scan3A_70, %jit3A : i32
      %sign3A = arith.constant 0 : i32
      %sign3A_71 = arith.cmpi sgt, %scan3A_70, %sign3A : i32
      %sign3A_72 = arith.extui %sign3A_71 : i1 to i32
      %sign3A_73 = arith.constant 0 : i32
      %sign3A_74 = arith.cmpi slt, %scan3A_70, %sign3A_73 : i32
      %sign3A_75 = arith.extui %sign3A_74 : i1 to i32
      %sign3A_76 = arith.subi %sign3A_72, %sign3A_75 : i32
      %sign3A_77 = arith.constant 0 : i32
      %sign3A_78 = arith.cmpi sgt, %jit3A, %sign3A_77 : i32
      %sign3A_79 = arith.extui %sign3A_78 : i1 to i32
      %sign3A_80 = arith.constant 0 : i32
      %sign3A_81 = arith.cmpi slt, %jit3A, %sign3A_80 : i32
      %sign3A_82 = arith.extui %sign3A_81 : i1 to i32
      %sign3A_83 = arith.subi %sign3A_79, %sign3A_82 : i32
      %ne3A = arith.cmpi ne, %sign3A_76, %sign3A_83 : i32
      %rem3A = arith.remsi %scan3A_70, %jit3A : i32
      %ne3A_84 = arith.constant 0 : i32
      %ne3A_85 = arith.cmpi ne, %rem3A, %ne3A_84 : i32
      %and3A = arith.andi %ne3A, %ne3A_85 : i1
      %sub3A = arith.constant 1 : i32
      %sub3A_86 = arith.subi %div3A, %sub3A : i32
      %select_n3A = arith.select %and3A, %sub3A_86, %div3A : i32
      %jit3A_87 = arith.constant 10 : i32
      %eq3A = arith.constant 0 : i32
      %eq3A_88 = arith.cmpi eq, %jit3A_87, %eq3A : i32
      %jit3A_89 = arith.constant 1 : i32
      %select_n3A_90 = arith.select %eq3A_88, %jit3A_89, %jit3A_87 : i32
      %rem3A_91 = arith.remsi %scan3A_70, %select_n3A_90 : i32
      %ne3A_92 = arith.constant 0 : i32
      %ne3A_93 = arith.cmpi ne, %rem3A_91, %ne3A_92 : i32
      %lt3A = arith.constant 0 : i32
      %lt3A_94 = arith.cmpi slt, %rem3A_91, %lt3A : i32
      %lt3A_95 = arith.constant 0 : i32
      %lt3A_96 = arith.cmpi slt, %select_n3A_90, %lt3A_95 : i32
      %ne3A_97 = arith.xori %lt3A_94, %lt3A_96 : i1
      %and3A_98 = arith.andi %ne3A_97, %ne3A_93 : i1
      %add3A_99 = arith.addi %rem3A_91, %select_n3A_90 : i32
      %select_n3A_100 = arith.select %and3A_98, %add3A_99, %rem3A_91 : i32
      %mul3A_101 = arith.constant 16 : i32
      %mul3A_102 = arith.muli %select_n3A_100, %mul3A_101 : i32
      %swap3A = arith.index_cast %select_n3A : i32 to index
      %swap3A_103 = arith.index_cast %mul3A_102 : i32 to index
      %swap3A_104 = tpu.vector_load %arg14[%swap3A, %swap3A_103] {strides = array<i32>} : memref<8x160xf32, #tpu.memory_space<vmem>>, vector<16xf32>,
      tpu.vector_store %arg14[%swap3A, %swap3A_103], %broadcast_in_dim3A_1 {strides = array<i32>} : memref<8x160xf32, #tpu.memory_space<vmem>>, vector<16xf32>,
    }
    %scan3A_12 = arith.constant 80 : i32
    "tpu.region"() ({
      %run_scoped3A = tpu.sem_alloc : memref<!tpu.dma_semaphore, #tpu.memory_space<semaphore_mem>>
      %dma_start3A_70 = arith.constant 0 : i32
      %dma_start3A_71 = arith.constant 0 : i32
      %dma_start3A_72 = tpu.memref_slice %arg3[%add3A, %dma_start3A_70, %dma_start3A_71] : memref<32x1x1600xi32, #tpu.memory_space<hbm>> -> memref<1x1x1600xi32, #tpu.memory_space<hbm>>
      %dma_start3A_73 = tpu.memref_squeeze %dma_start3A_72 : memref<1x1x1600xi32, #tpu.memory_space<hbm>> -> memref<1x1600xi32, #tpu.memory_space<hbm>>
      %dma_start3A_74 = arith.constant 0 : i32
      %dma_start3A_75 = arith.constant 0 : i32
      %dma_start3A_76 = tpu.memref_slice %arg3[%add3A, %dma_start3A_74, %dma_start3A_75] : memref<32x1x1600xi32, #tpu.memory_space<hbm>> -> memref<1x1x1600xi32, #tpu.memory_space<hbm>>
      %dma_start3A_77 = tpu.memref_squeeze %dma_start3A_76 : memref<1x1x1600xi32, #tpu.memory_space<hbm>> -> memref<1x1600xi32, #tpu.memory_space<hbm>>
      tpu.enqueue_dma source(%dma_start3A_77 : memref<1x1600xi32, #tpu.memory_space<hbm>>) target(%arg8 : memref<1x1600xi32, #tpu.memory_space<vmem>>) target_semaphore(%run_scoped3A : memref<!tpu.dma_semaphore, #tpu.memory_space<semaphore_mem>>)
      %dma_wait3A_78 = arith.constant 0 : i32
      %dma_wait3A_79 = arith.constant 0 : i32
      %dma_wait3A_80 = tpu.memref_slice %arg3[%add3A, %dma_wait3A_78, %dma_wait3A_79] : memref<32x1x1600xi32, #tpu.memory_space<hbm>> -> memref<1x1x1600xi32, #tpu.memory_space<hbm>>
      %dma_wait3A_81 = tpu.memref_squeeze %dma_wait3A_80 : memref<1x1x1600xi32, #tpu.memory_space<hbm>> -> memref<1x1600xi32, #tpu.memory_space<hbm>>
      %dma_wait3A_82 = arith.constant 0 : i32
      %dma_wait3A_83 = arith.constant 0 : i32
      %dma_wait3A_84 = tpu.memref_slice %arg3[%add3A, %dma_wait3A_82, %dma_wait3A_83] : memref<32x1x1600xi32, #tpu.memory_space<hbm>> -> memref<1x1x1600xi32, #tpu.memory_space<hbm>>
      %dma_wait3A_85 = tpu.memref_squeeze %dma_wait3A_84 : memref<1x1x1600xi32, #tpu.memory_space<hbm>> -> memref<1x1600xi32, #tpu.memory_space<hbm>>
      tpu.wait_dma2 semaphore(%run_scoped3A : memref<!tpu.dma_semaphore, #tpu.memory_space<semaphore_mem>>) src(%dma_wait3A_85 : memref<1x1600xi32, #tpu.memory_space<hbm>>) dst(%arg8 : memref<1x1600xi32, #tpu.memory_space<vmem>>)
      tpu.yield
    }) : () -> ()
    "tpu.region"() ({
      %run_scoped3A = tpu.sem_alloc : memref<!tpu.dma_semaphore, #tpu.memory_space<semaphore_mem>>
      %dma_start3A_70 = arith.constant 0 : i32
      %dma_start3A_71 = arith.constant 0 : i32
      %dma_start3A_72 = tpu.memref_slice %arg4[%add3A, %dma_start3A_70, %dma_start3A_71] : memref<32x1x1600xi32, #tpu.memory_space<hbm>> -> memref<1x1x1600xi32, #tpu.memory_space<hbm>>
      %dma_start3A_73 = tpu.memref_squeeze %dma_start3A_72 : memref<1x1x1600xi32, #tpu.memory_space<hbm>> -> memref<1x1600xi32, #tpu.memory_space<hbm>>
      %dma_start3A_74 = arith.constant 0 : i32
      %dma_start3A_75 = arith.constant 0 : i32
      %dma_start3A_76 = tpu.memref_slice %arg4[%add3A, %dma_start3A_74, %dma_start3A_75] : memref<32x1x1600xi32, #tpu.memory_space<hbm>> -> memref<1x1x1600xi32, #tpu.memory_space<hbm>>
      %dma_start3A_77 = tpu.memref_squeeze %dma_start3A_76 : memref<1x1x1600xi32, #tpu.memory_space<hbm>> -> memref<1x1600xi32, #tpu.memory_space<hbm>>
      tpu.enqueue_dma source(%dma_start3A_77 : memref<1x1600xi32, #tpu.memory_space<hbm>>) target(%arg9 : memref<1x1600xi32, #tpu.memory_space<vmem>>) target_semaphore(%run_scoped3A : memref<!tpu.dma_semaphore, #tpu.memory_space<semaphore_mem>>)
      %dma_wait3A_78 = arith.constant 0 : i32
      %dma_wait3A_79 = arith.constant 0 : i32
      %dma_wait3A_80 = tpu.memref_slice %arg4[%add3A, %dma_wait3A_78, %dma_wait3A_79] : memref<32x1x1600xi32, #tpu.memory_space<hbm>> -> memref<1x1x1600xi32, #tpu.memory_space<hbm>>
      %dma_wait3A_81 = tpu.memref_squeeze %dma_wait3A_80 : memref<1x1x1600xi32, #tpu.memory_space<hbm>> -> memref<1x1600xi32, #tpu.memory_space<hbm>>
      %dma_wait3A_82 = arith.constant 0 : i32
      %dma_wait3A_83 = arith.constant 0 : i32
      %dma_wait3A_84 = tpu.memref_slice %arg4[%add3A, %dma_wait3A_82, %dma_wait3A_83] : memref<32x1x1600xi32, #tpu.memory_space<hbm>> -> memref<1x1x1600xi32, #tpu.memory_space<hbm>>
      %dma_wait3A_85 = tpu.memref_squeeze %dma_wait3A_84 : memref<1x1x1600xi32, #tpu.memory_space<hbm>> -> memref<1x1600xi32, #tpu.memory_space<hbm>>
      tpu.wait_dma2 semaphore(%run_scoped3A : memref<!tpu.dma_semaphore, #tpu.memory_space<semaphore_mem>>) src(%dma_wait3A_85 : memref<1x1600xi32, #tpu.memory_space<hbm>>) dst(%arg9 : memref<1x1600xi32, #tpu.memory_space<vmem>>)
      tpu.yield
    }) : () -> ()
    "tpu.region"() ({
      %run_scoped3A = tpu.sem_alloc : memref<!tpu.dma_semaphore, #tpu.memory_space<semaphore_mem>>
      %dma_start3A_70 = arith.constant 0 : i32
      %dma_start3A_71 = arith.constant 0 : i32
      %dma_start3A_72 = tpu.memref_slice %arg5[%add3A, %dma_start3A_70, %dma_start3A_71] : memref<32x1x1600xi32, #tpu.memory_space<hbm>> -> memref<1x1x1600xi32, #tpu.memory_space<hbm>>
      %dma_start3A_73 = tpu.memref_squeeze %dma_start3A_72 : memref<1x1x1600xi32, #tpu.memory_space<hbm>> -> memref<1x1600xi32, #tpu.memory_space<hbm>>
      %dma_start3A_74 = arith.constant 0 : i32
      %dma_start3A_75 = arith.constant 0 : i32
      %dma_start3A_76 = tpu.memref_slice %arg5[%add3A, %dma_start3A_74, %dma_start3A_75] : memref<32x1x1600xi32, #tpu.memory_space<hbm>> -> memref<1x1x1600xi32, #tpu.memory_space<hbm>>
      %dma_start3A_77 = tpu.memref_squeeze %dma_start3A_76 : memref<1x1x1600xi32, #tpu.memory_space<hbm>> -> memref<1x1600xi32, #tpu.memory_space<hbm>>
      tpu.enqueue_dma source(%dma_start3A_77 : memref<1x1600xi32, #tpu.memory_space<hbm>>) target(%arg10 : memref<1x1600xi32, #tpu.memory_space<vmem>>) target_semaphore(%run_scoped3A : memref<!tpu.dma_semaphore, #tpu.memory_space<semaphore_mem>>)
      %dma_wait3A_78 = arith.constant 0 : i32
      %dma_wait3A_79 = arith.constant 0 : i32
      %dma_wait3A_80 = tpu.memref_slice %arg5[%add3A, %dma_wait3A_78, %dma_wait3A_79] : memref<32x1x1600xi32, #tpu.memory_space<hbm>> -> memref<1x1x1600xi32, #tpu.memory_space<hbm>>
      %dma_wait3A_81 = tpu.memref_squeeze %dma_wait3A_80 : memref<1x1x1600xi32, #tpu.memory_space<hbm>> -> memref<1x1600xi32, #tpu.memory_space<hbm>>
      %dma_wait3A_82 = arith.constant 0 : i32
      %dma_wait3A_83 = arith.constant 0 : i32
      %dma_wait3A_84 = tpu.memref_slice %arg5[%add3A, %dma_wait3A_82, %dma_wait3A_83] : memref<32x1x1600xi32, #tpu.memory_space<hbm>> -> memref<1x1x1600xi32, #tpu.memory_space<hbm>>
      %dma_wait3A_85 = tpu.memref_squeeze %dma_wait3A_84 : memref<1x1x1600xi32, #tpu.memory_space<hbm>> -> memref<1x1600xi32, #tpu.memory_space<hbm>>
      tpu.wait_dma2 semaphore(%run_scoped3A : memref<!tpu.dma_semaphore, #tpu.memory_space<semaphore_mem>>) src(%dma_wait3A_85 : memref<1x1600xi32, #tpu.memory_space<hbm>>) dst(%arg10 : memref<1x1600xi32, #tpu.memory_space<vmem>>)
      tpu.yield
    }) : () -> ()
    "tpu.region"() ({
      %run_scoped3A = tpu.sem_alloc : memref<!tpu.dma_semaphore, #tpu.memory_space<semaphore_mem>>
      %dma_start3A_70 = arith.constant 0 : i32
      %dma_start3A_71 = arith.constant 0 : i32
      %dma_start3A_72 = tpu.memref_slice %arg6[%add3A, %dma_start3A_70, %dma_start3A_71] : memref<32x1x1600xf32, #tpu.memory_space<hbm>> -> memref<1x1x1600xf32, #tpu.memory_space<hbm>>
      %dma_start3A_73 = tpu.memref_squeeze %dma_start3A_72 : memref<1x1x1600xf32, #tpu.memory_space<hbm>> -> memref<1x1600xf32, #tpu.memory_space<hbm>>
      %dma_start3A_74 = arith.constant 0 : i32
      %dma_start3A_75 = arith.constant 0 : i32
      %dma_start3A_76 = tpu.memref_slice %arg6[%add3A, %dma_start3A_74, %dma_start3A_75] : memref<32x1x1600xf32, #tpu.memory_space<hbm>> -> memref<1x1x1600xf32, #tpu.memory_space<hbm>>
      %dma_start3A_77 = tpu.memref_squeeze %dma_start3A_76 : memref<1x1x1600xf32, #tpu.memory_space<hbm>> -> memref<1x1600xf32, #tpu.memory_space<hbm>>
      tpu.enqueue_dma source(%dma_start3A_77 : memref<1x1600xf32, #tpu.memory_space<hbm>>) target(%arg11 : memref<1x1600xf32, #tpu.memory_space<vmem>>) target_semaphore(%run_scoped3A : memref<!tpu.dma_semaphore, #tpu.memory_space<semaphore_mem>>)
      %dma_wait3A_78 = arith.constant 0 : i32
      %dma_wait3A_79 = arith.constant 0 : i32
      %dma_wait3A_80 = tpu.memref_slice %arg6[%add3A, %dma_wait3A_78, %dma_wait3A_79] : memref<32x1x1600xf32, #tpu.memory_space<hbm>> -> memref<1x1x1600xf32, #tpu.memory_space<hbm>>
      %dma_wait3A_81 = tpu.memref_squeeze %dma_wait3A_80 : memref<1x1x1600xf32, #tpu.memory_space<hbm>> -> memref<1x1600xf32, #tpu.memory_space<hbm>>
      %dma_wait3A_82 = arith.constant 0 : i32
      %dma_wait3A_83 = arith.constant 0 : i32
      %dma_wait3A_84 = tpu.memref_slice %arg6[%add3A, %dma_wait3A_82, %dma_wait3A_83] : memref<32x1x1600xf32, #tpu.memory_space<hbm>> -> memref<1x1x1600xf32, #tpu.memory_space<hbm>>
      %dma_wait3A_85 = tpu.memref_squeeze %dma_wait3A_84 : memref<1x1x1600xf32, #tpu.memory_space<hbm>> -> memref<1x1600xf32, #tpu.memory_space<hbm>>
      tpu.wait_dma2 semaphore(%run_scoped3A : memref<!tpu.dma_semaphore, #tpu.memory_space<semaphore_mem>>) src(%dma_wait3A_85 : memref<1x1600xf32, #tpu.memory_space<hbm>>) dst(%arg11 : memref<1x1600xf32, #tpu.memory_space<vmem>>)
      tpu.yield
    }) : () -> ()
    %scan3A_13 = arith.constant 0 : i32
    %scan3A_14 = arith.constant 0 : i32
    %scan3A_15 = arith.constant 10 : i32
    %scan3A_16 = arith.addi %scan3A_14, %scan3A_15 : i32
    %scan3A_17 = arith.constant 1 : i32
    scf.for %scan3A_70 = %scan3A_14 to %scan3A_16 step %scan3A_17  : i32 {
      %mul3A_71 = arith.constant 2 : i32
      %mul3A_72 = arith.muli %mul3A_71, %scan3A_70 : i32
      %add3A_73 = arith.constant 0 : i32
      %add3A_74 = arith.addi %mul3A_72, %add3A_73 : i32
      %gt3A = arith.constant 0 : i32
      %gt3A_75 = arith.cmpi sgt, %scan3A_70, %gt3A : i32
      %convert_element_type3A = arith.extui %gt3A_75 : i1 to i32
      %cond3A = arith.constant 0 : i32
      %cond3A_76 = arith.cmpi ne, %convert_element_type3A, %cond3A : i32
      scf.if %cond3A_76 {
        %sub3A_272 = arith.constant 2 : i32
        %sub3A_273 = arith.subi %add3A_74, %sub3A_272 : i32
        %jit3A_274 = arith.constant 20 : i32
        %div3A_275 = arith.divsi %sub3A_273, %jit3A_274 : i32
        %sign3A_276 = arith.constant 0 : i32
        %sign3A_277 = arith.cmpi sgt, %sub3A_273, %sign3A_276 : i32
        %sign3A_278 = arith.extui %sign3A_277 : i1 to i32
        %sign3A_279 = arith.constant 0 : i32
        %sign3A_280 = arith.cmpi slt, %sub3A_273, %sign3A_279 : i32
        %sign3A_281 = arith.extui %sign3A_280 : i1 to i32
        %sign3A_282 = arith.subi %sign3A_278, %sign3A_281 : i32
        %sign3A_283 = arith.constant 0 : i32
        %sign3A_284 = arith.cmpi sgt, %jit3A_274, %sign3A_283 : i32
        %sign3A_285 = arith.extui %sign3A_284 : i1 to i32
        %sign3A_286 = arith.constant 0 : i32
        %sign3A_287 = arith.cmpi slt, %jit3A_274, %sign3A_286 : i32
        %sign3A_288 = arith.extui %sign3A_287 : i1 to i32
        %sign3A_289 = arith.subi %sign3A_285, %sign3A_288 : i32
        %ne3A_290 = arith.cmpi ne, %sign3A_282, %sign3A_289 : i32
        %rem3A_291 = arith.remsi %sub3A_273, %jit3A_274 : i32
        %ne3A_292 = arith.constant 0 : i32
        %ne3A_293 = arith.cmpi ne, %rem3A_291, %ne3A_292 : i32
        %and3A_294 = arith.andi %ne3A_290, %ne3A_293 : i1
        %sub3A_295 = arith.constant 1 : i32
        %sub3A_296 = arith.subi %div3A_275, %sub3A_295 : i32
        %select_n3A_297 = arith.select %and3A_294, %sub3A_296, %div3A_275 : i32
        %jit3A_298 = arith.constant 20 : i32
        %eq3A_299 = arith.constant 0 : i32
        %eq3A_300 = arith.cmpi eq, %jit3A_298, %eq3A_299 : i32
        %jit3A_301 = arith.constant 1 : i32
        %select_n3A_302 = arith.select %eq3A_300, %jit3A_301, %jit3A_298 : i32
        %rem3A_303 = arith.remsi %sub3A_273, %select_n3A_302 : i32
        %ne3A_304 = arith.constant 0 : i32
        %ne3A_305 = arith.cmpi ne, %rem3A_303, %ne3A_304 : i32
        %lt3A_306 = arith.constant 0 : i32
        %lt3A_307 = arith.cmpi slt, %rem3A_303, %lt3A_306 : i32
        %lt3A_308 = arith.constant 0 : i32
        %lt3A_309 = arith.cmpi slt, %select_n3A_302, %lt3A_308 : i32
        %ne3A_310 = arith.xori %lt3A_307, %lt3A_309 : i1
        %and3A_311 = arith.andi %ne3A_310, %ne3A_305 : i1
        %add3A_312 = arith.addi %rem3A_303, %select_n3A_302 : i32
        %select_n3A_313 = arith.select %and3A_311, %add3A_312, %rem3A_303 : i32
        %mul3A_314 = arith.constant 1 : i32
        %mul3A_315 = arith.muli %add3A, %mul3A_314 : i32
        %add3A_316 = arith.constant 32 : i32
        %add3A_317 = arith.addi %add3A_316, %mul3A_315 : i32
        %add3A_318 = arith.addi %add3A_317, %select_n3A_297 : i32
        %mul3A_319 = arith.constant 8 : i32
        %mul3A_320 = arith.muli %add3A_318, %mul3A_319 : i32
        %mul3A_321 = arith.constant 4992 : i32
        %mul3A_322 = arith.muli %select_n3A_313, %mul3A_321 : i32
        %multiple_of3A_323 = tpu.assume_multiple %mul3A_322, 128 : i32
        %dma_wait3A_324 = tpu.memref_slice %arg2[%mul3A_320, %multiple_of3A_323] : memref<1024x100000xf32, #tpu.memory_space<hbm>> -> memref<8x4992xf32, #tpu.memory_space<hbm>>
        %dma_wait3A_325 = tpu.memref_slice %arg2[%mul3A_320, %multiple_of3A_323] : memref<1024x100000xf32, #tpu.memory_space<hbm>> -> memref<8x4992xf32, #tpu.memory_space<hbm>>
        tpu.wait_dma2 semaphore(%arg15 : memref<!tpu.dma_semaphore, #tpu.memory_space<semaphore_mem>>) src(%arg12 : memref<8x4992xf32, #tpu.memory_space<vmem>>) dst(%dma_wait3A_325 : memref<8x4992xf32, #tpu.memory_space<hbm>>)
        %jit3A_326 = arith.constant 20 : i32
        %div3A_327 = arith.divsi %sub3A_273, %jit3A_326 : i32
        %sign3A_328 = arith.constant 0 : i32
        %sign3A_329 = arith.cmpi sgt, %sub3A_273, %sign3A_328 : i32
        %sign3A_330 = arith.extui %sign3A_329 : i1 to i32
        %sign3A_331 = arith.constant 0 : i32
        %sign3A_332 = arith.cmpi slt, %sub3A_273, %sign3A_331 : i32
        %sign3A_333 = arith.extui %sign3A_332 : i1 to i32
        %sign3A_334 = arith.subi %sign3A_330, %sign3A_333 : i32
        %sign3A_335 = arith.constant 0 : i32
        %sign3A_336 = arith.cmpi sgt, %jit3A_326, %sign3A_335 : i32
        %sign3A_337 = arith.extui %sign3A_336 : i1 to i32
        %sign3A_338 = arith.constant 0 : i32
        %sign3A_339 = arith.cmpi slt, %jit3A_326, %sign3A_338 : i32
        %sign3A_340 = arith.extui %sign3A_339 : i1 to i32
        %sign3A_341 = arith.subi %sign3A_337, %sign3A_340 : i32
        %ne3A_342 = arith.cmpi ne, %sign3A_334, %sign3A_341 : i32
        %rem3A_343 = arith.remsi %sub3A_273, %jit3A_326 : i32
        %ne3A_344 = arith.constant 0 : i32
        %ne3A_345 = arith.cmpi ne, %rem3A_343, %ne3A_344 : i32
        %and3A_346 = arith.andi %ne3A_342, %ne3A_345 : i1
        %sub3A_347 = arith.constant 1 : i32
        %sub3A_348 = arith.subi %div3A_327, %sub3A_347 : i32
        %select_n3A_349 = arith.select %and3A_346, %sub3A_348, %div3A_327 : i32
        %jit3A_350 = arith.constant 20 : i32
        %eq3A_351 = arith.constant 0 : i32
        %eq3A_352 = arith.cmpi eq, %jit3A_350, %eq3A_351 : i32
        %jit3A_353 = arith.constant 1 : i32
        %select_n3A_354 = arith.select %eq3A_352, %jit3A_353, %jit3A_350 : i32
        %rem3A_355 = arith.remsi %sub3A_273, %select_n3A_354 : i32
        %ne3A_356 = arith.constant 0 : i32
        %ne3A_357 = arith.cmpi ne, %rem3A_355, %ne3A_356 : i32
        %lt3A_358 = arith.constant 0 : i32
        %lt3A_359 = arith.cmpi slt, %rem3A_355, %lt3A_358 : i32
        %lt3A_360 = arith.constant 0 : i32
        %lt3A_361 = arith.cmpi slt, %select_n3A_354, %lt3A_360 : i32
        %ne3A_362 = arith.xori %lt3A_359, %lt3A_361 : i1
        %and3A_363 = arith.andi %ne3A_362, %ne3A_357 : i1
        %add3A_364 = arith.addi %rem3A_355, %select_n3A_354 : i32
        %select_n3A_365 = arith.select %and3A_363, %add3A_364, %rem3A_355 : i32
        %scan3A_366 = arith.constant 0 : i32
        %scan3A_367 = arith.constant 0 : i32
        %scan3A_368 = arith.constant 100 : i32
        %scan3A_369 = arith.addi %scan3A_367, %scan3A_368 : i32
        %scan3A_370 = arith.constant 1 : i32
        scf.for %scan3A_372 = %scan3A_367 to %scan3A_369 step %scan3A_370  : i32 {
          %mul3A_373 = arith.constant 16 : i32
          %mul3A_374 = arith.muli %scan3A_372, %mul3A_373 : i32
          %get3A = arith.index_cast %select_n3A_349 : i32 to index
          %get3A_375 = arith.index_cast %mul3A_374 : i32 to index
          %get3A_376 = tpu.vector_load %arg8[%get3A, %get3A_375] {strides = array<i32>} : memref<1x1600xi32, #tpu.memory_space<vmem>>, vector<16xi32>,
          %mul3A_377 = arith.constant 16 : i32
          %mul3A_378 = arith.muli %scan3A_372, %mul3A_377 : i32
          %get3A_379 = arith.index_cast %select_n3A_349 : i32 to index
          %get3A_380 = arith.index_cast %mul3A_378 : i32 to index
          %get3A_381 = tpu.vector_load %arg9[%get3A_379, %get3A_380] {strides = array<i32>} : memref<1x1600xi32, #tpu.memory_space<vmem>>, vector<16xi32>,
          %mul3A_382 = arith.constant 16 : i32
          %mul3A_383 = arith.muli %scan3A_372, %mul3A_382 : i32
          %get3A_384 = arith.index_cast %select_n3A_349 : i32 to index
          %get3A_385 = arith.index_cast %mul3A_383 : i32 to index
          %get3A_386 = tpu.vector_load %arg10[%get3A_384, %get3A_385] {strides = array<i32>} : memref<1x1600xi32, #tpu.memory_space<vmem>>, vector<16xi32>,
          %eq3A_387 = vector.broadcast %select_n3A_365 : i32 to vector<16xi32>
          %eq3A_388 = arith.cmpi eq, %get3A_381, %eq3A_387 : vector<16xi32>
          tpu.vector_store_idx %arg12[%get3A_376, %get3A_386], %broadcast_in_dim3A_1 masked %eq3A_388 : memref<8x4992xf32, #tpu.memory_space<vmem>>[vector<16xi32>, vector<16xi32>], vector<16xf32>, vector<16xi1>
        }
        %scan3A_371 = arith.constant 100 : i32
      } else {
      }
      %jit3A = arith.constant 20 : i32
      %div3A = arith.divsi %add3A_74, %jit3A : i32
      %sign3A = arith.constant 0 : i32
      %sign3A_77 = arith.cmpi sgt, %add3A_74, %sign3A : i32
      %sign3A_78 = arith.extui %sign3A_77 : i1 to i32
      %sign3A_79 = arith.constant 0 : i32
      %sign3A_80 = arith.cmpi slt, %add3A_74, %sign3A_79 : i32
      %sign3A_81 = arith.extui %sign3A_80 : i1 to i32
      %sign3A_82 = arith.subi %sign3A_78, %sign3A_81 : i32
      %sign3A_83 = arith.constant 0 : i32
      %sign3A_84 = arith.cmpi sgt, %jit3A, %sign3A_83 : i32
      %sign3A_85 = arith.extui %sign3A_84 : i1 to i32
      %sign3A_86 = arith.constant 0 : i32
      %sign3A_87 = arith.cmpi slt, %jit3A, %sign3A_86 : i32
      %sign3A_88 = arith.extui %sign3A_87 : i1 to i32
      %sign3A_89 = arith.subi %sign3A_85, %sign3A_88 : i32
      %ne3A = arith.cmpi ne, %sign3A_82, %sign3A_89 : i32
      %rem3A = arith.remsi %add3A_74, %jit3A : i32
      %ne3A_90 = arith.constant 0 : i32
      %ne3A_91 = arith.cmpi ne, %rem3A, %ne3A_90 : i32
      %and3A = arith.andi %ne3A, %ne3A_91 : i1
      %sub3A = arith.constant 1 : i32
      %sub3A_92 = arith.subi %div3A, %sub3A : i32
      %select_n3A = arith.select %and3A, %sub3A_92, %div3A : i32
      %jit3A_93 = arith.constant 20 : i32
      %eq3A = arith.constant 0 : i32
      %eq3A_94 = arith.cmpi eq, %jit3A_93, %eq3A : i32
      %jit3A_95 = arith.constant 1 : i32
      %select_n3A_96 = arith.select %eq3A_94, %jit3A_95, %jit3A_93 : i32
      %rem3A_97 = arith.remsi %add3A_74, %select_n3A_96 : i32
      %ne3A_98 = arith.constant 0 : i32
      %ne3A_99 = arith.cmpi ne, %rem3A_97, %ne3A_98 : i32
      %lt3A = arith.constant 0 : i32
      %lt3A_100 = arith.cmpi slt, %rem3A_97, %lt3A : i32
      %lt3A_101 = arith.constant 0 : i32
      %lt3A_102 = arith.cmpi slt, %select_n3A_96, %lt3A_101 : i32
      %ne3A_103 = arith.xori %lt3A_100, %lt3A_102 : i1
      %and3A_104 = arith.andi %ne3A_103, %ne3A_99 : i1
      %add3A_105 = arith.addi %rem3A_97, %select_n3A_96 : i32
      %select_n3A_106 = arith.select %and3A_104, %add3A_105, %rem3A_97 : i32
      %scan3A_107 = arith.constant 0 : i32
      %scan3A_108 = arith.constant 0 : i32
      %scan3A_109 = arith.constant 100 : i32
      %scan3A_110 = arith.addi %scan3A_108, %scan3A_109 : i32
      %scan3A_111 = arith.constant 1 : i32
      scf.for %scan3A_272 = %scan3A_108 to %scan3A_110 step %scan3A_111  : i32 {
        %mul3A_273 = arith.constant 16 : i32
        %mul3A_274 = arith.muli %scan3A_272, %mul3A_273 : i32
        %get3A = arith.index_cast %select_n3A : i32 to index
        %get3A_275 = arith.index_cast %mul3A_274 : i32 to index
        %get3A_276 = tpu.vector_load %arg8[%get3A, %get3A_275] {strides = array<i32>} : memref<1x1600xi32, #tpu.memory_space<vmem>>, vector<16xi32>,
        %mul3A_277 = arith.constant 16 : i32
        %mul3A_278 = arith.muli %scan3A_272, %mul3A_277 : i32
        %get3A_279 = arith.index_cast %select_n3A : i32 to index
        %get3A_280 = arith.index_cast %mul3A_278 : i32 to index
        %get3A_281 = tpu.vector_load %arg9[%get3A_279, %get3A_280] {strides = array<i32>} : memref<1x1600xi32, #tpu.memory_space<vmem>>, vector<16xi32>,
        %mul3A_282 = arith.constant 16 : i32
        %mul3A_283 = arith.muli %scan3A_272, %mul3A_282 : i32
        %get3A_284 = arith.index_cast %select_n3A : i32 to index
        %get3A_285 = arith.index_cast %mul3A_283 : i32 to index
        %get3A_286 = tpu.vector_load %arg10[%get3A_284, %get3A_285] {strides = array<i32>} : memref<1x1600xi32, #tpu.memory_space<vmem>>, vector<16xi32>,
        %mul3A_287 = arith.constant 16 : i32
        %mul3A_288 = arith.muli %scan3A_272, %mul3A_287 : i32
        %get3A_289 = arith.index_cast %select_n3A : i32 to index
        %get3A_290 = arith.index_cast %mul3A_288 : i32 to index
        %get3A_291 = tpu.vector_load %arg11[%get3A_289, %get3A_290] {strides = array<i32>} : memref<1x1600xf32, #tpu.memory_space<vmem>>, vector<16xf32>,
        %eq3A_292 = vector.broadcast %select_n3A_106 : i32 to vector<16xi32>
        %eq3A_293 = arith.cmpi eq, %get3A_281, %eq3A_292 : vector<16xi32>
        tpu.vector_store_idx %arg12[%get3A_276, %get3A_286], %get3A_291 masked %eq3A_293 : memref<8x4992xf32, #tpu.memory_space<vmem>>[vector<16xi32>, vector<16xi32>], vector<16xf32>, vector<16xi1>
      }
      %scan3A_112 = arith.constant 100 : i32
      %jit3A_113 = arith.constant 20 : i32
      %div3A_114 = arith.divsi %add3A_74, %jit3A_113 : i32
      %sign3A_115 = arith.constant 0 : i32
      %sign3A_116 = arith.cmpi sgt, %add3A_74, %sign3A_115 : i32
      %sign3A_117 = arith.extui %sign3A_116 : i1 to i32
      %sign3A_118 = arith.constant 0 : i32
      %sign3A_119 = arith.cmpi slt, %add3A_74, %sign3A_118 : i32
      %sign3A_120 = arith.extui %sign3A_119 : i1 to i32
      %sign3A_121 = arith.subi %sign3A_117, %sign3A_120 : i32
      %sign3A_122 = arith.constant 0 : i32
      %sign3A_123 = arith.cmpi sgt, %jit3A_113, %sign3A_122 : i32
      %sign3A_124 = arith.extui %sign3A_123 : i1 to i32
      %sign3A_125 = arith.constant 0 : i32
      %sign3A_126 = arith.cmpi slt, %jit3A_113, %sign3A_125 : i32
      %sign3A_127 = arith.extui %sign3A_126 : i1 to i32
      %sign3A_128 = arith.subi %sign3A_124, %sign3A_127 : i32
      %ne3A_129 = arith.cmpi ne, %sign3A_121, %sign3A_128 : i32
      %rem3A_130 = arith.remsi %add3A_74, %jit3A_113 : i32
      %ne3A_131 = arith.constant 0 : i32
      %ne3A_132 = arith.cmpi ne, %rem3A_130, %ne3A_131 : i32
      %and3A_133 = arith.andi %ne3A_129, %ne3A_132 : i1
      %sub3A_134 = arith.constant 1 : i32
      %sub3A_135 = arith.subi %div3A_114, %sub3A_134 : i32
      %select_n3A_136 = arith.select %and3A_133, %sub3A_135, %div3A_114 : i32
      %jit3A_137 = arith.constant 20 : i32
      %eq3A_138 = arith.constant 0 : i32
      %eq3A_139 = arith.cmpi eq, %jit3A_137, %eq3A_138 : i32
      %jit3A_140 = arith.constant 1 : i32
      %select_n3A_141 = arith.select %eq3A_139, %jit3A_140, %jit3A_137 : i32
      %rem3A_142 = arith.remsi %add3A_74, %select_n3A_141 : i32
      %ne3A_143 = arith.constant 0 : i32
      %ne3A_144 = arith.cmpi ne, %rem3A_142, %ne3A_143 : i32
      %lt3A_145 = arith.constant 0 : i32
      %lt3A_146 = arith.cmpi slt, %rem3A_142, %lt3A_145 : i32
      %lt3A_147 = arith.constant 0 : i32
      %lt3A_148 = arith.cmpi slt, %select_n3A_141, %lt3A_147 : i32
      %ne3A_149 = arith.xori %lt3A_146, %lt3A_148 : i1
      %and3A_150 = arith.andi %ne3A_149, %ne3A_144 : i1
      %add3A_151 = arith.addi %rem3A_142, %select_n3A_141 : i32
      %select_n3A_152 = arith.select %and3A_150, %add3A_151, %rem3A_142 : i32
      %mul3A_153 = arith.constant 1 : i32
      %mul3A_154 = arith.muli %add3A, %mul3A_153 : i32
      %add3A_155 = arith.constant 32 : i32
      %add3A_156 = arith.addi %add3A_155, %mul3A_154 : i32
      %add3A_157 = arith.addi %add3A_156, %select_n3A_136 : i32
      %mul3A_158 = arith.constant 8 : i32
      %mul3A_159 = arith.muli %add3A_157, %mul3A_158 : i32
      %mul3A_160 = arith.constant 4992 : i32
      %mul3A_161 = arith.muli %select_n3A_152, %mul3A_160 : i32
      %multiple_of3A_162 = tpu.assume_multiple %mul3A_161, 128 : i32
      %dma_start3A_163 = tpu.memref_slice %arg2[%mul3A_159, %multiple_of3A_162] : memref<1024x100000xf32, #tpu.memory_space<hbm>> -> memref<8x4992xf32, #tpu.memory_space<hbm>>
      %dma_start3A_164 = tpu.memref_slice %arg2[%mul3A_159, %multiple_of3A_162] : memref<1024x100000xf32, #tpu.memory_space<hbm>> -> memref<8x4992xf32, #tpu.memory_space<hbm>>
      tpu.enqueue_dma source(%arg12 : memref<8x4992xf32, #tpu.memory_space<vmem>>) target(%dma_start3A_164 : memref<8x4992xf32, #tpu.memory_space<hbm>>) target_semaphore(%arg15 : memref<!tpu.dma_semaphore, #tpu.memory_space<semaphore_mem>>)
      %mul3A_165 = arith.constant 2 : i32
      %mul3A_166 = arith.muli %mul3A_165, %scan3A_70 : i32
      %add3A_167 = arith.constant 1 : i32
      %add3A_168 = arith.addi %mul3A_166, %add3A_167 : i32
      %gt3A_169 = arith.constant 0 : i32
      %gt3A_170 = arith.cmpi sgt, %scan3A_70, %gt3A_169 : i32
      %convert_element_type3A_171 = arith.extui %gt3A_170 : i1 to i32
      %cond3A_172 = arith.constant 0 : i32
      %cond3A_173 = arith.cmpi ne, %convert_element_type3A_171, %cond3A_172 : i32
      scf.if %cond3A_173 {
        %sub3A_272 = arith.constant 2 : i32
        %sub3A_273 = arith.subi %add3A_168, %sub3A_272 : i32
        %jit3A_274 = arith.constant 20 : i32
        %div3A_275 = arith.divsi %sub3A_273, %jit3A_274 : i32
        %sign3A_276 = arith.constant 0 : i32
        %sign3A_277 = arith.cmpi sgt, %sub3A_273, %sign3A_276 : i32
        %sign3A_278 = arith.extui %sign3A_277 : i1 to i32
        %sign3A_279 = arith.constant 0 : i32
        %sign3A_280 = arith.cmpi slt, %sub3A_273, %sign3A_279 : i32
        %sign3A_281 = arith.extui %sign3A_280 : i1 to i32
        %sign3A_282 = arith.subi %sign3A_278, %sign3A_281 : i32
        %sign3A_283 = arith.constant 0 : i32
        %sign3A_284 = arith.cmpi sgt, %jit3A_274, %sign3A_283 : i32
        %sign3A_285 = arith.extui %sign3A_284 : i1 to i32
        %sign3A_286 = arith.constant 0 : i32
        %sign3A_287 = arith.cmpi slt, %jit3A_274, %sign3A_286 : i32
        %sign3A_288 = arith.extui %sign3A_287 : i1 to i32
        %sign3A_289 = arith.subi %sign3A_285, %sign3A_288 : i32
        %ne3A_290 = arith.cmpi ne, %sign3A_282, %sign3A_289 : i32
        %rem3A_291 = arith.remsi %sub3A_273, %jit3A_274 : i32
        %ne3A_292 = arith.constant 0 : i32
        %ne3A_293 = arith.cmpi ne, %rem3A_291, %ne3A_292 : i32
        %and3A_294 = arith.andi %ne3A_290, %ne3A_293 : i1
        %sub3A_295 = arith.constant 1 : i32
        %sub3A_296 = arith.subi %div3A_275, %sub3A_295 : i32
        %select_n3A_297 = arith.select %and3A_294, %sub3A_296, %div3A_275 : i32
        %jit3A_298 = arith.constant 20 : i32
        %eq3A_299 = arith.constant 0 : i32
        %eq3A_300 = arith.cmpi eq, %jit3A_298, %eq3A_299 : i32
        %jit3A_301 = arith.constant 1 : i32
        %select_n3A_302 = arith.select %eq3A_300, %jit3A_301, %jit3A_298 : i32
        %rem3A_303 = arith.remsi %sub3A_273, %select_n3A_302 : i32
        %ne3A_304 = arith.constant 0 : i32
        %ne3A_305 = arith.cmpi ne, %rem3A_303, %ne3A_304 : i32
        %lt3A_306 = arith.constant 0 : i32
        %lt3A_307 = arith.cmpi slt, %rem3A_303, %lt3A_306 : i32
        %lt3A_308 = arith.constant 0 : i32
        %lt3A_309 = arith.cmpi slt, %select_n3A_302, %lt3A_308 : i32
        %ne3A_310 = arith.xori %lt3A_307, %lt3A_309 : i1
        %and3A_311 = arith.andi %ne3A_310, %ne3A_305 : i1
        %add3A_312 = arith.addi %rem3A_303, %select_n3A_302 : i32
        %select_n3A_313 = arith.select %and3A_311, %add3A_312, %rem3A_303 : i32
        %mul3A_314 = arith.constant 1 : i32
        %mul3A_315 = arith.muli %add3A, %mul3A_314 : i32
        %add3A_316 = arith.constant 32 : i32
        %add3A_317 = arith.addi %add3A_316, %mul3A_315 : i32
        %add3A_318 = arith.addi %add3A_317, %select_n3A_297 : i32
        %mul3A_319 = arith.constant 8 : i32
        %mul3A_320 = arith.muli %add3A_318, %mul3A_319 : i32
        %mul3A_321 = arith.constant 4992 : i32
        %mul3A_322 = arith.muli %select_n3A_313, %mul3A_321 : i32
        %multiple_of3A_323 = tpu.assume_multiple %mul3A_322, 128 : i32
        %dma_wait3A_324 = tpu.memref_slice %arg2[%mul3A_320, %multiple_of3A_323] : memref<1024x100000xf32, #tpu.memory_space<hbm>> -> memref<8x4992xf32, #tpu.memory_space<hbm>>
        %dma_wait3A_325 = tpu.memref_slice %arg2[%mul3A_320, %multiple_of3A_323] : memref<1024x100000xf32, #tpu.memory_space<hbm>> -> memref<8x4992xf32, #tpu.memory_space<hbm>>
        tpu.wait_dma2 semaphore(%arg16 : memref<!tpu.dma_semaphore, #tpu.memory_space<semaphore_mem>>) src(%arg13 : memref<8x4992xf32, #tpu.memory_space<vmem>>) dst(%dma_wait3A_325 : memref<8x4992xf32, #tpu.memory_space<hbm>>)
        %jit3A_326 = arith.constant 20 : i32
        %div3A_327 = arith.divsi %sub3A_273, %jit3A_326 : i32
        %sign3A_328 = arith.constant 0 : i32
        %sign3A_329 = arith.cmpi sgt, %sub3A_273, %sign3A_328 : i32
        %sign3A_330 = arith.extui %sign3A_329 : i1 to i32
        %sign3A_331 = arith.constant 0 : i32
        %sign3A_332 = arith.cmpi slt, %sub3A_273, %sign3A_331 : i32
        %sign3A_333 = arith.extui %sign3A_332 : i1 to i32
        %sign3A_334 = arith.subi %sign3A_330, %sign3A_333 : i32
        %sign3A_335 = arith.constant 0 : i32
        %sign3A_336 = arith.cmpi sgt, %jit3A_326, %sign3A_335 : i32
        %sign3A_337 = arith.extui %sign3A_336 : i1 to i32
        %sign3A_338 = arith.constant 0 : i32
        %sign3A_339 = arith.cmpi slt, %jit3A_326, %sign3A_338 : i32
        %sign3A_340 = arith.extui %sign3A_339 : i1 to i32
        %sign3A_341 = arith.subi %sign3A_337, %sign3A_340 : i32
        %ne3A_342 = arith.cmpi ne, %sign3A_334, %sign3A_341 : i32
        %rem3A_343 = arith.remsi %sub3A_273, %jit3A_326 : i32
        %ne3A_344 = arith.constant 0 : i32
        %ne3A_345 = arith.cmpi ne, %rem3A_343, %ne3A_344 : i32
        %and3A_346 = arith.andi %ne3A_342, %ne3A_345 : i1
        %sub3A_347 = arith.constant 1 : i32
        %sub3A_348 = arith.subi %div3A_327, %sub3A_347 : i32
        %select_n3A_349 = arith.select %and3A_346, %sub3A_348, %div3A_327 : i32
        %jit3A_350 = arith.constant 20 : i32
        %eq3A_351 = arith.constant 0 : i32
        %eq3A_352 = arith.cmpi eq, %jit3A_350, %eq3A_351 : i32
        %jit3A_353 = arith.constant 1 : i32
        %select_n3A_354 = arith.select %eq3A_352, %jit3A_353, %jit3A_350 : i32
        %rem3A_355 = arith.remsi %sub3A_273, %select_n3A_354 : i32
        %ne3A_356 = arith.constant 0 : i32
        %ne3A_357 = arith.cmpi ne, %rem3A_355, %ne3A_356 : i32
        %lt3A_358 = arith.constant 0 : i32
        %lt3A_359 = arith.cmpi slt, %rem3A_355, %lt3A_358 : i32
        %lt3A_360 = arith.constant 0 : i32
        %lt3A_361 = arith.cmpi slt, %select_n3A_354, %lt3A_360 : i32
        %ne3A_362 = arith.xori %lt3A_359, %lt3A_361 : i1
        %and3A_363 = arith.andi %ne3A_362, %ne3A_357 : i1
        %add3A_364 = arith.addi %rem3A_355, %select_n3A_354 : i32
        %select_n3A_365 = arith.select %and3A_363, %add3A_364, %rem3A_355 : i32
        %scan3A_366 = arith.constant 0 : i32
        %scan3A_367 = arith.constant 0 : i32
        %scan3A_368 = arith.constant 100 : i32
        %scan3A_369 = arith.addi %scan3A_367, %scan3A_368 : i32
        %scan3A_370 = arith.constant 1 : i32
        scf.for %scan3A_372 = %scan3A_367 to %scan3A_369 step %scan3A_370  : i32 {
          %mul3A_373 = arith.constant 16 : i32
          %mul3A_374 = arith.muli %scan3A_372, %mul3A_373 : i32
          %get3A = arith.index_cast %select_n3A_349 : i32 to index
          %get3A_375 = arith.index_cast %mul3A_374 : i32 to index
          %get3A_376 = tpu.vector_load %arg8[%get3A, %get3A_375] {strides = array<i32>} : memref<1x1600xi32, #tpu.memory_space<vmem>>, vector<16xi32>,
          %mul3A_377 = arith.constant 16 : i32
          %mul3A_378 = arith.muli %scan3A_372, %mul3A_377 : i32
          %get3A_379 = arith.index_cast %select_n3A_349 : i32 to index
          %get3A_380 = arith.index_cast %mul3A_378 : i32 to index
          %get3A_381 = tpu.vector_load %arg9[%get3A_379, %get3A_380] {strides = array<i32>} : memref<1x1600xi32, #tpu.memory_space<vmem>>, vector<16xi32>,
          %mul3A_382 = arith.constant 16 : i32
          %mul3A_383 = arith.muli %scan3A_372, %mul3A_382 : i32
          %get3A_384 = arith.index_cast %select_n3A_349 : i32 to index
          %get3A_385 = arith.index_cast %mul3A_383 : i32 to index
          %get3A_386 = tpu.vector_load %arg10[%get3A_384, %get3A_385] {strides = array<i32>} : memref<1x1600xi32, #tpu.memory_space<vmem>>, vector<16xi32>,
          %eq3A_387 = vector.broadcast %select_n3A_365 : i32 to vector<16xi32>
          %eq3A_388 = arith.cmpi eq, %get3A_381, %eq3A_387 : vector<16xi32>
          tpu.vector_store_idx %arg13[%get3A_376, %get3A_386], %broadcast_in_dim3A_1 masked %eq3A_388 : memref<8x4992xf32, #tpu.memory_space<vmem>>[vector<16xi32>, vector<16xi32>], vector<16xf32>, vector<16xi1>
        }
        %scan3A_371 = arith.constant 100 : i32
      } else {
      }
      %jit3A_174 = arith.constant 20 : i32
      %div3A_175 = arith.divsi %add3A_168, %jit3A_174 : i32
      %sign3A_176 = arith.constant 0 : i32
      %sign3A_177 = arith.cmpi sgt, %add3A_168, %sign3A_176 : i32
      %sign3A_178 = arith.extui %sign3A_177 : i1 to i32
      %sign3A_179 = arith.constant 0 : i32
      %sign3A_180 = arith.cmpi slt, %add3A_168, %sign3A_179 : i32
      %sign3A_181 = arith.extui %sign3A_180 : i1 to i32
      %sign3A_182 = arith.subi %sign3A_178, %sign3A_181 : i32
      %sign3A_183 = arith.constant 0 : i32
      %sign3A_184 = arith.cmpi sgt, %jit3A_174, %sign3A_183 : i32
      %sign3A_185 = arith.extui %sign3A_184 : i1 to i32
      %sign3A_186 = arith.constant 0 : i32
      %sign3A_187 = arith.cmpi slt, %jit3A_174, %sign3A_186 : i32
      %sign3A_188 = arith.extui %sign3A_187 : i1 to i32
      %sign3A_189 = arith.subi %sign3A_185, %sign3A_188 : i32
      %ne3A_190 = arith.cmpi ne, %sign3A_182, %sign3A_189 : i32
      %rem3A_191 = arith.remsi %add3A_168, %jit3A_174 : i32
      %ne3A_192 = arith.constant 0 : i32
      %ne3A_193 = arith.cmpi ne, %rem3A_191, %ne3A_192 : i32
      %and3A_194 = arith.andi %ne3A_190, %ne3A_193 : i1
      %sub3A_195 = arith.constant 1 : i32
      %sub3A_196 = arith.subi %div3A_175, %sub3A_195 : i32
      %select_n3A_197 = arith.select %and3A_194, %sub3A_196, %div3A_175 : i32
      %jit3A_198 = arith.constant 20 : i32
      %eq3A_199 = arith.constant 0 : i32
      %eq3A_200 = arith.cmpi eq, %jit3A_198, %eq3A_199 : i32
      %jit3A_201 = arith.constant 1 : i32
      %select_n3A_202 = arith.select %eq3A_200, %jit3A_201, %jit3A_198 : i32
      %rem3A_203 = arith.remsi %add3A_168, %select_n3A_202 : i32
      %ne3A_204 = arith.constant 0 : i32
      %ne3A_205 = arith.cmpi ne, %rem3A_203, %ne3A_204 : i32
      %lt3A_206 = arith.constant 0 : i32
      %lt3A_207 = arith.cmpi slt, %rem3A_203, %lt3A_206 : i32
      %lt3A_208 = arith.constant 0 : i32
      %lt3A_209 = arith.cmpi slt, %select_n3A_202, %lt3A_208 : i32
      %ne3A_210 = arith.xori %lt3A_207, %lt3A_209 : i1
      %and3A_211 = arith.andi %ne3A_210, %ne3A_205 : i1
      %add3A_212 = arith.addi %rem3A_203, %select_n3A_202 : i32
      %select_n3A_213 = arith.select %and3A_211, %add3A_212, %rem3A_203 : i32
      %scan3A_214 = arith.constant 0 : i32
      %scan3A_215 = arith.constant 0 : i32
      %scan3A_216 = arith.constant 100 : i32
      %scan3A_217 = arith.addi %scan3A_215, %scan3A_216 : i32
      %scan3A_218 = arith.constant 1 : i32
      scf.for %scan3A_272 = %scan3A_215 to %scan3A_217 step %scan3A_218  : i32 {
        %mul3A_273 = arith.constant 16 : i32
        %mul3A_274 = arith.muli %scan3A_272, %mul3A_273 : i32
        %get3A = arith.index_cast %select_n3A_197 : i32 to index
        %get3A_275 = arith.index_cast %mul3A_274 : i32 to index
        %get3A_276 = tpu.vector_load %arg8[%get3A, %get3A_275] {strides = array<i32>} : memref<1x1600xi32, #tpu.memory_space<vmem>>, vector<16xi32>,
        %mul3A_277 = arith.constant 16 : i32
        %mul3A_278 = arith.muli %scan3A_272, %mul3A_277 : i32
        %get3A_279 = arith.index_cast %select_n3A_197 : i32 to index
        %get3A_280 = arith.index_cast %mul3A_278 : i32 to index
        %get3A_281 = tpu.vector_load %arg9[%get3A_279, %get3A_280] {strides = array<i32>} : memref<1x1600xi32, #tpu.memory_space<vmem>>, vector<16xi32>,
        %mul3A_282 = arith.constant 16 : i32
        %mul3A_283 = arith.muli %scan3A_272, %mul3A_282 : i32
        %get3A_284 = arith.index_cast %select_n3A_197 : i32 to index
        %get3A_285 = arith.index_cast %mul3A_283 : i32 to index
        %get3A_286 = tpu.vector_load %arg10[%get3A_284, %get3A_285] {strides = array<i32>} : memref<1x1600xi32, #tpu.memory_space<vmem>>, vector<16xi32>,
        %mul3A_287 = arith.constant 16 : i32
        %mul3A_288 = arith.muli %scan3A_272, %mul3A_287 : i32
        %get3A_289 = arith.index_cast %select_n3A_197 : i32 to index
        %get3A_290 = arith.index_cast %mul3A_288 : i32 to index
        %get3A_291 = tpu.vector_load %arg11[%get3A_289, %get3A_290] {strides = array<i32>} : memref<1x1600xf32, #tpu.memory_space<vmem>>, vector<16xf32>,
        %eq3A_292 = vector.broadcast %select_n3A_213 : i32 to vector<16xi32>
        %eq3A_293 = arith.cmpi eq, %get3A_281, %eq3A_292 : vector<16xi32>
        tpu.vector_store_idx %arg13[%get3A_276, %get3A_286], %get3A_291 masked %eq3A_293 : memref<8x4992xf32, #tpu.memory_space<vmem>>[vector<16xi32>, vector<16xi32>], vector<16xf32>, vector<16xi1>
      }
      %scan3A_219 = arith.constant 100 : i32
      %jit3A_220 = arith.constant 20 : i32
      %div3A_221 = arith.divsi %add3A_168, %jit3A_220 : i32
      %sign3A_222 = arith.constant 0 : i32
      %sign3A_223 = arith.cmpi sgt, %add3A_168, %sign3A_222 : i32
      %sign3A_224 = arith.extui %sign3A_223 : i1 to i32
      %sign3A_225 = arith.constant 0 : i32
      %sign3A_226 = arith.cmpi slt, %add3A_168, %sign3A_225 : i32
      %sign3A_227 = arith.extui %sign3A_226 : i1 to i32
      %sign3A_228 = arith.subi %sign3A_224, %sign3A_227 : i32
      %sign3A_229 = arith.constant 0 : i32
      %sign3A_230 = arith.cmpi sgt, %jit3A_220, %sign3A_229 : i32
      %sign3A_231 = arith.extui %sign3A_230 : i1 to i32
      %sign3A_232 = arith.constant 0 : i32
      %sign3A_233 = arith.cmpi slt, %jit3A_220, %sign3A_232 : i32
      %sign3A_234 = arith.extui %sign3A_233 : i1 to i32
      %sign3A_235 = arith.subi %sign3A_231, %sign3A_234 : i32
      %ne3A_236 = arith.cmpi ne, %sign3A_228, %sign3A_235 : i32
      %rem3A_237 = arith.remsi %add3A_168, %jit3A_220 : i32
      %ne3A_238 = arith.constant 0 : i32
      %ne3A_239 = arith.cmpi ne, %rem3A_237, %ne3A_238 : i32
      %and3A_240 = arith.andi %ne3A_236, %ne3A_239 : i1
      %sub3A_241 = arith.constant 1 : i32
      %sub3A_242 = arith.subi %div3A_221, %sub3A_241 : i32
      %select_n3A_243 = arith.select %and3A_240, %sub3A_242, %div3A_221 : i32
      %jit3A_244 = arith.constant 20 : i32
      %eq3A_245 = arith.constant 0 : i32
      %eq3A_246 = arith.cmpi eq, %jit3A_244, %eq3A_245 : i32
      %jit3A_247 = arith.constant 1 : i32
      %select_n3A_248 = arith.select %eq3A_246, %jit3A_247, %jit3A_244 : i32
      %rem3A_249 = arith.remsi %add3A_168, %select_n3A_248 : i32
      %ne3A_250 = arith.constant 0 : i32
      %ne3A_251 = arith.cmpi ne, %rem3A_249, %ne3A_250 : i32
      %lt3A_252 = arith.constant 0 : i32
      %lt3A_253 = arith.cmpi slt, %rem3A_249, %lt3A_252 : i32
      %lt3A_254 = arith.constant 0 : i32
      %lt3A_255 = arith.cmpi slt, %select_n3A_248, %lt3A_254 : i32
      %ne3A_256 = arith.xori %lt3A_253, %lt3A_255 : i1
      %and3A_257 = arith.andi %ne3A_256, %ne3A_251 : i1
      %add3A_258 = arith.addi %rem3A_249, %select_n3A_248 : i32
      %select_n3A_259 = arith.select %and3A_257, %add3A_258, %rem3A_249 : i32
      %mul3A_260 = arith.constant 1 : i32
      %mul3A_261 = arith.muli %add3A, %mul3A_260 : i32
      %add3A_262 = arith.constant 32 : i32
      %add3A_263 = arith.addi %add3A_262, %mul3A_261 : i32
      %add3A_264 = arith.addi %add3A_263, %select_n3A_243 : i32
      %mul3A_265 = arith.constant 8 : i32
      %mul3A_266 = arith.muli %add3A_264, %mul3A_265 : i32
      %mul3A_267 = arith.constant 4992 : i32
      %mul3A_268 = arith.muli %select_n3A_259, %mul3A_267 : i32
      %multiple_of3A_269 = tpu.assume_multiple %mul3A_268, 128 : i32
      %dma_start3A_270 = tpu.memref_slice %arg2[%mul3A_266, %multiple_of3A_269] : memref<1024x100000xf32, #tpu.memory_space<hbm>> -> memref<8x4992xf32, #tpu.memory_space<hbm>>
      %dma_start3A_271 = tpu.memref_slice %arg2[%mul3A_266, %multiple_of3A_269] : memref<1024x100000xf32, #tpu.memory_space<hbm>> -> memref<8x4992xf32, #tpu.memory_space<hbm>>
      tpu.enqueue_dma source(%arg13 : memref<8x4992xf32, #tpu.memory_space<vmem>>) target(%dma_start3A_271 : memref<8x4992xf32, #tpu.memory_space<hbm>>) target_semaphore(%arg16 : memref<!tpu.dma_semaphore, #tpu.memory_space<semaphore_mem>>)
    }
    %scan3A_18 = arith.constant 10 : i32
    %mul3A_19 = arith.constant 1 : i32
    %mul3A_20 = arith.muli %add3A, %mul3A_19 : i32
    %add3A_21 = arith.constant 32 : i32
    %add3A_22 = arith.addi %add3A_21, %mul3A_20 : i32
    %add3A_23 = arith.constant 0 : i32
    %add3A_24 = arith.addi %add3A_22, %add3A_23 : i32
    %mul3A_25 = arith.constant 8 : i32
    %mul3A_26 = arith.muli %add3A_24, %mul3A_25 : i32
    %multiple_of3A = arith.constant 89856 : i32
    %multiple_of3A_27 = tpu.assume_multiple %multiple_of3A, 128 : i32
    %dma_wait3A = tpu.memref_slice %arg2[%mul3A_26, %multiple_of3A_27] : memref<1024x100000xf32, #tpu.memory_space<hbm>> -> memref<8x4992xf32, #tpu.memory_space<hbm>>
    %dma_wait3A_28 = tpu.memref_slice %arg2[%mul3A_26, %multiple_of3A_27] : memref<1024x100000xf32, #tpu.memory_space<hbm>> -> memref<8x4992xf32, #tpu.memory_space<hbm>>
    tpu.wait_dma2 semaphore(%arg15 : memref<!tpu.dma_semaphore, #tpu.memory_space<semaphore_mem>>) src(%arg12 : memref<8x4992xf32, #tpu.memory_space<vmem>>) dst(%dma_wait3A_28 : memref<8x4992xf32, #tpu.memory_space<hbm>>)
    %mul3A_29 = arith.constant 1 : i32
    %mul3A_30 = arith.muli %add3A, %mul3A_29 : i32
    %add3A_31 = arith.constant 32 : i32
    %add3A_32 = arith.addi %add3A_31, %mul3A_30 : i32
    %add3A_33 = arith.constant 0 : i32
    %add3A_34 = arith.addi %add3A_32, %add3A_33 : i32
    %mul3A_35 = arith.constant 8 : i32
    %mul3A_36 = arith.muli %add3A_34, %mul3A_35 : i32
    %multiple_of3A_37 = arith.constant 94848 : i32
    %multiple_of3A_38 = tpu.assume_multiple %multiple_of3A_37, 128 : i32
    %dma_wait3A_39 = tpu.memref_slice %arg2[%mul3A_36, %multiple_of3A_38] : memref<1024x100000xf32, #tpu.memory_space<hbm>> -> memref<8x4992xf32, #tpu.memory_space<hbm>>
    %dma_wait3A_40 = tpu.memref_slice %arg2[%mul3A_36, %multiple_of3A_38] : memref<1024x100000xf32, #tpu.memory_space<hbm>> -> memref<8x4992xf32, #tpu.memory_space<hbm>>
    tpu.wait_dma2 semaphore(%arg16 : memref<!tpu.dma_semaphore, #tpu.memory_space<semaphore_mem>>) src(%arg13 : memref<8x4992xf32, #tpu.memory_space<vmem>>) dst(%dma_wait3A_40 : memref<8x4992xf32, #tpu.memory_space<hbm>>)
    %scan3A_41 = arith.constant 0 : i32
    %scan3A_42 = arith.constant 0 : i32
    %mul3A_43 = arith.constant 1 : i32
    %mul3A_44 = arith.muli %add3A, %mul3A_43 : i32
    %add3A_45 = arith.constant 32 : i32
    %add3A_46 = arith.addi %add3A_45, %mul3A_44 : i32
    %add3A_47 = arith.addi %add3A_46, %scan3A_42 : i32
    %mul3A_48 = arith.constant 8 : i32
    %mul3A_49 = arith.muli %add3A_47, %mul3A_48 : i32
    %scan3A_50 = arith.constant 0 : i32
    %scan3A_51 = arith.constant 0 : i32
    %scan3A_52 = arith.constant 100 : i32
    %scan3A_53 = arith.addi %scan3A_51, %scan3A_52 : i32
    %scan3A_54 = arith.constant 1 : i32
    scf.for %scan3A_70 = %scan3A_51 to %scan3A_53 step %scan3A_54  : i32 {
      %mul3A_71 = arith.constant 16 : i32
      %mul3A_72 = arith.muli %scan3A_70, %mul3A_71 : i32
      %get3A = arith.index_cast %scan3A_42 : i32 to index
      %get3A_73 = arith.index_cast %mul3A_72 : i32 to index
      %get3A_74 = tpu.vector_load %arg8[%get3A, %get3A_73] {strides = array<i32>} : memref<1x1600xi32, #tpu.memory_space<vmem>>, vector<16xi32>,
      %mul3A_75 = arith.constant 16 : i32
      %mul3A_76 = arith.muli %scan3A_70, %mul3A_75 : i32
      %get3A_77 = arith.index_cast %scan3A_42 : i32 to index
      %get3A_78 = arith.index_cast %mul3A_76 : i32 to index
      %get3A_79 = tpu.vector_load %arg9[%get3A_77, %get3A_78] {strides = array<i32>} : memref<1x1600xi32, #tpu.memory_space<vmem>>, vector<16xi32>,
      %mul3A_80 = arith.constant 16 : i32
      %mul3A_81 = arith.muli %scan3A_70, %mul3A_80 : i32
      %get3A_82 = arith.index_cast %scan3A_42 : i32 to index
      %get3A_83 = arith.index_cast %mul3A_81 : i32 to index
      %get3A_84 = tpu.vector_load %arg10[%get3A_82, %get3A_83] {strides = array<i32>} : memref<1x1600xi32, #tpu.memory_space<vmem>>, vector<16xi32>,
      %mul3A_85 = arith.constant 16 : i32
      %mul3A_86 = arith.muli %scan3A_70, %mul3A_85 : i32
      %get3A_87 = arith.index_cast %scan3A_42 : i32 to index
      %get3A_88 = arith.index_cast %mul3A_86 : i32 to index
      %get3A_89 = tpu.vector_load %arg11[%get3A_87, %get3A_88] {strides = array<i32>} : memref<1x1600xf32, #tpu.memory_space<vmem>>, vector<16xf32>,
      %eq3A = arith.constant 20 : i32
      %eq3A_90 = vector.broadcast %eq3A : i32 to vector<16xi32>
      %eq3A_91 = arith.cmpi eq, %get3A_79, %eq3A_90 : vector<16xi32>
      tpu.vector_store_idx %arg14[%get3A_74, %get3A_84], %get3A_89 masked %eq3A_91 : memref<8x160xf32, #tpu.memory_space<vmem>>[vector<16xi32>, vector<16xi32>], vector<16xf32>, vector<16xi1>
    }
    %scan3A_55 = arith.constant 100 : i32
    %dma_start3A = arith.constant 99840 : i32
    %dma_start3A_56 = tpu.memref_slice %arg2[%mul3A_49, %dma_start3A] : memref<1024x100000xf32, #tpu.memory_space<hbm>> -> memref<8x160xf32, #tpu.memory_space<hbm>>
    %dma_start3A_57 = arith.constant 99840 : i32
    %dma_start3A_58 = tpu.memref_slice %arg2[%mul3A_49, %dma_start3A_57] : memref<1024x100000xf32, #tpu.memory_space<hbm>> -> memref<8x160xf32, #tpu.memory_space<hbm>>
    tpu.enqueue_dma source(%arg14 : memref<8x160xf32, #tpu.memory_space<vmem>>) target(%dma_start3A_58 : memref<8x160xf32, #tpu.memory_space<hbm>>) target_semaphore(%arg15 : memref<!tpu.dma_semaphore, #tpu.memory_space<semaphore_mem>>)
    %dma_wait3A_59 = arith.constant 99840 : i32
    %dma_wait3A_60 = tpu.memref_slice %arg2[%mul3A_49, %dma_wait3A_59] : memref<1024x100000xf32, #tpu.memory_space<hbm>> -> memref<8x160xf32, #tpu.memory_space<hbm>>
    %dma_wait3A_61 = arith.constant 99840 : i32
    %dma_wait3A_62 = tpu.memref_slice %arg2[%mul3A_49, %dma_wait3A_61] : memref<1024x100000xf32, #tpu.memory_space<hbm>> -> memref<8x160xf32, #tpu.memory_space<hbm>>
    tpu.wait_dma2 semaphore(%arg15 : memref<!tpu.dma_semaphore, #tpu.memory_space<semaphore_mem>>) src(%arg14 : memref<8x160xf32, #tpu.memory_space<vmem>>) dst(%dma_wait3A_62 : memref<8x160xf32, #tpu.memory_space<hbm>>)
    %scan3A_63 = arith.constant 0 : i32
    %scan3A_64 = arith.constant 0 : i32
    %scan3A_65 = arith.constant 100 : i32
    %scan3A_66 = arith.addi %scan3A_64, %scan3A_65 : i32
    %scan3A_67 = arith.constant 1 : i32
    scf.for %scan3A_70 = %scan3A_64 to %scan3A_66 step %scan3A_67  : i32 {
      %mul3A_71 = arith.constant 16 : i32
      %mul3A_72 = arith.muli %scan3A_70, %mul3A_71 : i32
      %get3A = arith.index_cast %scan3A_42 : i32 to index
      %get3A_73 = arith.index_cast %mul3A_72 : i32 to index
      %get3A_74 = tpu.vector_load %arg8[%get3A, %get3A_73] {strides = array<i32>} : memref<1x1600xi32, #tpu.memory_space<vmem>>, vector<16xi32>,
      %mul3A_75 = arith.constant 16 : i32
      %mul3A_76 = arith.muli %scan3A_70, %mul3A_75 : i32
      %get3A_77 = arith.index_cast %scan3A_42 : i32 to index
      %get3A_78 = arith.index_cast %mul3A_76 : i32 to index
      %get3A_79 = tpu.vector_load %arg9[%get3A_77, %get3A_78] {strides = array<i32>} : memref<1x1600xi32, #tpu.memory_space<vmem>>, vector<16xi32>,
      %mul3A_80 = arith.constant 16 : i32
      %mul3A_81 = arith.muli %scan3A_70, %mul3A_80 : i32
      %get3A_82 = arith.index_cast %scan3A_42 : i32 to index
      %get3A_83 = arith.index_cast %mul3A_81 : i32 to index
      %get3A_84 = tpu.vector_load %arg10[%get3A_82, %get3A_83] {strides = array<i32>} : memref<1x1600xi32, #tpu.memory_space<vmem>>, vector<16xi32>,
      %eq3A = arith.constant 20 : i32
      %eq3A_85 = vector.broadcast %eq3A : i32 to vector<16xi32>
      %eq3A_86 = arith.cmpi eq, %get3A_79, %eq3A_85 : vector<16xi32>
      tpu.vector_store_idx %arg14[%get3A_74, %get3A_84], %broadcast_in_dim3A_1 masked %eq3A_86 : memref<8x160xf32, #tpu.memory_space<vmem>>[vector<16xi32>, vector<16xi32>], vector<16xf32>, vector<16xi1>
    }
    %scan3A_68 = arith.constant 100 : i32
    %scan3A_69 = arith.constant 1 : i32
    return
  }
}

#map = affine_map<(d0, d1) -> (0, 0)>
#map1 = affine_map<(d0, d1) -> (0, 0, 0)>
module attributes {stable_mosaic.version = 14 : i64} {
  func.func @new_body(%arg0: i32, %arg1: i32, %arg2: memref<1024x100000xf32, #tpu.memory_space<hbm>>, %arg3: memref<32x1x1600xi32, #tpu.memory_space<hbm>>, %arg4: memref<32x1x1600xi32, #tpu.memory_space<hbm>>, %arg5: memref<32x1x1600xi32, #tpu.memory_space<hbm>>, %arg6: memref<32x1x1600xf32, #tpu.memory_space<hbm>>, %arg7: memref<1024x100000xf32, #tpu.memory_space<hbm>>, %arg8: memref<1x1600xi32, #tpu.memory_space<vmem>>, %arg9: memref<1x1600xi32, #tpu.memory_space<vmem>>, %arg10: memref<1x1600xi32, #tpu.memory_space<vmem>>, %arg11: memref<1x1600xf32, #tpu.memory_space<vmem>>, %arg12: memref<8x4992xf32, #tpu.memory_space<vmem>>, %arg13: memref<8x4992xf32, #tpu.memory_space<vmem>>, %arg14: memref<8x160xf32, #tpu.memory_space<vmem>>, %arg15: memref<!tpu.dma_semaphore, #tpu.memory_space<semaphore_mem>>, %arg16: memref<!tpu.dma_semaphore, #tpu.memory_space<semaphore_mem>>) attributes {dimension_semantics = [#tpu.dimension_semantics<core_parallel>, #tpu.dimension_semantics<subcore_parallel>], iteration_bounds = array<i64: 2, 16>, scalar_prefetch = 0 : i64, scratch_operands = 9 : i64, tpu.core_type = #tpu.core_type<sc_vector_subcore>, window_params = [{transform_indices = #map}, {transform_indices = #map1}, {transform_indices = #map1}, {transform_indices = #map1}, {transform_indices = #map1}, {transform_indices = #map}]} {
    %mul3A = arith.constant 16 : i32
    %mul3A_0 = arith.muli %arg0, %mul3A : i32
    %add3A = arith.addi %mul3A_0, %arg1 : i32
    %broadcast_in_dim3A = arith.constant 0.000000e+00 : f32
    %broadcast_in_dim3A_1 = vector.broadcast %broadcast_in_dim3A : f32 to vector<16xf32>
    %scan3A = arith.constant 0 : i32
    %scan3A_2 = arith.constant 0 : i32
    %scan3A_3 = arith.constant 2496 : i32
    %scan3A_4 = arith.addi %scan3A_2, %scan3A_3 : i32
    %scan3A_5 = arith.constant 1 : i32
    scf.for %scan3A_70 = %scan3A_2 to %scan3A_4 step %scan3A_5  : i32 {
      %jit3A = arith.constant 312 : i32
      %div3A = arith.divsi %scan3A_70, %jit3A : i32
      %sign3A = arith.constant 0 : i32
      %sign3A_71 = arith.cmpi sgt, %scan3A_70, %sign3A : i32
      %sign3A_72 = arith.extui %sign3A_71 : i1 to i32
      %sign3A_73 = arith.constant 0 : i32
      %sign3A_74 = arith.cmpi slt, %scan3A_70, %sign3A_73 : i32
      %sign3A_75 = arith.extui %sign3A_74 : i1 to i32
      %sign3A_76 = arith.subi %sign3A_72, %sign3A_75 : i32
      %sign3A_77 = arith.constant 0 : i32
      %sign3A_78 = arith.cmpi sgt, %jit3A, %sign3A_77 : i32
      %sign3A_79 = arith.extui %sign3A_78 : i1 to i32
      %sign3A_80 = arith.constant 0 : i32
      %sign3A_81 = arith.cmpi slt, %jit3A, %sign3A_80 : i32
      %sign3A_82 = arith.extui %sign3A_81 : i1 to i32
      %sign3A_83 = arith.subi %sign3A_79, %sign3A_82 : i32
      %ne3A = arith.cmpi ne, %sign3A_76, %sign3A_83 : i32
      %rem3A = arith.remsi %scan3A_70, %jit3A : i32
      %ne3A_84 = arith.constant 0 : i32
      %ne3A_85 = arith.cmpi ne, %rem3A, %ne3A_84 : i32
      %and3A = arith.andi %ne3A, %ne3A_85 : i1
      %sub3A = arith.constant 1 : i32
      %sub3A_86 = arith.subi %div3A, %sub3A : i32
      %select_n3A = arith.select %and3A, %sub3A_86, %div3A : i32
      %jit3A_87 = arith.constant 312 : i32
      %eq3A = arith.constant 0 : i32
      %eq3A_88 = arith.cmpi eq, %jit3A_87, %eq3A : i32
      %jit3A_89 = arith.constant 1 : i32
      %select_n3A_90 = arith.select %eq3A_88, %jit3A_89, %jit3A_87 : i32
      %rem3A_91 = arith.remsi %scan3A_70, %select_n3A_90 : i32
      %ne3A_92 = arith.constant 0 : i32
      %ne3A_93 = arith.cmpi ne, %rem3A_91, %ne3A_92 : i32
      %lt3A = arith.constant 0 : i32
      %lt3A_94 = arith.cmpi slt, %rem3A_91, %lt3A : i32
      %lt3A_95 = arith.constant 0 : i32
      %lt3A_96 = arith.cmpi slt, %select_n3A_90, %lt3A_95 : i32
      %ne3A_97 = arith.xori %lt3A_94, %lt3A_96 : i1
      %and3A_98 = arith.andi %ne3A_97, %ne3A_93 : i1
      %add3A_99 = arith.addi %rem3A_91, %select_n3A_90 : i32
      %select_n3A_100 = arith.select %and3A_98, %add3A_99, %rem3A_91 : i32
      %mul3A_101 = arith.constant 16 : i32
      %mul3A_102 = arith.muli %select_n3A_100, %mul3A_101 : i32
      %swap3A = arith.index_cast %select_n3A : i32 to index
      %swap3A_103 = arith.index_cast %mul3A_102 : i32 to index
      %swap3A_104 = tpu.vector_load %arg12[%swap3A, %swap3A_103] {strides = array<i32>} : memref<8x4992xf32, #tpu.memory_space<vmem>>, vector<16xf32>,
      tpu.vector_store %arg12[%swap3A, %swap3A_103], %broadcast_in_dim3A_1 {strides = array<i32>} : memref<8x4992xf32, #tpu.memory_space<vmem>>, vector<16xf32>,
      %swap3A_105 = arith.index_cast %select_n3A : i32 to index
      %swap3A_106 = arith.index_cast %mul3A_102 : i32 to index
      %swap3A_107 = tpu.vector_load %arg13[%swap3A_105, %swap3A_106] {strides = array<i32>} : memref<8x4992xf32, #tpu.memory_space<vmem>>, vector<16xf32>,
      tpu.vector_store %arg13[%swap3A_105, %swap3A_106], %broadcast_in_dim3A_1 {strides = array<i32>} : memref<8x4992xf32, #tpu.memory_space<vmem>>, vector<16xf32>,
    }
    %scan3A_6 = arith.constant 2496 : i32
    %scan3A_7 = arith.constant 0 : i32
    %scan3A_8 = arith.constant 0 : i32
    %scan3A_9 = arith.constant 80 : i32
    %scan3A_10 = arith.addi %scan3A_8, %scan3A_9 : i32
    %scan3A_11 = arith.constant 1 : i32
    scf.for %scan3A_70 = %scan3A_8 to %scan3A_10 step %scan3A_11  : i32 {
      %jit3A = arith.constant 10 : i32
      %div3A = arith.divsi %scan3A_70, %jit3A : i32
      %sign3A = arith.constant 0 : i32
      %sign3A_71 = arith.cmpi sgt, %scan3A_70, %sign3A : i32
      %sign3A_72 = arith.extui %sign3A_71 : i1 to i32
      %sign3A_73 = arith.constant 0 : i32
      %sign3A_74 = arith.cmpi slt, %scan3A_70, %sign3A_73 : i32
      %sign3A_75 = arith.extui %sign3A_74 : i1 to i32
      %sign3A_76 = arith.subi %sign3A_72, %sign3A_75 : i32
      %sign3A_77 = arith.constant 0 : i32
      %sign3A_78 = arith.cmpi sgt, %jit3A, %sign3A_77 : i32
      %sign3A_79 = arith.extui %sign3A_78 : i1 to i32
      %sign3A_80 = arith.constant 0 : i32
      %sign3A_81 = arith.cmpi slt, %jit3A, %sign3A_80 : i32
      %sign3A_82 = arith.extui %sign3A_81 : i1 to i32
      %sign3A_83 = arith.subi %sign3A_79, %sign3A_82 : i32
      %ne3A = arith.cmpi ne, %sign3A_76, %sign3A_83 : i32
      %rem3A = arith.remsi %scan3A_70, %jit3A : i32
      %ne3A_84 = arith.constant 0 : i32
      %ne3A_85 = arith.cmpi ne, %rem3A, %ne3A_84 : i32
      %and3A = arith.andi %ne3A, %ne3A_85 : i1
      %sub3A = arith.constant 1 : i32
      %sub3A_86 = arith.subi %div3A, %sub3A : i32
      %select_n3A = arith.select %and3A, %sub3A_86, %div3A : i32
      %jit3A_87 = arith.constant 10 : i32
      %eq3A = arith.constant 0 : i32
      %eq3A_88 = arith.cmpi eq, %jit3A_87, %eq3A : i32
      %jit3A_89 = arith.constant 1 : i32
      %select_n3A_90 = arith.select %eq3A_88, %jit3A_89, %jit3A_87 : i32
      %rem3A_91 = arith.remsi %scan3A_70, %select_n3A_90 : i32
      %ne3A_92 = arith.constant 0 : i32
      %ne3A_93 = arith.cmpi ne, %rem3A_91, %ne3A_92 : i32
      %lt3A = arith.constant 0 : i32
      %lt3A_94 = arith.cmpi slt, %rem3A_91, %lt3A : i32
      %lt3A_95 = arith.constant 0 : i32
      %lt3A_96 = arith.cmpi slt, %select_n3A_90, %lt3A_95 : i32
      %ne3A_97 = arith.xori %lt3A_94, %lt3A_96 : i1
      %and3A_98 = arith.andi %ne3A_97, %ne3A_93 : i1
      %add3A_99 = arith.addi %rem3A_91, %select_n3A_90 : i32
      %select_n3A_100 = arith.select %and3A_98, %add3A_99, %rem3A_91 : i32
      %mul3A_101 = arith.constant 16 : i32
      %mul3A_102 = arith.muli %select_n3A_100, %mul3A_101 : i32
      %swap3A = arith.index_cast %select_n3A : i32 to index
      %swap3A_103 = arith.index_cast %mul3A_102 : i32 to index
      %swap3A_104 = tpu.vector_load %arg14[%swap3A, %swap3A_103] {strides = array<i32>} : memref<8x160xf32, #tpu.memory_space<vmem>>, vector<16xf32>,
      tpu.vector_store %arg14[%swap3A, %swap3A_103], %broadcast_in_dim3A_1 {strides = array<i32>} : memref<8x160xf32, #tpu.memory_space<vmem>>, vector<16xf32>,
    }
    %scan3A_12 = arith.constant 80 : i32
    "tpu.region"() ({
      %run_scoped3A = tpu.sem_alloc : memref<!tpu.dma_semaphore, #tpu.memory_space<semaphore_mem>>
      %dma_start3A_70 = arith.constant 0 : i32
      %dma_start3A_71 = arith.constant 0 : i32
      %dma_start3A_72 = tpu.memref_slice %arg3[%add3A, %dma_start3A_70, %dma_start3A_71] : memref<32x1x1600xi32, #tpu.memory_space<hbm>> -> memref<1x1x1600xi32, #tpu.memory_space<hbm>>
      %dma_start3A_73 = tpu.memref_squeeze %dma_start3A_72 : memref<1x1x1600xi32, #tpu.memory_space<hbm>> -> memref<1x1600xi32, #tpu.memory_space<hbm>>
      %dma_start3A_74 = arith.constant 0 : i32
      %dma_start3A_75 = arith.constant 0 : i32
      %dma_start3A_76 = tpu.memref_slice %arg3[%add3A, %dma_start3A_74, %dma_start3A_75] : memref<32x1x1600xi32, #tpu.memory_space<hbm>> -> memref<1x1x1600xi32, #tpu.memory_space<hbm>>
      %dma_start3A_77 = tpu.memref_squeeze %dma_start3A_76 : memref<1x1x1600xi32, #tpu.memory_space<hbm>> -> memref<1x1600xi32, #tpu.memory_space<hbm>>
      tpu.enqueue_dma source(%dma_start3A_77 : memref<1x1600xi32, #tpu.memory_space<hbm>>) target(%arg8 : memref<1x1600xi32, #tpu.memory_space<vmem>>) target_semaphore(%run_scoped3A : memref<!tpu.dma_semaphore, #tpu.memory_space<semaphore_mem>>)
      %dma_wait3A_78 = arith.constant 0 : i32
      %dma_wait3A_79 = arith.constant 0 : i32
      %dma_wait3A_80 = tpu.memref_slice %arg3[%add3A, %dma_wait3A_78, %dma_wait3A_79] : memref<32x1x1600xi32, #tpu.memory_space<hbm>> -> memref<1x1x1600xi32, #tpu.memory_space<hbm>>
      %dma_wait3A_81 = tpu.memref_squeeze %dma_wait3A_80 : memref<1x1x1600xi32, #tpu.memory_space<hbm>> -> memref<1x1600xi32, #tpu.memory_space<hbm>>
      %dma_wait3A_82 = arith.constant 0 : i32
      %dma_wait3A_83 = arith.constant 0 : i32
      %dma_wait3A_84 = tpu.memref_slice %arg3[%add3A, %dma_wait3A_82, %dma_wait3A_83] : memref<32x1x1600xi32, #tpu.memory_space<hbm>> -> memref<1x1x1600xi32, #tpu.memory_space<hbm>>
      %dma_wait3A_85 = tpu.memref_squeeze %dma_wait3A_84 : memref<1x1x1600xi32, #tpu.memory_space<hbm>> -> memref<1x1600xi32, #tpu.memory_space<hbm>>
      tpu.wait_dma2 semaphore(%run_scoped3A : memref<!tpu.dma_semaphore, #tpu.memory_space<semaphore_mem>>) src(%dma_wait3A_85 : memref<1x1600xi32, #tpu.memory_space<hbm>>) dst(%arg8 : memref<1x1600xi32, #tpu.memory_space<vmem>>)
      tpu.yield
    }) : () -> ()
    "tpu.region"() ({
      %run_scoped3A = tpu.sem_alloc : memref<!tpu.dma_semaphore, #tpu.memory_space<semaphore_mem>>
      %dma_start3A_70 = arith.constant 0 : i32
      %dma_start3A_71 = arith.constant 0 : i32
      %dma_start3A_72 = tpu.memref_slice %arg4[%add3A, %dma_start3A_70, %dma_start3A_71] : memref<32x1x1600xi32, #tpu.memory_space<hbm>> -> memref<1x1x1600xi32, #tpu.memory_space<hbm>>
      %dma_start3A_73 = tpu.memref_squeeze %dma_start3A_72 : memref<1x1x1600xi32, #tpu.memory_space<hbm>> -> memref<1x1600xi32, #tpu.memory_space<hbm>>
      %dma_start3A_74 = arith.constant 0 : i32
      %dma_start3A_75 = arith.constant 0 : i32
      %dma_start3A_76 = tpu.memref_slice %arg4[%add3A, %dma_start3A_74, %dma_start3A_75] : memref<32x1x1600xi32, #tpu.memory_space<hbm>> -> memref<1x1x1600xi32, #tpu.memory_space<hbm>>
      %dma_start3A_77 = tpu.memref_squeeze %dma_start3A_76 : memref<1x1x1600xi32, #tpu.memory_space<hbm>> -> memref<1x1600xi32, #tpu.memory_space<hbm>>
      tpu.enqueue_dma source(%dma_start3A_77 : memref<1x1600xi32, #tpu.memory_space<hbm>>) target(%arg9 : memref<1x1600xi32, #tpu.memory_space<vmem>>) target_semaphore(%run_scoped3A : memref<!tpu.dma_semaphore, #tpu.memory_space<semaphore_mem>>)
      %dma_wait3A_78 = arith.constant 0 : i32
      %dma_wait3A_79 = arith.constant 0 : i32
      %dma_wait3A_80 = tpu.memref_slice %arg4[%add3A, %dma_wait3A_78, %dma_wait3A_79] : memref<32x1x1600xi32, #tpu.memory_space<hbm>> -> memref<1x1x1600xi32, #tpu.memory_space<hbm>>
      %dma_wait3A_81 = tpu.memref_squeeze %dma_wait3A_80 : memref<1x1x1600xi32, #tpu.memory_space<hbm>> -> memref<1x1600xi32, #tpu.memory_space<hbm>>
      %dma_wait3A_82 = arith.constant 0 : i32
      %dma_wait3A_83 = arith.constant 0 : i32
      %dma_wait3A_84 = tpu.memref_slice %arg4[%add3A, %dma_wait3A_82, %dma_wait3A_83] : memref<32x1x1600xi32, #tpu.memory_space<hbm>> -> memref<1x1x1600xi32, #tpu.memory_space<hbm>>
      %dma_wait3A_85 = tpu.memref_squeeze %dma_wait3A_84 : memref<1x1x1600xi32, #tpu.memory_space<hbm>> -> memref<1x1600xi32, #tpu.memory_space<hbm>>
      tpu.wait_dma2 semaphore(%run_scoped3A : memref<!tpu.dma_semaphore, #tpu.memory_space<semaphore_mem>>) src(%dma_wait3A_85 : memref<1x1600xi32, #tpu.memory_space<hbm>>) dst(%arg9 : memref<1x1600xi32, #tpu.memory_space<vmem>>)
      tpu.yield
    }) : () -> ()
    "tpu.region"() ({
      %run_scoped3A = tpu.sem_alloc : memref<!tpu.dma_semaphore, #tpu.memory_space<semaphore_mem>>
      %dma_start3A_70 = arith.constant 0 : i32
      %dma_start3A_71 = arith.constant 0 : i32
      %dma_start3A_72 = tpu.memref_slice %arg5[%add3A, %dma_start3A_70, %dma_start3A_71] : memref<32x1x1600xi32, #tpu.memory_space<hbm>> -> memref<1x1x1600xi32, #tpu.memory_space<hbm>>
      %dma_start3A_73 = tpu.memref_squeeze %dma_start3A_72 : memref<1x1x1600xi32, #tpu.memory_space<hbm>> -> memref<1x1600xi32, #tpu.memory_space<hbm>>
      %dma_start3A_74 = arith.constant 0 : i32
      %dma_start3A_75 = arith.constant 0 : i32
      %dma_start3A_76 = tpu.memref_slice %arg5[%add3A, %dma_start3A_74, %dma_start3A_75] : memref<32x1x1600xi32, #tpu.memory_space<hbm>> -> memref<1x1x1600xi32, #tpu.memory_space<hbm>>
      %dma_start3A_77 = tpu.memref_squeeze %dma_start3A_76 : memref<1x1x1600xi32, #tpu.memory_space<hbm>> -> memref<1x1600xi32, #tpu.memory_space<hbm>>
      tpu.enqueue_dma source(%dma_start3A_77 : memref<1x1600xi32, #tpu.memory_space<hbm>>) target(%arg10 : memref<1x1600xi32, #tpu.memory_space<vmem>>) target_semaphore(%run_scoped3A : memref<!tpu.dma_semaphore, #tpu.memory_space<semaphore_mem>>)
      %dma_wait3A_78 = arith.constant 0 : i32
      %dma_wait3A_79 = arith.constant 0 : i32
      %dma_wait3A_80 = tpu.memref_slice %arg5[%add3A, %dma_wait3A_78, %dma_wait3A_79] : memref<32x1x1600xi32, #tpu.memory_space<hbm>> -> memref<1x1x1600xi32, #tpu.memory_space<hbm>>
      %dma_wait3A_81 = tpu.memref_squeeze %dma_wait3A_80 : memref<1x1x1600xi32, #tpu.memory_space<hbm>> -> memref<1x1600xi32, #tpu.memory_space<hbm>>
      %dma_wait3A_82 = arith.constant 0 : i32
      %dma_wait3A_83 = arith.constant 0 : i32
      %dma_wait3A_84 = tpu.memref_slice %arg5[%add3A, %dma_wait3A_82, %dma_wait3A_83] : memref<32x1x1600xi32, #tpu.memory_space<hbm>> -> memref<1x1x1600xi32, #tpu.memory_space<hbm>>
      %dma_wait3A_85 = tpu.memref_squeeze %dma_wait3A_84 : memref<1x1x1600xi32, #tpu.memory_space<hbm>> -> memref<1x1600xi32, #tpu.memory_space<hbm>>
      tpu.wait_dma2 semaphore(%run_scoped3A : memref<!tpu.dma_semaphore, #tpu.memory_space<semaphore_mem>>) src(%dma_wait3A_85 : memref<1x1600xi32, #tpu.memory_space<hbm>>) dst(%arg10 : memref<1x1600xi32, #tpu.memory_space<vmem>>)
      tpu.yield
    }) : () -> ()
    "tpu.region"() ({
      %run_scoped3A = tpu.sem_alloc : memref<!tpu.dma_semaphore, #tpu.memory_space<semaphore_mem>>
      %dma_start3A_70 = arith.constant 0 : i32
      %dma_start3A_71 = arith.constant 0 : i32
      %dma_start3A_72 = tpu.memref_slice %arg6[%add3A, %dma_start3A_70, %dma_start3A_71] : memref<32x1x1600xf32, #tpu.memory_space<hbm>> -> memref<1x1x1600xf32, #tpu.memory_space<hbm>>
      %dma_start3A_73 = tpu.memref_squeeze %dma_start3A_72 : memref<1x1x1600xf32, #tpu.memory_space<hbm>> -> memref<1x1600xf32, #tpu.memory_space<hbm>>
      %dma_start3A_74 = arith.constant 0 : i32
      %dma_start3A_75 = arith.constant 0 : i32
      %dma_start3A_76 = tpu.memref_slice %arg6[%add3A, %dma_start3A_74, %dma_start3A_75] : memref<32x1x1600xf32, #tpu.memory_space<hbm>> -> memref<1x1x1600xf32, #tpu.memory_space<hbm>>
      %dma_start3A_77 = tpu.memref_squeeze %dma_start3A_76 : memref<1x1x1600xf32, #tpu.memory_space<hbm>> -> memref<1x1600xf32, #tpu.memory_space<hbm>>
      tpu.enqueue_dma source(%dma_start3A_77 : memref<1x1600xf32, #tpu.memory_space<hbm>>) target(%arg11 : memref<1x1600xf32, #tpu.memory_space<vmem>>) target_semaphore(%run_scoped3A : memref<!tpu.dma_semaphore, #tpu.memory_space<semaphore_mem>>)
      %dma_wait3A_78 = arith.constant 0 : i32
      %dma_wait3A_79 = arith.constant 0 : i32
      %dma_wait3A_80 = tpu.memref_slice %arg6[%add3A, %dma_wait3A_78, %dma_wait3A_79] : memref<32x1x1600xf32, #tpu.memory_space<hbm>> -> memref<1x1x1600xf32, #tpu.memory_space<hbm>>
      %dma_wait3A_81 = tpu.memref_squeeze %dma_wait3A_80 : memref<1x1x1600xf32, #tpu.memory_space<hbm>> -> memref<1x1600xf32, #tpu.memory_space<hbm>>
      %dma_wait3A_82 = arith.constant 0 : i32
      %dma_wait3A_83 = arith.constant 0 : i32
      %dma_wait3A_84 = tpu.memref_slice %arg6[%add3A, %dma_wait3A_82, %dma_wait3A_83] : memref<32x1x1600xf32, #tpu.memory_space<hbm>> -> memref<1x1x1600xf32, #tpu.memory_space<hbm>>
      %dma_wait3A_85 = tpu.memref_squeeze %dma_wait3A_84 : memref<1x1x1600xf32, #tpu.memory_space<hbm>> -> memref<1x1600xf32, #tpu.memory_space<hbm>>
      tpu.wait_dma2 semaphore(%run_scoped3A : memref<!tpu.dma_semaphore, #tpu.memory_space<semaphore_mem>>) src(%dma_wait3A_85 : memref<1x1600xf32, #tpu.memory_space<hbm>>) dst(%arg11 : memref<1x1600xf32, #tpu.memory_space<vmem>>)
      tpu.yield
    }) : () -> ()
    %scan3A_13 = arith.constant 0 : i32
    %scan3A_14 = arith.constant 0 : i32
    %scan3A_15 = arith.constant 10 : i32
    %scan3A_16 = arith.addi %scan3A_14, %scan3A_15 : i32
    %scan3A_17 = arith.constant 1 : i32
    scf.for %scan3A_70 = %scan3A_14 to %scan3A_16 step %scan3A_17  : i32 {
      %mul3A_71 = arith.constant 2 : i32
      %mul3A_72 = arith.muli %mul3A_71, %scan3A_70 : i32
      %add3A_73 = arith.constant 0 : i32
      %add3A_74 = arith.addi %mul3A_72, %add3A_73 : i32
      %gt3A = arith.constant 0 : i32
      %gt3A_75 = arith.cmpi sgt, %scan3A_70, %gt3A : i32
      %convert_element_type3A = arith.extui %gt3A_75 : i1 to i32
      %cond3A = arith.constant 0 : i32
      %cond3A_76 = arith.cmpi ne, %convert_element_type3A, %cond3A : i32
      scf.if %cond3A_76 {
        %sub3A_272 = arith.constant 2 : i32
        %sub3A_273 = arith.subi %add3A_74, %sub3A_272 : i32
        %jit3A_274 = arith.constant 20 : i32
        %div3A_275 = arith.divsi %sub3A_273, %jit3A_274 : i32
        %sign3A_276 = arith.constant 0 : i32
        %sign3A_277 = arith.cmpi sgt, %sub3A_273, %sign3A_276 : i32
        %sign3A_278 = arith.extui %sign3A_277 : i1 to i32
        %sign3A_279 = arith.constant 0 : i32
        %sign3A_280 = arith.cmpi slt, %sub3A_273, %sign3A_279 : i32
        %sign3A_281 = arith.extui %sign3A_280 : i1 to i32
        %sign3A_282 = arith.subi %sign3A_278, %sign3A_281 : i32
        %sign3A_283 = arith.constant 0 : i32
        %sign3A_284 = arith.cmpi sgt, %jit3A_274, %sign3A_283 : i32
        %sign3A_285 = arith.extui %sign3A_284 : i1 to i32
        %sign3A_286 = arith.constant 0 : i32
        %sign3A_287 = arith.cmpi slt, %jit3A_274, %sign3A_286 : i32
        %sign3A_288 = arith.extui %sign3A_287 : i1 to i32
        %sign3A_289 = arith.subi %sign3A_285, %sign3A_288 : i32
        %ne3A_290 = arith.cmpi ne, %sign3A_282, %sign3A_289 : i32
        %rem3A_291 = arith.remsi %sub3A_273, %jit3A_274 : i32
        %ne3A_292 = arith.constant 0 : i32
        %ne3A_293 = arith.cmpi ne, %rem3A_291, %ne3A_292 : i32
        %and3A_294 = arith.andi %ne3A_290, %ne3A_293 : i1
        %sub3A_295 = arith.constant 1 : i32
        %sub3A_296 = arith.subi %div3A_275, %sub3A_295 : i32
        %select_n3A_297 = arith.select %and3A_294, %sub3A_296, %div3A_275 : i32
        %jit3A_298 = arith.constant 20 : i32
        %eq3A_299 = arith.constant 0 : i32
        %eq3A_300 = arith.cmpi eq, %jit3A_298, %eq3A_299 : i32
        %jit3A_301 = arith.constant 1 : i32
        %select_n3A_302 = arith.select %eq3A_300, %jit3A_301, %jit3A_298 : i32
        %rem3A_303 = arith.remsi %sub3A_273, %select_n3A_302 : i32
        %ne3A_304 = arith.constant 0 : i32
        %ne3A_305 = arith.cmpi ne, %rem3A_303, %ne3A_304 : i32
        %lt3A_306 = arith.constant 0 : i32
        %lt3A_307 = arith.cmpi slt, %rem3A_303, %lt3A_306 : i32
        %lt3A_308 = arith.constant 0 : i32
        %lt3A_309 = arith.cmpi slt, %select_n3A_302, %lt3A_308 : i32
        %ne3A_310 = arith.xori %lt3A_307, %lt3A_309 : i1
        %and3A_311 = arith.andi %ne3A_310, %ne3A_305 : i1
        %add3A_312 = arith.addi %rem3A_303, %select_n3A_302 : i32
        %select_n3A_313 = arith.select %and3A_311, %add3A_312, %rem3A_303 : i32
        %mul3A_314 = arith.constant 1 : i32
        %mul3A_315 = arith.muli %add3A, %mul3A_314 : i32
        %add3A_316 = arith.constant 0 : i32
        %add3A_317 = arith.addi %add3A_316, %mul3A_315 : i32
        %add3A_318 = arith.addi %add3A_317, %select_n3A_297 : i32
        %mul3A_319 = arith.constant 8 : i32
        %mul3A_320 = arith.muli %add3A_318, %mul3A_319 : i32
        %mul3A_321 = arith.constant 4992 : i32
        %mul3A_322 = arith.muli %select_n3A_313, %mul3A_321 : i32
        %multiple_of3A_323 = tpu.assume_multiple %mul3A_322, 128 : i32
        %dma_wait3A_324 = tpu.memref_slice %arg2[%mul3A_320, %multiple_of3A_323] : memref<1024x100000xf32, #tpu.memory_space<hbm>> -> memref<8x4992xf32, #tpu.memory_space<hbm>>
        %dma_wait3A_325 = tpu.memref_slice %arg2[%mul3A_320, %multiple_of3A_323] : memref<1024x100000xf32, #tpu.memory_space<hbm>> -> memref<8x4992xf32, #tpu.memory_space<hbm>>
        tpu.wait_dma2 semaphore(%arg15 : memref<!tpu.dma_semaphore, #tpu.memory_space<semaphore_mem>>) src(%arg12 : memref<8x4992xf32, #tpu.memory_space<vmem>>) dst(%dma_wait3A_325 : memref<8x4992xf32, #tpu.memory_space<hbm>>)
        %jit3A_326 = arith.constant 20 : i32
        %div3A_327 = arith.divsi %sub3A_273, %jit3A_326 : i32
        %sign3A_328 = arith.constant 0 : i32
        %sign3A_329 = arith.cmpi sgt, %sub3A_273, %sign3A_328 : i32
        %sign3A_330 = arith.extui %sign3A_329 : i1 to i32
        %sign3A_331 = arith.constant 0 : i32
        %sign3A_332 = arith.cmpi slt, %sub3A_273, %sign3A_331 : i32
        %sign3A_333 = arith.extui %sign3A_332 : i1 to i32
        %sign3A_334 = arith.subi %sign3A_330, %sign3A_333 : i32
        %sign3A_335 = arith.constant 0 : i32
        %sign3A_336 = arith.cmpi sgt, %jit3A_326, %sign3A_335 : i32
        %sign3A_337 = arith.extui %sign3A_336 : i1 to i32
        %sign3A_338 = arith.constant 0 : i32
        %sign3A_339 = arith.cmpi slt, %jit3A_326, %sign3A_338 : i32
        %sign3A_340 = arith.extui %sign3A_339 : i1 to i32
        %sign3A_341 = arith.subi %sign3A_337, %sign3A_340 : i32
        %ne3A_342 = arith.cmpi ne, %sign3A_334, %sign3A_341 : i32
        %rem3A_343 = arith.remsi %sub3A_273, %jit3A_326 : i32
        %ne3A_344 = arith.constant 0 : i32
        %ne3A_345 = arith.cmpi ne, %rem3A_343, %ne3A_344 : i32
        %and3A_346 = arith.andi %ne3A_342, %ne3A_345 : i1
        %sub3A_347 = arith.constant 1 : i32
        %sub3A_348 = arith.subi %div3A_327, %sub3A_347 : i32
        %select_n3A_349 = arith.select %and3A_346, %sub3A_348, %div3A_327 : i32
        %jit3A_350 = arith.constant 20 : i32
        %eq3A_351 = arith.constant 0 : i32
        %eq3A_352 = arith.cmpi eq, %jit3A_350, %eq3A_351 : i32
        %jit3A_353 = arith.constant 1 : i32
        %select_n3A_354 = arith.select %eq3A_352, %jit3A_353, %jit3A_350 : i32
        %rem3A_355 = arith.remsi %sub3A_273, %select_n3A_354 : i32
        %ne3A_356 = arith.constant 0 : i32
        %ne3A_357 = arith.cmpi ne, %rem3A_355, %ne3A_356 : i32
        %lt3A_358 = arith.constant 0 : i32
        %lt3A_359 = arith.cmpi slt, %rem3A_355, %lt3A_358 : i32
        %lt3A_360 = arith.constant 0 : i32
        %lt3A_361 = arith.cmpi slt, %select_n3A_354, %lt3A_360 : i32
        %ne3A_362 = arith.xori %lt3A_359, %lt3A_361 : i1
        %and3A_363 = arith.andi %ne3A_362, %ne3A_357 : i1
        %add3A_364 = arith.addi %rem3A_355, %select_n3A_354 : i32
        %select_n3A_365 = arith.select %and3A_363, %add3A_364, %rem3A_355 : i32
        %scan3A_366 = arith.constant 0 : i32
        %scan3A_367 = arith.constant 0 : i32
        %scan3A_368 = arith.constant 100 : i32
        %scan3A_369 = arith.addi %scan3A_367, %scan3A_368 : i32
        %scan3A_370 = arith.constant 1 : i32
        scf.for %scan3A_372 = %scan3A_367 to %scan3A_369 step %scan3A_370  : i32 {
          %mul3A_373 = arith.constant 16 : i32
          %mul3A_374 = arith.muli %scan3A_372, %mul3A_373 : i32
          %get3A = arith.index_cast %select_n3A_349 : i32 to index
          %get3A_375 = arith.index_cast %mul3A_374 : i32 to index
          %get3A_376 = tpu.vector_load %arg8[%get3A, %get3A_375] {strides = array<i32>} : memref<1x1600xi32, #tpu.memory_space<vmem>>, vector<16xi32>,
          %mul3A_377 = arith.constant 16 : i32
          %mul3A_378 = arith.muli %scan3A_372, %mul3A_377 : i32
          %get3A_379 = arith.index_cast %select_n3A_349 : i32 to index
          %get3A_380 = arith.index_cast %mul3A_378 : i32 to index
          %get3A_381 = tpu.vector_load %arg9[%get3A_379, %get3A_380] {strides = array<i32>} : memref<1x1600xi32, #tpu.memory_space<vmem>>, vector<16xi32>,
          %mul3A_382 = arith.constant 16 : i32
          %mul3A_383 = arith.muli %scan3A_372, %mul3A_382 : i32
          %get3A_384 = arith.index_cast %select_n3A_349 : i32 to index
          %get3A_385 = arith.index_cast %mul3A_383 : i32 to index
          %get3A_386 = tpu.vector_load %arg10[%get3A_384, %get3A_385] {strides = array<i32>} : memref<1x1600xi32, #tpu.memory_space<vmem>>, vector<16xi32>,
          %eq3A_387 = vector.broadcast %select_n3A_365 : i32 to vector<16xi32>
          %eq3A_388 = arith.cmpi eq, %get3A_381, %eq3A_387 : vector<16xi32>
          tpu.vector_store_idx %arg12[%get3A_376, %get3A_386], %broadcast_in_dim3A_1 masked %eq3A_388 : memref<8x4992xf32, #tpu.memory_space<vmem>>[vector<16xi32>, vector<16xi32>], vector<16xf32>, vector<16xi1>
        }
        %scan3A_371 = arith.constant 100 : i32
      } else {
      }
      %jit3A = arith.constant 20 : i32
      %div3A = arith.divsi %add3A_74, %jit3A : i32
      %sign3A = arith.constant 0 : i32
      %sign3A_77 = arith.cmpi sgt, %add3A_74, %sign3A : i32
      %sign3A_78 = arith.extui %sign3A_77 : i1 to i32
      %sign3A_79 = arith.constant 0 : i32
      %sign3A_80 = arith.cmpi slt, %add3A_74, %sign3A_79 : i32
      %sign3A_81 = arith.extui %sign3A_80 : i1 to i32
      %sign3A_82 = arith.subi %sign3A_78, %sign3A_81 : i32
      %sign3A_83 = arith.constant 0 : i32
      %sign3A_84 = arith.cmpi sgt, %jit3A, %sign3A_83 : i32
      %sign3A_85 = arith.extui %sign3A_84 : i1 to i32
      %sign3A_86 = arith.constant 0 : i32
      %sign3A_87 = arith.cmpi slt, %jit3A, %sign3A_86 : i32
      %sign3A_88 = arith.extui %sign3A_87 : i1 to i32
      %sign3A_89 = arith.subi %sign3A_85, %sign3A_88 : i32
      %ne3A = arith.cmpi ne, %sign3A_82, %sign3A_89 : i32
      %rem3A = arith.remsi %add3A_74, %jit3A : i32
      %ne3A_90 = arith.constant 0 : i32
      %ne3A_91 = arith.cmpi ne, %rem3A, %ne3A_90 : i32
      %and3A = arith.andi %ne3A, %ne3A_91 : i1
      %sub3A = arith.constant 1 : i32
      %sub3A_92 = arith.subi %div3A, %sub3A : i32
      %select_n3A = arith.select %and3A, %sub3A_92, %div3A : i32
      %jit3A_93 = arith.constant 20 : i32
      %eq3A = arith.constant 0 : i32
      %eq3A_94 = arith.cmpi eq, %jit3A_93, %eq3A : i32
      %jit3A_95 = arith.constant 1 : i32
      %select_n3A_96 = arith.select %eq3A_94, %jit3A_95, %jit3A_93 : i32
      %rem3A_97 = arith.remsi %add3A_74, %select_n3A_96 : i32
      %ne3A_98 = arith.constant 0 : i32
      %ne3A_99 = arith.cmpi ne, %rem3A_97, %ne3A_98 : i32
      %lt3A = arith.constant 0 : i32
      %lt3A_100 = arith.cmpi slt, %rem3A_97, %lt3A : i32
      %lt3A_101 = arith.constant 0 : i32
      %lt3A_102 = arith.cmpi slt, %select_n3A_96, %lt3A_101 : i32
      %ne3A_103 = arith.xori %lt3A_100, %lt3A_102 : i1
      %and3A_104 = arith.andi %ne3A_103, %ne3A_99 : i1
      %add3A_105 = arith.addi %rem3A_97, %select_n3A_96 : i32
      %select_n3A_106 = arith.select %and3A_104, %add3A_105, %rem3A_97 : i32
      %scan3A_107 = arith.constant 0 : i32
      %scan3A_108 = arith.constant 0 : i32
      %scan3A_109 = arith.constant 100 : i32
      %scan3A_110 = arith.addi %scan3A_108, %scan3A_109 : i32
      %scan3A_111 = arith.constant 1 : i32
      scf.for %scan3A_272 = %scan3A_108 to %scan3A_110 step %scan3A_111  : i32 {
        %mul3A_273 = arith.constant 16 : i32
        %mul3A_274 = arith.muli %scan3A_272, %mul3A_273 : i32
        %get3A = arith.index_cast %select_n3A : i32 to index
        %get3A_275 = arith.index_cast %mul3A_274 : i32 to index
        %get3A_276 = tpu.vector_load %arg8[%get3A, %get3A_275] {strides = array<i32>} : memref<1x1600xi32, #tpu.memory_space<vmem>>, vector<16xi32>,
        %mul3A_277 = arith.constant 16 : i32
        %mul3A_278 = arith.muli %scan3A_272, %mul3A_277 : i32
        %get3A_279 = arith.index_cast %select_n3A : i32 to index
        %get3A_280 = arith.index_cast %mul3A_278 : i32 to index
        %get3A_281 = tpu.vector_load %arg9[%get3A_279, %get3A_280] {strides = array<i32>} : memref<1x1600xi32, #tpu.memory_space<vmem>>, vector<16xi32>,
        %mul3A_282 = arith.constant 16 : i32
        %mul3A_283 = arith.muli %scan3A_272, %mul3A_282 : i32
        %get3A_284 = arith.index_cast %select_n3A : i32 to index
        %get3A_285 = arith.index_cast %mul3A_283 : i32 to index
        %get3A_286 = tpu.vector_load %arg10[%get3A_284, %get3A_285] {strides = array<i32>} : memref<1x1600xi32, #tpu.memory_space<vmem>>, vector<16xi32>,
        %mul3A_287 = arith.constant 16 : i32
        %mul3A_288 = arith.muli %scan3A_272, %mul3A_287 : i32
        %get3A_289 = arith.index_cast %select_n3A : i32 to index
        %get3A_290 = arith.index_cast %mul3A_288 : i32 to index
        %get3A_291 = tpu.vector_load %arg11[%get3A_289, %get3A_290] {strides = array<i32>} : memref<1x1600xf32, #tpu.memory_space<vmem>>, vector<16xf32>,
        %eq3A_292 = vector.broadcast %select_n3A_106 : i32 to vector<16xi32>
        %eq3A_293 = arith.cmpi eq, %get3A_281, %eq3A_292 : vector<16xi32>
        tpu.vector_store_idx %arg12[%get3A_276, %get3A_286], %get3A_291 masked %eq3A_293 : memref<8x4992xf32, #tpu.memory_space<vmem>>[vector<16xi32>, vector<16xi32>], vector<16xf32>, vector<16xi1>
      }
      %scan3A_112 = arith.constant 100 : i32
      %jit3A_113 = arith.constant 20 : i32
      %div3A_114 = arith.divsi %add3A_74, %jit3A_113 : i32
      %sign3A_115 = arith.constant 0 : i32
      %sign3A_116 = arith.cmpi sgt, %add3A_74, %sign3A_115 : i32
      %sign3A_117 = arith.extui %sign3A_116 : i1 to i32
      %sign3A_118 = arith.constant 0 : i32
      %sign3A_119 = arith.cmpi slt, %add3A_74, %sign3A_118 : i32
      %sign3A_120 = arith.extui %sign3A_119 : i1 to i32
      %sign3A_121 = arith.subi %sign3A_117, %sign3A_120 : i32
      %sign3A_122 = arith.constant 0 : i32
      %sign3A_123 = arith.cmpi sgt, %jit3A_113, %sign3A_122 : i32
      %sign3A_124 = arith.extui %sign3A_123 : i1 to i32
      %sign3A_125 = arith.constant 0 : i32
      %sign3A_126 = arith.cmpi slt, %jit3A_113, %sign3A_125 : i32
      %sign3A_127 = arith.extui %sign3A_126 : i1 to i32
      %sign3A_128 = arith.subi %sign3A_124, %sign3A_127 : i32
      %ne3A_129 = arith.cmpi ne, %sign3A_121, %sign3A_128 : i32
      %rem3A_130 = arith.remsi %add3A_74, %jit3A_113 : i32
      %ne3A_131 = arith.constant 0 : i32
      %ne3A_132 = arith.cmpi ne, %rem3A_130, %ne3A_131 : i32
      %and3A_133 = arith.andi %ne3A_129, %ne3A_132 : i1
      %sub3A_134 = arith.constant 1 : i32
      %sub3A_135 = arith.subi %div3A_114, %sub3A_134 : i32
      %select_n3A_136 = arith.select %and3A_133, %sub3A_135, %div3A_114 : i32
      %jit3A_137 = arith.constant 20 : i32
      %eq3A_138 = arith.constant 0 : i32
      %eq3A_139 = arith.cmpi eq, %jit3A_137, %eq3A_138 : i32
      %jit3A_140 = arith.constant 1 : i32
      %select_n3A_141 = arith.select %eq3A_139, %jit3A_140, %jit3A_137 : i32
      %rem3A_142 = arith.remsi %add3A_74, %select_n3A_141 : i32
      %ne3A_143 = arith.constant 0 : i32
      %ne3A_144 = arith.cmpi ne, %rem3A_142, %ne3A_143 : i32
      %lt3A_145 = arith.constant 0 : i32
      %lt3A_146 = arith.cmpi slt, %rem3A_142, %lt3A_145 : i32
      %lt3A_147 = arith.constant 0 : i32
      %lt3A_148 = arith.cmpi slt, %select_n3A_141, %lt3A_147 : i32
      %ne3A_149 = arith.xori %lt3A_146, %lt3A_148 : i1
      %and3A_150 = arith.andi %ne3A_149, %ne3A_144 : i1
      %add3A_151 = arith.addi %rem3A_142, %select_n3A_141 : i32
      %select_n3A_152 = arith.select %and3A_150, %add3A_151, %rem3A_142 : i32
      %mul3A_153 = arith.constant 1 : i32
      %mul3A_154 = arith.muli %add3A, %mul3A_153 : i32
      %add3A_155 = arith.constant 0 : i32
      %add3A_156 = arith.addi %add3A_155, %mul3A_154 : i32
      %add3A_157 = arith.addi %add3A_156, %select_n3A_136 : i32
      %mul3A_158 = arith.constant 8 : i32
      %mul3A_159 = arith.muli %add3A_157, %mul3A_158 : i32
      %mul3A_160 = arith.constant 4992 : i32
      %mul3A_161 = arith.muli %select_n3A_152, %mul3A_160 : i32
      %multiple_of3A_162 = tpu.assume_multiple %mul3A_161, 128 : i32
      %dma_start3A_163 = tpu.memref_slice %arg2[%mul3A_159, %multiple_of3A_162] : memref<1024x100000xf32, #tpu.memory_space<hbm>> -> memref<8x4992xf32, #tpu.memory_space<hbm>>
      %dma_start3A_164 = tpu.memref_slice %arg2[%mul3A_159, %multiple_of3A_162] : memref<1024x100000xf32, #tpu.memory_space<hbm>> -> memref<8x4992xf32, #tpu.memory_space<hbm>>
      tpu.enqueue_dma source(%arg12 : memref<8x4992xf32, #tpu.memory_space<vmem>>) target(%dma_start3A_164 : memref<8x4992xf32, #tpu.memory_space<hbm>>) target_semaphore(%arg15 : memref<!tpu.dma_semaphore, #tpu.memory_space<semaphore_mem>>)
      %mul3A_165 = arith.constant 2 : i32
      %mul3A_166 = arith.muli %mul3A_165, %scan3A_70 : i32
      %add3A_167 = arith.constant 1 : i32
      %add3A_168 = arith.addi %mul3A_166, %add3A_167 : i32
      %gt3A_169 = arith.constant 0 : i32
      %gt3A_170 = arith.cmpi sgt, %scan3A_70, %gt3A_169 : i32
      %convert_element_type3A_171 = arith.extui %gt3A_170 : i1 to i32
      %cond3A_172 = arith.constant 0 : i32
      %cond3A_173 = arith.cmpi ne, %convert_element_type3A_171, %cond3A_172 : i32
      scf.if %cond3A_173 {
        %sub3A_272 = arith.constant 2 : i32
        %sub3A_273 = arith.subi %add3A_168, %sub3A_272 : i32
        %jit3A_274 = arith.constant 20 : i32
        %div3A_275 = arith.divsi %sub3A_273, %jit3A_274 : i32
        %sign3A_276 = arith.constant 0 : i32
        %sign3A_277 = arith.cmpi sgt, %sub3A_273, %sign3A_276 : i32
        %sign3A_278 = arith.extui %sign3A_277 : i1 to i32
        %sign3A_279 = arith.constant 0 : i32
        %sign3A_280 = arith.cmpi slt, %sub3A_273, %sign3A_279 : i32
        %sign3A_281 = arith.extui %sign3A_280 : i1 to i32
        %sign3A_282 = arith.subi %sign3A_278, %sign3A_281 : i32
        %sign3A_283 = arith.constant 0 : i32
        %sign3A_284 = arith.cmpi sgt, %jit3A_274, %sign3A_283 : i32
        %sign3A_285 = arith.extui %sign3A_284 : i1 to i32
        %sign3A_286 = arith.constant 0 : i32
        %sign3A_287 = arith.cmpi slt, %jit3A_274, %sign3A_286 : i32
        %sign3A_288 = arith.extui %sign3A_287 : i1 to i32
        %sign3A_289 = arith.subi %sign3A_285, %sign3A_288 : i32
        %ne3A_290 = arith.cmpi ne, %sign3A_282, %sign3A_289 : i32
        %rem3A_291 = arith.remsi %sub3A_273, %jit3A_274 : i32
        %ne3A_292 = arith.constant 0 : i32
        %ne3A_293 = arith.cmpi ne, %rem3A_291, %ne3A_292 : i32
        %and3A_294 = arith.andi %ne3A_290, %ne3A_293 : i1
        %sub3A_295 = arith.constant 1 : i32
        %sub3A_296 = arith.subi %div3A_275, %sub3A_295 : i32
        %select_n3A_297 = arith.select %and3A_294, %sub3A_296, %div3A_275 : i32
        %jit3A_298 = arith.constant 20 : i32
        %eq3A_299 = arith.constant 0 : i32
        %eq3A_300 = arith.cmpi eq, %jit3A_298, %eq3A_299 : i32
        %jit3A_301 = arith.constant 1 : i32
        %select_n3A_302 = arith.select %eq3A_300, %jit3A_301, %jit3A_298 : i32
        %rem3A_303 = arith.remsi %sub3A_273, %select_n3A_302 : i32
        %ne3A_304 = arith.constant 0 : i32
        %ne3A_305 = arith.cmpi ne, %rem3A_303, %ne3A_304 : i32
        %lt3A_306 = arith.constant 0 : i32
        %lt3A_307 = arith.cmpi slt, %rem3A_303, %lt3A_306 : i32
        %lt3A_308 = arith.constant 0 : i32
        %lt3A_309 = arith.cmpi slt, %select_n3A_302, %lt3A_308 : i32
        %ne3A_310 = arith.xori %lt3A_307, %lt3A_309 : i1
        %and3A_311 = arith.andi %ne3A_310, %ne3A_305 : i1
        %add3A_312 = arith.addi %rem3A_303, %select_n3A_302 : i32
        %select_n3A_313 = arith.select %and3A_311, %add3A_312, %rem3A_303 : i32
        %mul3A_314 = arith.constant 1 : i32
        %mul3A_315 = arith.muli %add3A, %mul3A_314 : i32
        %add3A_316 = arith.constant 0 : i32
        %add3A_317 = arith.addi %add3A_316, %mul3A_315 : i32
        %add3A_318 = arith.addi %add3A_317, %select_n3A_297 : i32
        %mul3A_319 = arith.constant 8 : i32
        %mul3A_320 = arith.muli %add3A_318, %mul3A_319 : i32
        %mul3A_321 = arith.constant 4992 : i32
        %mul3A_322 = arith.muli %select_n3A_313, %mul3A_321 : i32
        %multiple_of3A_323 = tpu.assume_multiple %mul3A_322, 128 : i32
        %dma_wait3A_324 = tpu.memref_slice %arg2[%mul3A_320, %multiple_of3A_323] : memref<1024x100000xf32, #tpu.memory_space<hbm>> -> memref<8x4992xf32, #tpu.memory_space<hbm>>
        %dma_wait3A_325 = tpu.memref_slice %arg2[%mul3A_320, %multiple_of3A_323] : memref<1024x100000xf32, #tpu.memory_space<hbm>> -> memref<8x4992xf32, #tpu.memory_space<hbm>>
        tpu.wait_dma2 semaphore(%arg16 : memref<!tpu.dma_semaphore, #tpu.memory_space<semaphore_mem>>) src(%arg13 : memref<8x4992xf32, #tpu.memory_space<vmem>>) dst(%dma_wait3A_325 : memref<8x4992xf32, #tpu.memory_space<hbm>>)
        %jit3A_326 = arith.constant 20 : i32
        %div3A_327 = arith.divsi %sub3A_273, %jit3A_326 : i32
        %sign3A_328 = arith.constant 0 : i32
        %sign3A_329 = arith.cmpi sgt, %sub3A_273, %sign3A_328 : i32
        %sign3A_330 = arith.extui %sign3A_329 : i1 to i32
        %sign3A_331 = arith.constant 0 : i32
        %sign3A_332 = arith.cmpi slt, %sub3A_273, %sign3A_331 : i32
        %sign3A_333 = arith.extui %sign3A_332 : i1 to i32
        %sign3A_334 = arith.subi %sign3A_330, %sign3A_333 : i32
        %sign3A_335 = arith.constant 0 : i32
        %sign3A_336 = arith.cmpi sgt, %jit3A_326, %sign3A_335 : i32
        %sign3A_337 = arith.extui %sign3A_336 : i1 to i32
        %sign3A_338 = arith.constant 0 : i32
        %sign3A_339 = arith.cmpi slt, %jit3A_326, %sign3A_338 : i32
        %sign3A_340 = arith.extui %sign3A_339 : i1 to i32
        %sign3A_341 = arith.subi %sign3A_337, %sign3A_340 : i32
        %ne3A_342 = arith.cmpi ne, %sign3A_334, %sign3A_341 : i32
        %rem3A_343 = arith.remsi %sub3A_273, %jit3A_326 : i32
        %ne3A_344 = arith.constant 0 : i32
        %ne3A_345 = arith.cmpi ne, %rem3A_343, %ne3A_344 : i32
        %and3A_346 = arith.andi %ne3A_342, %ne3A_345 : i1
        %sub3A_347 = arith.constant 1 : i32
        %sub3A_348 = arith.subi %div3A_327, %sub3A_347 : i32
        %select_n3A_349 = arith.select %and3A_346, %sub3A_348, %div3A_327 : i32
        %jit3A_350 = arith.constant 20 : i32
        %eq3A_351 = arith.constant 0 : i32
        %eq3A_352 = arith.cmpi eq, %jit3A_350, %eq3A_351 : i32
        %jit3A_353 = arith.constant 1 : i32
        %select_n3A_354 = arith.select %eq3A_352, %jit3A_353, %jit3A_350 : i32
        %rem3A_355 = arith.remsi %sub3A_273, %select_n3A_354 : i32
        %ne3A_356 = arith.constant 0 : i32
        %ne3A_357 = arith.cmpi ne, %rem3A_355, %ne3A_356 : i32
        %lt3A_358 = arith.constant 0 : i32
        %lt3A_359 = arith.cmpi slt, %rem3A_355, %lt3A_358 : i32
        %lt3A_360 = arith.constant 0 : i32
        %lt3A_361 = arith.cmpi slt, %select_n3A_354, %lt3A_360 : i32
        %ne3A_362 = arith.xori %lt3A_359, %lt3A_361 : i1
        %and3A_363 = arith.andi %ne3A_362, %ne3A_357 : i1
        %add3A_364 = arith.addi %rem3A_355, %select_n3A_354 : i32
        %select_n3A_365 = arith.select %and3A_363, %add3A_364, %rem3A_355 : i32
        %scan3A_366 = arith.constant 0 : i32
        %scan3A_367 = arith.constant 0 : i32
        %scan3A_368 = arith.constant 100 : i32
        %scan3A_369 = arith.addi %scan3A_367, %scan3A_368 : i32
        %scan3A_370 = arith.constant 1 : i32
        scf.for %scan3A_372 = %scan3A_367 to %scan3A_369 step %scan3A_370  : i32 {
          %mul3A_373 = arith.constant 16 : i32
          %mul3A_374 = arith.muli %scan3A_372, %mul3A_373 : i32
          %get3A = arith.index_cast %select_n3A_349 : i32 to index
          %get3A_375 = arith.index_cast %mul3A_374 : i32 to index
          %get3A_376 = tpu.vector_load %arg8[%get3A, %get3A_375] {strides = array<i32>} : memref<1x1600xi32, #tpu.memory_space<vmem>>, vector<16xi32>,
          %mul3A_377 = arith.constant 16 : i32
          %mul3A_378 = arith.muli %scan3A_372, %mul3A_377 : i32
          %get3A_379 = arith.index_cast %select_n3A_349 : i32 to index
          %get3A_380 = arith.index_cast %mul3A_378 : i32 to index
          %get3A_381 = tpu.vector_load %arg9[%get3A_379, %get3A_380] {strides = array<i32>} : memref<1x1600xi32, #tpu.memory_space<vmem>>, vector<16xi32>,
          %mul3A_382 = arith.constant 16 : i32
          %mul3A_383 = arith.muli %scan3A_372, %mul3A_382 : i32
          %get3A_384 = arith.index_cast %select_n3A_349 : i32 to index
          %get3A_385 = arith.index_cast %mul3A_383 : i32 to index
          %get3A_386 = tpu.vector_load %arg10[%get3A_384, %get3A_385] {strides = array<i32>} : memref<1x1600xi32, #tpu.memory_space<vmem>>, vector<16xi32>,
          %eq3A_387 = vector.broadcast %select_n3A_365 : i32 to vector<16xi32>
          %eq3A_388 = arith.cmpi eq, %get3A_381, %eq3A_387 : vector<16xi32>
          tpu.vector_store_idx %arg13[%get3A_376, %get3A_386], %broadcast_in_dim3A_1 masked %eq3A_388 : memref<8x4992xf32, #tpu.memory_space<vmem>>[vector<16xi32>, vector<16xi32>], vector<16xf32>, vector<16xi1>
        }
        %scan3A_371 = arith.constant 100 : i32
      } else {
      }
      %jit3A_174 = arith.constant 20 : i32
      %div3A_175 = arith.divsi %add3A_168, %jit3A_174 : i32
      %sign3A_176 = arith.constant 0 : i32
      %sign3A_177 = arith.cmpi sgt, %add3A_168, %sign3A_176 : i32
      %sign3A_178 = arith.extui %sign3A_177 : i1 to i32
      %sign3A_179 = arith.constant 0 : i32
      %sign3A_180 = arith.cmpi slt, %add3A_168, %sign3A_179 : i32
      %sign3A_181 = arith.extui %sign3A_180 : i1 to i32
      %sign3A_182 = arith.subi %sign3A_178, %sign3A_181 : i32
      %sign3A_183 = arith.constant 0 : i32
      %sign3A_184 = arith.cmpi sgt, %jit3A_174, %sign3A_183 : i32
      %sign3A_185 = arith.extui %sign3A_184 : i1 to i32
      %sign3A_186 = arith.constant 0 : i32
      %sign3A_187 = arith.cmpi slt, %jit3A_174, %sign3A_186 : i32
      %sign3A_188 = arith.extui %sign3A_187 : i1 to i32
      %sign3A_189 = arith.subi %sign3A_185, %sign3A_188 : i32
      %ne3A_190 = arith.cmpi ne, %sign3A_182, %sign3A_189 : i32
      %rem3A_191 = arith.remsi %add3A_168, %jit3A_174 : i32
      %ne3A_192 = arith.constant 0 : i32
      %ne3A_193 = arith.cmpi ne, %rem3A_191, %ne3A_192 : i32
      %and3A_194 = arith.andi %ne3A_190, %ne3A_193 : i1
      %sub3A_195 = arith.constant 1 : i32
      %sub3A_196 = arith.subi %div3A_175, %sub3A_195 : i32
      %select_n3A_197 = arith.select %and3A_194, %sub3A_196, %div3A_175 : i32
      %jit3A_198 = arith.constant 20 : i32
      %eq3A_199 = arith.constant 0 : i32
      %eq3A_200 = arith.cmpi eq, %jit3A_198, %eq3A_199 : i32
      %jit3A_201 = arith.constant 1 : i32
      %select_n3A_202 = arith.select %eq3A_200, %jit3A_201, %jit3A_198 : i32
      %rem3A_203 = arith.remsi %add3A_168, %select_n3A_202 : i32
      %ne3A_204 = arith.constant 0 : i32
      %ne3A_205 = arith.cmpi ne, %rem3A_203, %ne3A_204 : i32
      %lt3A_206 = arith.constant 0 : i32
      %lt3A_207 = arith.cmpi slt, %rem3A_203, %lt3A_206 : i32
      %lt3A_208 = arith.constant 0 : i32
      %lt3A_209 = arith.cmpi slt, %select_n3A_202, %lt3A_208 : i32
      %ne3A_210 = arith.xori %lt3A_207, %lt3A_209 : i1
      %and3A_211 = arith.andi %ne3A_210, %ne3A_205 : i1
      %add3A_212 = arith.addi %rem3A_203, %select_n3A_202 : i32
      %select_n3A_213 = arith.select %and3A_211, %add3A_212, %rem3A_203 : i32
      %scan3A_214 = arith.constant 0 : i32
      %scan3A_215 = arith.constant 0 : i32
      %scan3A_216 = arith.constant 100 : i32
      %scan3A_217 = arith.addi %scan3A_215, %scan3A_216 : i32
      %scan3A_218 = arith.constant 1 : i32
      scf.for %scan3A_272 = %scan3A_215 to %scan3A_217 step %scan3A_218  : i32 {
        %mul3A_273 = arith.constant 16 : i32
        %mul3A_274 = arith.muli %scan3A_272, %mul3A_273 : i32
        %get3A = arith.index_cast %select_n3A_197 : i32 to index
        %get3A_275 = arith.index_cast %mul3A_274 : i32 to index
        %get3A_276 = tpu.vector_load %arg8[%get3A, %get3A_275] {strides = array<i32>} : memref<1x1600xi32, #tpu.memory_space<vmem>>, vector<16xi32>,
        %mul3A_277 = arith.constant 16 : i32
        %mul3A_278 = arith.muli %scan3A_272, %mul3A_277 : i32
        %get3A_279 = arith.index_cast %select_n3A_197 : i32 to index
        %get3A_280 = arith.index_cast %mul3A_278 : i32 to index
        %get3A_281 = tpu.vector_load %arg9[%get3A_279, %get3A_280] {strides = array<i32>} : memref<1x1600xi32, #tpu.memory_space<vmem>>, vector<16xi32>,
        %mul3A_282 = arith.constant 16 : i32
        %mul3A_283 = arith.muli %scan3A_272, %mul3A_282 : i32
        %get3A_284 = arith.index_cast %select_n3A_197 : i32 to index
        %get3A_285 = arith.index_cast %mul3A_283 : i32 to index
        %get3A_286 = tpu.vector_load %arg10[%get3A_284, %get3A_285] {strides = array<i32>} : memref<1x1600xi32, #tpu.memory_space<vmem>>, vector<16xi32>,
        %mul3A_287 = arith.constant 16 : i32
        %mul3A_288 = arith.muli %scan3A_272, %mul3A_287 : i32
        %get3A_289 = arith.index_cast %select_n3A_197 : i32 to index
        %get3A_290 = arith.index_cast %mul3A_288 : i32 to index
        %get3A_291 = tpu.vector_load %arg11[%get3A_289, %get3A_290] {strides = array<i32>} : memref<1x1600xf32, #tpu.memory_space<vmem>>, vector<16xf32>,
        %eq3A_292 = vector.broadcast %select_n3A_213 : i32 to vector<16xi32>
        %eq3A_293 = arith.cmpi eq, %get3A_281, %eq3A_292 : vector<16xi32>
        tpu.vector_store_idx %arg13[%get3A_276, %get3A_286], %get3A_291 masked %eq3A_293 : memref<8x4992xf32, #tpu.memory_space<vmem>>[vector<16xi32>, vector<16xi32>], vector<16xf32>, vector<16xi1>
      }
      %scan3A_219 = arith.constant 100 : i32
      %jit3A_220 = arith.constant 20 : i32
      %div3A_221 = arith.divsi %add3A_168, %jit3A_220 : i32
      %sign3A_222 = arith.constant 0 : i32
      %sign3A_223 = arith.cmpi sgt, %add3A_168, %sign3A_222 : i32
      %sign3A_224 = arith.extui %sign3A_223 : i1 to i32
      %sign3A_225 = arith.constant 0 : i32
      %sign3A_226 = arith.cmpi slt, %add3A_168, %sign3A_225 : i32
      %sign3A_227 = arith.extui %sign3A_226 : i1 to i32
      %sign3A_228 = arith.subi %sign3A_224, %sign3A_227 : i32
      %sign3A_229 = arith.constant 0 : i32
      %sign3A_230 = arith.cmpi sgt, %jit3A_220, %sign3A_229 : i32
      %sign3A_231 = arith.extui %sign3A_230 : i1 to i32
      %sign3A_232 = arith.constant 0 : i32
      %sign3A_233 = arith.cmpi slt, %jit3A_220, %sign3A_232 : i32
      %sign3A_234 = arith.extui %sign3A_233 : i1 to i32
      %sign3A_235 = arith.subi %sign3A_231, %sign3A_234 : i32
      %ne3A_236 = arith.cmpi ne, %sign3A_228, %sign3A_235 : i32
      %rem3A_237 = arith.remsi %add3A_168, %jit3A_220 : i32
      %ne3A_238 = arith.constant 0 : i32
      %ne3A_239 = arith.cmpi ne, %rem3A_237, %ne3A_238 : i32
      %and3A_240 = arith.andi %ne3A_236, %ne3A_239 : i1
      %sub3A_241 = arith.constant 1 : i32
      %sub3A_242 = arith.subi %div3A_221, %sub3A_241 : i32
      %select_n3A_243 = arith.select %and3A_240, %sub3A_242, %div3A_221 : i32
      %jit3A_244 = arith.constant 20 : i32
      %eq3A_245 = arith.constant 0 : i32
      %eq3A_246 = arith.cmpi eq, %jit3A_244, %eq3A_245 : i32
      %jit3A_247 = arith.constant 1 : i32
      %select_n3A_248 = arith.select %eq3A_246, %jit3A_247, %jit3A_244 : i32
      %rem3A_249 = arith.remsi %add3A_168, %select_n3A_248 : i32
      %ne3A_250 = arith.constant 0 : i32
      %ne3A_251 = arith.cmpi ne, %rem3A_249, %ne3A_250 : i32
      %lt3A_252 = arith.constant 0 : i32
      %lt3A_253 = arith.cmpi slt, %rem3A_249, %lt3A_252 : i32
      %lt3A_254 = arith.constant 0 : i32
      %lt3A_255 = arith.cmpi slt, %select_n3A_248, %lt3A_254 : i32
      %ne3A_256 = arith.xori %lt3A_253, %lt3A_255 : i1
      %and3A_257 = arith.andi %ne3A_256, %ne3A_251 : i1
      %add3A_258 = arith.addi %rem3A_249, %select_n3A_248 : i32
      %select_n3A_259 = arith.select %and3A_257, %add3A_258, %rem3A_249 : i32
      %mul3A_260 = arith.constant 1 : i32
      %mul3A_261 = arith.muli %add3A, %mul3A_260 : i32
      %add3A_262 = arith.constant 0 : i32
      %add3A_263 = arith.addi %add3A_262, %mul3A_261 : i32
      %add3A_264 = arith.addi %add3A_263, %select_n3A_243 : i32
      %mul3A_265 = arith.constant 8 : i32
      %mul3A_266 = arith.muli %add3A_264, %mul3A_265 : i32
      %mul3A_267 = arith.constant 4992 : i32
      %mul3A_268 = arith.muli %select_n3A_259, %mul3A_267 : i32
      %multiple_of3A_269 = tpu.assume_multiple %mul3A_268, 128 : i32
      %dma_start3A_270 = tpu.memref_slice %arg2[%mul3A_266, %multiple_of3A_269] : memref<1024x100000xf32, #tpu.memory_space<hbm>> -> memref<8x4992xf32, #tpu.memory_space<hbm>>
      %dma_start3A_271 = tpu.memref_slice %arg2[%mul3A_266, %multiple_of3A_269] : memref<1024x100000xf32, #tpu.memory_space<hbm>> -> memref<8x4992xf32, #tpu.memory_space<hbm>>
      tpu.enqueue_dma source(%arg13 : memref<8x4992xf32, #tpu.memory_space<vmem>>) target(%dma_start3A_271 : memref<8x4992xf32, #tpu.memory_space<hbm>>) target_semaphore(%arg16 : memref<!tpu.dma_semaphore, #tpu.memory_space<semaphore_mem>>)
    }
    %scan3A_18 = arith.constant 10 : i32
    %mul3A_19 = arith.constant 1 : i32
    %mul3A_20 = arith.muli %add3A, %mul3A_19 : i32
    %add3A_21 = arith.constant 0 : i32
    %add3A_22 = arith.addi %add3A_21, %mul3A_20 : i32
    %add3A_23 = arith.constant 0 : i32
    %add3A_24 = arith.addi %add3A_22, %add3A_23 : i32
    %mul3A_25 = arith.constant 8 : i32
    %mul3A_26 = arith.muli %add3A_24, %mul3A_25 : i32
    %multiple_of3A = arith.constant 89856 : i32
    %multiple_of3A_27 = tpu.assume_multiple %multiple_of3A, 128 : i32
    %dma_wait3A = tpu.memref_slice %arg2[%mul3A_26, %multiple_of3A_27] : memref<1024x100000xf32, #tpu.memory_space<hbm>> -> memref<8x4992xf32, #tpu.memory_space<hbm>>
    %dma_wait3A_28 = tpu.memref_slice %arg2[%mul3A_26, %multiple_of3A_27] : memref<1024x100000xf32, #tpu.memory_space<hbm>> -> memref<8x4992xf32, #tpu.memory_space<hbm>>
    tpu.wait_dma2 semaphore(%arg15 : memref<!tpu.dma_semaphore, #tpu.memory_space<semaphore_mem>>) src(%arg12 : memref<8x4992xf32, #tpu.memory_space<vmem>>) dst(%dma_wait3A_28 : memref<8x4992xf32, #tpu.memory_space<hbm>>)
    %mul3A_29 = arith.constant 1 : i32
    %mul3A_30 = arith.muli %add3A, %mul3A_29 : i32
    %add3A_31 = arith.constant 0 : i32
    %add3A_32 = arith.addi %add3A_31, %mul3A_30 : i32
    %add3A_33 = arith.constant 0 : i32
    %add3A_34 = arith.addi %add3A_32, %add3A_33 : i32
    %mul3A_35 = arith.constant 8 : i32
    %mul3A_36 = arith.muli %add3A_34, %mul3A_35 : i32
    %multiple_of3A_37 = arith.constant 94848 : i32
    %multiple_of3A_38 = tpu.assume_multiple %multiple_of3A_37, 128 : i32
    %dma_wait3A_39 = tpu.memref_slice %arg2[%mul3A_36, %multiple_of3A_38] : memref<1024x100000xf32, #tpu.memory_space<hbm>> -> memref<8x4992xf32, #tpu.memory_space<hbm>>
    %dma_wait3A_40 = tpu.memref_slice %arg2[%mul3A_36, %multiple_of3A_38] : memref<1024x100000xf32, #tpu.memory_space<hbm>> -> memref<8x4992xf32, #tpu.memory_space<hbm>>
    tpu.wait_dma2 semaphore(%arg16 : memref<!tpu.dma_semaphore, #tpu.memory_space<semaphore_mem>>) src(%arg13 : memref<8x4992xf32, #tpu.memory_space<vmem>>) dst(%dma_wait3A_40 : memref<8x4992xf32, #tpu.memory_space<hbm>>)
    %scan3A_41 = arith.constant 0 : i32
    %scan3A_42 = arith.constant 0 : i32
    %mul3A_43 = arith.constant 1 : i32
    %mul3A_44 = arith.muli %add3A, %mul3A_43 : i32
    %add3A_45 = arith.constant 0 : i32
    %add3A_46 = arith.addi %add3A_45, %mul3A_44 : i32
    %add3A_47 = arith.addi %add3A_46, %scan3A_42 : i32
    %mul3A_48 = arith.constant 8 : i32
    %mul3A_49 = arith.muli %add3A_47, %mul3A_48 : i32
    %scan3A_50 = arith.constant 0 : i32
    %scan3A_51 = arith.constant 0 : i32
    %scan3A_52 = arith.constant 100 : i32
    %scan3A_53 = arith.addi %scan3A_51, %scan3A_52 : i32
    %scan3A_54 = arith.constant 1 : i32
    scf.for %scan3A_70 = %scan3A_51 to %scan3A_53 step %scan3A_54  : i32 {
      %mul3A_71 = arith.constant 16 : i32
      %mul3A_72 = arith.muli %scan3A_70, %mul3A_71 : i32
      %get3A = arith.index_cast %scan3A_42 : i32 to index
      %get3A_73 = arith.index_cast %mul3A_72 : i32 to index
      %get3A_74 = tpu.vector_load %arg8[%get3A, %get3A_73] {strides = array<i32>} : memref<1x1600xi32, #tpu.memory_space<vmem>>, vector<16xi32>,
      %mul3A_75 = arith.constant 16 : i32
      %mul3A_76 = arith.muli %scan3A_70, %mul3A_75 : i32
      %get3A_77 = arith.index_cast %scan3A_42 : i32 to index
      %get3A_78 = arith.index_cast %mul3A_76 : i32 to index
      %get3A_79 = tpu.vector_load %arg9[%get3A_77, %get3A_78] {strides = array<i32>} : memref<1x1600xi32, #tpu.memory_space<vmem>>, vector<16xi32>,
      %mul3A_80 = arith.constant 16 : i32
      %mul3A_81 = arith.muli %scan3A_70, %mul3A_80 : i32
      %get3A_82 = arith.index_cast %scan3A_42 : i32 to index
      %get3A_83 = arith.index_cast %mul3A_81 : i32 to index
      %get3A_84 = tpu.vector_load %arg10[%get3A_82, %get3A_83] {strides = array<i32>} : memref<1x1600xi32, #tpu.memory_space<vmem>>, vector<16xi32>,
      %mul3A_85 = arith.constant 16 : i32
      %mul3A_86 = arith.muli %scan3A_70, %mul3A_85 : i32
      %get3A_87 = arith.index_cast %scan3A_42 : i32 to index
      %get3A_88 = arith.index_cast %mul3A_86 : i32 to index
      %get3A_89 = tpu.vector_load %arg11[%get3A_87, %get3A_88] {strides = array<i32>} : memref<1x1600xf32, #tpu.memory_space<vmem>>, vector<16xf32>,
      %eq3A = arith.constant 20 : i32
      %eq3A_90 = vector.broadcast %eq3A : i32 to vector<16xi32>
      %eq3A_91 = arith.cmpi eq, %get3A_79, %eq3A_90 : vector<16xi32>
      tpu.vector_store_idx %arg14[%get3A_74, %get3A_84], %get3A_89 masked %eq3A_91 : memref<8x160xf32, #tpu.memory_space<vmem>>[vector<16xi32>, vector<16xi32>], vector<16xf32>, vector<16xi1>
    }
    %scan3A_55 = arith.constant 100 : i32
    %dma_start3A = arith.constant 99840 : i32
    %dma_start3A_56 = tpu.memref_slice %arg2[%mul3A_49, %dma_start3A] : memref<1024x100000xf32, #tpu.memory_space<hbm>> -> memref<8x160xf32, #tpu.memory_space<hbm>>
    %dma_start3A_57 = arith.constant 99840 : i32
    %dma_start3A_58 = tpu.memref_slice %arg2[%mul3A_49, %dma_start3A_57] : memref<1024x100000xf32, #tpu.memory_space<hbm>> -> memref<8x160xf32, #tpu.memory_space<hbm>>
    tpu.enqueue_dma source(%arg14 : memref<8x160xf32, #tpu.memory_space<vmem>>) target(%dma_start3A_58 : memref<8x160xf32, #tpu.memory_space<hbm>>) target_semaphore(%arg15 : memref<!tpu.dma_semaphore, #tpu.memory_space<semaphore_mem>>)
    %dma_wait3A_59 = arith.constant 99840 : i32
    %dma_wait3A_60 = tpu.memref_slice %arg2[%mul3A_49, %dma_wait3A_59] : memref<1024x100000xf32, #tpu.memory_space<hbm>> -> memref<8x160xf32, #tpu.memory_space<hbm>>
    %dma_wait3A_61 = arith.constant 99840 : i32
    %dma_wait3A_62 = tpu.memref_slice %arg2[%mul3A_49, %dma_wait3A_61] : memref<1024x100000xf32, #tpu.memory_space<hbm>> -> memref<8x160xf32, #tpu.memory_space<hbm>>
    tpu.wait_dma2 semaphore(%arg15 : memref<!tpu.dma_semaphore, #tpu.memory_space<semaphore_mem>>) src(%arg14 : memref<8x160xf32, #tpu.memory_space<vmem>>) dst(%dma_wait3A_62 : memref<8x160xf32, #tpu.memory_space<hbm>>)
    %scan3A_63 = arith.constant 0 : i32
    %scan3A_64 = arith.constant 0 : i32
    %scan3A_65 = arith.constant 100 : i32
    %scan3A_66 = arith.addi %scan3A_64, %scan3A_65 : i32
    %scan3A_67 = arith.constant 1 : i32
    scf.for %scan3A_70 = %scan3A_64 to %scan3A_66 step %scan3A_67  : i32 {
      %mul3A_71 = arith.constant 16 : i32
      %mul3A_72 = arith.muli %scan3A_70, %mul3A_71 : i32
      %get3A = arith.index_cast %scan3A_42 : i32 to index
      %get3A_73 = arith.index_cast %mul3A_72 : i32 to index
      %get3A_74 = tpu.vector_load %arg8[%get3A, %get3A_73] {strides = array<i32>} : memref<1x1600xi32, #tpu.memory_space<vmem>>, vector<16xi32>,
      %mul3A_75 = arith.constant 16 : i32
      %mul3A_76 = arith.muli %scan3A_70, %mul3A_75 : i32
      %get3A_77 = arith.index_cast %scan3A_42 : i32 to index
      %get3A_78 = arith.index_cast %mul3A_76 : i32 to index
      %get3A_79 = tpu.vector_load %arg9[%get3A_77, %get3A_78] {strides = array<i32>} : memref<1x1600xi32, #tpu.memory_space<vmem>>, vector<16xi32>,
      %mul3A_80 = arith.constant 16 : i32
      %mul3A_81 = arith.muli %scan3A_70, %mul3A_80 : i32
      %get3A_82 = arith.index_cast %scan3A_42 : i32 to index
      %get3A_83 = arith.index_cast %mul3A_81 : i32 to index
      %get3A_84 = tpu.vector_load %arg10[%get3A_82, %get3A_83] {strides = array<i32>} : memref<1x1600xi32, #tpu.memory_space<vmem>>, vector<16xi32>,
      %eq3A = arith.constant 20 : i32
      %eq3A_85 = vector.broadcast %eq3A : i32 to vector<16xi32>
      %eq3A_86 = arith.cmpi eq, %get3A_79, %eq3A_85 : vector<16xi32>
      tpu.vector_store_idx %arg14[%get3A_74, %get3A_84], %broadcast_in_dim3A_1 masked %eq3A_86 : memref<8x160xf32, #tpu.memory_space<vmem>>[vector<16xi32>, vector<16xi32>], vector<16xf32>, vector<16xi1>
    }
    %scan3A_68 = arith.constant 100 : i32
    %scan3A_69 = arith.constant 1 : i32
    return
  }
}

#map = affine_map<(d0, d1) -> (0, 0)>
#map1 = affine_map<(d0, d1) -> (0, 0, 0)>
module attributes {stable_mosaic.version = 14 : i64} {
  func.func @new_body(%arg0: i32, %arg1: i32, %arg2: memref<1024x100000xf32, #tpu.memory_space<hbm>>, %arg3: memref<32x1x1600xi32, #tpu.memory_space<hbm>>, %arg4: memref<32x1x1600xi32, #tpu.memory_space<hbm>>, %arg5: memref<32x1x1600xi32, #tpu.memory_space<hbm>>, %arg6: memref<32x1x1600xf32, #tpu.memory_space<hbm>>, %arg7: memref<1024x100000xf32, #tpu.memory_space<hbm>>, %arg8: memref<1x1600xi32, #tpu.memory_space<vmem>>, %arg9: memref<1x1600xi32, #tpu.memory_space<vmem>>, %arg10: memref<1x1600xi32, #tpu.memory_space<vmem>>, %arg11: memref<1x1600xf32, #tpu.memory_space<vmem>>, %arg12: memref<8x4992xf32, #tpu.memory_space<vmem>>, %arg13: memref<8x4992xf32, #tpu.memory_space<vmem>>, %arg14: memref<8x160xf32, #tpu.memory_space<vmem>>, %arg15: memref<!tpu.dma_semaphore, #tpu.memory_space<semaphore_mem>>, %arg16: memref<!tpu.dma_semaphore, #tpu.memory_space<semaphore_mem>>) attributes {dimension_semantics = [#tpu.dimension_semantics<core_parallel>, #tpu.dimension_semantics<subcore_parallel>], iteration_bounds = array<i64: 2, 16>, scalar_prefetch = 0 : i64, scratch_operands = 9 : i64, tpu.core_type = #tpu.core_type<sc_vector_subcore>, window_params = [{transform_indices = #map}, {transform_indices = #map1}, {transform_indices = #map1}, {transform_indices = #map1}, {transform_indices = #map1}, {transform_indices = #map}]} {
    %mul3A = arith.constant 16 : i32
    %mul3A_0 = arith.muli %arg0, %mul3A : i32
    %add3A = arith.addi %mul3A_0, %arg1 : i32
    %broadcast_in_dim3A = arith.constant 0.000000e+00 : f32
    %broadcast_in_dim3A_1 = vector.broadcast %broadcast_in_dim3A : f32 to vector<16xf32>
    %scan3A = arith.constant 0 : i32
    %scan3A_2 = arith.constant 0 : i32
    %scan3A_3 = arith.constant 2496 : i32
    %scan3A_4 = arith.addi %scan3A_2, %scan3A_3 : i32
    %scan3A_5 = arith.constant 1 : i32
    scf.for %scan3A_70 = %scan3A_2 to %scan3A_4 step %scan3A_5  : i32 {
      %jit3A = arith.constant 312 : i32
      %div3A = arith.divsi %scan3A_70, %jit3A : i32
      %sign3A = arith.constant 0 : i32
      %sign3A_71 = arith.cmpi sgt, %scan3A_70, %sign3A : i32
      %sign3A_72 = arith.extui %sign3A_71 : i1 to i32
      %sign3A_73 = arith.constant 0 : i32
      %sign3A_74 = arith.cmpi slt, %scan3A_70, %sign3A_73 : i32
      %sign3A_75 = arith.extui %sign3A_74 : i1 to i32
      %sign3A_76 = arith.subi %sign3A_72, %sign3A_75 : i32
      %sign3A_77 = arith.constant 0 : i32
      %sign3A_78 = arith.cmpi sgt, %jit3A, %sign3A_77 : i32
      %sign3A_79 = arith.extui %sign3A_78 : i1 to i32
      %sign3A_80 = arith.constant 0 : i32
      %sign3A_81 = arith.cmpi slt, %jit3A, %sign3A_80 : i32
      %sign3A_82 = arith.extui %sign3A_81 : i1 to i32
      %sign3A_83 = arith.subi %sign3A_79, %sign3A_82 : i32
      %ne3A = arith.cmpi ne, %sign3A_76, %sign3A_83 : i32
      %rem3A = arith.remsi %scan3A_70, %jit3A : i32
      %ne3A_84 = arith.constant 0 : i32
      %ne3A_85 = arith.cmpi ne, %rem3A, %ne3A_84 : i32
      %and3A = arith.andi %ne3A, %ne3A_85 : i1
      %sub3A = arith.constant 1 : i32
      %sub3A_86 = arith.subi %div3A, %sub3A : i32
      %select_n3A = arith.select %and3A, %sub3A_86, %div3A : i32
      %jit3A_87 = arith.constant 312 : i32
      %eq3A = arith.constant 0 : i32
      %eq3A_88 = arith.cmpi eq, %jit3A_87, %eq3A : i32
      %jit3A_89 = arith.constant 1 : i32
      %select_n3A_90 = arith.select %eq3A_88, %jit3A_89, %jit3A_87 : i32
      %rem3A_91 = arith.remsi %scan3A_70, %select_n3A_90 : i32
      %ne3A_92 = arith.constant 0 : i32
      %ne3A_93 = arith.cmpi ne, %rem3A_91, %ne3A_92 : i32
      %lt3A = arith.constant 0 : i32
      %lt3A_94 = arith.cmpi slt, %rem3A_91, %lt3A : i32
      %lt3A_95 = arith.constant 0 : i32
      %lt3A_96 = arith.cmpi slt, %select_n3A_90, %lt3A_95 : i32
      %ne3A_97 = arith.xori %lt3A_94, %lt3A_96 : i1
      %and3A_98 = arith.andi %ne3A_97, %ne3A_93 : i1
      %add3A_99 = arith.addi %rem3A_91, %select_n3A_90 : i32
      %select_n3A_100 = arith.select %and3A_98, %add3A_99, %rem3A_91 : i32
      %mul3A_101 = arith.constant 16 : i32
      %mul3A_102 = arith.muli %select_n3A_100, %mul3A_101 : i32
      %swap3A = arith.index_cast %select_n3A : i32 to index
      %swap3A_103 = arith.index_cast %mul3A_102 : i32 to index
      %swap3A_104 = tpu.vector_load %arg12[%swap3A, %swap3A_103] {strides = array<i32>} : memref<8x4992xf32, #tpu.memory_space<vmem>>, vector<16xf32>,
      tpu.vector_store %arg12[%swap3A, %swap3A_103], %broadcast_in_dim3A_1 {strides = array<i32>} : memref<8x4992xf32, #tpu.memory_space<vmem>>, vector<16xf32>,
      %swap3A_105 = arith.index_cast %select_n3A : i32 to index
      %swap3A_106 = arith.index_cast %mul3A_102 : i32 to index
      %swap3A_107 = tpu.vector_load %arg13[%swap3A_105, %swap3A_106] {strides = array<i32>} : memref<8x4992xf32, #tpu.memory_space<vmem>>, vector<16xf32>,
      tpu.vector_store %arg13[%swap3A_105, %swap3A_106], %broadcast_in_dim3A_1 {strides = array<i32>} : memref<8x4992xf32, #tpu.memory_space<vmem>>, vector<16xf32>,
    }
    %scan3A_6 = arith.constant 2496 : i32
    %scan3A_7 = arith.constant 0 : i32
    %scan3A_8 = arith.constant 0 : i32
    %scan3A_9 = arith.constant 80 : i32
    %scan3A_10 = arith.addi %scan3A_8, %scan3A_9 : i32
    %scan3A_11 = arith.constant 1 : i32
    scf.for %scan3A_70 = %scan3A_8 to %scan3A_10 step %scan3A_11  : i32 {
      %jit3A = arith.constant 10 : i32
      %div3A = arith.divsi %scan3A_70, %jit3A : i32
      %sign3A = arith.constant 0 : i32
      %sign3A_71 = arith.cmpi sgt, %scan3A_70, %sign3A : i32
      %sign3A_72 = arith.extui %sign3A_71 : i1 to i32
      %sign3A_73 = arith.constant 0 : i32
      %sign3A_74 = arith.cmpi slt, %scan3A_70, %sign3A_73 : i32
      %sign3A_75 = arith.extui %sign3A_74 : i1 to i32
      %sign3A_76 = arith.subi %sign3A_72, %sign3A_75 : i32
      %sign3A_77 = arith.constant 0 : i32
      %sign3A_78 = arith.cmpi sgt, %jit3A, %sign3A_77 : i32
      %sign3A_79 = arith.extui %sign3A_78 : i1 to i32
      %sign3A_80 = arith.constant 0 : i32
      %sign3A_81 = arith.cmpi slt, %jit3A, %sign3A_80 : i32
      %sign3A_82 = arith.extui %sign3A_81 : i1 to i32
      %sign3A_83 = arith.subi %sign3A_79, %sign3A_82 : i32
      %ne3A = arith.cmpi ne, %sign3A_76, %sign3A_83 : i32
      %rem3A = arith.remsi %scan3A_70, %jit3A : i32
      %ne3A_84 = arith.constant 0 : i32
      %ne3A_85 = arith.cmpi ne, %rem3A, %ne3A_84 : i32
      %and3A = arith.andi %ne3A, %ne3A_85 : i1
      %sub3A = arith.constant 1 : i32
      %sub3A_86 = arith.subi %div3A, %sub3A : i32
      %select_n3A = arith.select %and3A, %sub3A_86, %div3A : i32
      %jit3A_87 = arith.constant 10 : i32
      %eq3A = arith.constant 0 : i32
      %eq3A_88 = arith.cmpi eq, %jit3A_87, %eq3A : i32
      %jit3A_89 = arith.constant 1 : i32
      %select_n3A_90 = arith.select %eq3A_88, %jit3A_89, %jit3A_87 : i32
      %rem3A_91 = arith.remsi %scan3A_70, %select_n3A_90 : i32
      %ne3A_92 = arith.constant 0 : i32
      %ne3A_93 = arith.cmpi ne, %rem3A_91, %ne3A_92 : i32
      %lt3A = arith.constant 0 : i32
      %lt3A_94 = arith.cmpi slt, %rem3A_91, %lt3A : i32
      %lt3A_95 = arith.constant 0 : i32
      %lt3A_96 = arith.cmpi slt, %select_n3A_90, %lt3A_95 : i32
      %ne3A_97 = arith.xori %lt3A_94, %lt3A_96 : i1
      %and3A_98 = arith.andi %ne3A_97, %ne3A_93 : i1
      %add3A_99 = arith.addi %rem3A_91, %select_n3A_90 : i32
      %select_n3A_100 = arith.select %and3A_98, %add3A_99, %rem3A_91 : i32
      %mul3A_101 = arith.constant 16 : i32
      %mul3A_102 = arith.muli %select_n3A_100, %mul3A_101 : i32
      %swap3A = arith.index_cast %select_n3A : i32 to index
      %swap3A_103 = arith.index_cast %mul3A_102 : i32 to index
      %swap3A_104 = tpu.vector_load %arg14[%swap3A, %swap3A_103] {strides = array<i32>} : memref<8x160xf32, #tpu.memory_space<vmem>>, vector<16xf32>,
      tpu.vector_store %arg14[%swap3A, %swap3A_103], %broadcast_in_dim3A_1 {strides = array<i32>} : memref<8x160xf32, #tpu.memory_space<vmem>>, vector<16xf32>,
    }
    %scan3A_12 = arith.constant 80 : i32
    "tpu.region"() ({
      %run_scoped3A = tpu.sem_alloc : memref<!tpu.dma_semaphore, #tpu.memory_space<semaphore_mem>>
      %dma_start3A_70 = arith.constant 0 : i32
      %dma_start3A_71 = arith.constant 0 : i32
      %dma_start3A_72 = tpu.memref_slice %arg3[%add3A, %dma_start3A_70, %dma_start3A_71] : memref<32x1x1600xi32, #tpu.memory_space<hbm>> -> memref<1x1x1600xi32, #tpu.memory_space<hbm>>
      %dma_start3A_73 = tpu.memref_squeeze %dma_start3A_72 : memref<1x1x1600xi32, #tpu.memory_space<hbm>> -> memref<1x1600xi32, #tpu.memory_space<hbm>>
      %dma_start3A_74 = arith.constant 0 : i32
      %dma_start3A_75 = arith.constant 0 : i32
      %dma_start3A_76 = tpu.memref_slice %arg3[%add3A, %dma_start3A_74, %dma_start3A_75] : memref<32x1x1600xi32, #tpu.memory_space<hbm>> -> memref<1x1x1600xi32, #tpu.memory_space<hbm>>
      %dma_start3A_77 = tpu.memref_squeeze %dma_start3A_76 : memref<1x1x1600xi32, #tpu.memory_space<hbm>> -> memref<1x1600xi32, #tpu.memory_space<hbm>>
      tpu.enqueue_dma source(%dma_start3A_77 : memref<1x1600xi32, #tpu.memory_space<hbm>>) target(%arg8 : memref<1x1600xi32, #tpu.memory_space<vmem>>) target_semaphore(%run_scoped3A : memref<!tpu.dma_semaphore, #tpu.memory_space<semaphore_mem>>)
      %dma_wait3A_78 = arith.constant 0 : i32
      %dma_wait3A_79 = arith.constant 0 : i32
      %dma_wait3A_80 = tpu.memref_slice %arg3[%add3A, %dma_wait3A_78, %dma_wait3A_79] : memref<32x1x1600xi32, #tpu.memory_space<hbm>> -> memref<1x1x1600xi32, #tpu.memory_space<hbm>>
      %dma_wait3A_81 = tpu.memref_squeeze %dma_wait3A_80 : memref<1x1x1600xi32, #tpu.memory_space<hbm>> -> memref<1x1600xi32, #tpu.memory_space<hbm>>
      %dma_wait3A_82 = arith.constant 0 : i32
      %dma_wait3A_83 = arith.constant 0 : i32
      %dma_wait3A_84 = tpu.memref_slice %arg3[%add3A, %dma_wait3A_82, %dma_wait3A_83] : memref<32x1x1600xi32, #tpu.memory_space<hbm>> -> memref<1x1x1600xi32, #tpu.memory_space<hbm>>
      %dma_wait3A_85 = tpu.memref_squeeze %dma_wait3A_84 : memref<1x1x1600xi32, #tpu.memory_space<hbm>> -> memref<1x1600xi32, #tpu.memory_space<hbm>>
      tpu.wait_dma2 semaphore(%run_scoped3A : memref<!tpu.dma_semaphore, #tpu.memory_space<semaphore_mem>>) src(%dma_wait3A_85 : memref<1x1600xi32, #tpu.memory_space<hbm>>) dst(%arg8 : memref<1x1600xi32, #tpu.memory_space<vmem>>)
      tpu.yield
    }) : () -> ()
    "tpu.region"() ({
      %run_scoped3A = tpu.sem_alloc : memref<!tpu.dma_semaphore, #tpu.memory_space<semaphore_mem>>
      %dma_start3A_70 = arith.constant 0 : i32
      %dma_start3A_71 = arith.constant 0 : i32
      %dma_start3A_72 = tpu.memref_slice %arg4[%add3A, %dma_start3A_70, %dma_start3A_71] : memref<32x1x1600xi32, #tpu.memory_space<hbm>> -> memref<1x1x1600xi32, #tpu.memory_space<hbm>>
      %dma_start3A_73 = tpu.memref_squeeze %dma_start3A_72 : memref<1x1x1600xi32, #tpu.memory_space<hbm>> -> memref<1x1600xi32, #tpu.memory_space<hbm>>
      %dma_start3A_74 = arith.constant 0 : i32
      %dma_start3A_75 = arith.constant 0 : i32
      %dma_start3A_76 = tpu.memref_slice %arg4[%add3A, %dma_start3A_74, %dma_start3A_75] : memref<32x1x1600xi32, #tpu.memory_space<hbm>> -> memref<1x1x1600xi32, #tpu.memory_space<hbm>>
      %dma_start3A_77 = tpu.memref_squeeze %dma_start3A_76 : memref<1x1x1600xi32, #tpu.memory_space<hbm>> -> memref<1x1600xi32, #tpu.memory_space<hbm>>
      tpu.enqueue_dma source(%dma_start3A_77 : memref<1x1600xi32, #tpu.memory_space<hbm>>) target(%arg9 : memref<1x1600xi32, #tpu.memory_space<vmem>>) target_semaphore(%run_scoped3A : memref<!tpu.dma_semaphore, #tpu.memory_space<semaphore_mem>>)
      %dma_wait3A_78 = arith.constant 0 : i32
      %dma_wait3A_79 = arith.constant 0 : i32
      %dma_wait3A_80 = tpu.memref_slice %arg4[%add3A, %dma_wait3A_78, %dma_wait3A_79] : memref<32x1x1600xi32, #tpu.memory_space<hbm>> -> memref<1x1x1600xi32, #tpu.memory_space<hbm>>
      %dma_wait3A_81 = tpu.memref_squeeze %dma_wait3A_80 : memref<1x1x1600xi32, #tpu.memory_space<hbm>> -> memref<1x1600xi32, #tpu.memory_space<hbm>>
      %dma_wait3A_82 = arith.constant 0 : i32
      %dma_wait3A_83 = arith.constant 0 : i32
      %dma_wait3A_84 = tpu.memref_slice %arg4[%add3A, %dma_wait3A_82, %dma_wait3A_83] : memref<32x1x1600xi32, #tpu.memory_space<hbm>> -> memref<1x1x1600xi32, #tpu.memory_space<hbm>>
      %dma_wait3A_85 = tpu.memref_squeeze %dma_wait3A_84 : memref<1x1x1600xi32, #tpu.memory_space<hbm>> -> memref<1x1600xi32, #tpu.memory_space<hbm>>
      tpu.wait_dma2 semaphore(%run_scoped3A : memref<!tpu.dma_semaphore, #tpu.memory_space<semaphore_mem>>) src(%dma_wait3A_85 : memref<1x1600xi32, #tpu.memory_space<hbm>>) dst(%arg9 : memref<1x1600xi32, #tpu.memory_space<vmem>>)
      tpu.yield
    }) : () -> ()
    "tpu.region"() ({
      %run_scoped3A = tpu.sem_alloc : memref<!tpu.dma_semaphore, #tpu.memory_space<semaphore_mem>>
      %dma_start3A_70 = arith.constant 0 : i32
      %dma_start3A_71 = arith.constant 0 : i32
      %dma_start3A_72 = tpu.memref_slice %arg5[%add3A, %dma_start3A_70, %dma_start3A_71] : memref<32x1x1600xi32, #tpu.memory_space<hbm>> -> memref<1x1x1600xi32, #tpu.memory_space<hbm>>
      %dma_start3A_73 = tpu.memref_squeeze %dma_start3A_72 : memref<1x1x1600xi32, #tpu.memory_space<hbm>> -> memref<1x1600xi32, #tpu.memory_space<hbm>>
      %dma_start3A_74 = arith.constant 0 : i32
      %dma_start3A_75 = arith.constant 0 : i32
      %dma_start3A_76 = tpu.memref_slice %arg5[%add3A, %dma_start3A_74, %dma_start3A_75] : memref<32x1x1600xi32, #tpu.memory_space<hbm>> -> memref<1x1x1600xi32, #tpu.memory_space<hbm>>
      %dma_start3A_77 = tpu.memref_squeeze %dma_start3A_76 : memref<1x1x1600xi32, #tpu.memory_space<hbm>> -> memref<1x1600xi32, #tpu.memory_space<hbm>>
      tpu.enqueue_dma source(%dma_start3A_77 : memref<1x1600xi32, #tpu.memory_space<hbm>>) target(%arg10 : memref<1x1600xi32, #tpu.memory_space<vmem>>) target_semaphore(%run_scoped3A : memref<!tpu.dma_semaphore, #tpu.memory_space<semaphore_mem>>)
      %dma_wait3A_78 = arith.constant 0 : i32
      %dma_wait3A_79 = arith.constant 0 : i32
      %dma_wait3A_80 = tpu.memref_slice %arg5[%add3A, %dma_wait3A_78, %dma_wait3A_79] : memref<32x1x1600xi32, #tpu.memory_space<hbm>> -> memref<1x1x1600xi32, #tpu.memory_space<hbm>>
      %dma_wait3A_81 = tpu.memref_squeeze %dma_wait3A_80 : memref<1x1x1600xi32, #tpu.memory_space<hbm>> -> memref<1x1600xi32, #tpu.memory_space<hbm>>
      %dma_wait3A_82 = arith.constant 0 : i32
      %dma_wait3A_83 = arith.constant 0 : i32
      %dma_wait3A_84 = tpu.memref_slice %arg5[%add3A, %dma_wait3A_82, %dma_wait3A_83] : memref<32x1x1600xi32, #tpu.memory_space<hbm>> -> memref<1x1x1600xi32, #tpu.memory_space<hbm>>
      %dma_wait3A_85 = tpu.memref_squeeze %dma_wait3A_84 : memref<1x1x1600xi32, #tpu.memory_space<hbm>> -> memref<1x1600xi32, #tpu.memory_space<hbm>>
      tpu.wait_dma2 semaphore(%run_scoped3A : memref<!tpu.dma_semaphore, #tpu.memory_space<semaphore_mem>>) src(%dma_wait3A_85 : memref<1x1600xi32, #tpu.memory_space<hbm>>) dst(%arg10 : memref<1x1600xi32, #tpu.memory_space<vmem>>)
      tpu.yield
    }) : () -> ()
    "tpu.region"() ({
      %run_scoped3A = tpu.sem_alloc : memref<!tpu.dma_semaphore, #tpu.memory_space<semaphore_mem>>
      %dma_start3A_70 = arith.constant 0 : i32
      %dma_start3A_71 = arith.constant 0 : i32
      %dma_start3A_72 = tpu.memref_slice %arg6[%add3A, %dma_start3A_70, %dma_start3A_71] : memref<32x1x1600xf32, #tpu.memory_space<hbm>> -> memref<1x1x1600xf32, #tpu.memory_space<hbm>>
      %dma_start3A_73 = tpu.memref_squeeze %dma_start3A_72 : memref<1x1x1600xf32, #tpu.memory_space<hbm>> -> memref<1x1600xf32, #tpu.memory_space<hbm>>
      %dma_start3A_74 = arith.constant 0 : i32
      %dma_start3A_75 = arith.constant 0 : i32
      %dma_start3A_76 = tpu.memref_slice %arg6[%add3A, %dma_start3A_74, %dma_start3A_75] : memref<32x1x1600xf32, #tpu.memory_space<hbm>> -> memref<1x1x1600xf32, #tpu.memory_space<hbm>>
      %dma_start3A_77 = tpu.memref_squeeze %dma_start3A_76 : memref<1x1x1600xf32, #tpu.memory_space<hbm>> -> memref<1x1600xf32, #tpu.memory_space<hbm>>
      tpu.enqueue_dma source(%dma_start3A_77 : memref<1x1600xf32, #tpu.memory_space<hbm>>) target(%arg11 : memref<1x1600xf32, #tpu.memory_space<vmem>>) target_semaphore(%run_scoped3A : memref<!tpu.dma_semaphore, #tpu.memory_space<semaphore_mem>>)
      %dma_wait3A_78 = arith.constant 0 : i32
      %dma_wait3A_79 = arith.constant 0 : i32
      %dma_wait3A_80 = tpu.memref_slice %arg6[%add3A, %dma_wait3A_78, %dma_wait3A_79] : memref<32x1x1600xf32, #tpu.memory_space<hbm>> -> memref<1x1x1600xf32, #tpu.memory_space<hbm>>
      %dma_wait3A_81 = tpu.memref_squeeze %dma_wait3A_80 : memref<1x1x1600xf32, #tpu.memory_space<hbm>> -> memref<1x1600xf32, #tpu.memory_space<hbm>>
      %dma_wait3A_82 = arith.constant 0 : i32
      %dma_wait3A_83 = arith.constant 0 : i32
      %dma_wait3A_84 = tpu.memref_slice %arg6[%add3A, %dma_wait3A_82, %dma_wait3A_83] : memref<32x1x1600xf32, #tpu.memory_space<hbm>> -> memref<1x1x1600xf32, #tpu.memory_space<hbm>>
      %dma_wait3A_85 = tpu.memref_squeeze %dma_wait3A_84 : memref<1x1x1600xf32, #tpu.memory_space<hbm>> -> memref<1x1600xf32, #tpu.memory_space<hbm>>
      tpu.wait_dma2 semaphore(%run_scoped3A : memref<!tpu.dma_semaphore, #tpu.memory_space<semaphore_mem>>) src(%dma_wait3A_85 : memref<1x1600xf32, #tpu.memory_space<hbm>>) dst(%arg11 : memref<1x1600xf32, #tpu.memory_space<vmem>>)
      tpu.yield
    }) : () -> ()
    %scan3A_13 = arith.constant 0 : i32
    %scan3A_14 = arith.constant 0 : i32
    %scan3A_15 = arith.constant 10 : i32
    %scan3A_16 = arith.addi %scan3A_14, %scan3A_15 : i32
    %scan3A_17 = arith.constant 1 : i32
    scf.for %scan3A_70 = %scan3A_14 to %scan3A_16 step %scan3A_17  : i32 {
      %mul3A_71 = arith.constant 2 : i32
      %mul3A_72 = arith.muli %mul3A_71, %scan3A_70 : i32
      %add3A_73 = arith.constant 0 : i32
      %add3A_74 = arith.addi %mul3A_72, %add3A_73 : i32
      %gt3A = arith.constant 0 : i32
      %gt3A_75 = arith.cmpi sgt, %scan3A_70, %gt3A : i32
      %convert_element_type3A = arith.extui %gt3A_75 : i1 to i32
      %cond3A = arith.constant 0 : i32
      %cond3A_76 = arith.cmpi ne, %convert_element_type3A, %cond3A : i32
      scf.if %cond3A_76 {
        %sub3A_272 = arith.constant 2 : i32
        %sub3A_273 = arith.subi %add3A_74, %sub3A_272 : i32
        %jit3A_274 = arith.constant 20 : i32
        %div3A_275 = arith.divsi %sub3A_273, %jit3A_274 : i32
        %sign3A_276 = arith.constant 0 : i32
        %sign3A_277 = arith.cmpi sgt, %sub3A_273, %sign3A_276 : i32
        %sign3A_278 = arith.extui %sign3A_277 : i1 to i32
        %sign3A_279 = arith.constant 0 : i32
        %sign3A_280 = arith.cmpi slt, %sub3A_273, %sign3A_279 : i32
        %sign3A_281 = arith.extui %sign3A_280 : i1 to i32
        %sign3A_282 = arith.subi %sign3A_278, %sign3A_281 : i32
        %sign3A_283 = arith.constant 0 : i32
        %sign3A_284 = arith.cmpi sgt, %jit3A_274, %sign3A_283 : i32
        %sign3A_285 = arith.extui %sign3A_284 : i1 to i32
        %sign3A_286 = arith.constant 0 : i32
        %sign3A_287 = arith.cmpi slt, %jit3A_274, %sign3A_286 : i32
        %sign3A_288 = arith.extui %sign3A_287 : i1 to i32
        %sign3A_289 = arith.subi %sign3A_285, %sign3A_288 : i32
        %ne3A_290 = arith.cmpi ne, %sign3A_282, %sign3A_289 : i32
        %rem3A_291 = arith.remsi %sub3A_273, %jit3A_274 : i32
        %ne3A_292 = arith.constant 0 : i32
        %ne3A_293 = arith.cmpi ne, %rem3A_291, %ne3A_292 : i32
        %and3A_294 = arith.andi %ne3A_290, %ne3A_293 : i1
        %sub3A_295 = arith.constant 1 : i32
        %sub3A_296 = arith.subi %div3A_275, %sub3A_295 : i32
        %select_n3A_297 = arith.select %and3A_294, %sub3A_296, %div3A_275 : i32
        %jit3A_298 = arith.constant 20 : i32
        %eq3A_299 = arith.constant 0 : i32
        %eq3A_300 = arith.cmpi eq, %jit3A_298, %eq3A_299 : i32
        %jit3A_301 = arith.constant 1 : i32
        %select_n3A_302 = arith.select %eq3A_300, %jit3A_301, %jit3A_298 : i32
        %rem3A_303 = arith.remsi %sub3A_273, %select_n3A_302 : i32
        %ne3A_304 = arith.constant 0 : i32
        %ne3A_305 = arith.cmpi ne, %rem3A_303, %ne3A_304 : i32
        %lt3A_306 = arith.constant 0 : i32
        %lt3A_307 = arith.cmpi slt, %rem3A_303, %lt3A_306 : i32
        %lt3A_308 = arith.constant 0 : i32
        %lt3A_309 = arith.cmpi slt, %select_n3A_302, %lt3A_308 : i32
        %ne3A_310 = arith.xori %lt3A_307, %lt3A_309 : i1
        %and3A_311 = arith.andi %ne3A_310, %ne3A_305 : i1
        %add3A_312 = arith.addi %rem3A_303, %select_n3A_302 : i32
        %select_n3A_313 = arith.select %and3A_311, %add3A_312, %rem3A_303 : i32
        %mul3A_314 = arith.constant 1 : i32
        %mul3A_315 = arith.muli %add3A, %mul3A_314 : i32
        %add3A_316 = arith.constant 96 : i32
        %add3A_317 = arith.addi %add3A_316, %mul3A_315 : i32
        %add3A_318 = arith.addi %add3A_317, %select_n3A_297 : i32
        %mul3A_319 = arith.constant 8 : i32
        %mul3A_320 = arith.muli %add3A_318, %mul3A_319 : i32
        %mul3A_321 = arith.constant 4992 : i32
        %mul3A_322 = arith.muli %select_n3A_313, %mul3A_321 : i32
        %multiple_of3A_323 = tpu.assume_multiple %mul3A_322, 128 : i32
        %dma_wait3A_324 = tpu.memref_slice %arg2[%mul3A_320, %multiple_of3A_323] : memref<1024x100000xf32, #tpu.memory_space<hbm>> -> memref<8x4992xf32, #tpu.memory_space<hbm>>
        %dma_wait3A_325 = tpu.memref_slice %arg2[%mul3A_320, %multiple_of3A_323] : memref<1024x100000xf32, #tpu.memory_space<hbm>> -> memref<8x4992xf32, #tpu.memory_space<hbm>>
        tpu.wait_dma2 semaphore(%arg15 : memref<!tpu.dma_semaphore, #tpu.memory_space<semaphore_mem>>) src(%arg12 : memref<8x4992xf32, #tpu.memory_space<vmem>>) dst(%dma_wait3A_325 : memref<8x4992xf32, #tpu.memory_space<hbm>>)
        %jit3A_326 = arith.constant 20 : i32
        %div3A_327 = arith.divsi %sub3A_273, %jit3A_326 : i32
        %sign3A_328 = arith.constant 0 : i32
        %sign3A_329 = arith.cmpi sgt, %sub3A_273, %sign3A_328 : i32
        %sign3A_330 = arith.extui %sign3A_329 : i1 to i32
        %sign3A_331 = arith.constant 0 : i32
        %sign3A_332 = arith.cmpi slt, %sub3A_273, %sign3A_331 : i32
        %sign3A_333 = arith.extui %sign3A_332 : i1 to i32
        %sign3A_334 = arith.subi %sign3A_330, %sign3A_333 : i32
        %sign3A_335 = arith.constant 0 : i32
        %sign3A_336 = arith.cmpi sgt, %jit3A_326, %sign3A_335 : i32
        %sign3A_337 = arith.extui %sign3A_336 : i1 to i32
        %sign3A_338 = arith.constant 0 : i32
        %sign3A_339 = arith.cmpi slt, %jit3A_326, %sign3A_338 : i32
        %sign3A_340 = arith.extui %sign3A_339 : i1 to i32
        %sign3A_341 = arith.subi %sign3A_337, %sign3A_340 : i32
        %ne3A_342 = arith.cmpi ne, %sign3A_334, %sign3A_341 : i32
        %rem3A_343 = arith.remsi %sub3A_273, %jit3A_326 : i32
        %ne3A_344 = arith.constant 0 : i32
        %ne3A_345 = arith.cmpi ne, %rem3A_343, %ne3A_344 : i32
        %and3A_346 = arith.andi %ne3A_342, %ne3A_345 : i1
        %sub3A_347 = arith.constant 1 : i32
        %sub3A_348 = arith.subi %div3A_327, %sub3A_347 : i32
        %select_n3A_349 = arith.select %and3A_346, %sub3A_348, %div3A_327 : i32
        %jit3A_350 = arith.constant 20 : i32
        %eq3A_351 = arith.constant 0 : i32
        %eq3A_352 = arith.cmpi eq, %jit3A_350, %eq3A_351 : i32
        %jit3A_353 = arith.constant 1 : i32
        %select_n3A_354 = arith.select %eq3A_352, %jit3A_353, %jit3A_350 : i32
        %rem3A_355 = arith.remsi %sub3A_273, %select_n3A_354 : i32
        %ne3A_356 = arith.constant 0 : i32
        %ne3A_357 = arith.cmpi ne, %rem3A_355, %ne3A_356 : i32
        %lt3A_358 = arith.constant 0 : i32
        %lt3A_359 = arith.cmpi slt, %rem3A_355, %lt3A_358 : i32
        %lt3A_360 = arith.constant 0 : i32
        %lt3A_361 = arith.cmpi slt, %select_n3A_354, %lt3A_360 : i32
        %ne3A_362 = arith.xori %lt3A_359, %lt3A_361 : i1
        %and3A_363 = arith.andi %ne3A_362, %ne3A_357 : i1
        %add3A_364 = arith.addi %rem3A_355, %select_n3A_354 : i32
        %select_n3A_365 = arith.select %and3A_363, %add3A_364, %rem3A_355 : i32
        %scan3A_366 = arith.constant 0 : i32
        %scan3A_367 = arith.constant 0 : i32
        %scan3A_368 = arith.constant 100 : i32
        %scan3A_369 = arith.addi %scan3A_367, %scan3A_368 : i32
        %scan3A_370 = arith.constant 1 : i32
        scf.for %scan3A_372 = %scan3A_367 to %scan3A_369 step %scan3A_370  : i32 {
          %mul3A_373 = arith.constant 16 : i32
          %mul3A_374 = arith.muli %scan3A_372, %mul3A_373 : i32
          %get3A = arith.index_cast %select_n3A_349 : i32 to index
          %get3A_375 = arith.index_cast %mul3A_374 : i32 to index
          %get3A_376 = tpu.vector_load %arg8[%get3A, %get3A_375] {strides = array<i32>} : memref<1x1600xi32, #tpu.memory_space<vmem>>, vector<16xi32>,
          %mul3A_377 = arith.constant 16 : i32
          %mul3A_378 = arith.muli %scan3A_372, %mul3A_377 : i32
          %get3A_379 = arith.index_cast %select_n3A_349 : i32 to index
          %get3A_380 = arith.index_cast %mul3A_378 : i32 to index
          %get3A_381 = tpu.vector_load %arg9[%get3A_379, %get3A_380] {strides = array<i32>} : memref<1x1600xi32, #tpu.memory_space<vmem>>, vector<16xi32>,
          %mul3A_382 = arith.constant 16 : i32
          %mul3A_383 = arith.muli %scan3A_372, %mul3A_382 : i32
          %get3A_384 = arith.index_cast %select_n3A_349 : i32 to index
          %get3A_385 = arith.index_cast %mul3A_383 : i32 to index
          %get3A_386 = tpu.vector_load %arg10[%get3A_384, %get3A_385] {strides = array<i32>} : memref<1x1600xi32, #tpu.memory_space<vmem>>, vector<16xi32>,
          %eq3A_387 = vector.broadcast %select_n3A_365 : i32 to vector<16xi32>
          %eq3A_388 = arith.cmpi eq, %get3A_381, %eq3A_387 : vector<16xi32>
          tpu.vector_store_idx %arg12[%get3A_376, %get3A_386], %broadcast_in_dim3A_1 masked %eq3A_388 : memref<8x4992xf32, #tpu.memory_space<vmem>>[vector<16xi32>, vector<16xi32>], vector<16xf32>, vector<16xi1>
        }
        %scan3A_371 = arith.constant 100 : i32
      } else {
      }
      %jit3A = arith.constant 20 : i32
      %div3A = arith.divsi %add3A_74, %jit3A : i32
      %sign3A = arith.constant 0 : i32
      %sign3A_77 = arith.cmpi sgt, %add3A_74, %sign3A : i32
      %sign3A_78 = arith.extui %sign3A_77 : i1 to i32
      %sign3A_79 = arith.constant 0 : i32
      %sign3A_80 = arith.cmpi slt, %add3A_74, %sign3A_79 : i32
      %sign3A_81 = arith.extui %sign3A_80 : i1 to i32
      %sign3A_82 = arith.subi %sign3A_78, %sign3A_81 : i32
      %sign3A_83 = arith.constant 0 : i32
      %sign3A_84 = arith.cmpi sgt, %jit3A, %sign3A_83 : i32
      %sign3A_85 = arith.extui %sign3A_84 : i1 to i32
      %sign3A_86 = arith.constant 0 : i32
      %sign3A_87 = arith.cmpi slt, %jit3A, %sign3A_86 : i32
      %sign3A_88 = arith.extui %sign3A_87 : i1 to i32
      %sign3A_89 = arith.subi %sign3A_85, %sign3A_88 : i32
      %ne3A = arith.cmpi ne, %sign3A_82, %sign3A_89 : i32
      %rem3A = arith.remsi %add3A_74, %jit3A : i32
      %ne3A_90 = arith.constant 0 : i32
      %ne3A_91 = arith.cmpi ne, %rem3A, %ne3A_90 : i32
      %and3A = arith.andi %ne3A, %ne3A_91 : i1
      %sub3A = arith.constant 1 : i32
      %sub3A_92 = arith.subi %div3A, %sub3A : i32
      %select_n3A = arith.select %and3A, %sub3A_92, %div3A : i32
      %jit3A_93 = arith.constant 20 : i32
      %eq3A = arith.constant 0 : i32
      %eq3A_94 = arith.cmpi eq, %jit3A_93, %eq3A : i32
      %jit3A_95 = arith.constant 1 : i32
      %select_n3A_96 = arith.select %eq3A_94, %jit3A_95, %jit3A_93 : i32
      %rem3A_97 = arith.remsi %add3A_74, %select_n3A_96 : i32
      %ne3A_98 = arith.constant 0 : i32
      %ne3A_99 = arith.cmpi ne, %rem3A_97, %ne3A_98 : i32
      %lt3A = arith.constant 0 : i32
      %lt3A_100 = arith.cmpi slt, %rem3A_97, %lt3A : i32
      %lt3A_101 = arith.constant 0 : i32
      %lt3A_102 = arith.cmpi slt, %select_n3A_96, %lt3A_101 : i32
      %ne3A_103 = arith.xori %lt3A_100, %lt3A_102 : i1
      %and3A_104 = arith.andi %ne3A_103, %ne3A_99 : i1
      %add3A_105 = arith.addi %rem3A_97, %select_n3A_96 : i32
      %select_n3A_106 = arith.select %and3A_104, %add3A_105, %rem3A_97 : i32
      %scan3A_107 = arith.constant 0 : i32
      %scan3A_108 = arith.constant 0 : i32
      %scan3A_109 = arith.constant 100 : i32
      %scan3A_110 = arith.addi %scan3A_108, %scan3A_109 : i32
      %scan3A_111 = arith.constant 1 : i32
      scf.for %scan3A_272 = %scan3A_108 to %scan3A_110 step %scan3A_111  : i32 {
        %mul3A_273 = arith.constant 16 : i32
        %mul3A_274 = arith.muli %scan3A_272, %mul3A_273 : i32
        %get3A = arith.index_cast %select_n3A : i32 to index
        %get3A_275 = arith.index_cast %mul3A_274 : i32 to index
        %get3A_276 = tpu.vector_load %arg8[%get3A, %get3A_275] {strides = array<i32>} : memref<1x1600xi32, #tpu.memory_space<vmem>>, vector<16xi32>,
        %mul3A_277 = arith.constant 16 : i32
        %mul3A_278 = arith.muli %scan3A_272, %mul3A_277 : i32
        %get3A_279 = arith.index_cast %select_n3A : i32 to index
        %get3A_280 = arith.index_cast %mul3A_278 : i32 to index
        %get3A_281 = tpu.vector_load %arg9[%get3A_279, %get3A_280] {strides = array<i32>} : memref<1x1600xi32, #tpu.memory_space<vmem>>, vector<16xi32>,
        %mul3A_282 = arith.constant 16 : i32
        %mul3A_283 = arith.muli %scan3A_272, %mul3A_282 : i32
        %get3A_284 = arith.index_cast %select_n3A : i32 to index
        %get3A_285 = arith.index_cast %mul3A_283 : i32 to index
        %get3A_286 = tpu.vector_load %arg10[%get3A_284, %get3A_285] {strides = array<i32>} : memref<1x1600xi32, #tpu.memory_space<vmem>>, vector<16xi32>,
        %mul3A_287 = arith.constant 16 : i32
        %mul3A_288 = arith.muli %scan3A_272, %mul3A_287 : i32
        %get3A_289 = arith.index_cast %select_n3A : i32 to index
        %get3A_290 = arith.index_cast %mul3A_288 : i32 to index
        %get3A_291 = tpu.vector_load %arg11[%get3A_289, %get3A_290] {strides = array<i32>} : memref<1x1600xf32, #tpu.memory_space<vmem>>, vector<16xf32>,
        %eq3A_292 = vector.broadcast %select_n3A_106 : i32 to vector<16xi32>
        %eq3A_293 = arith.cmpi eq, %get3A_281, %eq3A_292 : vector<16xi32>
        tpu.vector_store_idx %arg12[%get3A_276, %get3A_286], %get3A_291 masked %eq3A_293 : memref<8x4992xf32, #tpu.memory_space<vmem>>[vector<16xi32>, vector<16xi32>], vector<16xf32>, vector<16xi1>
      }
      %scan3A_112 = arith.constant 100 : i32
      %jit3A_113 = arith.constant 20 : i32
      %div3A_114 = arith.divsi %add3A_74, %jit3A_113 : i32
      %sign3A_115 = arith.constant 0 : i32
      %sign3A_116 = arith.cmpi sgt, %add3A_74, %sign3A_115 : i32
      %sign3A_117 = arith.extui %sign3A_116 : i1 to i32
      %sign3A_118 = arith.constant 0 : i32
      %sign3A_119 = arith.cmpi slt, %add3A_74, %sign3A_118 : i32
      %sign3A_120 = arith.extui %sign3A_119 : i1 to i32
      %sign3A_121 = arith.subi %sign3A_117, %sign3A_120 : i32
      %sign3A_122 = arith.constant 0 : i32
      %sign3A_123 = arith.cmpi sgt, %jit3A_113, %sign3A_122 : i32
      %sign3A_124 = arith.extui %sign3A_123 : i1 to i32
      %sign3A_125 = arith.constant 0 : i32
      %sign3A_126 = arith.cmpi slt, %jit3A_113, %sign3A_125 : i32
      %sign3A_127 = arith.extui %sign3A_126 : i1 to i32
      %sign3A_128 = arith.subi %sign3A_124, %sign3A_127 : i32
      %ne3A_129 = arith.cmpi ne, %sign3A_121, %sign3A_128 : i32
      %rem3A_130 = arith.remsi %add3A_74, %jit3A_113 : i32
      %ne3A_131 = arith.constant 0 : i32
      %ne3A_132 = arith.cmpi ne, %rem3A_130, %ne3A_131 : i32
      %and3A_133 = arith.andi %ne3A_129, %ne3A_132 : i1
      %sub3A_134 = arith.constant 1 : i32
      %sub3A_135 = arith.subi %div3A_114, %sub3A_134 : i32
      %select_n3A_136 = arith.select %and3A_133, %sub3A_135, %div3A_114 : i32
      %jit3A_137 = arith.constant 20 : i32
      %eq3A_138 = arith.constant 0 : i32
      %eq3A_139 = arith.cmpi eq, %jit3A_137, %eq3A_138 : i32
      %jit3A_140 = arith.constant 1 : i32
      %select_n3A_141 = arith.select %eq3A_139, %jit3A_140, %jit3A_137 : i32
      %rem3A_142 = arith.remsi %add3A_74, %select_n3A_141 : i32
      %ne3A_143 = arith.constant 0 : i32
      %ne3A_144 = arith.cmpi ne, %rem3A_142, %ne3A_143 : i32
      %lt3A_145 = arith.constant 0 : i32
      %lt3A_146 = arith.cmpi slt, %rem3A_142, %lt3A_145 : i32
      %lt3A_147 = arith.constant 0 : i32
      %lt3A_148 = arith.cmpi slt, %select_n3A_141, %lt3A_147 : i32
      %ne3A_149 = arith.xori %lt3A_146, %lt3A_148 : i1
      %and3A_150 = arith.andi %ne3A_149, %ne3A_144 : i1
      %add3A_151 = arith.addi %rem3A_142, %select_n3A_141 : i32
      %select_n3A_152 = arith.select %and3A_150, %add3A_151, %rem3A_142 : i32
      %mul3A_153 = arith.constant 1 : i32
      %mul3A_154 = arith.muli %add3A, %mul3A_153 : i32
      %add3A_155 = arith.constant 96 : i32
      %add3A_156 = arith.addi %add3A_155, %mul3A_154 : i32
      %add3A_157 = arith.addi %add3A_156, %select_n3A_136 : i32
      %mul3A_158 = arith.constant 8 : i32
      %mul3A_159 = arith.muli %add3A_157, %mul3A_158 : i32
      %mul3A_160 = arith.constant 4992 : i32
      %mul3A_161 = arith.muli %select_n3A_152, %mul3A_160 : i32
      %multiple_of3A_162 = tpu.assume_multiple %mul3A_161, 128 : i32
      %dma_start3A_163 = tpu.memref_slice %arg2[%mul3A_159, %multiple_of3A_162] : memref<1024x100000xf32, #tpu.memory_space<hbm>> -> memref<8x4992xf32, #tpu.memory_space<hbm>>
      %dma_start3A_164 = tpu.memref_slice %arg2[%mul3A_159, %multiple_of3A_162] : memref<1024x100000xf32, #tpu.memory_space<hbm>> -> memref<8x4992xf32, #tpu.memory_space<hbm>>
      tpu.enqueue_dma source(%arg12 : memref<8x4992xf32, #tpu.memory_space<vmem>>) target(%dma_start3A_164 : memref<8x4992xf32, #tpu.memory_space<hbm>>) target_semaphore(%arg15 : memref<!tpu.dma_semaphore, #tpu.memory_space<semaphore_mem>>)
      %mul3A_165 = arith.constant 2 : i32
      %mul3A_166 = arith.muli %mul3A_165, %scan3A_70 : i32
      %add3A_167 = arith.constant 1 : i32
      %add3A_168 = arith.addi %mul3A_166, %add3A_167 : i32
      %gt3A_169 = arith.constant 0 : i32
      %gt3A_170 = arith.cmpi sgt, %scan3A_70, %gt3A_169 : i32
      %convert_element_type3A_171 = arith.extui %gt3A_170 : i1 to i32
      %cond3A_172 = arith.constant 0 : i32
      %cond3A_173 = arith.cmpi ne, %convert_element_type3A_171, %cond3A_172 : i32
      scf.if %cond3A_173 {
        %sub3A_272 = arith.constant 2 : i32
        %sub3A_273 = arith.subi %add3A_168, %sub3A_272 : i32
        %jit3A_274 = arith.constant 20 : i32
        %div3A_275 = arith.divsi %sub3A_273, %jit3A_274 : i32
        %sign3A_276 = arith.constant 0 : i32
        %sign3A_277 = arith.cmpi sgt, %sub3A_273, %sign3A_276 : i32
        %sign3A_278 = arith.extui %sign3A_277 : i1 to i32
        %sign3A_279 = arith.constant 0 : i32
        %sign3A_280 = arith.cmpi slt, %sub3A_273, %sign3A_279 : i32
        %sign3A_281 = arith.extui %sign3A_280 : i1 to i32
        %sign3A_282 = arith.subi %sign3A_278, %sign3A_281 : i32
        %sign3A_283 = arith.constant 0 : i32
        %sign3A_284 = arith.cmpi sgt, %jit3A_274, %sign3A_283 : i32
        %sign3A_285 = arith.extui %sign3A_284 : i1 to i32
        %sign3A_286 = arith.constant 0 : i32
        %sign3A_287 = arith.cmpi slt, %jit3A_274, %sign3A_286 : i32
        %sign3A_288 = arith.extui %sign3A_287 : i1 to i32
        %sign3A_289 = arith.subi %sign3A_285, %sign3A_288 : i32
        %ne3A_290 = arith.cmpi ne, %sign3A_282, %sign3A_289 : i32
        %rem3A_291 = arith.remsi %sub3A_273, %jit3A_274 : i32
        %ne3A_292 = arith.constant 0 : i32
        %ne3A_293 = arith.cmpi ne, %rem3A_291, %ne3A_292 : i32
        %and3A_294 = arith.andi %ne3A_290, %ne3A_293 : i1
        %sub3A_295 = arith.constant 1 : i32
        %sub3A_296 = arith.subi %div3A_275, %sub3A_295 : i32
        %select_n3A_297 = arith.select %and3A_294, %sub3A_296, %div3A_275 : i32
        %jit3A_298 = arith.constant 20 : i32
        %eq3A_299 = arith.constant 0 : i32
        %eq3A_300 = arith.cmpi eq, %jit3A_298, %eq3A_299 : i32
        %jit3A_301 = arith.constant 1 : i32
        %select_n3A_302 = arith.select %eq3A_300, %jit3A_301, %jit3A_298 : i32
        %rem3A_303 = arith.remsi %sub3A_273, %select_n3A_302 : i32
        %ne3A_304 = arith.constant 0 : i32
        %ne3A_305 = arith.cmpi ne, %rem3A_303, %ne3A_304 : i32
        %lt3A_306 = arith.constant 0 : i32
        %lt3A_307 = arith.cmpi slt, %rem3A_303, %lt3A_306 : i32
        %lt3A_308 = arith.constant 0 : i32
        %lt3A_309 = arith.cmpi slt, %select_n3A_302, %lt3A_308 : i32
        %ne3A_310 = arith.xori %lt3A_307, %lt3A_309 : i1
        %and3A_311 = arith.andi %ne3A_310, %ne3A_305 : i1
        %add3A_312 = arith.addi %rem3A_303, %select_n3A_302 : i32
        %select_n3A_313 = arith.select %and3A_311, %add3A_312, %rem3A_303 : i32
        %mul3A_314 = arith.constant 1 : i32
        %mul3A_315 = arith.muli %add3A, %mul3A_314 : i32
        %add3A_316 = arith.constant 96 : i32
        %add3A_317 = arith.addi %add3A_316, %mul3A_315 : i32
        %add3A_318 = arith.addi %add3A_317, %select_n3A_297 : i32
        %mul3A_319 = arith.constant 8 : i32
        %mul3A_320 = arith.muli %add3A_318, %mul3A_319 : i32
        %mul3A_321 = arith.constant 4992 : i32
        %mul3A_322 = arith.muli %select_n3A_313, %mul3A_321 : i32
        %multiple_of3A_323 = tpu.assume_multiple %mul3A_322, 128 : i32
        %dma_wait3A_324 = tpu.memref_slice %arg2[%mul3A_320, %multiple_of3A_323] : memref<1024x100000xf32, #tpu.memory_space<hbm>> -> memref<8x4992xf32, #tpu.memory_space<hbm>>
        %dma_wait3A_325 = tpu.memref_slice %arg2[%mul3A_320, %multiple_of3A_323] : memref<1024x100000xf32, #tpu.memory_space<hbm>> -> memref<8x4992xf32, #tpu.memory_space<hbm>>
        tpu.wait_dma2 semaphore(%arg16 : memref<!tpu.dma_semaphore, #tpu.memory_space<semaphore_mem>>) src(%arg13 : memref<8x4992xf32, #tpu.memory_space<vmem>>) dst(%dma_wait3A_325 : memref<8x4992xf32, #tpu.memory_space<hbm>>)
        %jit3A_326 = arith.constant 20 : i32
        %div3A_327 = arith.divsi %sub3A_273, %jit3A_326 : i32
        %sign3A_328 = arith.constant 0 : i32
        %sign3A_329 = arith.cmpi sgt, %sub3A_273, %sign3A_328 : i32
        %sign3A_330 = arith.extui %sign3A_329 : i1 to i32
        %sign3A_331 = arith.constant 0 : i32
        %sign3A_332 = arith.cmpi slt, %sub3A_273, %sign3A_331 : i32
        %sign3A_333 = arith.extui %sign3A_332 : i1 to i32
        %sign3A_334 = arith.subi %sign3A_330, %sign3A_333 : i32
        %sign3A_335 = arith.constant 0 : i32
        %sign3A_336 = arith.cmpi sgt, %jit3A_326, %sign3A_335 : i32
        %sign3A_337 = arith.extui %sign3A_336 : i1 to i32
        %sign3A_338 = arith.constant 0 : i32
        %sign3A_339 = arith.cmpi slt, %jit3A_326, %sign3A_338 : i32
        %sign3A_340 = arith.extui %sign3A_339 : i1 to i32
        %sign3A_341 = arith.subi %sign3A_337, %sign3A_340 : i32
        %ne3A_342 = arith.cmpi ne, %sign3A_334, %sign3A_341 : i32
        %rem3A_343 = arith.remsi %sub3A_273, %jit3A_326 : i32
        %ne3A_344 = arith.constant 0 : i32
        %ne3A_345 = arith.cmpi ne, %rem3A_343, %ne3A_344 : i32
        %and3A_346 = arith.andi %ne3A_342, %ne3A_345 : i1
        %sub3A_347 = arith.constant 1 : i32
        %sub3A_348 = arith.subi %div3A_327, %sub3A_347 : i32
        %select_n3A_349 = arith.select %and3A_346, %sub3A_348, %div3A_327 : i32
        %jit3A_350 = arith.constant 20 : i32
        %eq3A_351 = arith.constant 0 : i32
        %eq3A_352 = arith.cmpi eq, %jit3A_350, %eq3A_351 : i32
        %jit3A_353 = arith.constant 1 : i32
        %select_n3A_354 = arith.select %eq3A_352, %jit3A_353, %jit3A_350 : i32
        %rem3A_355 = arith.remsi %sub3A_273, %select_n3A_354 : i32
        %ne3A_356 = arith.constant 0 : i32
        %ne3A_357 = arith.cmpi ne, %rem3A_355, %ne3A_356 : i32
        %lt3A_358 = arith.constant 0 : i32
        %lt3A_359 = arith.cmpi slt, %rem3A_355, %lt3A_358 : i32
        %lt3A_360 = arith.constant 0 : i32
        %lt3A_361 = arith.cmpi slt, %select_n3A_354, %lt3A_360 : i32
        %ne3A_362 = arith.xori %lt3A_359, %lt3A_361 : i1
        %and3A_363 = arith.andi %ne3A_362, %ne3A_357 : i1
        %add3A_364 = arith.addi %rem3A_355, %select_n3A_354 : i32
        %select_n3A_365 = arith.select %and3A_363, %add3A_364, %rem3A_355 : i32
        %scan3A_366 = arith.constant 0 : i32
        %scan3A_367 = arith.constant 0 : i32
        %scan3A_368 = arith.constant 100 : i32
        %scan3A_369 = arith.addi %scan3A_367, %scan3A_368 : i32
        %scan3A_370 = arith.constant 1 : i32
        scf.for %scan3A_372 = %scan3A_367 to %scan3A_369 step %scan3A_370  : i32 {
          %mul3A_373 = arith.constant 16 : i32
          %mul3A_374 = arith.muli %scan3A_372, %mul3A_373 : i32
          %get3A = arith.index_cast %select_n3A_349 : i32 to index
          %get3A_375 = arith.index_cast %mul3A_374 : i32 to index
          %get3A_376 = tpu.vector_load %arg8[%get3A, %get3A_375] {strides = array<i32>} : memref<1x1600xi32, #tpu.memory_space<vmem>>, vector<16xi32>,
          %mul3A_377 = arith.constant 16 : i32
          %mul3A_378 = arith.muli %scan3A_372, %mul3A_377 : i32
          %get3A_379 = arith.index_cast %select_n3A_349 : i32 to index
          %get3A_380 = arith.index_cast %mul3A_378 : i32 to index
          %get3A_381 = tpu.vector_load %arg9[%get3A_379, %get3A_380] {strides = array<i32>} : memref<1x1600xi32, #tpu.memory_space<vmem>>, vector<16xi32>,
          %mul3A_382 = arith.constant 16 : i32
          %mul3A_383 = arith.muli %scan3A_372, %mul3A_382 : i32
          %get3A_384 = arith.index_cast %select_n3A_349 : i32 to index
          %get3A_385 = arith.index_cast %mul3A_383 : i32 to index
          %get3A_386 = tpu.vector_load %arg10[%get3A_384, %get3A_385] {strides = array<i32>} : memref<1x1600xi32, #tpu.memory_space<vmem>>, vector<16xi32>,
          %eq3A_387 = vector.broadcast %select_n3A_365 : i32 to vector<16xi32>
          %eq3A_388 = arith.cmpi eq, %get3A_381, %eq3A_387 : vector<16xi32>
          tpu.vector_store_idx %arg13[%get3A_376, %get3A_386], %broadcast_in_dim3A_1 masked %eq3A_388 : memref<8x4992xf32, #tpu.memory_space<vmem>>[vector<16xi32>, vector<16xi32>], vector<16xf32>, vector<16xi1>
        }
        %scan3A_371 = arith.constant 100 : i32
      } else {
      }
      %jit3A_174 = arith.constant 20 : i32
      %div3A_175 = arith.divsi %add3A_168, %jit3A_174 : i32
      %sign3A_176 = arith.constant 0 : i32
      %sign3A_177 = arith.cmpi sgt, %add3A_168, %sign3A_176 : i32
      %sign3A_178 = arith.extui %sign3A_177 : i1 to i32
      %sign3A_179 = arith.constant 0 : i32
      %sign3A_180 = arith.cmpi slt, %add3A_168, %sign3A_179 : i32
      %sign3A_181 = arith.extui %sign3A_180 : i1 to i32
      %sign3A_182 = arith.subi %sign3A_178, %sign3A_181 : i32
      %sign3A_183 = arith.constant 0 : i32
      %sign3A_184 = arith.cmpi sgt, %jit3A_174, %sign3A_183 : i32
      %sign3A_185 = arith.extui %sign3A_184 : i1 to i32
      %sign3A_186 = arith.constant 0 : i32
      %sign3A_187 = arith.cmpi slt, %jit3A_174, %sign3A_186 : i32
      %sign3A_188 = arith.extui %sign3A_187 : i1 to i32
      %sign3A_189 = arith.subi %sign3A_185, %sign3A_188 : i32
      %ne3A_190 = arith.cmpi ne, %sign3A_182, %sign3A_189 : i32
      %rem3A_191 = arith.remsi %add3A_168, %jit3A_174 : i32
      %ne3A_192 = arith.constant 0 : i32
      %ne3A_193 = arith.cmpi ne, %rem3A_191, %ne3A_192 : i32
      %and3A_194 = arith.andi %ne3A_190, %ne3A_193 : i1
      %sub3A_195 = arith.constant 1 : i32
      %sub3A_196 = arith.subi %div3A_175, %sub3A_195 : i32
      %select_n3A_197 = arith.select %and3A_194, %sub3A_196, %div3A_175 : i32
      %jit3A_198 = arith.constant 20 : i32
      %eq3A_199 = arith.constant 0 : i32
      %eq3A_200 = arith.cmpi eq, %jit3A_198, %eq3A_199 : i32
      %jit3A_201 = arith.constant 1 : i32
      %select_n3A_202 = arith.select %eq3A_200, %jit3A_201, %jit3A_198 : i32
      %rem3A_203 = arith.remsi %add3A_168, %select_n3A_202 : i32
      %ne3A_204 = arith.constant 0 : i32
      %ne3A_205 = arith.cmpi ne, %rem3A_203, %ne3A_204 : i32
      %lt3A_206 = arith.constant 0 : i32
      %lt3A_207 = arith.cmpi slt, %rem3A_203, %lt3A_206 : i32
      %lt3A_208 = arith.constant 0 : i32
      %lt3A_209 = arith.cmpi slt, %select_n3A_202, %lt3A_208 : i32
      %ne3A_210 = arith.xori %lt3A_207, %lt3A_209 : i1
      %and3A_211 = arith.andi %ne3A_210, %ne3A_205 : i1
      %add3A_212 = arith.addi %rem3A_203, %select_n3A_202 : i32
      %select_n3A_213 = arith.select %and3A_211, %add3A_212, %rem3A_203 : i32
      %scan3A_214 = arith.constant 0 : i32
      %scan3A_215 = arith.constant 0 : i32
      %scan3A_216 = arith.constant 100 : i32
      %scan3A_217 = arith.addi %scan3A_215, %scan3A_216 : i32
      %scan3A_218 = arith.constant 1 : i32
      scf.for %scan3A_272 = %scan3A_215 to %scan3A_217 step %scan3A_218  : i32 {
        %mul3A_273 = arith.constant 16 : i32
        %mul3A_274 = arith.muli %scan3A_272, %mul3A_273 : i32
        %get3A = arith.index_cast %select_n3A_197 : i32 to index
        %get3A_275 = arith.index_cast %mul3A_274 : i32 to index
        %get3A_276 = tpu.vector_load %arg8[%get3A, %get3A_275] {strides = array<i32>} : memref<1x1600xi32, #tpu.memory_space<vmem>>, vector<16xi32>,
        %mul3A_277 = arith.constant 16 : i32
        %mul3A_278 = arith.muli %scan3A_272, %mul3A_277 : i32
        %get3A_279 = arith.index_cast %select_n3A_197 : i32 to index
        %get3A_280 = arith.index_cast %mul3A_278 : i32 to index
        %get3A_281 = tpu.vector_load %arg9[%get3A_279, %get3A_280] {strides = array<i32>} : memref<1x1600xi32, #tpu.memory_space<vmem>>, vector<16xi32>,
        %mul3A_282 = arith.constant 16 : i32
        %mul3A_283 = arith.muli %scan3A_272, %mul3A_282 : i32
        %get3A_284 = arith.index_cast %select_n3A_197 : i32 to index
        %get3A_285 = arith.index_cast %mul3A_283 : i32 to index
        %get3A_286 = tpu.vector_load %arg10[%get3A_284, %get3A_285] {strides = array<i32>} : memref<1x1600xi32, #tpu.memory_space<vmem>>, vector<16xi32>,
        %mul3A_287 = arith.constant 16 : i32
        %mul3A_288 = arith.muli %scan3A_272, %mul3A_287 : i32
        %get3A_289 = arith.index_cast %select_n3A_197 : i32 to index
        %get3A_290 = arith.index_cast %mul3A_288 : i32 to index
        %get3A_291 = tpu.vector_load %arg11[%get3A_289, %get3A_290] {strides = array<i32>} : memref<1x1600xf32, #tpu.memory_space<vmem>>, vector<16xf32>,
        %eq3A_292 = vector.broadcast %select_n3A_213 : i32 to vector<16xi32>
        %eq3A_293 = arith.cmpi eq, %get3A_281, %eq3A_292 : vector<16xi32>
        tpu.vector_store_idx %arg13[%get3A_276, %get3A_286], %get3A_291 masked %eq3A_293 : memref<8x4992xf32, #tpu.memory_space<vmem>>[vector<16xi32>, vector<16xi32>], vector<16xf32>, vector<16xi1>
      }
      %scan3A_219 = arith.constant 100 : i32
      %jit3A_220 = arith.constant 20 : i32
      %div3A_221 = arith.divsi %add3A_168, %jit3A_220 : i32
      %sign3A_222 = arith.constant 0 : i32
      %sign3A_223 = arith.cmpi sgt, %add3A_168, %sign3A_222 : i32
      %sign3A_224 = arith.extui %sign3A_223 : i1 to i32
      %sign3A_225 = arith.constant 0 : i32
      %sign3A_226 = arith.cmpi slt, %add3A_168, %sign3A_225 : i32
      %sign3A_227 = arith.extui %sign3A_226 : i1 to i32
      %sign3A_228 = arith.subi %sign3A_224, %sign3A_227 : i32
      %sign3A_229 = arith.constant 0 : i32
      %sign3A_230 = arith.cmpi sgt, %jit3A_220, %sign3A_229 : i32
      %sign3A_231 = arith.extui %sign3A_230 : i1 to i32
      %sign3A_232 = arith.constant 0 : i32
      %sign3A_233 = arith.cmpi slt, %jit3A_220, %sign3A_232 : i32
      %sign3A_234 = arith.extui %sign3A_233 : i1 to i32
      %sign3A_235 = arith.subi %sign3A_231, %sign3A_234 : i32
      %ne3A_236 = arith.cmpi ne, %sign3A_228, %sign3A_235 : i32
      %rem3A_237 = arith.remsi %add3A_168, %jit3A_220 : i32
      %ne3A_238 = arith.constant 0 : i32
      %ne3A_239 = arith.cmpi ne, %rem3A_237, %ne3A_238 : i32
      %and3A_240 = arith.andi %ne3A_236, %ne3A_239 : i1
      %sub3A_241 = arith.constant 1 : i32
      %sub3A_242 = arith.subi %div3A_221, %sub3A_241 : i32
      %select_n3A_243 = arith.select %and3A_240, %sub3A_242, %div3A_221 : i32
      %jit3A_244 = arith.constant 20 : i32
      %eq3A_245 = arith.constant 0 : i32
      %eq3A_246 = arith.cmpi eq, %jit3A_244, %eq3A_245 : i32
      %jit3A_247 = arith.constant 1 : i32
      %select_n3A_248 = arith.select %eq3A_246, %jit3A_247, %jit3A_244 : i32
      %rem3A_249 = arith.remsi %add3A_168, %select_n3A_248 : i32
      %ne3A_250 = arith.constant 0 : i32
      %ne3A_251 = arith.cmpi ne, %rem3A_249, %ne3A_250 : i32
      %lt3A_252 = arith.constant 0 : i32
      %lt3A_253 = arith.cmpi slt, %rem3A_249, %lt3A_252 : i32
      %lt3A_254 = arith.constant 0 : i32
      %lt3A_255 = arith.cmpi slt, %select_n3A_248, %lt3A_254 : i32
      %ne3A_256 = arith.xori %lt3A_253, %lt3A_255 : i1
      %and3A_257 = arith.andi %ne3A_256, %ne3A_251 : i1
      %add3A_258 = arith.addi %rem3A_249, %select_n3A_248 : i32
      %select_n3A_259 = arith.select %and3A_257, %add3A_258, %rem3A_249 : i32
      %mul3A_260 = arith.constant 1 : i32
      %mul3A_261 = arith.muli %add3A, %mul3A_260 : i32
      %add3A_262 = arith.constant 96 : i32
      %add3A_263 = arith.addi %add3A_262, %mul3A_261 : i32
      %add3A_264 = arith.addi %add3A_263, %select_n3A_243 : i32
      %mul3A_265 = arith.constant 8 : i32
      %mul3A_266 = arith.muli %add3A_264, %mul3A_265 : i32
      %mul3A_267 = arith.constant 4992 : i32
      %mul3A_268 = arith.muli %select_n3A_259, %mul3A_267 : i32
      %multiple_of3A_269 = tpu.assume_multiple %mul3A_268, 128 : i32
      %dma_start3A_270 = tpu.memref_slice %arg2[%mul3A_266, %multiple_of3A_269] : memref<1024x100000xf32, #tpu.memory_space<hbm>> -> memref<8x4992xf32, #tpu.memory_space<hbm>>
      %dma_start3A_271 = tpu.memref_slice %arg2[%mul3A_266, %multiple_of3A_269] : memref<1024x100000xf32, #tpu.memory_space<hbm>> -> memref<8x4992xf32, #tpu.memory_space<hbm>>
      tpu.enqueue_dma source(%arg13 : memref<8x4992xf32, #tpu.memory_space<vmem>>) target(%dma_start3A_271 : memref<8x4992xf32, #tpu.memory_space<hbm>>) target_semaphore(%arg16 : memref<!tpu.dma_semaphore, #tpu.memory_space<semaphore_mem>>)
    }
    %scan3A_18 = arith.constant 10 : i32
    %mul3A_19 = arith.constant 1 : i32
    %mul3A_20 = arith.muli %add3A, %mul3A_19 : i32
    %add3A_21 = arith.constant 96 : i32
    %add3A_22 = arith.addi %add3A_21, %mul3A_20 : i32
    %add3A_23 = arith.constant 0 : i32
    %add3A_24 = arith.addi %add3A_22, %add3A_23 : i32
    %mul3A_25 = arith.constant 8 : i32
    %mul3A_26 = arith.muli %add3A_24, %mul3A_25 : i32
    %multiple_of3A = arith.constant 89856 : i32
    %multiple_of3A_27 = tpu.assume_multiple %multiple_of3A, 128 : i32
    %dma_wait3A = tpu.memref_slice %arg2[%mul3A_26, %multiple_of3A_27] : memref<1024x100000xf32, #tpu.memory_space<hbm>> -> memref<8x4992xf32, #tpu.memory_space<hbm>>
    %dma_wait3A_28 = tpu.memref_slice %arg2[%mul3A_26, %multiple_of3A_27] : memref<1024x100000xf32, #tpu.memory_space<hbm>> -> memref<8x4992xf32, #tpu.memory_space<hbm>>
    tpu.wait_dma2 semaphore(%arg15 : memref<!tpu.dma_semaphore, #tpu.memory_space<semaphore_mem>>) src(%arg12 : memref<8x4992xf32, #tpu.memory_space<vmem>>) dst(%dma_wait3A_28 : memref<8x4992xf32, #tpu.memory_space<hbm>>)
    %mul3A_29 = arith.constant 1 : i32
    %mul3A_30 = arith.muli %add3A, %mul3A_29 : i32
    %add3A_31 = arith.constant 96 : i32
    %add3A_32 = arith.addi %add3A_31, %mul3A_30 : i32
    %add3A_33 = arith.constant 0 : i32
    %add3A_34 = arith.addi %add3A_32, %add3A_33 : i32
    %mul3A_35 = arith.constant 8 : i32
    %mul3A_36 = arith.muli %add3A_34, %mul3A_35 : i32
    %multiple_of3A_37 = arith.constant 94848 : i32
    %multiple_of3A_38 = tpu.assume_multiple %multiple_of3A_37, 128 : i32
    %dma_wait3A_39 = tpu.memref_slice %arg2[%mul3A_36, %multiple_of3A_38] : memref<1024x100000xf32, #tpu.memory_space<hbm>> -> memref<8x4992xf32, #tpu.memory_space<hbm>>
    %dma_wait3A_40 = tpu.memref_slice %arg2[%mul3A_36, %multiple_of3A_38] : memref<1024x100000xf32, #tpu.memory_space<hbm>> -> memref<8x4992xf32, #tpu.memory_space<hbm>>
    tpu.wait_dma2 semaphore(%arg16 : memref<!tpu.dma_semaphore, #tpu.memory_space<semaphore_mem>>) src(%arg13 : memref<8x4992xf32, #tpu.memory_space<vmem>>) dst(%dma_wait3A_40 : memref<8x4992xf32, #tpu.memory_space<hbm>>)
    %scan3A_41 = arith.constant 0 : i32
    %scan3A_42 = arith.constant 0 : i32
    %mul3A_43 = arith.constant 1 : i32
    %mul3A_44 = arith.muli %add3A, %mul3A_43 : i32
    %add3A_45 = arith.constant 96 : i32
    %add3A_46 = arith.addi %add3A_45, %mul3A_44 : i32
    %add3A_47 = arith.addi %add3A_46, %scan3A_42 : i32
    %mul3A_48 = arith.constant 8 : i32
    %mul3A_49 = arith.muli %add3A_47, %mul3A_48 : i32
    %scan3A_50 = arith.constant 0 : i32
    %scan3A_51 = arith.constant 0 : i32
    %scan3A_52 = arith.constant 100 : i32
    %scan3A_53 = arith.addi %scan3A_51, %scan3A_52 : i32
    %scan3A_54 = arith.constant 1 : i32
    scf.for %scan3A_70 = %scan3A_51 to %scan3A_53 step %scan3A_54  : i32 {
      %mul3A_71 = arith.constant 16 : i32
      %mul3A_72 = arith.muli %scan3A_70, %mul3A_71 : i32
      %get3A = arith.index_cast %scan3A_42 : i32 to index
      %get3A_73 = arith.index_cast %mul3A_72 : i32 to index
      %get3A_74 = tpu.vector_load %arg8[%get3A, %get3A_73] {strides = array<i32>} : memref<1x1600xi32, #tpu.memory_space<vmem>>, vector<16xi32>,
      %mul3A_75 = arith.constant 16 : i32
      %mul3A_76 = arith.muli %scan3A_70, %mul3A_75 : i32
      %get3A_77 = arith.index_cast %scan3A_42 : i32 to index
      %get3A_78 = arith.index_cast %mul3A_76 : i32 to index
      %get3A_79 = tpu.vector_load %arg9[%get3A_77, %get3A_78] {strides = array<i32>} : memref<1x1600xi32, #tpu.memory_space<vmem>>, vector<16xi32>,
      %mul3A_80 = arith.constant 16 : i32
      %mul3A_81 = arith.muli %scan3A_70, %mul3A_80 : i32
      %get3A_82 = arith.index_cast %scan3A_42 : i32 to index
      %get3A_83 = arith.index_cast %mul3A_81 : i32 to index
      %get3A_84 = tpu.vector_load %arg10[%get3A_82, %get3A_83] {strides = array<i32>} : memref<1x1600xi32, #tpu.memory_space<vmem>>, vector<16xi32>,
      %mul3A_85 = arith.constant 16 : i32
      %mul3A_86 = arith.muli %scan3A_70, %mul3A_85 : i32
      %get3A_87 = arith.index_cast %scan3A_42 : i32 to index
      %get3A_88 = arith.index_cast %mul3A_86 : i32 to index
      %get3A_89 = tpu.vector_load %arg11[%get3A_87, %get3A_88] {strides = array<i32>} : memref<1x1600xf32, #tpu.memory_space<vmem>>, vector<16xf32>,
      %eq3A = arith.constant 20 : i32
      %eq3A_90 = vector.broadcast %eq3A : i32 to vector<16xi32>
      %eq3A_91 = arith.cmpi eq, %get3A_79, %eq3A_90 : vector<16xi32>
      tpu.vector_store_idx %arg14[%get3A_74, %get3A_84], %get3A_89 masked %eq3A_91 : memref<8x160xf32, #tpu.memory_space<vmem>>[vector<16xi32>, vector<16xi32>], vector<16xf32>, vector<16xi1>
    }
    %scan3A_55 = arith.constant 100 : i32
    %dma_start3A = arith.constant 99840 : i32
    %dma_start3A_56 = tpu.memref_slice %arg2[%mul3A_49, %dma_start3A] : memref<1024x100000xf32, #tpu.memory_space<hbm>> -> memref<8x160xf32, #tpu.memory_space<hbm>>
    %dma_start3A_57 = arith.constant 99840 : i32
    %dma_start3A_58 = tpu.memref_slice %arg2[%mul3A_49, %dma_start3A_57] : memref<1024x100000xf32, #tpu.memory_space<hbm>> -> memref<8x160xf32, #tpu.memory_space<hbm>>
    tpu.enqueue_dma source(%arg14 : memref<8x160xf32, #tpu.memory_space<vmem>>) target(%dma_start3A_58 : memref<8x160xf32, #tpu.memory_space<hbm>>) target_semaphore(%arg15 : memref<!tpu.dma_semaphore, #tpu.memory_space<semaphore_mem>>)
    %dma_wait3A_59 = arith.constant 99840 : i32
    %dma_wait3A_60 = tpu.memref_slice %arg2[%mul3A_49, %dma_wait3A_59] : memref<1024x100000xf32, #tpu.memory_space<hbm>> -> memref<8x160xf32, #tpu.memory_space<hbm>>
    %dma_wait3A_61 = arith.constant 99840 : i32
    %dma_wait3A_62 = tpu.memref_slice %arg2[%mul3A_49, %dma_wait3A_61] : memref<1024x100000xf32, #tpu.memory_space<hbm>> -> memref<8x160xf32, #tpu.memory_space<hbm>>
    tpu.wait_dma2 semaphore(%arg15 : memref<!tpu.dma_semaphore, #tpu.memory_space<semaphore_mem>>) src(%arg14 : memref<8x160xf32, #tpu.memory_space<vmem>>) dst(%dma_wait3A_62 : memref<8x160xf32, #tpu.memory_space<hbm>>)
    %scan3A_63 = arith.constant 0 : i32
    %scan3A_64 = arith.constant 0 : i32
    %scan3A_65 = arith.constant 100 : i32
    %scan3A_66 = arith.addi %scan3A_64, %scan3A_65 : i32
    %scan3A_67 = arith.constant 1 : i32
    scf.for %scan3A_70 = %scan3A_64 to %scan3A_66 step %scan3A_67  : i32 {
      %mul3A_71 = arith.constant 16 : i32
      %mul3A_72 = arith.muli %scan3A_70, %mul3A_71 : i32
      %get3A = arith.index_cast %scan3A_42 : i32 to index
      %get3A_73 = arith.index_cast %mul3A_72 : i32 to index
      %get3A_74 = tpu.vector_load %arg8[%get3A, %get3A_73] {strides = array<i32>} : memref<1x1600xi32, #tpu.memory_space<vmem>>, vector<16xi32>,
      %mul3A_75 = arith.constant 16 : i32
      %mul3A_76 = arith.muli %scan3A_70, %mul3A_75 : i32
      %get3A_77 = arith.index_cast %scan3A_42 : i32 to index
      %get3A_78 = arith.index_cast %mul3A_76 : i32 to index
      %get3A_79 = tpu.vector_load %arg9[%get3A_77, %get3A_78] {strides = array<i32>} : memref<1x1600xi32, #tpu.memory_space<vmem>>, vector<16xi32>,
      %mul3A_80 = arith.constant 16 : i32
      %mul3A_81 = arith.muli %scan3A_70, %mul3A_80 : i32
      %get3A_82 = arith.index_cast %scan3A_42 : i32 to index
      %get3A_83 = arith.index_cast %mul3A_81 : i32 to index
      %get3A_84 = tpu.vector_load %arg10[%get3A_82, %get3A_83] {strides = array<i32>} : memref<1x1600xi32, #tpu.memory_space<vmem>>, vector<16xi32>,
      %eq3A = arith.constant 20 : i32
      %eq3A_85 = vector.broadcast %eq3A : i32 to vector<16xi32>
      %eq3A_86 = arith.cmpi eq, %get3A_79, %eq3A_85 : vector<16xi32>
      tpu.vector_store_idx %arg14[%get3A_74, %get3A_84], %broadcast_in_dim3A_1 masked %eq3A_86 : memref<8x160xf32, #tpu.memory_space<vmem>>[vector<16xi32>, vector<16xi32>], vector<16xf32>, vector<16xi1>
    }
    %scan3A_68 = arith.constant 100 : i32
    %scan3A_69 = arith.constant 1 : i32
    return
  }
}

module attributes {stable_mosaic.version = 14 : i64} {
  func.func @_val_idx_block(%arg0: i32, %arg1: memref<16x200xi32, #tpu.memory_space<vmem>>, %arg2: memref<16x200xf32, #tpu.memory_space<vmem>>, %arg3: memref<1xf32, #tpu.memory_space<smem>>, %arg4: memref<1xf32, #tpu.memory_space<smem>>, %arg5: memref<16x200xi32, #tpu.memory_space<vmem>>, %arg6: memref<16x200xi32, #tpu.memory_space<vmem>>, %arg7: memref<16x200xi32, #tpu.memory_space<vmem>>, %arg8: memref<16x200xf32, #tpu.memory_space<vmem>>) attributes {dimension_semantics = [#tpu.dimension_semantics<arbitrary>], iteration_bounds = array<i64: 16>, scalar_prefetch = 0 : i64, scratch_operands = 0 : i64, tpu.core_type = #tpu.core_type<tc>, window_params = [{transform_indices = @transform_0, window_bounds = array<i64: 16, 200>}, {transform_indices = @transform_1, window_bounds = array<i64: 16, 200>}, {transform_indices = @transform_2, window_bounds = array<i64: 1>}, {transform_indices = @transform_3, window_bounds = array<i64: 1>}, {transform_indices = @transform_4, window_bounds = array<i64: 16, 200>}, {transform_indices = @transform_5, window_bounds = array<i64: 16, 200>}, {transform_indices = @transform_6, window_bounds = array<i64: 16, 200>}, {transform_indices = @transform_7, window_bounds = array<i64: 16, 200>}]} {
    %get3A = arith.constant 0 : index
    %get3A_0 = arith.constant 0 : index
    %get3A_1 = vector.load %arg1[%get3A, %get3A_0] : memref<16x200xi32, #tpu.memory_space<vmem>>, vector<16x200xi32>
    %get3A_2 = arith.constant 0 : index
    %get3A_3 = arith.constant 0 : index
    %get3A_4 = vector.load %arg2[%get3A_2, %get3A_3] : memref<16x200xf32, #tpu.memory_space<vmem>>, vector<16x200xf32>
    %get3A_5 = arith.constant 0 : index
    %get3A_6 = memref.load %arg3[%get3A_5] : memref<1xf32, #tpu.memory_space<smem>>
    %get3A_7 = arith.constant 0 : index
    %get3A_8 = memref.load %arg4[%get3A_7] : memref<1xf32, #tpu.memory_space<smem>>
    %iota3A = tpu.iota {dimensions = array<i32: 1>} : vector<1x200xi32>
    %convert_element_type3A = arith.sitofp %iota3A : vector<1x200xi32> to vector<1x200xf32>
    %sub3A = arith.constant 1.990000e+02 : f32
    %sub3A_9 = vector.broadcast %sub3A : f32 to vector<1x200xf32>
    %sub3A_10 = arith.subf %sub3A_9, %convert_element_type3A : vector<1x200xf32>
    %log3A = math.log %get3A_6 : f32
    %mul3A = vector.broadcast %log3A : f32 to vector<1x200xf32>
    %mul3A_11 = arith.mulf %sub3A_10, %mul3A : vector<1x200xf32>
    %exp3A = math.exp %mul3A_11 : vector<1x200xf32>
    %mul3A_12 = vector.broadcast %exp3A : vector<1x200xf32> to vector<16x200xf32>
    %mul3A_13 = arith.mulf %mul3A_12, %get3A_4 : vector<16x200xf32>
    %broadcast_in_dim3A = vector.shape_cast %get3A_1 : vector<16x200xi32> to vector<16x200x1xi32>
    %broadcast_in_dim3A_14 = vector.shape_cast %get3A_1 : vector<16x200xi32> to vector<16x1x200xi32>
    %eq3A = vector.broadcast %broadcast_in_dim3A : vector<16x200x1xi32> to vector<16x200x200xi32>
    %eq3A_15 = vector.broadcast %broadcast_in_dim3A_14 : vector<16x1x200xi32> to vector<16x200x200xi32>
    %eq3A_16 = arith.cmpi eq, %eq3A, %eq3A_15 : vector<16x200x200xi32>
    %convert_element_type3A_17 = arith.extui %eq3A_16 : vector<16x200x200xi1> to vector<16x200x200xi32>
    %convert_element_type3A_18 = arith.sitofp %convert_element_type3A_17 : vector<16x200x200xi32> to vector<16x200x200xf32>
    %broadcast_in_dim3A_19 = vector.shape_cast %get3A_4 : vector<16x200xf32> to vector<16x1x200xf32>
    %mul3A_20 = vector.broadcast %broadcast_in_dim3A_19 : vector<16x1x200xf32> to vector<16x200x200xf32>
    %mul3A_21 = arith.mulf %convert_element_type3A_18, %mul3A_20 : vector<16x200x200xf32>
    %reduce_sum3A = arith.constant dense<0.000000e+00> : vector<16x200xf32>
    %reduce_sum3A_22 = vector.multi_reduction <add>, %mul3A_21, %reduce_sum3A [2] : vector<16x200x200xf32> to vector<16x200xf32>
    %broadcast_in_dim3A_23 = vector.shape_cast %mul3A_13 : vector<16x200xf32> to vector<16x1x200xf32>
    %mul3A_24 = vector.broadcast %broadcast_in_dim3A_23 : vector<16x1x200xf32> to vector<16x200x200xf32>
    %mul3A_25 = arith.mulf %convert_element_type3A_18, %mul3A_24 : vector<16x200x200xf32>
    %reduce_max3A = arith.constant dense<0xFF800000> : vector<16x200xf32>
    %reduce_max3A_26 = vector.multi_reduction <maximumf>, %mul3A_25, %reduce_max3A [2] : vector<16x200x200xf32> to vector<16x200xf32>
    %reduce_max3A_27 = arith.constant dense<0xFF800000> : vector<16xf32>
    %reduce_max3A_28 = vector.multi_reduction <maximumf>, %reduce_sum3A_22, %reduce_max3A_27 [1] : vector<16x200xf32> to vector<16xf32>
    %broadcast_in_dim3A_29 = vector.shape_cast %reduce_max3A_28 : vector<16xf32> to vector<16x1xf32>
    %max3A = arith.constant 1.000000e+00 : f32
    %max3A_30 = vector.broadcast %max3A : f32 to vector<16x1xf32>
    %max3A_31 = arith.maximumf %broadcast_in_dim3A_29, %max3A_30 : vector<16x1xf32>
    %mul3A_32 = vector.broadcast %get3A_8 : f32 to vector<16x200xf32>
    %mul3A_33 = arith.mulf %mul3A_32, %reduce_sum3A_22 : vector<16x200xf32>
    %div3A = vector.broadcast %max3A_31 : vector<16x1xf32> to vector<16x200xf32>
    %div3A_34 = arith.divf %mul3A_33, %div3A : vector<16x200xf32>
    %add3A = arith.addf %reduce_max3A_26, %div3A_34 : vector<16x200xf32>
    %swap3A = arith.constant 0 : index
    %swap3A_35 = arith.constant 0 : index
    %swap3A_36 = vector.load %arg8[%swap3A, %swap3A_35] : memref<16x200xf32, #tpu.memory_space<vmem>>, vector<16x200xf32>
    tpu.vector_store %arg8[%swap3A, %swap3A_35], %add3A {strides = array<i32>} : memref<16x200xf32, #tpu.memory_space<vmem>>, vector<16x200xf32>,
    %mul3A_37 = arith.constant 16 : i32
    %mul3A_38 = arith.muli %arg0, %mul3A_37 : i32
    %iota3A_39 = tpu.iota {dimensions = array<i32: 0>} : vector<16x200xi32>
    %add3A_40 = vector.broadcast %mul3A_38 : i32 to vector<16x200xi32>
    %add3A_41 = arith.addi %add3A_40, %iota3A_39 : vector<16x200xi32>
    %and3A = arith.constant 7 : i32
    %and3A_42 = vector.broadcast %and3A : i32 to vector<16x200xi32>
    %and3A_43 = arith.andi %add3A_41, %and3A_42 : vector<16x200xi32>
    %swap3A_44 = arith.constant 0 : index
    %swap3A_45 = arith.constant 0 : index
    %swap3A_46 = vector.load %arg5[%swap3A_44, %swap3A_45] : memref<16x200xi32, #tpu.memory_space<vmem>>, vector<16x200xi32>
    tpu.vector_store %arg5[%swap3A_44, %swap3A_45], %and3A_43 {strides = array<i32>} : memref<16x200xi32, #tpu.memory_space<vmem>>, vector<16x200xi32>,
    %jit3A = arith.constant 4992 : i32
    %div3A_47 = vector.broadcast %jit3A : i32 to vector<16x200xi32>
    %div3A_48 = arith.divsi %get3A_1, %div3A_47 : vector<16x200xi32>
    %sign3A = arith.constant 0 : i32
    %sign3A_49 = vector.broadcast %sign3A : i32 to vector<16x200xi32>
    %sign3A_50 = arith.cmpi sgt, %get3A_1, %sign3A_49 : vector<16x200xi32>
    %sign3A_51 = arith.extui %sign3A_50 : vector<16x200xi1> to vector<16x200xi32>
    %sign3A_52 = arith.constant 0 : i32
    %sign3A_53 = vector.broadcast %sign3A_52 : i32 to vector<16x200xi32>
    %sign3A_54 = arith.cmpi slt, %get3A_1, %sign3A_53 : vector<16x200xi32>
    %sign3A_55 = arith.extui %sign3A_54 : vector<16x200xi1> to vector<16x200xi32>
    %sign3A_56 = arith.subi %sign3A_51, %sign3A_55 : vector<16x200xi32>
    %sign3A_57 = arith.constant 0 : i32
    %sign3A_58 = arith.cmpi sgt, %jit3A, %sign3A_57 : i32
    %sign3A_59 = arith.extui %sign3A_58 : i1 to i32
    %sign3A_60 = arith.constant 0 : i32
    %sign3A_61 = arith.cmpi slt, %jit3A, %sign3A_60 : i32
    %sign3A_62 = arith.extui %sign3A_61 : i1 to i32
    %sign3A_63 = arith.subi %sign3A_59, %sign3A_62 : i32
    %ne3A = vector.broadcast %sign3A_63 : i32 to vector<16x200xi32>
    %ne3A_64 = arith.cmpi ne, %sign3A_56, %ne3A : vector<16x200xi32>
    %rem3A = vector.broadcast %jit3A : i32 to vector<16x200xi32>
    %rem3A_65 = arith.remsi %get3A_1, %rem3A : vector<16x200xi32>
    %ne3A_66 = arith.constant 0 : i32
    %ne3A_67 = vector.broadcast %ne3A_66 : i32 to vector<16x200xi32>
    %ne3A_68 = arith.cmpi ne, %rem3A_65, %ne3A_67 : vector<16x200xi32>
    %and3A_69 = arith.andi %ne3A_64, %ne3A_68 : vector<16x200xi1>
    %sub3A_70 = arith.constant 1 : i32
    %sub3A_71 = vector.broadcast %sub3A_70 : i32 to vector<16x200xi32>
    %sub3A_72 = arith.subi %div3A_48, %sub3A_71 : vector<16x200xi32>
    %select_n3A = arith.select %and3A_69, %sub3A_72, %div3A_48 : vector<16x200xi1>, vector<16x200xi32>
    %swap3A_73 = arith.constant 0 : index
    %swap3A_74 = arith.constant 0 : index
    %swap3A_75 = vector.load %arg6[%swap3A_73, %swap3A_74] : memref<16x200xi32, #tpu.memory_space<vmem>>, vector<16x200xi32>
    tpu.vector_store %arg6[%swap3A_73, %swap3A_74], %select_n3A {strides = array<i32>} : memref<16x200xi32, #tpu.memory_space<vmem>>, vector<16x200xi32>,
    %mul3A_76 = arith.constant 4992 : i32
    %mul3A_77 = vector.broadcast %mul3A_76 : i32 to vector<16x200xi32>
    %mul3A_78 = arith.muli %select_n3A, %mul3A_77 : vector<16x200xi32>
    %sub3A_79 = arith.subi %get3A_1, %mul3A_78 : vector<16x200xi32>
    %swap3A_80 = arith.constant 0 : index
    %swap3A_81 = arith.constant 0 : index
    %swap3A_82 = vector.load %arg7[%swap3A_80, %swap3A_81] : memref<16x200xi32, #tpu.memory_space<vmem>>, vector<16x200xi32>
    tpu.vector_store %arg7[%swap3A_80, %swap3A_81], %sub3A_79 {strides = array<i32>} : memref<16x200xi32, #tpu.memory_space<vmem>>, vector<16x200xi32>,
    return
  }
  func.func @transform_0(%arg0: i32) -> (i32, i32) {
    %c0_i32 = arith.constant 0 : i32
    %c0_i32_0 = arith.constant 0 : i32
    return %arg0, %c0_i32 : i32, i32
  }
  func.func @transform_1(%arg0: i32) -> (i32, i32) {
    %c0_i32 = arith.constant 0 : i32
    %c0_i32_0 = arith.constant 0 : i32
    return %arg0, %c0_i32 : i32, i32
  }
  func.func @transform_2(%arg0: i32) -> i32 {
    %c0_i32 = arith.constant 0 : i32
    %c0_i32_0 = arith.constant 0 : i32
    return %c0_i32 : i32
  }
  func.func @transform_3(%arg0: i32) -> i32 {
    %c0_i32 = arith.constant 0 : i32
    %c0_i32_0 = arith.constant 0 : i32
    return %c0_i32 : i32
  }
  func.func @transform_4(%arg0: i32) -> (i32, i32) {
    %c0_i32 = arith.constant 0 : i32
    %c0_i32_0 = arith.constant 0 : i32
    return %arg0, %c0_i32 : i32, i32
  }
  func.func @transform_5(%arg0: i32) -> (i32, i32) {
    %c0_i32 = arith.constant 0 : i32
    %c0_i32_0 = arith.constant 0 : i32
    return %arg0, %c0_i32 : i32, i32
  }
  func.func @transform_6(%arg0: i32) -> (i32, i32) {
    %c0_i32 = arith.constant 0 : i32
    %c0_i32_0 = arith.constant 0 : i32
    return %arg0, %c0_i32 : i32, i32
  }
  func.func @transform_7(%arg0: i32) -> (i32, i32) {
    %c0_i32 = arith.constant 0 : i32
    %c0_i32_0 = arith.constant 0 : i32
    return %arg0, %c0_i32 : i32, i32
  }
}

</mosaic_0001>

<sc_bundles>
// kernel: kernel.10.cloned.1.call-start
scs
__scs_entry_jumppad:
0x0: {  	(pc) =	sbr.rel $0x88, $3  }
0x1: {  	(tag) =	ssettag $0x0;
	lr =	simm.s32 $0x1  }
0x2: {  	[smem:$0x3F9D] =	sst lr;
	_ =	strace $0xD0000000  }
0x3: {  	_ = 	snop  }
0x4: {  	_ = 	snop  }
0x5: {  	_ = 	snop  }
0x6: {  	_ = 	snop  }
0x7: {  	_ = 	snop  }
__scs_overlays_trampoline_lowered:
0x8: {  	[smem:$0x3FAC] =	sst s0  }
0x9: {  	[smem:$0x3FAD] =	sst s1  }
0xa: {  	[smem:$0x3FAE] =	sst s2  }
0xb: {  	[smem:$0x3FAF] =	sst s3  }
0xc: {  	[smem:$0x3FB0] =	sst s4  }
0xd: {  	[smem:$0x3FB1] =	sst s5  }
0xe: {  	[smem:$0x3FB2] =	sst s6  }
0xf: {  	[smem:$0x3FB3] =	sst s7  }
0x10: {  	[smem:$0x3FB4] =	sst s8  }
0x11: {  	[smem:$0x3FB5] =	sst s9;
	s0 =	simm.s32 @!p0 $0x0  }
0x12: {  	s1 =	sld [smem:$0x3F9B];
	s0 =	simm.s32 @p0 $0x1  }
0x13: {  	[smem:$0x3FB6] =	sst s0;
	s0 =	simm.s32 @!p1 $0x0  }
0x14: {  	s2 =	sld [smem:$0x3F9A];
	s0 =	simm.s32 @p1 $0x1  }
0x15: {  	[smem:$0x3FB7] =	sst s0;
	s0 =	simm.s32 @!p2 $0x0  }
0x16: {  	s3 =	sld [smem:$0x3FDB];
	s0 =	simm.s32 @p2 $0x1  }
0x17: {  	s4 =	simm.s32 $0x1BF5;
	[smem:$0x3FB9] =	sst s0  }
0x18: {  	s0 =	sld [smem:$0x3F9C];
	_ =	swait.ge [sflag:s4], $0x0  }
0x19: {  	s7 =	sld [smem:$0x3F9D]  }
0x1a: {  	s8 =	sadd.s32 $0xFFFFE003, lr  }
0x1b: {  	s9 =	sadd.s32 $0xFFFFFEF7, lr;
	s5 =	simm.s32 $0xFFFFFFFF;
	p2 =	slt.u32 s8, $0xFFFFF086  }
0x1c: {  	p1 =	slt.u32 s9, $0xF7A;
	s5 =	simm.s32 @!p2 $0x0  }
0x1d: {  	s5 =	simm.s32 @p1 $0x1;
	p0 =	seq.s32 s7, s2  }
0x1e: {  	s7 =	smul.u32 @!p0 $0xF7A, s2;
	p2 =	seq.s32 @!p0 s5, $0x0  }
0x1f: {  	s9 =	smul.u32 $0xF7A, s1;
	s8 =	simm.s32 @!p0 $0x1BF5;
	p2 =	por !p2, p0  }
0x20: {  	[sflag:s8] =	ssyncset.s32 @!p0 $0xFFFFF086;
	s6 =	sadd.s32 @!p0 s3, s7;
	s7 =	simm.s32 @!p0 $0x108  }
0x21: {  	s3 =	sadd.s32 s3, s9;
	s6 =	sadd.s32 @!p0 $0x88, s6;
	s7 =	simm.s32 @p2 $0x1082  }
0x22: {  	[simem:s7], [sflag:s8] =	dma.local @!p0 [hbm:s6], $0xF7A  }
0x23: {  	s9 =	sor.u32 $0xD0000000, s2;
	s6 =	simm.s32 $0x108;
	_ =	swait.ge @!p0 [sflag:s8], $0x0  }
0x24: {  	s3 =	sadd.s32 $0x88, s3;
	s6 =	simm.s32 @!p1 $0x1082;
	[sflag:s4] =	ssyncset.s32 $0xFFFFF086  }
0x25: {  	[simem:s6], [sflag:s4] =	dma.local [hbm:s3], $0xF7A  }
0x26: {  	[smem:$0x3F9D] =	sst s1;
	(tag) =	ssettag s2;
	_ =	strace s9  }
0x27: {  	s1 =	sld [smem:$0x3FAD]  }
0x28: {  	s2 =	sld [smem:$0x3FAE]  }
0x29: {  	s4 =	sld [smem:$0x3FB0]  }
0x2a: {  	p0 =	seq.s32 s5, $0x0;
	s5 =	sld [smem:$0x3FB1]  }
0x2b: {  	s6 =	sld [smem:$0x3FB2]  }
0x2c: {  	s7 =	sld [smem:$0x3FB3]  }
0x2d: {  	s3 =	simm.s32 $0x108;
	s8 =	sld [smem:$0x3FB4]  }
0x2e: {  	s3 =	simm.s32 @!p0 $0x1082;
	s9 =	sld [smem:$0x3FB5]  }
0x2f: {  	lr =	sadd.s32 s0, s3;
	s0 =	sld [smem:$0x3FAC]  }
0x30: {  	s3 =	sld [smem:$0x3FAF]  }
0x31: {  	[smem:$0x3FB8] =	sst s10  }
0x32: {  	s10 =	sld [smem:$0x3FB6];
	_ =	sdelay $0x3  }
0x33: {  	p0 =	seq.s32 s10, $0x1;
	s10 =	sld [smem:$0x3FB8];
	_ =	sdelay $0x3  }
0x34: {  	[smem:$0x3FB8] =	sst s10  }
0x35: {  	s10 =	sld [smem:$0x3FB7];
	_ =	sdelay $0x3  }
0x36: {  	p1 =	seq.s32 s10, $0x1;
	s10 =	sld [smem:$0x3FB8];
	_ =	sdelay $0x3  }
0x37: {  	[smem:$0x3FB8] =	sst s10  }
0x38: {  	s10 =	sld [smem:$0x3FB9]  }
0x39: {  	_ = 	snop;
	(pc) =	sbr.ind lr, $3  }
0x3a: {  	_ = 	snop  }
0x3b: {  	_ = 	snop  }
0x3c: {  	p2 =	seq.s32 s10, $0x1;
	s10 =	sld [smem:$0x3FB8]  }
0x3d: {  	_ =	shalt  }
0x3e: {  	_ =	shalt  }
0x3f: {  	_ =	shalt  }
0x40: {  	_ =	shalt  }
0x41: {  	_ =	shalt  }
0x42: {  	_ =	shalt  }
0x43: {  	_ =	shalt  }
0x44: {  	_ =	shalt  }
0x45: {  	_ =	shalt  }
0x46: {  	_ =	shalt  }
0x47: {  	_ =	shalt  }
0x48: {  	_ =	shalt  }
0x49: {  	_ =	shalt  }
0x4a: {  	_ =	shalt  }
0x4b: {  	_ =	shalt  }
0x4c: {  	_ =	shalt  }
0x4d: {  	_ =	shalt  }
0x4e: {  	_ =	shalt  }
0x4f: {  	_ =	shalt  }
0x50: {  	_ =	shalt  }
0x51: {  	_ =	shalt  }
0x52: {  	_ =	shalt  }
0x53: {  	_ =	shalt  }
0x54: {  	_ =	shalt  }
0x55: {  	_ =	shalt  }
0x56: {  	_ =	shalt  }
0x57: {  	_ =	shalt  }
0x58: {  	_ =	shalt  }
0x59: {  	_ =	shalt  }
0x5a: {  	_ =	shalt  }
0x5b: {  	_ =	shalt  }
0x5c: {  	_ =	shalt  }
0x5d: {  	_ =	shalt  }
0x5e: {  	_ =	shalt  }
0x5f: {  	_ =	shalt  }
0x60: {  	_ =	shalt  }
0x61: {  	_ =	shalt  }
0x62: {  	_ =	shalt  }
0x63: {  	_ =	shalt  }
0x64: {  	_ =	shalt  }
0x65: {  	_ =	shalt  }
0x66: {  	_ =	shalt  }
0x67: {  	_ =	shalt  }
0x68: {  	_ =	shalt  }
0x69: {  	_ =	shalt  }
0x6a: {  	_ =	shalt  }
0x6b: {  	_ =	shalt  }
0x6c: {  	_ =	shalt  }
0x6d: {  	_ =	shalt  }
0x6e: {  	_ =	shalt  }
0x6f: {  	_ =	shalt  }
0x70: {  	_ =	shalt  }
0x71: {  	_ =	shalt  }
0x72: {  	_ =	shalt  }
0x73: {  	_ =	shalt  }
0x74: {  	_ =	shalt  }
0x75: {  	_ =	shalt  }
0x76: {  	_ =	shalt  }
0x77: {  	_ =	shalt  }
0x78: {  	_ =	shalt  }
0x79: {  	_ =	shalt  }
0x7a: {  	_ =	shalt  }
0x7b: {  	_ =	shalt  }
0x7c: {  	_ =	shalt  }
0x7d: {  	_ =	shalt  }
0x7e: {  	_ =	shalt  }
0x7f: {  	_ =	shalt  }
0x80: {  	_ =	shalt  }
0x81: {  	_ =	shalt  }
0x82: {  	_ =	shalt  }
0x83: {  	_ =	shalt  }
0x84: {  	_ =	shalt  }
0x85: {  	_ =	shalt  }
0x86: {  	_ =	shalt  }
0x87: {  	_ =	shalt  }
.Lfunc_end0:
.L_simem_size_0:
called_computation_lowered:
.L_overlay_start_0:
0x88: {  	s2 =	sld [smem:$0x3FD9]  }
0x89: {  	s3 =	sld [smem:$0x3FFE];
	_ =	sdelay $0x1  }
0x8a: {  	s1 =	srdreg.scid  }
0x8b: {  	s0 =	sand.u32 $0x1, s1  }
0x8c: {  	s17 =	sshll.u32 s0, $0xA;
	s2 =	sadd.s32 s3, s2  }
0x8d: {  	s2 =	sadd.s32 s2, s17  }
0x8e: {  	[smem:$0x3FC4] =	sst s2  }
0x8f: {  	_ = 	snop  }
0x90: {  	s2 =	sld [smem:$0x3FD0];
	(tm) =	ssettm $0x1  }
0x91: {  	s18 =	sld [smem:$0x3FFB];
	_ =	sdelay $0x3  }
0x92: {  	_ =	strace s18  }
0x93: {  	s3 =	sld [smem:$0x3FFC];
	_ =	sdelay $0x3  }
0x94: {  	_ =	strace s3  }
0x95: {  	s3 =	sld [smem:$0x3FFD];
	_ =	sdelay $0x3  }
0x96: {  	_ =	strace s3  }
0x97: {  	_ =	strace $0x8FFFFFFF  }
0x98: {  	s19 =	sld [smem:$0x3FDB];
	_ =	sdelay $0x1  }
0x99: {  	s4 =	simm.s32 $_scs_section_size  }
0x9a: {  	s5 =	simm.s32 $_size__tile_overlayer_lowered;
	s6 =	simm.s32 $_tile_overlayer_lowered  }
0x9b: {  	s22 =	simm.s32 $0x1BFF;
	s21 =	sshll.u32 s6, $0x1;
	s3 =	sadd.s32 s4, s19  }
0x9c: {  	s7 =	simm.s32 $0x0;
	s20 =	sshll.u32 s5, $0x1;
	s5 =	sadd.s32 s21, s3  }
0x9d: {  	[timem:s7], [sflag:s22] =	dma.local [hbm:s5], s20  }
0x9e: {  	_ =	swait.ge [sflag:s22], s20  }
0x9f: {  	s4 =	ssub.s32 $0x0, s20;
	[sflag:s22] =	ssyncset.done $0x0  }
0xa0: {  	[sflag:s22] =	ssyncadd.s32 s4;
	_ =	sdelay $0x1  }
0xa1: {  	s23 =	simm.s32 $0x1B8B  }
0xa2: {  	_ =	swait.ge [sflag:s23], $0x1  }
0xa3: {  	[sflag:s23] =	ssyncset.done $0x0  }
0xa4: {  	s25 =	simm.s32 $0x1B8E;
	s24 =	sld [smem:$0x3FFE];
	[sflag:s23] =	ssyncadd.s32 $0xFFFFFFFF  }
0xa5: {  	s26 =	simm.s32 $execute0_lowered;
	[smem:$0x3FD2] =	sst s25  }
0xa6: {  	s5 =	sshll.u32 s26, $0x1;
	_ =	strace $0x80000046;
	[dreg:$0x1] =	wrdreg $0xFFFFFFFF  }
0xa7: {  	s28 =	simm.s32 $_size_execute0_lowered;
	s3 =	sadd.s32 s3, s5;
	[dreg:$0x0] =	wrdreg $0x0  }
0xa8: {  	s5 =	sshll.u32 s28, $0x1;
	[dreg:$0x2] =	wrdreg s3  }
0xa9: {  	[dreg:$0x3] =	wrdreg s5  }
0xaa: {  	[dreg:$0x4] =	wrdreg $0xC0  }
0xab: {  	_ =	task [dreg:s7], $0x5FFFF  }
0xac: {  	[dreg:$0x1] =	wrdreg $0xFFFFFFFF  }
0xad: {  	[dreg:$0x0] =	wrdreg $0x60  }
0xae: {  	[dreg:$0x2] =	wrdreg s24  }
0xaf: {  	[dreg:$0x3] =	wrdreg s2  }
0xb0: {  	[dreg:$0x4] =	wrdreg $0x9  }
0xb1: {  	_ =	task.clear_ibuf [dreg:s7], $0x5FFFF;
	_ =	strace $0x90000046  }
0xb2: {  	s29 =	simm.s32 $0x9;
	_ =	strace $0x80000048  }
0xb3: {  	_ =	swait.ge [sflag:s29], $0x1  }
0xb4: {  	[sflag:s29] =	ssyncadd.s32 $0xFFFFFFFF  }
0xb5: {  	_ =	strace $0x90000048  }
0xb6: {  	_ =	sfence  }
0xb7: {  	s30 =	sld [smem:$0x0];
	_ =	sdelay $0x2  }
0xb8: {  	s31 =	sshll.u32 s1, $0xD;
	s1 =	sshrl.u32 s1, $0x2  }
0xb9: {  	s3 =	sand.u32 $0x4000, s31;
	s1 =	sadd.s32 s1, s30  }
0xba: {  	s0 =	sor.u32 s3, s0;
	s1 =	sshll.u32 s1, $0x11  }
0xbb: {  	s0 =	sor.u32 s1, s0  }
0xbc: {  	s0 =	sadd.s32 $0x8F2B, s0  }
0xbd: {  	[sflag:s0] =	ssyncadd.remote.s32 $0x1  }
0xbe: {  	_ =	sfence.sel $0xFFFF  }
0xbf: {  	[dreg:$0x0] =	wrdreg $0xFFFFFFFF;
	(pc) =	sbr.abs _section_cstart, $3  }
0xc0: {  	[dreg:$0x1] =	wrdreg $0xFFFFFFFF  }
0xc1: {  	_ =	task.clear_ibuf [dreg:s7], $0x2FFFF;
	_ =	strace $0x9FFFFFFF  }
0xc2: {  	(tm) =	ssettm $0x7FFFFFFF  }
0xc3: {  	_ =	shalt  }
tec
execute0_lowered:
.L_overlay_start_1:
0x0: {  	(tag) =	ssettag $0x1  }
0x1: {  	s5 =	rddreg [dreg:$0x0]  }
0x2: {  	s0 =	srdreg.scid;
	s6 =	rddreg [dreg:$0x1]  }
0x3: {  	s1 =	stileid.u32;
	s2 =	simm.s32 $0x0;
	s13 =	simm.s32 $0xD00  }
0x4: {  	s14 =	simm.s32 $0x1380;
	s15 =	simm.s32 $0x1A00;
	s16 =	simm.s32 $0xB600  }
0x5: {  	s17 =	simm.s32 $0x1;
	s18 =	simm.s32 $0x2;
	s4 =	sand.u32 $0x1, s0  }
0x6: {  	s19 =	simm.s32 $0x15200;
	s0 =	rddreg [dreg:$0x2];
	s3 =	sshll.u32 s4, $0x4  }
0x7: {  	s20 =	simm.s32 $0x0;
	[smem:$0x7FF] =	sst s2;
	s3 =	sor.u32 s1, s3  }
0x8: {  	s8 =	ssub.s32 $0x2, s4;
	_ =	strace $0x80000047;
	s7 =	smul.u32 $0xD0, s3  }
0x9: {  	s4 =	sadd.s32 $0x2800, s5;
	s9 =	sshrl.u32 s8, $0x1;
	s10 =	smul.u32 $0xC3800, s3  }
0xa: {  	s12 =	ssub.s32 s8, s9;
	s11 =	sadd.s32 s7, s5;
	s5 =	sadd.s32 s6, s7  }
0xb: {  	s31 =	sshrl.u32 s10, $0x3;
	s10 =	smax.u32 s12, $0x1;
	s12 =	simm.s32 $0x680  }
0xc: {  	s6 =	sadd.s32 $0xC44800, s11;
	s7 =	sadd.s32 $0xC46200, s11;
	s9 =	sadd.s32 s4, s31  }
0xd: {  	v0 =	vimm.f32 $0.0e+00;
	s8 =	sadd.s32 $0xC47C00, s11;
	s11 =	simm.s32 $0x3;
	s9 =	sadd.s32 $0x18600, s9  }
.LBB2_1:
0xe: {  	s21 =	sand.u32 $0xFFF8, s2  }
0xf: {  	s21 =	sshrl.u32 s21, $0x3  }
0x10: {  	s22 =	smul.u32 $0xD21, s21;
	_ =	sdelay $0x1  }
0x11: {  	s21 =	simm.s32 $0x1;
	s23 =	sshrl.u32 s22, $0x11  }
0x12: {  	s24 =	sand.u32 $0xFFF8, s21;
	s26 =	smul.u32 $0x138, s23  }
0x13: {  	s25 =	sshrl.u32 s24, $0x3  }
0x14: {  	s23 =	simm.s32 $0x2;
	s24 =	ssub.s32 $0x0, s26;
	s26 =	sshrl.u32 s22, $0x14  }
.LBB2_2:
0x15: {  	p0 =	sne.s32 s23, $0x9BF  }
0x16: {  	s26 =	smul.u32 $0x9C00, s26;
	s28 =	sshll.u32 s24, $0x7;
	s29 =	sshrl.u32 s22, $0xA  }
0x17: {  	s22 =	smul.u32 $0xD21, s25;
	s24 =	sshll.u32 s24, $0x4;
	s28 =	sand.u32 $0xFC00, s28  }
.Ltmp0:
0x18: {  	s25 =	sadd.s32 s28, s26;
	s26 =	sand.u32 $0x380, s29;
	(pc) =	sbr.rel @p0 .LBB2_2-.Ltmp0, $4  }
0x19: {  	s24 =	sand.u32 $0x70, s24;
	s28 =	sshrl.u32 s22, $0x11;
	s25 =	sor.u32 s26, s25  }
0x1a: {  	s26 =	sand.u32 $0xFFF8, s23;
	s28 =	smul.u32 $0x138, s28;
	s29 =	sor.u32 s24, s25  }
0x1b: {  	s25 =	sshrl.u32 s26, $0x3;
	s24 =	smov.u32 s21;
	s21 =	smov.u32 s23;
	[tilespmem:s29+$0xB600] =	vst v0  }
0x1c: {  	s23 =	sadd.s32 $0x1, s23;
	s26 =	sshrl.u32 s22, $0x14;
	s24 =	ssub.s32 s24, s28;
	[tilespmem:s29+$0x1A00] =	vst v0  }
0x1d: {  	s23 =	smul.u32 $0xD21, s25  }
0x1e: {  	s25 =	smul.u32 $0x9C00, s26;
	s31 =	sshll.u32 s24, $0x7  }
0x1f: {  	s22 =	sshrl.u32 s22, $0xA;
	s30 =	sshll.u32 s24, $0x4;
	s26 =	sand.u32 $0xFC00, s31  }
0x20: {  	s22 =	sand.u32 $0x380, s22;
	s24 =	sand.u32 $0x70, s30;
	s28 =	sshrl.u32 s23, $0x11  }
0x21: {  	s25 =	sadd.s32 s26, s25;
	s31 =	smul.u32 $0x138, s28;
	s28 =	sshrl.u32 s23, $0x14  }
0x22: {  	s22 =	sor.u32 s22, s25;
	s30 =	smul.u32 $0x9C00, s28;
	s28 =	simm.s32 $0x0  }
0x23: {  	s23 =	sshrl.u32 s23, $0xA;
	s21 =	ssub.s32 s21, s31;
	s28 =	smul.u32 $0xCD, s28  }
0x24: {  	s22 =	sor.u32 s24, s22;
	s23 =	sand.u32 $0x380, s23;
	s31 =	sshll.u32 s21, $0x7  }
0x25: {  	s21 =	sshll.u32 s21, $0x4;
	s25 =	sand.u32 $0xFC00, s31;
	s26 =	sshrl.u32 s28, $0xB  }
0x26: {  	s24 =	sadd.s32 s25, s30;
	s30 =	sand.u32 $0x70, s21;
	s25 =	sand.u32 $0x1F, s26  }
0x27: {  	[tilespmem:s22+$0xB600] =	vst v0;
	s21 =	simm.s32 $0x1;
	s23 =	sor.u32 s23, s24;
	s31 =	smul.u32 $0xA, s25  }
0x28: {  	[tilespmem:s22+$0x1A00] =	vst v0;
	s22 =	smul.u32 $0xCD, s21;
	s23 =	sor.u32 s30, s23  }
0x29: {  	s26 =	sshrl.u32 s28, $0x3;
	s25 =	sshrl.u32 s28, $0x4;
	[tilespmem:s23+$0xB600] =	vst v0;
	s24 =	ssub.s32 $0x0, s31  }
0x2a: {  	[tilespmem:s23+$0x1A00] =	vst v0;
	s28 =	sshrl.u32 s22, $0xB;
	s23 =	simm.s32 $0x2;
	s29 =	sshll.u32 s24, $0x7  }
.LBB2_4:
0x2b: {  	p0 =	sne.s32 s23, $0x4F  }
0x2c: {  	s26 =	sand.u32 $0x800, s26;
	s29 =	sand.u32 $0x400, s29;
	s24 =	sshll.u32 s24, $0x4  }
0x2d: {  	s25 =	sand.u32 $0x380, s25;
	s28 =	sand.u32 $0x1F, s28;
	s26 =	sor.u32 s29, s26  }
.Ltmp1:
0x2e: {  	s24 =	sand.u32 $0x70, s24;
	s25 =	sor.u32 s26, s25;
	(pc) =	sbr.rel @p0 .LBB2_4-.Ltmp1, $4  }
0x2f: {  	s26 =	smul.u32 $0xA, s28;
	s24 =	sor.u32 s24, s25;
	s25 =	smov.u32 s22  }
0x30: {  	s22 =	smul.u32 $0xCD, s23;
	[tilespmem:s24+$0x15200] =	vst v0;
	s24 =	smov.u32 s21;
	s21 =	smov.u32 s23  }
0x31: {  	s24 =	ssub.s32 s24, s26;
	s26 =	sshrl.u32 s25, $0x3;
	s25 =	sshrl.u32 s25, $0x4  }
0x32: {  	s23 =	sadd.s32 $0x1, s23;
	s28 =	sshrl.u32 s22, $0xB;
	s29 =	sshll.u32 s24, $0x7  }
0x33: {  	s23 =	sand.u32 $0x1F, s28  }
0x34: {  	s26 =	sand.u32 $0x800, s26;
	s23 =	smul.u32 $0xA, s23  }
0x35: {  	s31 =	sand.u32 $0x400, s29;
	s24 =	sshll.u32 s24, $0x4;
	s25 =	sand.u32 $0x380, s25  }
0x36: {  	s29 =	sshrl.u32 s22, $0x3;
	s26 =	sor.u32 s31, s26;
	s21 =	ssub.s32 s21, s23  }
0x37: {  	s24 =	sand.u32 $0x70, s24;
	s31 =	sshrl.u32 s22, $0x4;
	s30 =	sshll.u32 s21, $0x7  }
0x38: {  	s28 =	sor.u32 s26, s25;
	s25 =	sand.u32 $0x800, s29;
	s26 =	sand.u32 $0x400, s30  }
0x39: {  	s22 =	sand.u32 $0x380, s31;
	s21 =	sshll.u32 s21, $0x4;
	s25 =	sor.u32 s26, s25  }
0x3a: {  	s23 =	sor.u32 s24, s28;
	s21 =	sand.u32 $0x70, s21;
	s22 =	sor.u32 s25, s22  }
0x3b: {  	[tilespmem:s23+$0x15200] =	vst v0;
	s21 =	sor.u32 s21, s22  }
0x3c: {  	[tilespmem:s21+$0x15200] =	vst v0;
	s21 =	simm.s32 $0x0  }
0x3d: {  	[tilespmem:s21], [sflag:$0x3] =	stream.linear.gather [hbm4b:s5+s21], $0x680, $0x38;
	[tilespmem:$0x15A00] =	vst v63  }
0x3e: {  	_ =	swait.ge [sflag:s11], $0x680  }
0x3f: {  	[sflag:s11] =	ssyncset.done $0x0  }
0x40: {  	[sflag:s11] =	ssyncadd.s32 $0xFFFFF980  }
0x41: {  	[tilespmem:s12], [sflag:$0x3] =	stream.linear.gather [hbm4b:s6+s21], $0x680, $0x38;
	[tilespmem:$0x15A00] =	vst v63  }
0x42: {  	_ =	swait.ge [sflag:s11], $0x680  }
0x43: {  	[sflag:s11] =	ssyncset.done $0x0  }
0x44: {  	[sflag:s11] =	ssyncadd.s32 $0xFFFFF980  }
0x45: {  	[tilespmem:s13], [sflag:$0x3] =	stream.linear.gather [hbm4b:s7+s21], $0x680, $0x38;
	[tilespmem:$0x15A00] =	vst v63  }
0x46: {  	_ =	swait.ge [sflag:s11], $0x680  }
0x47: {  	[sflag:s11] =	ssyncset.done $0x0  }
0x48: {  	[sflag:s11] =	ssyncadd.s32 $0xFFFFF980  }
0x49: {  	[tilespmem:s14], [sflag:$0x3] =	stream.linear.gather [hbm4b:s8+s21], $0x680, $0x38;
	[tilespmem:$0x15A00] =	vst v63  }
0x4a: {  	_ =	swait.ge [sflag:s11], $0x680  }
0x4b: {  	[sflag:s11] =	ssyncset.done $0x0  }
0x4c: {  	[sflag:s11] =	ssyncadd.s32 $0xFFFFF980  }
.LBB2_6:
0x4d: {  	p0 =	seq.s32 s21, $0x0  }
.Ltmp2:
0x4e: {  	_ = 	snop;
	(pc) =	sbr.rel @p0 .LBB2_10-.Ltmp2, $2  }
0x4f: {  	_ =	sdelay $0x2  }
0x50: {  	s22 =	sshll.u32 s21, $0x1  }
0x51: {  	_ =	swait.ge [sflag:s17], $0x9C00  }
0x52: {  	s23 =	sadd.s32 $0xFFFFFFFE, s22;
	[sflag:s17] =	ssyncset.done $0x0  }
0x53: {  	s24 =	simm.s32 $0x0;
	v1 =	vmov s23;
	s23 =	simm.s32 $0x40;
	[sflag:s17] =	ssyncadd.s32 $0xFFFF6400  }
.LBB2_8:
0x54: {  	p1 =	sne.s32 s23, $0x18C0;
	v2 =	vld [tilespmem:s24+$0x0]  }
0x55: {  	v3 =	vld [tilespmem:s24+$0xD00];
	_ =	sdelay $0x2  }
0x56: {  	v4 =	vld [tilespmem:s24+$0x680]  }
0x57: {  	v5 =	vshrl.u32 v2, $0x3  }
0x58: {  	v5 =	vmul.u32 $0x9C00, v5;
	v6 =	vshll.u32 v3, $0x3  }
0x59: {  	v2 =	vshll.u32 v2, $0x7;
	v6 =	vand.u32 $0xFFFFFC00, v6  }
0x5a: {  	v2 =	vand.u32 $0x380, v2;
	v5 =	vadd.s32 v5, v6  }
0x5b: {  	v3 =	vand.u32 $0x7F, v3;
	vm0 =	veq.s32 v4, v1;
	v2 =	vor.u32 v2, v5  }
0x5c: {  	v2 =	vor.u32 v3, v2  }
.Ltmp3:
0x5d: {  	(pc) =	sbr.rel @p1 .LBB2_8-.Ltmp3, $2  }
0x5e: {  	_ =	sdelay $0x2  }
0x5f: {  	s24 =	sshra.s32 s23, $0x2;
	s23 =	sadd.s32 $0x40, s23;
	[tilespmem:v2+s15+$0x0] =	vst.idx.msk vm0, v0  }
0x60: {  	v2 =	vld [tilespmem:s24+$0x0]  }
0x61: {  	v3 =	vld [tilespmem:s24+$0xD00];
	_ =	sdelay $0x2  }
0x62: {  	v4 =	vld [tilespmem:s24+$0x680]  }
0x63: {  	v5 =	vshrl.u32 v2, $0x3  }
0x64: {  	v6 =	vshll.u32 v3, $0x3;
	v5 =	vmul.u32 $0x9C00, v5  }
0x65: {  	v2 =	vshll.u32 v2, $0x7;
	v6 =	vand.u32 $0xFFFFFC00, v6  }
0x66: {  	v2 =	vand.u32 $0x380, v2;
	v5 =	vadd.s32 v5, v6  }
0x67: {  	vm0 =	veq.s32 v4, v1;
	v1 =	vand.u32 $0x7F, v3;
	v2 =	vor.u32 v2, v5  }
0x68: {  	v1 =	vor.u32 v1, v2;
	_ =	sdelay $0x4  }
0x69: {  	[tilespmem:v1+s15+$0x0] =	vst.idx.msk vm0, v0  }
.LBB2_10:
0x6a: {  	s23 =	smulhi.u32 $0xCCCCCCCD, s21;
	_ =	sdelay $0x1  }
0x6b: {  	s24 =	sshrl.u32 s23, $0x3  }
0x6c: {  	s25 =	simm.s32 $0x0;
	s23 =	smul.u32 $0x680, s24  }
0x6d: {  	s26 =	sand.u32 $0x780, s25  }
0x6e: {  	s25 =	sand.u32 $0x70, s25;
	s26 =	sadd.s32 s23, s26  }
0x6f: {  	s26 =	sor.u32 s25, s26  }
0x70: {  	v1 =	vld [tilespmem:s26+$0x0]  }
0x71: {  	v2 =	vld [tilespmem:s26+$0xD00];
	_ =	sdelay $0x2  }
0x72: {  	v3 =	vld [tilespmem:s26+$0x680]  }
0x73: {  	v4 =	vshrl.u32 v1, $0x3  }
0x74: {  	v5 =	vshll.u32 v2, $0x3;
	v4 =	vmul.u32 $0x9C00, v4  }
0x75: {  	v1 =	vshll.u32 v1, $0x7;
	v5 =	vand.u32 $0xFFFFFC00, v5  }
0x76: {  	v4 =	vadd.s32 v4, v5;
	v5 =	vand.u32 $0x380, v1;
	v1 =	vmov s22  }
0x77: {  	v6 =	vand.u32 $0x7F, v2;
	v4 =	vor.u32 v5, v4;
	vm0 =	veq.s32 v3, v1  }
0x78: {  	v2 =	vld [tilespmem:s26+$0x1380];
	v3 =	vor.u32 v6, v4;
	_ =	sdelay $0x1  }
0x79: {  	s25 =	simm.s32 $0x10  }
0x7a: {  	s28 =	sand.u32 $0x780, s25;
	s26 =	simm.s32 $0x20  }
.LBB2_11:
0x7b: {  	p1 =	sne.s32 s26, $0x630;
	s25 =	sand.u32 $0x70, s25;
	s28 =	sadd.s32 s23, s28  }
0x7c: {  	s28 =	sor.u32 s25, s28;
	[tilespmem:v3+s15+$0x0] =	vst.idx.msk vm0, v2;
	s25 =	smov.u32 s26  }
0x7d: {  	v2 =	vld [tilespmem:s28+$0x0]  }
0x7e: {  	v3 =	vld [tilespmem:s28+$0xD00];
	_ =	sdelay $0x2  }
0x7f: {  	v4 =	vld [tilespmem:s28+$0x680]  }
0x80: {  	v5 =	vshrl.u32 v2, $0x3  }
0x81: {  	v5 =	vmul.u32 $0x9C00, v5;
	v6 =	vshll.u32 v3, $0x3  }
0x82: {  	v2 =	vshll.u32 v2, $0x7;
	v6 =	vand.u32 $0xFFFFFC00, v6  }
0x83: {  	v2 =	vand.u32 $0x380, v2;
	v5 =	vadd.s32 v5, v6  }
.Ltmp4:
0x84: {  	v3 =	vand.u32 $0x7F, v3;
	vm0 =	veq.s32 v4, v1;
	v4 =	vor.u32 v2, v5;
	(pc) =	sbr.rel @p1 .LBB2_11-.Ltmp4, $2  }
0x85: {  	v2 =	vld [tilespmem:s28+$0x1380];
	v3 =	vor.u32 v3, v4;
	_ =	sdelay $0x2  }
0x86: {  	s26 =	sadd.s32 $0x10, s26;
	s28 =	sand.u32 $0x780, s25  }
0x87: {  	_ =	sdelay $0x3  }
0x88: {  	s25 =	sand.u32 $0x70, s25;
	s26 =	sadd.s32 s23, s28  }
0x89: {  	s25 =	sor.u32 s25, s26;
	[tilespmem:v3+s15+$0x0] =	vst.idx.msk vm0, v2  }
0x8a: {  	v2 =	vld [tilespmem:s25+$0x0]  }
0x8b: {  	v3 =	vld [tilespmem:s25+$0xD00];
	_ =	sdelay $0x2  }
0x8c: {  	v4 =	vld [tilespmem:s25+$0x680]  }
0x8d: {  	v5 =	vshrl.u32 v2, $0x3  }
0x8e: {  	v6 =	vshll.u32 v3, $0x3;
	v5 =	vmul.u32 $0x9C00, v5  }
0x8f: {  	v2 =	vshll.u32 v2, $0x7;
	v6 =	vand.u32 $0xFFFFFC00, v6  }
0x90: {  	v2 =	vand.u32 $0x380, v2;
	v5 =	vadd.s32 v5, v6  }
0x91: {  	vm15 =	veq.s32 v4, v1;
	v1 =	vand.u32 $0x7F, v3;
	v2 =	vor.u32 v2, v5  }
0x92: {  	s24 =	sadd.s32 s3, s24;
	s31 =	smul.u32 $0x13800, s21;
	v3 =	vld [tilespmem:s25+$0x1380];
	v1 =	vor.u32 v1, v2  }
0x93: {  	s24 =	smul.u32 $0xC3800, s24  }
.Ltmp5:
0x94: {  	_ = 	snop;
	(pc) =	sbr.rel @p0 .LBB2_16-.Ltmp5, $4  }
0x95: {  	s25 =	sadd.s32 s31, s24  }
0x96: {  	s25 =	sshrl.u32 s25, $0x3  }
0x97: {  	s25 =	sadd.s32 s4, s25;
	[tilespmem:v1+s15+$0x0] =	vst.idx.msk vm15, v3  }
0x98: {  	[hbm4b:s25+s2] =	stream.linear.scatter [tilespmem:s15], [sflag:$0x1], $0x9C00, $0x38;
	[tilespmem:$0x15A00] =	vst v63  }
0x99: {  	s26 =	sadd.s32 $0xFFFFFFFF, s22  }
0x9a: {  	s25 =	smulhi.u32 $0x66666667, s26;
	s28 =	sshra.s32 s26, $0x1F  }
0x9b: {  	s29 =	smul.u32 $0x66666667, s28;
	_ =	sdelay $0x1  }
0x9c: {  	s25 =	sadd.s32 s29, s25  }
0x9d: {  	s29 =	sshrl.u32 s25, $0x1F;
	s25 =	sshra.s32 s25, $0x3  }
0x9e: {  	s29 =	sadd.s32 s29, s25  }
0x9f: {  	s25 =	sadd.s32 s28, s29  }
0xa0: {  	s28 =	simm.s32 $0x0;
	s25 =	smul.u32 $0x680, s25  }
0xa1: {  	_ =	swait.ge [sflag:s18], $0x9C00;
	s30 =	sand.u32 $0x780, s28  }
0xa2: {  	[sflag:s18] =	ssyncset.done $0x0;
	s28 =	sand.u32 $0x70, s28;
	s30 =	sadd.s32 s25, s30  }
0xa3: {  	[sflag:s18] =	ssyncadd.s32 $0xFFFF6400;
	s28 =	sor.u32 s28, s30  }
0xa4: {  	v1 =	vld [tilespmem:s28+$0x0]  }
0xa5: {  	v2 =	vld [tilespmem:s28+$0xD00];
	_ =	sdelay $0x1  }
0xa6: {  	s29 =	smul.u32 $0xFFFFFFEC, s29  }
0xa7: {  	v3 =	vld [tilespmem:s28+$0x680]  }
0xa8: {  	s26 =	sadd.s32 s26, s29;
	v4 =	vshrl.u32 v1, $0x3  }
0xa9: {  	p0 =	slt.s32 s26, $0x0;
	s28 =	sadd.s32 $0x14, s26;
	v5 =	vshll.u32 v2, $0x3;
	v4 =	vmul.u32 $0x9C00, v4  }
0xaa: {  	s26 =	smov.u32 @p0 s28;
	v1 =	vshll.u32 v1, $0x7;
	v5 =	vand.u32 $0xFFFFFC00, v5  }
0xab: {  	v63 =	vand.u32 $0x380, v1;
	v1 =	vmov s26;
	v4 =	vadd.s32 v4, v5  }
0xac: {  	v2 =	vand.u32 $0x7F, v2;
	vm0 =	veq.s32 v3, v1;
	v4 =	vor.u32 v63, v4  }
0xad: {  	v2 =	vor.u32 v2, v4;
	_ =	sdelay $0x1  }
0xae: {  	s26 =	simm.s32 $0x10  }
0xaf: {  	s28 =	simm.s32 $0x20;
	s29 =	sand.u32 $0x780, s26  }
.LBB2_14:
0xb0: {  	p0 =	sne.s32 s28, $0x630;
	s26 =	sand.u32 $0x70, s26;
	s29 =	sadd.s32 s25, s29  }
0xb1: {  	s29 =	sor.u32 s26, s29;
	[tilespmem:v2+s16+$0x0] =	vst.idx.msk vm0, v0;
	s26 =	smov.u32 s28  }
0xb2: {  	v2 =	vld [tilespmem:s29+$0x0]  }
0xb3: {  	v3 =	vld [tilespmem:s29+$0xD00];
	_ =	sdelay $0x2  }
0xb4: {  	v4 =	vld [tilespmem:s29+$0x680]  }
0xb5: {  	v5 =	vshrl.u32 v2, $0x3  }
0xb6: {  	v5 =	vmul.u32 $0x9C00, v5;
	v6 =	vshll.u32 v3, $0x3  }
0xb7: {  	v2 =	vshll.u32 v2, $0x7;
	v6 =	vand.u32 $0xFFFFFC00, v6  }
0xb8: {  	v2 =	vand.u32 $0x380, v2;
	v5 =	vadd.s32 v5, v6  }
.Ltmp6:
0xb9: {  	v3 =	vand.u32 $0x7F, v3;
	vm0 =	veq.s32 v4, v1;
	v2 =	vor.u32 v2, v5;
	(pc) =	sbr.rel @p0 .LBB2_14-.Ltmp6, $2  }
0xba: {  	v2 =	vor.u32 v3, v2;
	_ =	sdelay $0x2  }
0xbb: {  	s28 =	sadd.s32 $0x10, s28;
	s29 =	sand.u32 $0x780, s26  }
0xbc: {  	_ =	sdelay $0x3  }
0xbd: {  	s26 =	sand.u32 $0x70, s26;
	s25 =	sadd.s32 s25, s29  }
0xbe: {  	[tilespmem:v2+s16+$0x0] =	vst.idx.msk vm0, v0;
	s25 =	sor.u32 s26, s25  }
0xbf: {  	v2 =	vld [tilespmem:s25+$0x0]  }
0xc0: {  	v3 =	vld [tilespmem:s25+$0xD00];
	_ =	sdelay $0x2  }
0xc1: {  	v4 =	vld [tilespmem:s25+$0x680]  }
0xc2: {  	v5 =	vshrl.u32 v2, $0x3  }
0xc3: {  	v6 =	vshll.u32 v3, $0x3;
	v5 =	vmul.u32 $0x9C00, v5  }
0xc4: {  	v2 =	vshll.u32 v2, $0x7;
	v6 =	vand.u32 $0xFFFFFC00, v6  }
0xc5: {  	v2 =	vand.u32 $0x380, v2;
	v5 =	vadd.s32 v5, v6  }
0xc6: {  	vm15 =	veq.s32 v4, v1;
	v1 =	vand.u32 $0x7F, v3;
	v2 =	vor.u32 v2, v5  }
0xc7: {  	v1 =	vor.u32 v1, v2;
	_ =	sdelay $0x4  }
0xc8: {  	[tilespmem:v1+s16+$0x0] =	vst.idx.msk vm15, v0  }
.LBB2_16:
0xc9: {  	s25 =	simm.s32 $0x0  }
0xca: {  	s26 =	sand.u32 $0x780, s25  }
0xcb: {  	s25 =	sand.u32 $0x70, s25;
	s26 =	sadd.s32 s23, s26  }
0xcc: {  	s26 =	sor.u32 s25, s26  }
0xcd: {  	v1 =	vld [tilespmem:s26+$0x0]  }
0xce: {  	v2 =	vld [tilespmem:s26+$0xD00];
	_ =	sdelay $0x2  }
0xcf: {  	v3 =	vld [tilespmem:s26+$0x680]  }
0xd0: {  	v4 =	vshrl.u32 v1, $0x3  }
0xd1: {  	v5 =	vshll.u32 v2, $0x3;
	v4 =	vmul.u32 $0x9C00, v4  }
0xd2: {  	s22 =	sor.u32 $0x1, s22;
	v1 =	vshll.u32 v1, $0x7;
	v5 =	vand.u32 $0xFFFFFC00, v5  }
0xd3: {  	v4 =	vadd.s32 v4, v5;
	v5 =	vand.u32 $0x380, v1;
	v1 =	vmov s22  }
0xd4: {  	v6 =	vand.u32 $0x7F, v2;
	v4 =	vor.u32 v5, v4;
	vm0 =	veq.s32 v3, v1  }
0xd5: {  	v2 =	vld [tilespmem:s26+$0x1380];
	v3 =	vor.u32 v6, v4;
	_ =	sdelay $0x1  }
0xd6: {  	s25 =	simm.s32 $0x10  }
0xd7: {  	s28 =	sand.u32 $0x780, s25;
	s26 =	simm.s32 $0x20  }
.LBB2_17:
0xd8: {  	p0 =	sne.s32 s26, $0x630;
	s25 =	sand.u32 $0x70, s25;
	s28 =	sadd.s32 s23, s28  }
0xd9: {  	s28 =	sor.u32 s25, s28;
	[tilespmem:v3+s16+$0x0] =	vst.idx.msk vm0, v2;
	s25 =	smov.u32 s26  }
0xda: {  	v2 =	vld [tilespmem:s28+$0x0]  }
0xdb: {  	v3 =	vld [tilespmem:s28+$0xD00];
	_ =	sdelay $0x2  }
0xdc: {  	v4 =	vld [tilespmem:s28+$0x680]  }
0xdd: {  	v5 =	vshrl.u32 v2, $0x3  }
0xde: {  	v5 =	vmul.u32 $0x9C00, v5;
	v6 =	vshll.u32 v3, $0x3  }
0xdf: {  	v2 =	vshll.u32 v2, $0x7;
	v6 =	vand.u32 $0xFFFFFC00, v6  }
0xe0: {  	v2 =	vand.u32 $0x380, v2;
	v5 =	vadd.s32 v5, v6  }
.Ltmp7:
0xe1: {  	v3 =	vand.u32 $0x7F, v3;
	vm0 =	veq.s32 v4, v1;
	v4 =	vor.u32 v2, v5;
	(pc) =	sbr.rel @p0 .LBB2_17-.Ltmp7, $2  }
0xe2: {  	v2 =	vld [tilespmem:s28+$0x1380];
	v3 =	vor.u32 v3, v4;
	_ =	sdelay $0x2  }
0xe3: {  	s26 =	sadd.s32 $0x10, s26;
	s28 =	sand.u32 $0x780, s25  }
0xe4: {  	_ =	sdelay $0x3  }
0xe5: {  	s25 =	sand.u32 $0x70, s25;
	s23 =	sadd.s32 s23, s28  }
0xe6: {  	s23 =	sor.u32 s25, s23;
	[tilespmem:v3+s16+$0x0] =	vst.idx.msk vm0, v2  }
0xe7: {  	v2 =	vld [tilespmem:s23+$0x0]  }
0xe8: {  	v3 =	vld [tilespmem:s23+$0xD00];
	_ =	sdelay $0x2  }
0xe9: {  	v4 =	vld [tilespmem:s23+$0x680]  }
0xea: {  	v5 =	vshrl.u32 v2, $0x3  }
0xeb: {  	v6 =	vshll.u32 v3, $0x3;
	v5 =	vmul.u32 $0x9C00, v5  }
0xec: {  	v2 =	vshll.u32 v2, $0x7;
	v6 =	vand.u32 $0xFFFFFC00, v6  }
0xed: {  	v2 =	vand.u32 $0x380, v2;
	v5 =	vadd.s32 v5, v6  }
0xee: {  	vm15 =	veq.s32 v4, v1;
	v1 =	vand.u32 $0x7F, v3;
	v2 =	vor.u32 v2, v5  }
0xef: {  	s21 =	sadd.s32 $0x1, s21;
	v3 =	vld [tilespmem:s23+$0x1380];
	v1 =	vor.u32 v1, v2  }
0xf0: {  	s22 =	smul.u32 $0x9C00, s22;
	p0 =	sne.s32 s21, $0xA  }
.Ltmp8:
0xf1: {  	_ = 	snop;
	(pc) =	sbr.rel @p0 .LBB2_6-.Ltmp8, $4  }
0xf2: {  	s22 =	sadd.s32 s24, s22  }
0xf3: {  	s22 =	sshrl.u32 s22, $0x3  }
0xf4: {  	s22 =	sadd.s32 s4, s22;
	[tilespmem:v1+s16+$0x0] =	vst.idx.msk vm15, v3  }
0xf5: {  	[hbm4b:s22+s2] =	stream.linear.scatter [tilespmem:s16], [sflag:$0x2], $0x9C00, $0x38;
	[tilespmem:$0x15A00] =	vst v63  }
0xf6: {  	_ =	swait.ge [sflag:s17], $0x9C00  }
0xf7: {  	[sflag:s17] =	ssyncset.done $0x0  }
0xf8: {  	[sflag:s17] =	ssyncadd.s32 $0xFFFF6400  }
0xf9: {  	_ =	swait.ge [sflag:s18], $0x9C00  }
0xfa: {  	[sflag:s18] =	ssyncset.done $0x0  }
0xfb: {  	s21 =	simm.s32 $0x0;
	[sflag:s18] =	ssyncadd.s32 $0xFFFF6400  }
0xfc: {  	s22 =	simm.s32 $0x40;
	v1 =	vld [tilespmem:s21+$0xD00]  }
.LBB2_20:
0xfd: {  	p0 =	sne.s32 s22, $0x18C0;
	v2 =	vld [tilespmem:s21+$0x0];
	_ =	sdelay $0x2  }
0xfe: {  	v3 =	vld [tilespmem:s21+$0x680];
	_ =	sdelay $0x1  }
0xff: {  	v5 =	vshll.u32 v1, $0x3;
	v4 =	vshll.u32 v2, $0x8  }
0x100: {  	v5 =	vand.u32 $0xFFFFFC00, v5;
	v2 =	vshll.u32 v2, $0x7;
	v4 =	vand.u32 $0xFFFFF800, v4  }
0x101: {  	v2 =	vand.u32 $0x380, v2;
	v4 =	vadd.s32 v4, v5  }
0x102: {  	v1 =	vand.u32 $0x7F, v1;
	vm0 =	veq.s32 v3, $0x14;
	v2 =	vor.u32 v2, v4  }
0x103: {  	v3 =	vld [tilespmem:s21+$0x1380];
	v1 =	vor.u32 v1, v2;
	_ =	sdelay $0x1  }
.Ltmp9:
0x104: {  	(pc) =	sbr.rel @p0 .LBB2_20-.Ltmp9, $3  }
0x105: {  	_ =	sdelay $0x1  }
0x106: {  	s21 =	sshra.s32 s22, $0x2;
	[tilespmem:v1+s19+$0x0] =	vst.idx.msk vm0, v3  }
0x107: {  	s22 =	sadd.s32 $0x40, s22;
	v1 =	vld [tilespmem:s21+$0xD00]  }
0x108: {  	v2 =	vld [tilespmem:s21+$0x0];
	_ =	sdelay $0x2  }
0x109: {  	v3 =	vld [tilespmem:s21+$0x680];
	_ =	sdelay $0x1  }
0x10a: {  	v5 =	vshll.u32 v1, $0x3;
	v4 =	vshll.u32 v2, $0x8  }
0x10b: {  	v5 =	vand.u32 $0xFFFFFC00, v5;
	v2 =	vshll.u32 v2, $0x7;
	v4 =	vand.u32 $0xFFFFF800, v4  }
0x10c: {  	v2 =	vand.u32 $0x380, v2;
	v4 =	vadd.s32 v4, v5  }
0x10d: {  	v1 =	vand.u32 $0x7F, v1;
	vm0 =	veq.s32 v3, $0x14;
	v2 =	vor.u32 v2, v4  }
0x10e: {  	v3 =	vld [tilespmem:s21+$0x1380];
	v1 =	vor.u32 v1, v2;
	_ =	sdelay $0x4  }
0x10f: {  	s31 =	simm.s32 $0x0;
	[tilespmem:v1+s19+$0x0] =	vst.idx.msk vm0, v3  }
0x110: {  	[hbm4b:s9+s31] =	stream.linear.scatter [tilespmem:s19], [sflag:$0x1], $0x800, $0x38;
	[tilespmem:$0x15A00] =	vst v63  }
0x111: {  	_ =	swait.ge [sflag:s17], $0x800  }
0x112: {  	[sflag:s17] =	ssyncset.done $0x0  }
0x113: {  	s22 =	simm.s32 $0x0;
	[sflag:s17] =	ssyncadd.s32 $0xFFFFF800  }
0x114: {  	s21 =	simm.s32 $0x40;
	v1 =	vld [tilespmem:s22+$0xD00]  }
.LBB2_22:
0x115: {  	p0 =	sne.s32 s21, $0x18C0;
	v2 =	vld [tilespmem:s22+$0x0];
	_ =	sdelay $0x2  }
0x116: {  	v3 =	vld [tilespmem:s22+$0x680];
	_ =	sdelay $0x1  }
0x117: {  	v5 =	vshll.u32 v1, $0x3;
	v4 =	vshll.u32 v2, $0x8  }
0x118: {  	v5 =	vand.u32 $0xFFFFFC00, v5;
	v2 =	vshll.u32 v2, $0x7;
	v4 =	vand.u32 $0xFFFFF800, v4  }
0x119: {  	v2 =	vand.u32 $0x380, v2;
	v4 =	vadd.s32 v4, v5  }
0x11a: {  	v1 =	vand.u32 $0x7F, v1;
	vm0 =	veq.s32 v3, $0x14;
	v2 =	vor.u32 v2, v4  }
0x11b: {  	v1 =	vor.u32 v1, v2;
	_ =	sdelay $0x1  }
.Ltmp10:
0x11c: {  	(pc) =	sbr.rel @p0 .LBB2_22-.Ltmp10, $3  }
0x11d: {  	_ =	sdelay $0x1  }
0x11e: {  	s22 =	sshra.s32 s21, $0x2;
	[tilespmem:v1+s19+$0x0] =	vst.idx.msk vm0, v0  }
0x11f: {  	s21 =	sadd.s32 $0x40, s21;
	v1 =	vld [tilespmem:s22+$0xD00]  }
0x120: {  	v2 =	vld [tilespmem:s22+$0x0];
	_ =	sdelay $0x2  }
0x121: {  	v3 =	vld [tilespmem:s22+$0x680];
	_ =	sdelay $0x1  }
0x122: {  	v5 =	vshll.u32 v1, $0x3;
	v4 =	vshll.u32 v2, $0x8  }
0x123: {  	v5 =	vand.u32 $0xFFFFFC00, v5;
	v2 =	vshll.u32 v2, $0x7;
	v4 =	vand.u32 $0xFFFFF800, v4  }
0x124: {  	v2 =	vand.u32 $0x380, v2;
	v4 =	vadd.s32 v4, v5  }
0x125: {  	s20 =	sadd.s32 $0x1, s20;
	v1 =	vand.u32 $0x7F, v1;
	vm0 =	veq.s32 v3, $0x14;
	v2 =	vor.u32 v2, v4  }
0x126: {  	p0 =	sne.s32 s20, s10;
	v1 =	vor.u32 v1, v2  }
.Ltmp11:
0x127: {  	_ = 	snop;
	(pc) =	sbr.rel @p0 .LBB2_1-.Ltmp11, $2  }
0x128: {  	_ =	sdelay $0x2  }
0x129: {  	[tilespmem:v1+s19+$0x0] =	vst.idx.msk vm0, v0  }
0x12a: {  	_ =	sfence.sel $0x180000  }
0x12b: {  	[bflag:$0x0] =	sbarrier.arrive $0xFFFF  }
0x12c: {  	p0 =	sne.s32 s1, $0x0;
	_ =	strace $0x90000047  }
0x12d: {  	s0 =	sadd.s32 @!p0 $0x100000, s0;
	[bflag:$0x2] =	sbarrier.arrive $0xFFFF  }
0x12e: {  	[sflag:s0] =	ssyncadd.tile.s32 @!p0 $0x1;
	_ =	shalt  }
.Lfunc_end2:
_tile_overlayer_lowered:
.L_overlay_start_2:
0x12f: {  	(tag) =	ssettag $0x2  }
0x130: {  	s0 =	rddreg [dreg:$0x0];
	s2 =	stileid.u32  }
0x131: {  	s1 =	rddreg [dreg:$0x1];
	p0 =	sne.s32 s2, $0x0  }
0x132: {  	s3 =	rddreg [dreg:$0x2];
	[bflag:$0x3] =	sbarrier.arrive $0xFFFF;
	s2 =	simm.s32 @!p0 $0x1C03  }
0x133: {  	[timem:s3], [sflag:s2] =	dma.local @!p0 [hbm:s0], s1  }
0x134: {  	s0 =	simm.s32 @!p0 $0x3  }
0x135: {  	_ =	swait.ge @!p0 [sflag:s0], s1  }
0x136: {  	s1 =	ssub.s32 @!p0 $0x0, s1;
	[sflag:s0] =	ssyncset.done @!p0 $0x0  }
0x137: {  	[sflag:s0] =	ssyncadd.s32 @!p0 s1  }
0x138: {  	[bflag:$0x3] =	sbarrier.arrive $0xFFFF  }
0x139: {  	_ =	shalt  }

// kernel: kernel.13.cloned.1.call-start
scs
__scs_entry_jumppad:
0x0: {  	(pc) =	sbr.rel $0x88, $3  }
0x1: {  	(tag) =	ssettag $0x0;
	lr =	simm.s32 $0x1  }
0x2: {  	[smem:$0x3F9D] =	sst lr;
	_ =	strace $0xD0000000  }
0x3: {  	_ = 	snop  }
0x4: {  	_ = 	snop  }
0x5: {  	_ = 	snop  }
0x6: {  	_ = 	snop  }
0x7: {  	_ = 	snop  }
__scs_overlays_trampoline_lowered:
0x8: {  	[smem:$0x3FAC] =	sst s0  }
0x9: {  	[smem:$0x3FAD] =	sst s1  }
0xa: {  	[smem:$0x3FAE] =	sst s2  }
0xb: {  	[smem:$0x3FAF] =	sst s3  }
0xc: {  	[smem:$0x3FB0] =	sst s4  }
0xd: {  	[smem:$0x3FB1] =	sst s5  }
0xe: {  	[smem:$0x3FB2] =	sst s6  }
0xf: {  	[smem:$0x3FB3] =	sst s7  }
0x10: {  	[smem:$0x3FB4] =	sst s8  }
0x11: {  	[smem:$0x3FB5] =	sst s9;
	s0 =	simm.s32 @!p0 $0x0  }
0x12: {  	s1 =	sld [smem:$0x3F9B];
	s0 =	simm.s32 @p0 $0x1  }
0x13: {  	[smem:$0x3FB6] =	sst s0;
	s0 =	simm.s32 @!p1 $0x0  }
0x14: {  	s2 =	sld [smem:$0x3F9A];
	s0 =	simm.s32 @p1 $0x1  }
0x15: {  	[smem:$0x3FB7] =	sst s0;
	s0 =	simm.s32 @!p2 $0x0  }
0x16: {  	s3 =	sld [smem:$0x3FDB];
	s0 =	simm.s32 @p2 $0x1  }
0x17: {  	s4 =	simm.s32 $0x1BF5;
	[smem:$0x3FB9] =	sst s0  }
0x18: {  	s0 =	sld [smem:$0x3F9C];
	_ =	swait.ge [sflag:s4], $0x0  }
0x19: {  	s7 =	sld [smem:$0x3F9D]  }
0x1a: {  	s8 =	sadd.s32 $0xFFFFE003, lr  }
0x1b: {  	s9 =	sadd.s32 $0xFFFFFEF7, lr;
	s5 =	simm.s32 $0xFFFFFFFF;
	p2 =	slt.u32 s8, $0xFFFFF086  }
0x1c: {  	p1 =	slt.u32 s9, $0xF7A;
	s5 =	simm.s32 @!p2 $0x0  }
0x1d: {  	s5 =	simm.s32 @p1 $0x1;
	p0 =	seq.s32 s7, s2  }
0x1e: {  	s7 =	smul.u32 @!p0 $0xF7A, s2;
	p2 =	seq.s32 @!p0 s5, $0x0  }
0x1f: {  	s9 =	smul.u32 $0xF7A, s1;
	s8 =	simm.s32 @!p0 $0x1BF5;
	p2 =	por !p2, p0  }
0x20: {  	[sflag:s8] =	ssyncset.s32 @!p0 $0xFFFFF086;
	s6 =	sadd.s32 @!p0 s3, s7;
	s7 =	simm.s32 @!p0 $0x108  }
0x21: {  	s3 =	sadd.s32 s3, s9;
	s6 =	sadd.s32 @!p0 $0x88, s6;
	s7 =	simm.s32 @p2 $0x1082  }
0x22: {  	[simem:s7], [sflag:s8] =	dma.local @!p0 [hbm:s6], $0xF7A  }
0x23: {  	s9 =	sor.u32 $0xD0000000, s2;
	s6 =	simm.s32 $0x108;
	_ =	swait.ge @!p0 [sflag:s8], $0x0  }
0x24: {  	s3 =	sadd.s32 $0x88, s3;
	s6 =	simm.s32 @!p1 $0x1082;
	[sflag:s4] =	ssyncset.s32 $0xFFFFF086  }
0x25: {  	[simem:s6], [sflag:s4] =	dma.local [hbm:s3], $0xF7A  }
0x26: {  	[smem:$0x3F9D] =	sst s1;
	(tag) =	ssettag s2;
	_ =	strace s9  }
0x27: {  	s1 =	sld [smem:$0x3FAD]  }
0x28: {  	s2 =	sld [smem:$0x3FAE]  }
0x29: {  	s4 =	sld [smem:$0x3FB0]  }
0x2a: {  	p0 =	seq.s32 s5, $0x0;
	s5 =	sld [smem:$0x3FB1]  }
0x2b: {  	s6 =	sld [smem:$0x3FB2]  }
0x2c: {  	s7 =	sld [smem:$0x3FB3]  }
0x2d: {  	s3 =	simm.s32 $0x108;
	s8 =	sld [smem:$0x3FB4]  }
0x2e: {  	s3 =	simm.s32 @!p0 $0x1082;
	s9 =	sld [smem:$0x3FB5]  }
0x2f: {  	lr =	sadd.s32 s0, s3;
	s0 =	sld [smem:$0x3FAC]  }
0x30: {  	s3 =	sld [smem:$0x3FAF]  }
0x31: {  	[smem:$0x3FB8] =	sst s10  }
0x32: {  	s10 =	sld [smem:$0x3FB6];
	_ =	sdelay $0x3  }
0x33: {  	p0 =	seq.s32 s10, $0x1;
	s10 =	sld [smem:$0x3FB8];
	_ =	sdelay $0x3  }
0x34: {  	[smem:$0x3FB8] =	sst s10  }
0x35: {  	s10 =	sld [smem:$0x3FB7];
	_ =	sdelay $0x3  }
0x36: {  	p1 =	seq.s32 s10, $0x1;
	s10 =	sld [smem:$0x3FB8];
	_ =	sdelay $0x3  }
0x37: {  	[smem:$0x3FB8] =	sst s10  }
0x38: {  	s10 =	sld [smem:$0x3FB9]  }
0x39: {  	_ = 	snop;
	(pc) =	sbr.ind lr, $3  }
0x3a: {  	_ = 	snop  }
0x3b: {  	_ = 	snop  }
0x3c: {  	p2 =	seq.s32 s10, $0x1;
	s10 =	sld [smem:$0x3FB8]  }
0x3d: {  	_ =	shalt  }
0x3e: {  	_ =	shalt  }
0x3f: {  	_ =	shalt  }
0x40: {  	_ =	shalt  }
0x41: {  	_ =	shalt  }
0x42: {  	_ =	shalt  }
0x43: {  	_ =	shalt  }
0x44: {  	_ =	shalt  }
0x45: {  	_ =	shalt  }
0x46: {  	_ =	shalt  }
0x47: {  	_ =	shalt  }
0x48: {  	_ =	shalt  }
0x49: {  	_ =	shalt  }
0x4a: {  	_ =	shalt  }
0x4b: {  	_ =	shalt  }
0x4c: {  	_ =	shalt  }
0x4d: {  	_ =	shalt  }
0x4e: {  	_ =	shalt  }
0x4f: {  	_ =	shalt  }
0x50: {  	_ =	shalt  }
0x51: {  	_ =	shalt  }
0x52: {  	_ =	shalt  }
0x53: {  	_ =	shalt  }
0x54: {  	_ =	shalt  }
0x55: {  	_ =	shalt  }
0x56: {  	_ =	shalt  }
0x57: {  	_ =	shalt  }
0x58: {  	_ =	shalt  }
0x59: {  	_ =	shalt  }
0x5a: {  	_ =	shalt  }
0x5b: {  	_ =	shalt  }
0x5c: {  	_ =	shalt  }
0x5d: {  	_ =	shalt  }
0x5e: {  	_ =	shalt  }
0x5f: {  	_ =	shalt  }
0x60: {  	_ =	shalt  }
0x61: {  	_ =	shalt  }
0x62: {  	_ =	shalt  }
0x63: {  	_ =	shalt  }
0x64: {  	_ =	shalt  }
0x65: {  	_ =	shalt  }
0x66: {  	_ =	shalt  }
0x67: {  	_ =	shalt  }
0x68: {  	_ =	shalt  }
0x69: {  	_ =	shalt  }
0x6a: {  	_ =	shalt  }
0x6b: {  	_ =	shalt  }
0x6c: {  	_ =	shalt  }
0x6d: {  	_ =	shalt  }
0x6e: {  	_ =	shalt  }
0x6f: {  	_ =	shalt  }
0x70: {  	_ =	shalt  }
0x71: {  	_ =	shalt  }
0x72: {  	_ =	shalt  }
0x73: {  	_ =	shalt  }
0x74: {  	_ =	shalt  }
0x75: {  	_ =	shalt  }
0x76: {  	_ =	shalt  }
0x77: {  	_ =	shalt  }
0x78: {  	_ =	shalt  }
0x79: {  	_ =	shalt  }
0x7a: {  	_ =	shalt  }
0x7b: {  	_ =	shalt  }
0x7c: {  	_ =	shalt  }
0x7d: {  	_ =	shalt  }
0x7e: {  	_ =	shalt  }
0x7f: {  	_ =	shalt  }
0x80: {  	_ =	shalt  }
0x81: {  	_ =	shalt  }
0x82: {  	_ =	shalt  }
0x83: {  	_ =	shalt  }
0x84: {  	_ =	shalt  }
0x85: {  	_ =	shalt  }
0x86: {  	_ =	shalt  }
0x87: {  	_ =	shalt  }
.Lfunc_end0:
.L_simem_size_0:
called_computation.1_lowered:
.L_overlay_start_0:
0x88: {  	s2 =	sld [smem:$0x3FD9]  }
0x89: {  	s3 =	sld [smem:$0x3FFE];
	_ =	sdelay $0x1  }
0x8a: {  	s1 =	srdreg.scid  }
0x8b: {  	s0 =	sand.u32 $0x1, s1  }
0x8c: {  	s16 =	sshll.u32 s0, $0xA;
	s2 =	sadd.s32 s3, s2  }
0x8d: {  	s2 =	sadd.s32 s2, s16  }
0x8e: {  	[smem:$0x3FC4] =	sst s2  }
0x8f: {  	_ = 	snop  }
0x90: {  	(tm) =	ssettm $0x1  }
0x91: {  	s17 =	sld [smem:$0x3FFB];
	_ =	sdelay $0x3  }
0x92: {  	_ =	strace s17  }
0x93: {  	s2 =	sld [smem:$0x3FFC];
	_ =	sdelay $0x3  }
0x94: {  	_ =	strace s2  }
0x95: {  	s2 =	sld [smem:$0x3FFD];
	_ =	sdelay $0x3  }
0x96: {  	_ =	strace s2  }
0x97: {  	_ =	strace $0x8FFFFFFF  }
0x98: {  	s18 =	sld [smem:$0x3FDB];
	_ =	sdelay $0x1  }
0x99: {  	s19 =	simm.s32 $_scs_section_size  }
0x9a: {  	s4 =	simm.s32 $_size__tile_overlayer_lowered;
	s5 =	simm.s32 $_tile_overlayer_lowered  }
0x9b: {  	s22 =	simm.s32 $0x1BFF;
	s21 =	sshll.u32 s5, $0x1;
	s2 =	sadd.s32 s19, s18  }
0x9c: {  	s6 =	simm.s32 $0x0;
	s20 =	sshll.u32 s4, $0x1;
	s4 =	sadd.s32 s21, s2  }
0x9d: {  	[timem:s6], [sflag:s22] =	dma.local [hbm:s4], s20  }
0x9e: {  	_ =	swait.ge [sflag:s22], s20  }
0x9f: {  	s3 =	ssub.s32 $0x0, s20;
	[sflag:s22] =	ssyncset.done $0x0  }
0xa0: {  	[sflag:s22] =	ssyncadd.s32 s3;
	_ =	sdelay $0x1  }
0xa1: {  	s23 =	simm.s32 $0x1B8B  }
0xa2: {  	_ =	swait.ge [sflag:s23], $0x1  }
0xa3: {  	[sflag:s23] =	ssyncset.done $0x0  }
0xa4: {  	s25 =	simm.s32 $0x1B8E;
	s24 =	sld [smem:$0x3FFE];
	[sflag:s23] =	ssyncadd.s32 $0xFFFFFFFF  }
0xa5: {  	s26 =	simm.s32 $execute0_lowered;
	[smem:$0x3FD2] =	sst s25  }
0xa6: {  	s4 =	sshll.u32 s26, $0x1;
	_ =	strace $0x80000049;
	[dreg:$0x1] =	wrdreg $0xFFFFFFFF  }
0xa7: {  	s28 =	simm.s32 $_size_execute0_lowered;
	s2 =	sadd.s32 s2, s4;
	[dreg:$0x0] =	wrdreg $0x0  }
0xa8: {  	s4 =	sshll.u32 s28, $0x1;
	[dreg:$0x2] =	wrdreg s2  }
0xa9: {  	[dreg:$0x3] =	wrdreg s4  }
0xaa: {  	[dreg:$0x4] =	wrdreg $0xC0  }
0xab: {  	_ =	task [dreg:s6], $0x5FFFF  }
0xac: {  	[dreg:$0x1] =	wrdreg $0xFFFFFFFF  }
0xad: {  	[dreg:$0x0] =	wrdreg $0x60  }
0xae: {  	[dreg:$0x2] =	wrdreg s24  }
0xaf: {  	[dreg:$0x3] =	wrdreg $0x9  }
0xb0: {  	_ =	task.clear_ibuf [dreg:s6], $0x4FFFF;
	_ =	strace $0x90000049  }
0xb1: {  	s29 =	simm.s32 $0x9;
	_ =	strace $0x8000004B  }
0xb2: {  	_ =	swait.ge [sflag:s29], $0x1  }
0xb3: {  	[sflag:s29] =	ssyncadd.s32 $0xFFFFFFFF  }
0xb4: {  	_ =	strace $0x9000004B  }
0xb5: {  	_ =	sfence  }
0xb6: {  	s30 =	sld [smem:$0x0];
	_ =	sdelay $0x2  }
0xb7: {  	s31 =	sshll.u32 s1, $0xD;
	s1 =	sshrl.u32 s1, $0x2  }
0xb8: {  	s3 =	sand.u32 $0x4000, s31;
	s1 =	sadd.s32 s1, s30  }
0xb9: {  	s0 =	sor.u32 s3, s0;
	s1 =	sshll.u32 s1, $0x11  }
0xba: {  	s0 =	sor.u32 s1, s0  }
0xbb: {  	s0 =	sadd.s32 $0x8F2B, s0  }
0xbc: {  	[sflag:s0] =	ssyncadd.remote.s32 $0x1  }
0xbd: {  	_ =	sfence.sel $0xFFFF  }
0xbe: {  	[dreg:$0x0] =	wrdreg $0xFFFFFFFF;
	(pc) =	sbr.abs _section_cstart, $3  }
0xbf: {  	[dreg:$0x1] =	wrdreg $0xFFFFFFFF  }
0xc0: {  	_ =	task.clear_ibuf [dreg:s6], $0x2FFFF;
	_ =	strace $0x9FFFFFFF  }
0xc1: {  	(tm) =	ssettm $0x7FFFFFFF  }
tec
execute0_lowered:
.L_overlay_start_1:
0x0: {  	(tag) =	ssettag $0x1  }
0x1: {  	s0 =	srdreg.scid  }
0x2: {  	s4 =	rddreg [dreg:$0x0];
	s1 =	stileid.u32  }
0x3: {  	s2 =	simm.s32 $0x0;
	s11 =	simm.s32 $0x3;
	s12 =	simm.s32 $0x680  }
0x4: {  	s13 =	simm.s32 $0xD00;
	s14 =	simm.s32 $0x1380;
	s15 =	simm.s32 $0x1A00  }
0x5: {  	s16 =	simm.s32 $0xB600;
	s17 =	simm.s32 $0x1;
	s3 =	sand.u32 $0x1, s0  }
0x6: {  	s18 =	simm.s32 $0x2;
	s19 =	simm.s32 $0x15200;
	s5 =	sshll.u32 s3, $0x4  }
0x7: {  	s20 =	simm.s32 $0x0;
	s0 =	rddreg [dreg:$0x1];
	s8 =	sor.u32 s1, s5  }
0x8: {  	[smem:$0x7FF] =	sst s2;
	s6 =	ssub.s32 $0x2, s3;
	s5 =	smul.u32 $0xD0, s8  }
0x9: {  	_ =	strace $0x8000004A;
	s31 =	sshrl.u32 s6, $0x1;
	s9 =	smul.u32 $0xC3800, s8  }
0xa: {  	s3 =	sadd.s32 $0x2800, s4;
	s10 =	ssub.s32 s6, s31;
	s7 =	sadd.s32 s5, s4  }
0xb: {  	s8 =	sor.u32 $0x20, s8;
	s9 =	sshrl.u32 s9, $0x3;
	s4 =	sadd.s32 $0xC49600, s7  }
0xc: {  	s5 =	sadd.s32 $0xC4B000, s7;
	s6 =	sadd.s32 $0xC4CA00, s7;
	s9 =	sadd.s32 s3, s9  }
0xd: {  	v0 =	vimm.f32 $0.0e+00;
	s10 =	smax.u32 s10, $0x1;
	s7 =	sadd.s32 $0xC4E400, s7;
	s9 =	sadd.s32 $0x326600, s9  }
.LBB2_1:
0xe: {  	s21 =	sand.u32 $0xFFF8, s2  }
0xf: {  	s21 =	sshrl.u32 s21, $0x3  }
0x10: {  	s22 =	smul.u32 $0xD21, s21;
	_ =	sdelay $0x1  }
0x11: {  	s21 =	simm.s32 $0x1;
	s23 =	sshrl.u32 s22, $0x11  }
0x12: {  	s24 =	sand.u32 $0xFFF8, s21;
	s26 =	smul.u32 $0x138, s23  }
0x13: {  	s25 =	sshrl.u32 s24, $0x3  }
0x14: {  	s23 =	simm.s32 $0x2;
	s24 =	ssub.s32 $0x0, s26;
	s26 =	sshrl.u32 s22, $0x14  }
.LBB2_2:
0x15: {  	p0 =	sne.s32 s23, $0x9BF  }
0x16: {  	s26 =	smul.u32 $0x9C00, s26;
	s28 =	sshll.u32 s24, $0x7;
	s29 =	sshrl.u32 s22, $0xA  }
0x17: {  	s22 =	smul.u32 $0xD21, s25;
	s24 =	sshll.u32 s24, $0x4;
	s28 =	sand.u32 $0xFC00, s28  }
.Ltmp0:
0x18: {  	s25 =	sadd.s32 s28, s26;
	s26 =	sand.u32 $0x380, s29;
	(pc) =	sbr.rel @p0 .LBB2_2-.Ltmp0, $4  }
0x19: {  	s24 =	sand.u32 $0x70, s24;
	s28 =	sshrl.u32 s22, $0x11;
	s25 =	sor.u32 s26, s25  }
0x1a: {  	s26 =	sand.u32 $0xFFF8, s23;
	s28 =	smul.u32 $0x138, s28;
	s29 =	sor.u32 s24, s25  }
0x1b: {  	s25 =	sshrl.u32 s26, $0x3;
	s24 =	smov.u32 s21;
	s21 =	smov.u32 s23;
	[tilespmem:s29+$0xB600] =	vst v0  }
0x1c: {  	s23 =	sadd.s32 $0x1, s23;
	s26 =	sshrl.u32 s22, $0x14;
	s24 =	ssub.s32 s24, s28;
	[tilespmem:s29+$0x1A00] =	vst v0  }
0x1d: {  	s23 =	smul.u32 $0xD21, s25  }
0x1e: {  	s25 =	smul.u32 $0x9C00, s26;
	s31 =	sshll.u32 s24, $0x7  }
0x1f: {  	s22 =	sshrl.u32 s22, $0xA;
	s30 =	sshll.u32 s24, $0x4;
	s26 =	sand.u32 $0xFC00, s31  }
0x20: {  	s22 =	sand.u32 $0x380, s22;
	s24 =	sand.u32 $0x70, s30;
	s28 =	sshrl.u32 s23, $0x11  }
0x21: {  	s25 =	sadd.s32 s26, s25;
	s31 =	smul.u32 $0x138, s28;
	s28 =	sshrl.u32 s23, $0x14  }
0x22: {  	s22 =	sor.u32 s22, s25;
	s30 =	smul.u32 $0x9C00, s28;
	s28 =	simm.s32 $0x0  }
0x23: {  	s23 =	sshrl.u32 s23, $0xA;
	s21 =	ssub.s32 s21, s31;
	s28 =	smul.u32 $0xCD, s28  }
0x24: {  	s22 =	sor.u32 s24, s22;
	s23 =	sand.u32 $0x380, s23;
	s31 =	sshll.u32 s21, $0x7  }
0x25: {  	s21 =	sshll.u32 s21, $0x4;
	s25 =	sand.u32 $0xFC00, s31;
	s26 =	sshrl.u32 s28, $0xB  }
0x26: {  	s24 =	sadd.s32 s25, s30;
	s30 =	sand.u32 $0x70, s21;
	s25 =	sand.u32 $0x1F, s26  }
0x27: {  	[tilespmem:s22+$0xB600] =	vst v0;
	s21 =	simm.s32 $0x1;
	s23 =	sor.u32 s23, s24;
	s31 =	smul.u32 $0xA, s25  }
0x28: {  	[tilespmem:s22+$0x1A00] =	vst v0;
	s22 =	smul.u32 $0xCD, s21;
	s23 =	sor.u32 s30, s23  }
0x29: {  	s26 =	sshrl.u32 s28, $0x3;
	s25 =	sshrl.u32 s28, $0x4;
	[tilespmem:s23+$0xB600] =	vst v0;
	s24 =	ssub.s32 $0x0, s31  }
0x2a: {  	[tilespmem:s23+$0x1A00] =	vst v0;
	s28 =	sshrl.u32 s22, $0xB;
	s23 =	simm.s32 $0x2;
	s29 =	sshll.u32 s24, $0x7  }
.LBB2_4:
0x2b: {  	p0 =	sne.s32 s23, $0x4F  }
0x2c: {  	s26 =	sand.u32 $0x800, s26;
	s29 =	sand.u32 $0x400, s29;
	s24 =	sshll.u32 s24, $0x4  }
0x2d: {  	s25 =	sand.u32 $0x380, s25;
	s28 =	sand.u32 $0x1F, s28;
	s26 =	sor.u32 s29, s26  }
.Ltmp1:
0x2e: {  	s24 =	sand.u32 $0x70, s24;
	s25 =	sor.u32 s26, s25;
	(pc) =	sbr.rel @p0 .LBB2_4-.Ltmp1, $4  }
0x2f: {  	s26 =	smul.u32 $0xA, s28;
	s24 =	sor.u32 s24, s25;
	s25 =	smov.u32 s22  }
0x30: {  	s22 =	smul.u32 $0xCD, s23;
	[tilespmem:s24+$0x15200] =	vst v0;
	s24 =	smov.u32 s21;
	s21 =	smov.u32 s23  }
0x31: {  	s24 =	ssub.s32 s24, s26;
	s26 =	sshrl.u32 s25, $0x3;
	s25 =	sshrl.u32 s25, $0x4  }
0x32: {  	s23 =	sadd.s32 $0x1, s23;
	s28 =	sshrl.u32 s22, $0xB;
	s29 =	sshll.u32 s24, $0x7  }
0x33: {  	s23 =	sand.u32 $0x1F, s28  }
0x34: {  	s26 =	sand.u32 $0x800, s26;
	s23 =	smul.u32 $0xA, s23  }
0x35: {  	s31 =	sand.u32 $0x400, s29;
	s24 =	sshll.u32 s24, $0x4;
	s25 =	sand.u32 $0x380, s25  }
0x36: {  	s29 =	sshrl.u32 s22, $0x3;
	s26 =	sor.u32 s31, s26;
	s21 =	ssub.s32 s21, s23  }
0x37: {  	s24 =	sand.u32 $0x70, s24;
	s31 =	sshrl.u32 s22, $0x4;
	s30 =	sshll.u32 s21, $0x7  }
0x38: {  	s28 =	sor.u32 s26, s25;
	s25 =	sand.u32 $0x800, s29;
	s26 =	sand.u32 $0x400, s30  }
0x39: {  	s22 =	sand.u32 $0x380, s31;
	s21 =	sshll.u32 s21, $0x4;
	s25 =	sor.u32 s26, s25  }
0x3a: {  	s23 =	sor.u32 s24, s28;
	s21 =	sand.u32 $0x70, s21;
	s22 =	sor.u32 s25, s22  }
0x3b: {  	[tilespmem:s23+$0x15200] =	vst v0;
	s21 =	sor.u32 s21, s22  }
0x3c: {  	[tilespmem:s21+$0x15200] =	vst v0;
	s21 =	simm.s32 $0x0  }
0x3d: {  	[tilespmem:s21], [sflag:$0x3] =	stream.linear.gather [hbm4b:s4+s21], $0x680, $0x38;
	[tilespmem:$0x15A00] =	vst v63  }
0x3e: {  	_ =	swait.ge [sflag:s11], $0x680  }
0x3f: {  	[sflag:s11] =	ssyncset.done $0x0  }
0x40: {  	[sflag:s11] =	ssyncadd.s32 $0xFFFFF980  }
0x41: {  	[tilespmem:s12], [sflag:$0x3] =	stream.linear.gather [hbm4b:s5+s21], $0x680, $0x38;
	[tilespmem:$0x15A00] =	vst v63  }
0x42: {  	_ =	swait.ge [sflag:s11], $0x680  }
0x43: {  	[sflag:s11] =	ssyncset.done $0x0  }
0x44: {  	[sflag:s11] =	ssyncadd.s32 $0xFFFFF980  }
0x45: {  	[tilespmem:s13], [sflag:$0x3] =	stream.linear.gather [hbm4b:s6+s21], $0x680, $0x38;
	[tilespmem:$0x15A00] =	vst v63  }
0x46: {  	_ =	swait.ge [sflag:s11], $0x680  }
0x47: {  	[sflag:s11] =	ssyncset.done $0x0  }
0x48: {  	[sflag:s11] =	ssyncadd.s32 $0xFFFFF980  }
0x49: {  	[tilespmem:s14], [sflag:$0x3] =	stream.linear.gather [hbm4b:s7+s21], $0x680, $0x38;
	[tilespmem:$0x15A00] =	vst v63  }
0x4a: {  	_ =	swait.ge [sflag:s11], $0x680  }
0x4b: {  	[sflag:s11] =	ssyncset.done $0x0  }
0x4c: {  	[sflag:s11] =	ssyncadd.s32 $0xFFFFF980  }
.LBB2_6:
0x4d: {  	p0 =	seq.s32 s21, $0x0  }
.Ltmp2:
0x4e: {  	_ = 	snop;
	(pc) =	sbr.rel @p0 .LBB2_10-.Ltmp2, $2  }
0x4f: {  	_ =	sdelay $0x2  }
0x50: {  	s22 =	sshll.u32 s21, $0x1  }
0x51: {  	_ =	swait.ge [sflag:s17], $0x9C00  }
0x52: {  	s23 =	sadd.s32 $0xFFFFFFFE, s22;
	[sflag:s17] =	ssyncset.done $0x0  }
0x53: {  	s24 =	simm.s32 $0x0;
	v1 =	vmov s23;
	s23 =	simm.s32 $0x40;
	[sflag:s17] =	ssyncadd.s32 $0xFFFF6400  }
.LBB2_8:
0x54: {  	p1 =	sne.s32 s23, $0x18C0;
	v2 =	vld [tilespmem:s24+$0x0]  }
0x55: {  	v3 =	vld [tilespmem:s24+$0xD00];
	_ =	sdelay $0x2  }
0x56: {  	v4 =	vld [tilespmem:s24+$0x680]  }
0x57: {  	v5 =	vshrl.u32 v2, $0x3  }
0x58: {  	v5 =	vmul.u32 $0x9C00, v5;
	v6 =	vshll.u32 v3, $0x3  }
0x59: {  	v2 =	vshll.u32 v2, $0x7;
	v6 =	vand.u32 $0xFFFFFC00, v6  }
0x5a: {  	v2 =	vand.u32 $0x380, v2;
	v5 =	vadd.s32 v5, v6  }
0x5b: {  	v3 =	vand.u32 $0x7F, v3;
	vm0 =	veq.s32 v4, v1;
	v2 =	vor.u32 v2, v5  }
0x5c: {  	v2 =	vor.u32 v3, v2  }
.Ltmp3:
0x5d: {  	(pc) =	sbr.rel @p1 .LBB2_8-.Ltmp3, $2  }
0x5e: {  	_ =	sdelay $0x2  }
0x5f: {  	s24 =	sshra.s32 s23, $0x2;
	s23 =	sadd.s32 $0x40, s23;
	[tilespmem:v2+s15+$0x0] =	vst.idx.msk vm0, v0  }
0x60: {  	v2 =	vld [tilespmem:s24+$0x0]  }
0x61: {  	v3 =	vld [tilespmem:s24+$0xD00];
	_ =	sdelay $0x2  }
0x62: {  	v4 =	vld [tilespmem:s24+$0x680]  }
0x63: {  	v5 =	vshrl.u32 v2, $0x3  }
0x64: {  	v6 =	vshll.u32 v3, $0x3;
	v5 =	vmul.u32 $0x9C00, v5  }
0x65: {  	v2 =	vshll.u32 v2, $0x7;
	v6 =	vand.u32 $0xFFFFFC00, v6  }
0x66: {  	v2 =	vand.u32 $0x380, v2;
	v5 =	vadd.s32 v5, v6  }
0x67: {  	vm0 =	veq.s32 v4, v1;
	v1 =	vand.u32 $0x7F, v3;
	v2 =	vor.u32 v2, v5  }
0x68: {  	v1 =	vor.u32 v1, v2;
	_ =	sdelay $0x4  }
0x69: {  	[tilespmem:v1+s15+$0x0] =	vst.idx.msk vm0, v0  }
.LBB2_10:
0x6a: {  	s23 =	smulhi.u32 $0xCCCCCCCD, s21;
	_ =	sdelay $0x1  }
0x6b: {  	s24 =	sshrl.u32 s23, $0x3  }
0x6c: {  	s25 =	simm.s32 $0x0;
	s23 =	smul.u32 $0x680, s24  }
0x6d: {  	s26 =	sand.u32 $0x780, s25  }
0x6e: {  	s25 =	sand.u32 $0x70, s25;
	s26 =	sadd.s32 s23, s26  }
0x6f: {  	s26 =	sor.u32 s25, s26  }
0x70: {  	v1 =	vld [tilespmem:s26+$0x0]  }
0x71: {  	v2 =	vld [tilespmem:s26+$0xD00];
	_ =	sdelay $0x2  }
0x72: {  	v3 =	vld [tilespmem:s26+$0x680]  }
0x73: {  	v4 =	vshrl.u32 v1, $0x3  }
0x74: {  	v5 =	vshll.u32 v2, $0x3;
	v4 =	vmul.u32 $0x9C00, v4  }
0x75: {  	v1 =	vshll.u32 v1, $0x7;
	v5 =	vand.u32 $0xFFFFFC00, v5  }
0x76: {  	v4 =	vadd.s32 v4, v5;
	v5 =	vand.u32 $0x380, v1;
	v1 =	vmov s22  }
0x77: {  	v6 =	vand.u32 $0x7F, v2;
	v4 =	vor.u32 v5, v4;
	vm0 =	veq.s32 v3, v1  }
0x78: {  	v2 =	vld [tilespmem:s26+$0x1380];
	v3 =	vor.u32 v6, v4;
	_ =	sdelay $0x1  }
0x79: {  	s25 =	simm.s32 $0x10  }
0x7a: {  	s28 =	sand.u32 $0x780, s25;
	s26 =	simm.s32 $0x20  }
.LBB2_11:
0x7b: {  	p1 =	sne.s32 s26, $0x630;
	s25 =	sand.u32 $0x70, s25;
	s28 =	sadd.s32 s23, s28  }
0x7c: {  	s28 =	sor.u32 s25, s28;
	[tilespmem:v3+s15+$0x0] =	vst.idx.msk vm0, v2;
	s25 =	smov.u32 s26  }
0x7d: {  	v2 =	vld [tilespmem:s28+$0x0]  }
0x7e: {  	v3 =	vld [tilespmem:s28+$0xD00];
	_ =	sdelay $0x2  }
0x7f: {  	v4 =	vld [tilespmem:s28+$0x680]  }
0x80: {  	v5 =	vshrl.u32 v2, $0x3  }
0x81: {  	v5 =	vmul.u32 $0x9C00, v5;
	v6 =	vshll.u32 v3, $0x3  }
0x82: {  	v2 =	vshll.u32 v2, $0x7;
	v6 =	vand.u32 $0xFFFFFC00, v6  }
0x83: {  	v2 =	vand.u32 $0x380, v2;
	v5 =	vadd.s32 v5, v6  }
.Ltmp4:
0x84: {  	v3 =	vand.u32 $0x7F, v3;
	vm0 =	veq.s32 v4, v1;
	v4 =	vor.u32 v2, v5;
	(pc) =	sbr.rel @p1 .LBB2_11-.Ltmp4, $2  }
0x85: {  	v2 =	vld [tilespmem:s28+$0x1380];
	v3 =	vor.u32 v3, v4;
	_ =	sdelay $0x2  }
0x86: {  	s26 =	sadd.s32 $0x10, s26;
	s28 =	sand.u32 $0x780, s25  }
0x87: {  	_ =	sdelay $0x3  }
0x88: {  	s25 =	sand.u32 $0x70, s25;
	s26 =	sadd.s32 s23, s28  }
0x89: {  	s25 =	sor.u32 s25, s26;
	[tilespmem:v3+s15+$0x0] =	vst.idx.msk vm0, v2  }
0x8a: {  	v2 =	vld [tilespmem:s25+$0x0]  }
0x8b: {  	v3 =	vld [tilespmem:s25+$0xD00];
	_ =	sdelay $0x2  }
0x8c: {  	v4 =	vld [tilespmem:s25+$0x680]  }
0x8d: {  	v5 =	vshrl.u32 v2, $0x3  }
0x8e: {  	v6 =	vshll.u32 v3, $0x3;
	v5 =	vmul.u32 $0x9C00, v5  }
0x8f: {  	v2 =	vshll.u32 v2, $0x7;
	v6 =	vand.u32 $0xFFFFFC00, v6  }
0x90: {  	v2 =	vand.u32 $0x380, v2;
	v5 =	vadd.s32 v5, v6  }
0x91: {  	vm15 =	veq.s32 v4, v1;
	v1 =	vand.u32 $0x7F, v3;
	v2 =	vor.u32 v2, v5  }
0x92: {  	s24 =	sadd.s32 s24, s8;
	s31 =	smul.u32 $0x13800, s21;
	v3 =	vld [tilespmem:s25+$0x1380];
	v1 =	vor.u32 v1, v2  }
0x93: {  	s24 =	smul.u32 $0xC3800, s24  }
.Ltmp5:
0x94: {  	_ = 	snop;
	(pc) =	sbr.rel @p0 .LBB2_16-.Ltmp5, $4  }
0x95: {  	s25 =	sadd.s32 s31, s24  }
0x96: {  	s25 =	sshrl.u32 s25, $0x3  }
0x97: {  	s25 =	sadd.s32 s3, s25;
	[tilespmem:v1+s15+$0x0] =	vst.idx.msk vm15, v3  }
0x98: {  	[hbm4b:s25+s2] =	stream.linear.scatter [tilespmem:s15], [sflag:$0x1], $0x9C00, $0x38;
	[tilespmem:$0x15A00] =	vst v63  }
0x99: {  	s26 =	sadd.s32 $0xFFFFFFFF, s22  }
0x9a: {  	s25 =	smulhi.u32 $0x66666667, s26;
	s28 =	sshra.s32 s26, $0x1F  }
0x9b: {  	s29 =	smul.u32 $0x66666667, s28;
	_ =	sdelay $0x1  }
0x9c: {  	s25 =	sadd.s32 s29, s25  }
0x9d: {  	s29 =	sshrl.u32 s25, $0x1F;
	s25 =	sshra.s32 s25, $0x3  }
0x9e: {  	s29 =	sadd.s32 s29, s25  }
0x9f: {  	s25 =	sadd.s32 s28, s29  }
0xa0: {  	s28 =	simm.s32 $0x0;
	s25 =	smul.u32 $0x680, s25  }
0xa1: {  	_ =	swait.ge [sflag:s18], $0x9C00;
	s30 =	sand.u32 $0x780, s28  }
0xa2: {  	[sflag:s18] =	ssyncset.done $0x0;
	s28 =	sand.u32 $0x70, s28;
	s30 =	sadd.s32 s25, s30  }
0xa3: {  	[sflag:s18] =	ssyncadd.s32 $0xFFFF6400;
	s28 =	sor.u32 s28, s30  }
0xa4: {  	v1 =	vld [tilespmem:s28+$0x0]  }
0xa5: {  	v2 =	vld [tilespmem:s28+$0xD00];
	_ =	sdelay $0x1  }
0xa6: {  	s29 =	smul.u32 $0xFFFFFFEC, s29  }
0xa7: {  	v3 =	vld [tilespmem:s28+$0x680]  }
0xa8: {  	s26 =	sadd.s32 s26, s29;
	v4 =	vshrl.u32 v1, $0x3  }
0xa9: {  	p0 =	slt.s32 s26, $0x0;
	s28 =	sadd.s32 $0x14, s26;
	v5 =	vshll.u32 v2, $0x3;
	v4 =	vmul.u32 $0x9C00, v4  }
0xaa: {  	s26 =	smov.u32 @p0 s28;
	v1 =	vshll.u32 v1, $0x7;
	v5 =	vand.u32 $0xFFFFFC00, v5  }
0xab: {  	v63 =	vand.u32 $0x380, v1;
	v1 =	vmov s26;
	v4 =	vadd.s32 v4, v5  }
0xac: {  	v2 =	vand.u32 $0x7F, v2;
	vm0 =	veq.s32 v3, v1;
	v4 =	vor.u32 v63, v4  }
0xad: {  	v2 =	vor.u32 v2, v4;
	_ =	sdelay $0x1  }
0xae: {  	s26 =	simm.s32 $0x10  }
0xaf: {  	s28 =	simm.s32 $0x20;
	s29 =	sand.u32 $0x780, s26  }
.LBB2_14:
0xb0: {  	p0 =	sne.s32 s28, $0x630;
	s26 =	sand.u32 $0x70, s26;
	s29 =	sadd.s32 s25, s29  }
0xb1: {  	s29 =	sor.u32 s26, s29;
	[tilespmem:v2+s16+$0x0] =	vst.idx.msk vm0, v0;
	s26 =	smov.u32 s28  }
0xb2: {  	v2 =	vld [tilespmem:s29+$0x0]  }
0xb3: {  	v3 =	vld [tilespmem:s29+$0xD00];
	_ =	sdelay $0x2  }
0xb4: {  	v4 =	vld [tilespmem:s29+$0x680]  }
0xb5: {  	v5 =	vshrl.u32 v2, $0x3  }
0xb6: {  	v5 =	vmul.u32 $0x9C00, v5;
	v6 =	vshll.u32 v3, $0x3  }
0xb7: {  	v2 =	vshll.u32 v2, $0x7;
	v6 =	vand.u32 $0xFFFFFC00, v6  }
0xb8: {  	v2 =	vand.u32 $0x380, v2;
	v5 =	vadd.s32 v5, v6  }
.Ltmp6:
0xb9: {  	v3 =	vand.u32 $0x7F, v3;
	vm0 =	veq.s32 v4, v1;
	v2 =	vor.u32 v2, v5;
	(pc) =	sbr.rel @p0 .LBB2_14-.Ltmp6, $2  }
0xba: {  	v2 =	vor.u32 v3, v2;
	_ =	sdelay $0x2  }
0xbb: {  	s28 =	sadd.s32 $0x10, s28;
	s29 =	sand.u32 $0x780, s26  }
0xbc: {  	_ =	sdelay $0x3  }
0xbd: {  	s26 =	sand.u32 $0x70, s26;
	s25 =	sadd.s32 s25, s29  }
0xbe: {  	[tilespmem:v2+s16+$0x0] =	vst.idx.msk vm0, v0;
	s25 =	sor.u32 s26, s25  }
0xbf: {  	v2 =	vld [tilespmem:s25+$0x0]  }
0xc0: {  	v3 =	vld [tilespmem:s25+$0xD00];
	_ =	sdelay $0x2  }
0xc1: {  	v4 =	vld [tilespmem:s25+$0x680]  }
0xc2: {  	v5 =	vshrl.u32 v2, $0x3  }
0xc3: {  	v6 =	vshll.u32 v3, $0x3;
	v5 =	vmul.u32 $0x9C00, v5  }
0xc4: {  	v2 =	vshll.u32 v2, $0x7;
	v6 =	vand.u32 $0xFFFFFC00, v6  }
0xc5: {  	v2 =	vand.u32 $0x380, v2;
	v5 =	vadd.s32 v5, v6  }
0xc6: {  	vm15 =	veq.s32 v4, v1;
	v1 =	vand.u32 $0x7F, v3;
	v2 =	vor.u32 v2, v5  }
0xc7: {  	v1 =	vor.u32 v1, v2;
	_ =	sdelay $0x4  }
0xc8: {  	[tilespmem:v1+s16+$0x0] =	vst.idx.msk vm15, v0  }
.LBB2_16:
0xc9: {  	s25 =	simm.s32 $0x0  }
0xca: {  	s26 =	sand.u32 $0x780, s25  }
0xcb: {  	s25 =	sand.u32 $0x70, s25;
	s26 =	sadd.s32 s23, s26  }
0xcc: {  	s26 =	sor.u32 s25, s26  }
0xcd: {  	v1 =	vld [tilespmem:s26+$0x0]  }
0xce: {  	v2 =	vld [tilespmem:s26+$0xD00];
	_ =	sdelay $0x2  }
0xcf: {  	v3 =	vld [tilespmem:s26+$0x680]  }
0xd0: {  	v4 =	vshrl.u32 v1, $0x3  }
0xd1: {  	v5 =	vshll.u32 v2, $0x3;
	v4 =	vmul.u32 $0x9C00, v4  }
0xd2: {  	s22 =	sor.u32 $0x1, s22;
	v1 =	vshll.u32 v1, $0x7;
	v5 =	vand.u32 $0xFFFFFC00, v5  }
0xd3: {  	v4 =	vadd.s32 v4, v5;
	v5 =	vand.u32 $0x380, v1;
	v1 =	vmov s22  }
0xd4: {  	v6 =	vand.u32 $0x7F, v2;
	v4 =	vor.u32 v5, v4;
	vm0 =	veq.s32 v3, v1  }
0xd5: {  	v2 =	vld [tilespmem:s26+$0x1380];
	v3 =	vor.u32 v6, v4;
	_ =	sdelay $0x1  }
0xd6: {  	s25 =	simm.s32 $0x10  }
0xd7: {  	s28 =	sand.u32 $0x780, s25;
	s26 =	simm.s32 $0x20  }
.LBB2_17:
0xd8: {  	p0 =	sne.s32 s26, $0x630;
	s25 =	sand.u32 $0x70, s25;
	s28 =	sadd.s32 s23, s28  }
0xd9: {  	s28 =	sor.u32 s25, s28;
	[tilespmem:v3+s16+$0x0] =	vst.idx.msk vm0, v2;
	s25 =	smov.u32 s26  }
0xda: {  	v2 =	vld [tilespmem:s28+$0x0]  }
0xdb: {  	v3 =	vld [tilespmem:s28+$0xD00];
	_ =	sdelay $0x2  }
0xdc: {  	v4 =	vld [tilespmem:s28+$0x680]  }
0xdd: {  	v5 =	vshrl.u32 v2, $0x3  }
0xde: {  	v5 =	vmul.u32 $0x9C00, v5;
	v6 =	vshll.u32 v3, $0x3  }
0xdf: {  	v2 =	vshll.u32 v2, $0x7;
	v6 =	vand.u32 $0xFFFFFC00, v6  }
0xe0: {  	v2 =	vand.u32 $0x380, v2;
	v5 =	vadd.s32 v5, v6  }
.Ltmp7:
0xe1: {  	v3 =	vand.u32 $0x7F, v3;
	vm0 =	veq.s32 v4, v1;
	v4 =	vor.u32 v2, v5;
	(pc) =	sbr.rel @p0 .LBB2_17-.Ltmp7, $2  }
0xe2: {  	v2 =	vld [tilespmem:s28+$0x1380];
	v3 =	vor.u32 v3, v4;
	_ =	sdelay $0x2  }
0xe3: {  	s26 =	sadd.s32 $0x10, s26;
	s28 =	sand.u32 $0x780, s25  }
0xe4: {  	_ =	sdelay $0x3  }
0xe5: {  	s25 =	sand.u32 $0x70, s25;
	s23 =	sadd.s32 s23, s28  }
0xe6: {  	s23 =	sor.u32 s25, s23;
	[tilespmem:v3+s16+$0x0] =	vst.idx.msk vm0, v2  }
0xe7: {  	v2 =	vld [tilespmem:s23+$0x0]  }
0xe8: {  	v3 =	vld [tilespmem:s23+$0xD00];
	_ =	sdelay $0x2  }
0xe9: {  	v4 =	vld [tilespmem:s23+$0x680]  }
0xea: {  	v5 =	vshrl.u32 v2, $0x3  }
0xeb: {  	v6 =	vshll.u32 v3, $0x3;
	v5 =	vmul.u32 $0x9C00, v5  }
0xec: {  	v2 =	vshll.u32 v2, $0x7;
	v6 =	vand.u32 $0xFFFFFC00, v6  }
0xed: {  	v2 =	vand.u32 $0x380, v2;
	v5 =	vadd.s32 v5, v6  }
0xee: {  	vm15 =	veq.s32 v4, v1;
	v1 =	vand.u32 $0x7F, v3;
	v2 =	vor.u32 v2, v5  }
0xef: {  	s21 =	sadd.s32 $0x1, s21;
	v3 =	vld [tilespmem:s23+$0x1380];
	v1 =	vor.u32 v1, v2  }
0xf0: {  	s22 =	smul.u32 $0x9C00, s22;
	p0 =	sne.s32 s21, $0xA  }
.Ltmp8:
0xf1: {  	_ = 	snop;
	(pc) =	sbr.rel @p0 .LBB2_6-.Ltmp8, $4  }
0xf2: {  	s22 =	sadd.s32 s24, s22  }
0xf3: {  	s22 =	sshrl.u32 s22, $0x3  }
0xf4: {  	s22 =	sadd.s32 s3, s22;
	[tilespmem:v1+s16+$0x0] =	vst.idx.msk vm15, v3  }
0xf5: {  	[hbm4b:s22+s2] =	stream.linear.scatter [tilespmem:s16], [sflag:$0x2], $0x9C00, $0x38;
	[tilespmem:$0x15A00] =	vst v63  }
0xf6: {  	_ =	swait.ge [sflag:s17], $0x9C00  }
0xf7: {  	[sflag:s17] =	ssyncset.done $0x0  }
0xf8: {  	[sflag:s17] =	ssyncadd.s32 $0xFFFF6400  }
0xf9: {  	_ =	swait.ge [sflag:s18], $0x9C00  }
0xfa: {  	[sflag:s18] =	ssyncset.done $0x0  }
0xfb: {  	s21 =	simm.s32 $0x0;
	[sflag:s18] =	ssyncadd.s32 $0xFFFF6400  }
0xfc: {  	s22 =	simm.s32 $0x40;
	v1 =	vld [tilespmem:s21+$0xD00]  }
.LBB2_20:
0xfd: {  	p0 =	sne.s32 s22, $0x18C0;
	v2 =	vld [tilespmem:s21+$0x0];
	_ =	sdelay $0x2  }
0xfe: {  	v3 =	vld [tilespmem:s21+$0x680];
	_ =	sdelay $0x1  }
0xff: {  	v5 =	vshll.u32 v1, $0x3;
	v4 =	vshll.u32 v2, $0x8  }
0x100: {  	v5 =	vand.u32 $0xFFFFFC00, v5;
	v2 =	vshll.u32 v2, $0x7;
	v4 =	vand.u32 $0xFFFFF800, v4  }
0x101: {  	v2 =	vand.u32 $0x380, v2;
	v4 =	vadd.s32 v4, v5  }
0x102: {  	v1 =	vand.u32 $0x7F, v1;
	vm0 =	veq.s32 v3, $0x14;
	v2 =	vor.u32 v2, v4  }
0x103: {  	v3 =	vld [tilespmem:s21+$0x1380];
	v1 =	vor.u32 v1, v2;
	_ =	sdelay $0x1  }
.Ltmp9:
0x104: {  	(pc) =	sbr.rel @p0 .LBB2_20-.Ltmp9, $3  }
0x105: {  	_ =	sdelay $0x1  }
0x106: {  	s21 =	sshra.s32 s22, $0x2;
	[tilespmem:v1+s19+$0x0] =	vst.idx.msk vm0, v3  }
0x107: {  	s22 =	sadd.s32 $0x40, s22;
	v1 =	vld [tilespmem:s21+$0xD00]  }
0x108: {  	v2 =	vld [tilespmem:s21+$0x0];
	_ =	sdelay $0x2  }
0x109: {  	v3 =	vld [tilespmem:s21+$0x680];
	_ =	sdelay $0x1  }
0x10a: {  	v5 =	vshll.u32 v1, $0x3;
	v4 =	vshll.u32 v2, $0x8  }
0x10b: {  	v5 =	vand.u32 $0xFFFFFC00, v5;
	v2 =	vshll.u32 v2, $0x7;
	v4 =	vand.u32 $0xFFFFF800, v4  }
0x10c: {  	v2 =	vand.u32 $0x380, v2;
	v4 =	vadd.s32 v4, v5  }
0x10d: {  	v1 =	vand.u32 $0x7F, v1;
	vm0 =	veq.s32 v3, $0x14;
	v2 =	vor.u32 v2, v4  }
0x10e: {  	v3 =	vld [tilespmem:s21+$0x1380];
	v1 =	vor.u32 v1, v2;
	_ =	sdelay $0x4  }
0x10f: {  	s31 =	simm.s32 $0x0;
	[tilespmem:v1+s19+$0x0] =	vst.idx.msk vm0, v3  }
0x110: {  	[hbm4b:s9+s31] =	stream.linear.scatter [tilespmem:s19], [sflag:$0x1], $0x800, $0x38;
	[tilespmem:$0x15A00] =	vst v63  }
0x111: {  	_ =	swait.ge [sflag:s17], $0x800  }
0x112: {  	[sflag:s17] =	ssyncset.done $0x0  }
0x113: {  	s22 =	simm.s32 $0x0;
	[sflag:s17] =	ssyncadd.s32 $0xFFFFF800  }
0x114: {  	s21 =	simm.s32 $0x40;
	v1 =	vld [tilespmem:s22+$0xD00]  }
.LBB2_22:
0x115: {  	p0 =	sne.s32 s21, $0x18C0;
	v2 =	vld [tilespmem:s22+$0x0];
	_ =	sdelay $0x2  }
0x116: {  	v3 =	vld [tilespmem:s22+$0x680];
	_ =	sdelay $0x1  }
0x117: {  	v5 =	vshll.u32 v1, $0x3;
	v4 =	vshll.u32 v2, $0x8  }
0x118: {  	v5 =	vand.u32 $0xFFFFFC00, v5;
	v2 =	vshll.u32 v2, $0x7;
	v4 =	vand.u32 $0xFFFFF800, v4  }
0x119: {  	v2 =	vand.u32 $0x380, v2;
	v4 =	vadd.s32 v4, v5  }
0x11a: {  	v1 =	vand.u32 $0x7F, v1;
	vm0 =	veq.s32 v3, $0x14;
	v2 =	vor.u32 v2, v4  }
0x11b: {  	v1 =	vor.u32 v1, v2;
	_ =	sdelay $0x1  }
.Ltmp10:
0x11c: {  	(pc) =	sbr.rel @p0 .LBB2_22-.Ltmp10, $3  }
0x11d: {  	_ =	sdelay $0x1  }
0x11e: {  	s22 =	sshra.s32 s21, $0x2;
	[tilespmem:v1+s19+$0x0] =	vst.idx.msk vm0, v0  }
0x11f: {  	s21 =	sadd.s32 $0x40, s21;
	v1 =	vld [tilespmem:s22+$0xD00]  }
0x120: {  	v2 =	vld [tilespmem:s22+$0x0];
	_ =	sdelay $0x2  }
0x121: {  	v3 =	vld [tilespmem:s22+$0x680];
	_ =	sdelay $0x1  }
0x122: {  	v5 =	vshll.u32 v1, $0x3;
	v4 =	vshll.u32 v2, $0x8  }
0x123: {  	v5 =	vand.u32 $0xFFFFFC00, v5;
	v2 =	vshll.u32 v2, $0x7;
	v4 =	vand.u32 $0xFFFFF800, v4  }
0x124: {  	v2 =	vand.u32 $0x380, v2;
	v4 =	vadd.s32 v4, v5  }
0x125: {  	s20 =	sadd.s32 $0x1, s20;
	v1 =	vand.u32 $0x7F, v1;
	vm0 =	veq.s32 v3, $0x14;
	v2 =	vor.u32 v2, v4  }
0x126: {  	p0 =	sne.s32 s20, s10;
	v1 =	vor.u32 v1, v2  }
.Ltmp11:
0x127: {  	_ = 	snop;
	(pc) =	sbr.rel @p0 .LBB2_1-.Ltmp11, $2  }
0x128: {  	_ =	sdelay $0x2  }
0x129: {  	[tilespmem:v1+s19+$0x0] =	vst.idx.msk vm0, v0  }
0x12a: {  	_ =	sfence.sel $0x180000  }
0x12b: {  	[bflag:$0x0] =	sbarrier.arrive $0xFFFF  }
0x12c: {  	p0 =	sne.s32 s1, $0x0;
	_ =	strace $0x9000004A  }
0x12d: {  	s0 =	sadd.s32 @!p0 $0x100000, s0;
	[bflag:$0x2] =	sbarrier.arrive $0xFFFF  }
0x12e: {  	[sflag:s0] =	ssyncadd.tile.s32 @!p0 $0x1;
	_ =	shalt  }
.Lfunc_end2:
_tile_overlayer_lowered:
.L_overlay_start_2:
0x12f: {  	(tag) =	ssettag $0x2  }
0x130: {  	s0 =	rddreg [dreg:$0x0];
	s2 =	stileid.u32  }
0x131: {  	s1 =	rddreg [dreg:$0x1];
	p0 =	sne.s32 s2, $0x0  }
0x132: {  	s3 =	rddreg [dreg:$0x2];
	[bflag:$0x3] =	sbarrier.arrive $0xFFFF;
	s2 =	simm.s32 @!p0 $0x1C03  }
0x133: {  	[timem:s3], [sflag:s2] =	dma.local @!p0 [hbm:s0], s1  }
0x134: {  	s0 =	simm.s32 @!p0 $0x3  }
0x135: {  	_ =	swait.ge @!p0 [sflag:s0], s1  }
0x136: {  	s1 =	ssub.s32 @!p0 $0x0, s1;
	[sflag:s0] =	ssyncset.done @!p0 $0x0  }
0x137: {  	[sflag:s0] =	ssyncadd.s32 @!p0 s1  }
0x138: {  	[bflag:$0x3] =	sbarrier.arrive $0xFFFF  }
0x139: {  	_ =	shalt  }

// kernel: kernel.16.cloned.1.call-start
scs
__scs_entry_jumppad:
0x0: {  	(pc) =	sbr.rel $0x88, $3  }
0x1: {  	(tag) =	ssettag $0x0;
	lr =	simm.s32 $0x1  }
0x2: {  	[smem:$0x3F9D] =	sst lr;
	_ =	strace $0xD0000000  }
0x3: {  	_ = 	snop  }
0x4: {  	_ = 	snop  }
0x5: {  	_ = 	snop  }
0x6: {  	_ = 	snop  }
0x7: {  	_ = 	snop  }
__scs_overlays_trampoline_lowered:
0x8: {  	[smem:$0x3FAC] =	sst s0  }
0x9: {  	[smem:$0x3FAD] =	sst s1  }
0xa: {  	[smem:$0x3FAE] =	sst s2  }
0xb: {  	[smem:$0x3FAF] =	sst s3  }
0xc: {  	[smem:$0x3FB0] =	sst s4  }
0xd: {  	[smem:$0x3FB1] =	sst s5  }
0xe: {  	[smem:$0x3FB2] =	sst s6  }
0xf: {  	[smem:$0x3FB3] =	sst s7  }
0x10: {  	[smem:$0x3FB4] =	sst s8  }
0x11: {  	[smem:$0x3FB5] =	sst s9;
	s0 =	simm.s32 @!p0 $0x0  }
0x12: {  	s1 =	sld [smem:$0x3F9B];
	s0 =	simm.s32 @p0 $0x1  }
0x13: {  	[smem:$0x3FB6] =	sst s0;
	s0 =	simm.s32 @!p1 $0x0  }
0x14: {  	s2 =	sld [smem:$0x3F9A];
	s0 =	simm.s32 @p1 $0x1  }
0x15: {  	[smem:$0x3FB7] =	sst s0;
	s0 =	simm.s32 @!p2 $0x0  }
0x16: {  	s3 =	sld [smem:$0x3FDB];
	s0 =	simm.s32 @p2 $0x1  }
0x17: {  	s4 =	simm.s32 $0x1BF5;
	[smem:$0x3FB9] =	sst s0  }
0x18: {  	s0 =	sld [smem:$0x3F9C];
	_ =	swait.ge [sflag:s4], $0x0  }
0x19: {  	s7 =	sld [smem:$0x3F9D]  }
0x1a: {  	s8 =	sadd.s32 $0xFFFFE003, lr  }
0x1b: {  	s9 =	sadd.s32 $0xFFFFFEF7, lr;
	s5 =	simm.s32 $0xFFFFFFFF;
	p2 =	slt.u32 s8, $0xFFFFF086  }
0x1c: {  	p1 =	slt.u32 s9, $0xF7A;
	s5 =	simm.s32 @!p2 $0x0  }
0x1d: {  	s5 =	simm.s32 @p1 $0x1;
	p0 =	seq.s32 s7, s2  }
0x1e: {  	s7 =	smul.u32 @!p0 $0xF7A, s2;
	p2 =	seq.s32 @!p0 s5, $0x0  }
0x1f: {  	s9 =	smul.u32 $0xF7A, s1;
	s8 =	simm.s32 @!p0 $0x1BF5;
	p2 =	por !p2, p0  }
0x20: {  	[sflag:s8] =	ssyncset.s32 @!p0 $0xFFFFF086;
	s6 =	sadd.s32 @!p0 s3, s7;
	s7 =	simm.s32 @!p0 $0x108  }
0x21: {  	s3 =	sadd.s32 s3, s9;
	s6 =	sadd.s32 @!p0 $0x88, s6;
	s7 =	simm.s32 @p2 $0x1082  }
0x22: {  	[simem:s7], [sflag:s8] =	dma.local @!p0 [hbm:s6], $0xF7A  }
0x23: {  	s9 =	sor.u32 $0xD0000000, s2;
	s6 =	simm.s32 $0x108;
	_ =	swait.ge @!p0 [sflag:s8], $0x0  }
0x24: {  	s3 =	sadd.s32 $0x88, s3;
	s6 =	simm.s32 @!p1 $0x1082;
	[sflag:s4] =	ssyncset.s32 $0xFFFFF086  }
0x25: {  	[simem:s6], [sflag:s4] =	dma.local [hbm:s3], $0xF7A  }
0x26: {  	[smem:$0x3F9D] =	sst s1;
	(tag) =	ssettag s2;
	_ =	strace s9  }
0x27: {  	s1 =	sld [smem:$0x3FAD]  }
0x28: {  	s2 =	sld [smem:$0x3FAE]  }
0x29: {  	s4 =	sld [smem:$0x3FB0]  }
0x2a: {  	p0 =	seq.s32 s5, $0x0;
	s5 =	sld [smem:$0x3FB1]  }
0x2b: {  	s6 =	sld [smem:$0x3FB2]  }
0x2c: {  	s7 =	sld [smem:$0x3FB3]  }
0x2d: {  	s3 =	simm.s32 $0x108;
	s8 =	sld [smem:$0x3FB4]  }
0x2e: {  	s3 =	simm.s32 @!p0 $0x1082;
	s9 =	sld [smem:$0x3FB5]  }
0x2f: {  	lr =	sadd.s32 s0, s3;
	s0 =	sld [smem:$0x3FAC]  }
0x30: {  	s3 =	sld [smem:$0x3FAF]  }
0x31: {  	[smem:$0x3FB8] =	sst s10  }
0x32: {  	s10 =	sld [smem:$0x3FB6];
	_ =	sdelay $0x3  }
0x33: {  	p0 =	seq.s32 s10, $0x1;
	s10 =	sld [smem:$0x3FB8];
	_ =	sdelay $0x3  }
0x34: {  	[smem:$0x3FB8] =	sst s10  }
0x35: {  	s10 =	sld [smem:$0x3FB7];
	_ =	sdelay $0x3  }
0x36: {  	p1 =	seq.s32 s10, $0x1;
	s10 =	sld [smem:$0x3FB8];
	_ =	sdelay $0x3  }
0x37: {  	[smem:$0x3FB8] =	sst s10  }
0x38: {  	s10 =	sld [smem:$0x3FB9]  }
0x39: {  	_ = 	snop;
	(pc) =	sbr.ind lr, $3  }
0x3a: {  	_ = 	snop  }
0x3b: {  	_ = 	snop  }
0x3c: {  	p2 =	seq.s32 s10, $0x1;
	s10 =	sld [smem:$0x3FB8]  }
0x3d: {  	_ =	shalt  }
0x3e: {  	_ =	shalt  }
0x3f: {  	_ =	shalt  }
0x40: {  	_ =	shalt  }
0x41: {  	_ =	shalt  }
0x42: {  	_ =	shalt  }
0x43: {  	_ =	shalt  }
0x44: {  	_ =	shalt  }
0x45: {  	_ =	shalt  }
0x46: {  	_ =	shalt  }
0x47: {  	_ =	shalt  }
0x48: {  	_ =	shalt  }
0x49: {  	_ =	shalt  }
0x4a: {  	_ =	shalt  }
0x4b: {  	_ =	shalt  }
0x4c: {  	_ =	shalt  }
0x4d: {  	_ =	shalt  }
0x4e: {  	_ =	shalt  }
0x4f: {  	_ =	shalt  }
0x50: {  	_ =	shalt  }
0x51: {  	_ =	shalt  }
0x52: {  	_ =	shalt  }
0x53: {  	_ =	shalt  }
0x54: {  	_ =	shalt  }
0x55: {  	_ =	shalt  }
0x56: {  	_ =	shalt  }
0x57: {  	_ =	shalt  }
0x58: {  	_ =	shalt  }
0x59: {  	_ =	shalt  }
0x5a: {  	_ =	shalt  }
0x5b: {  	_ =	shalt  }
0x5c: {  	_ =	shalt  }
0x5d: {  	_ =	shalt  }
0x5e: {  	_ =	shalt  }
0x5f: {  	_ =	shalt  }
0x60: {  	_ =	shalt  }
0x61: {  	_ =	shalt  }
0x62: {  	_ =	shalt  }
0x63: {  	_ =	shalt  }
0x64: {  	_ =	shalt  }
0x65: {  	_ =	shalt  }
0x66: {  	_ =	shalt  }
0x67: {  	_ =	shalt  }
0x68: {  	_ =	shalt  }
0x69: {  	_ =	shalt  }
0x6a: {  	_ =	shalt  }
0x6b: {  	_ =	shalt  }
0x6c: {  	_ =	shalt  }
0x6d: {  	_ =	shalt  }
0x6e: {  	_ =	shalt  }
0x6f: {  	_ =	shalt  }
0x70: {  	_ =	shalt  }
0x71: {  	_ =	shalt  }
0x72: {  	_ =	shalt  }
0x73: {  	_ =	shalt  }
0x74: {  	_ =	shalt  }
0x75: {  	_ =	shalt  }
0x76: {  	_ =	shalt  }
0x77: {  	_ =	shalt  }
0x78: {  	_ =	shalt  }
0x79: {  	_ =	shalt  }
0x7a: {  	_ =	shalt  }
0x7b: {  	_ =	shalt  }
0x7c: {  	_ =	shalt  }
0x7d: {  	_ =	shalt  }
0x7e: {  	_ =	shalt  }
0x7f: {  	_ =	shalt  }
0x80: {  	_ =	shalt  }
0x81: {  	_ =	shalt  }
0x82: {  	_ =	shalt  }
0x83: {  	_ =	shalt  }
0x84: {  	_ =	shalt  }
0x85: {  	_ =	shalt  }
0x86: {  	_ =	shalt  }
0x87: {  	_ =	shalt  }
.Lfunc_end0:
.L_simem_size_0:
called_computation.2_lowered:
.L_overlay_start_0:
0x88: {  	s2 =	sld [smem:$0x3FD9]  }
0x89: {  	s3 =	sld [smem:$0x3FFE];
	_ =	sdelay $0x1  }
0x8a: {  	s1 =	srdreg.scid  }
0x8b: {  	s0 =	sand.u32 $0x1, s1  }
0x8c: {  	s17 =	sshll.u32 s0, $0xA;
	s2 =	sadd.s32 s3, s2  }
0x8d: {  	s2 =	sadd.s32 s2, s17  }
0x8e: {  	[smem:$0x3FC4] =	sst s2  }
0x8f: {  	_ = 	snop  }
0x90: {  	s2 =	sld [smem:$0x3FD0];
	(tm) =	ssettm $0x1  }
0x91: {  	s18 =	sld [smem:$0x3FFB];
	_ =	sdelay $0x3  }
0x92: {  	_ =	strace s18  }
0x93: {  	s3 =	sld [smem:$0x3FFC];
	_ =	sdelay $0x3  }
0x94: {  	_ =	strace s3  }
0x95: {  	s3 =	sld [smem:$0x3FFD];
	_ =	sdelay $0x3  }
0x96: {  	_ =	strace s3  }
0x97: {  	_ =	strace $0x8FFFFFFF  }
0x98: {  	s19 =	sld [smem:$0x3FDB];
	_ =	sdelay $0x1  }
0x99: {  	s4 =	simm.s32 $_scs_section_size  }
0x9a: {  	s5 =	simm.s32 $_size__tile_overlayer_lowered;
	s6 =	simm.s32 $_tile_overlayer_lowered  }
0x9b: {  	s22 =	simm.s32 $0x1BFF;
	s21 =	sshll.u32 s6, $0x1;
	s3 =	sadd.s32 s4, s19  }
0x9c: {  	s7 =	simm.s32 $0x0;
	s20 =	sshll.u32 s5, $0x1;
	s5 =	sadd.s32 s21, s3  }
0x9d: {  	[timem:s7], [sflag:s22] =	dma.local [hbm:s5], s20  }
0x9e: {  	_ =	swait.ge [sflag:s22], s20  }
0x9f: {  	s4 =	ssub.s32 $0x0, s20;
	[sflag:s22] =	ssyncset.done $0x0  }
0xa0: {  	[sflag:s22] =	ssyncadd.s32 s4;
	_ =	sdelay $0x1  }
0xa1: {  	s23 =	simm.s32 $0x1B8B  }
0xa2: {  	_ =	swait.ge [sflag:s23], $0x1  }
0xa3: {  	[sflag:s23] =	ssyncset.done $0x0  }
0xa4: {  	s25 =	simm.s32 $0x1B8E;
	s24 =	sld [smem:$0x3FFE];
	[sflag:s23] =	ssyncadd.s32 $0xFFFFFFFF  }
0xa5: {  	s26 =	simm.s32 $execute0_lowered;
	[smem:$0x3FD2] =	sst s25  }
0xa6: {  	s5 =	sshll.u32 s26, $0x1;
	_ =	strace $0x8000004C;
	[dreg:$0x1] =	wrdreg $0xFFFFFFFF  }
0xa7: {  	s28 =	simm.s32 $_size_execute0_lowered;
	s3 =	sadd.s32 s3, s5;
	[dreg:$0x0] =	wrdreg $0x0  }
0xa8: {  	s5 =	sshll.u32 s28, $0x1;
	[dreg:$0x2] =	wrdreg s3  }
0xa9: {  	[dreg:$0x3] =	wrdreg s5  }
0xaa: {  	[dreg:$0x4] =	wrdreg $0xC0  }
0xab: {  	_ =	task [dreg:s7], $0x5FFFF  }
0xac: {  	[dreg:$0x1] =	wrdreg $0xFFFFFFFF  }
0xad: {  	[dreg:$0x0] =	wrdreg $0x60  }
0xae: {  	[dreg:$0x2] =	wrdreg s24  }
0xaf: {  	[dreg:$0x3] =	wrdreg s2  }
0xb0: {  	[dreg:$0x4] =	wrdreg $0x9  }
0xb1: {  	_ =	task.clear_ibuf [dreg:s7], $0x5FFFF;
	_ =	strace $0x9000004C  }
0xb2: {  	s29 =	simm.s32 $0x9;
	_ =	strace $0x8000004E  }
0xb3: {  	_ =	swait.ge [sflag:s29], $0x1  }
0xb4: {  	[sflag:s29] =	ssyncadd.s32 $0xFFFFFFFF  }
0xb5: {  	_ =	strace $0x9000004E  }
0xb6: {  	_ =	sfence  }
0xb7: {  	s30 =	sld [smem:$0x0];
	_ =	sdelay $0x2  }
0xb8: {  	s31 =	sshll.u32 s1, $0xD;
	s1 =	sshrl.u32 s1, $0x2  }
0xb9: {  	s3 =	sand.u32 $0x4000, s31;
	s1 =	sadd.s32 s1, s30  }
0xba: {  	s0 =	sor.u32 s3, s0;
	s1 =	sshll.u32 s1, $0x11  }
0xbb: {  	s0 =	sor.u32 s1, s0  }
0xbc: {  	s0 =	sadd.s32 $0x8F2B, s0  }
0xbd: {  	[sflag:s0] =	ssyncadd.remote.s32 $0x1  }
0xbe: {  	_ =	sfence.sel $0xFFFF  }
0xbf: {  	[dreg:$0x0] =	wrdreg $0xFFFFFFFF;
	(pc) =	sbr.abs _section_cstart, $3  }
0xc0: {  	[dreg:$0x1] =	wrdreg $0xFFFFFFFF  }
0xc1: {  	_ =	task.clear_ibuf [dreg:s7], $0x2FFFF;
	_ =	strace $0x9FFFFFFF  }
0xc2: {  	(tm) =	ssettm $0x7FFFFFFF  }
0xc3: {  	_ =	shalt  }
tec
execute0_lowered:
.L_overlay_start_1:
0x0: {  	(tag) =	ssettag $0x1  }
0x1: {  	s4 =	rddreg [dreg:$0x0]  }
0x2: {  	s5 =	rddreg [dreg:$0x1]  }
0x3: {  	s1 =	srdreg.scid;
	s0 =	rddreg [dreg:$0x2]  }
0x4: {  	s2 =	simm.s32 $0x0;
	s13 =	simm.s32 $0xD00;
	s14 =	simm.s32 $0x1380  }
0x5: {  	s15 =	simm.s32 $0x1A00;
	s16 =	simm.s32 $0xB600;
	s17 =	simm.s32 $0x1  }
0x6: {  	s18 =	simm.s32 $0x2;
	s19 =	simm.s32 $0x15200;
	s3 =	sand.u32 $0x1, s1  }
0x7: {  	s20 =	simm.s32 $0x0;
	s1 =	stileid.u32;
	s6 =	sshll.u32 s3, $0x4  }
0x8: {  	[smem:$0x7FF] =	sst s2;
	s7 =	ssub.s32 $0x2, s3;
	s8 =	sor.u32 s1, s6  }
0x9: {  	_ =	strace $0x8000004D;
	s9 =	sshrl.u32 s7, $0x1;
	s6 =	smul.u32 $0xD0, s8  }
0xa: {  	s3 =	sadd.s32 $0x2800, s4;
	s10 =	smul.u32 $0xC3800, s8;
	s12 =	ssub.s32 s7, s9  }
0xb: {  	s8 =	sor.u32 $0x40, s8;
	s11 =	sadd.s32 s6, s4;
	s4 =	sadd.s32 s5, s6  }
0xc: {  	s31 =	sshrl.u32 s10, $0x3;
	s10 =	smax.u32 s12, $0x1;
	s12 =	simm.s32 $0x680  }
0xd: {  	s5 =	sadd.s32 $0xC44800, s11;
	s6 =	sadd.s32 $0xC3A800, s11;
	s9 =	sadd.s32 s3, s31  }
0xe: {  	v0 =	vimm.f32 $0.0e+00;
	s7 =	sadd.s32 $0xC3F600, s11;
	s11 =	simm.s32 $0x3;
	s9 =	sadd.s32 $0x634600, s9  }
.LBB2_1:
0xf: {  	s21 =	sand.u32 $0xFFF8, s2  }
0x10: {  	s21 =	sshrl.u32 s21, $0x3  }
0x11: {  	s22 =	smul.u32 $0xD21, s21;
	_ =	sdelay $0x1  }
0x12: {  	s21 =	simm.s32 $0x1;
	s23 =	sshrl.u32 s22, $0x11  }
0x13: {  	s24 =	sand.u32 $0xFFF8, s21;
	s26 =	smul.u32 $0x138, s23  }
0x14: {  	s25 =	sshrl.u32 s24, $0x3  }
0x15: {  	s23 =	simm.s32 $0x2;
	s24 =	ssub.s32 $0x0, s26;
	s26 =	sshrl.u32 s22, $0x14  }
.LBB2_2:
0x16: {  	p0 =	sne.s32 s23, $0x9BF  }
0x17: {  	s26 =	smul.u32 $0x9C00, s26;
	s28 =	sshll.u32 s24, $0x7;
	s29 =	sshrl.u32 s22, $0xA  }
0x18: {  	s22 =	smul.u32 $0xD21, s25;
	s24 =	sshll.u32 s24, $0x4;
	s28 =	sand.u32 $0xFC00, s28  }
.Ltmp0:
0x19: {  	s25 =	sadd.s32 s28, s26;
	s26 =	sand.u32 $0x380, s29;
	(pc) =	sbr.rel @p0 .LBB2_2-.Ltmp0, $4  }
0x1a: {  	s24 =	sand.u32 $0x70, s24;
	s28 =	sshrl.u32 s22, $0x11;
	s25 =	sor.u32 s26, s25  }
0x1b: {  	s26 =	sand.u32 $0xFFF8, s23;
	s28 =	smul.u32 $0x138, s28;
	s29 =	sor.u32 s24, s25  }
0x1c: {  	s25 =	sshrl.u32 s26, $0x3;
	s24 =	smov.u32 s21;
	s21 =	smov.u32 s23;
	[tilespmem:s29+$0xB600] =	vst v0  }
0x1d: {  	s23 =	sadd.s32 $0x1, s23;
	s26 =	sshrl.u32 s22, $0x14;
	s24 =	ssub.s32 s24, s28;
	[tilespmem:s29+$0x1A00] =	vst v0  }
0x1e: {  	s23 =	smul.u32 $0xD21, s25  }
0x1f: {  	s25 =	smul.u32 $0x9C00, s26;
	s31 =	sshll.u32 s24, $0x7  }
0x20: {  	s22 =	sshrl.u32 s22, $0xA;
	s30 =	sshll.u32 s24, $0x4;
	s26 =	sand.u32 $0xFC00, s31  }
0x21: {  	s22 =	sand.u32 $0x380, s22;
	s24 =	sand.u32 $0x70, s30;
	s28 =	sshrl.u32 s23, $0x11  }
0x22: {  	s25 =	sadd.s32 s26, s25;
	s31 =	smul.u32 $0x138, s28;
	s28 =	sshrl.u32 s23, $0x14  }
0x23: {  	s22 =	sor.u32 s22, s25;
	s30 =	smul.u32 $0x9C00, s28;
	s28 =	simm.s32 $0x0  }
0x24: {  	s23 =	sshrl.u32 s23, $0xA;
	s21 =	ssub.s32 s21, s31;
	s28 =	smul.u32 $0xCD, s28  }
0x25: {  	s22 =	sor.u32 s24, s22;
	s23 =	sand.u32 $0x380, s23;
	s31 =	sshll.u32 s21, $0x7  }
0x26: {  	s21 =	sshll.u32 s21, $0x4;
	s25 =	sand.u32 $0xFC00, s31;
	s26 =	sshrl.u32 s28, $0xB  }
0x27: {  	s24 =	sadd.s32 s25, s30;
	s30 =	sand.u32 $0x70, s21;
	s25 =	sand.u32 $0x1F, s26  }
0x28: {  	[tilespmem:s22+$0xB600] =	vst v0;
	s21 =	simm.s32 $0x1;
	s23 =	sor.u32 s23, s24;
	s31 =	smul.u32 $0xA, s25  }
0x29: {  	[tilespmem:s22+$0x1A00] =	vst v0;
	s22 =	smul.u32 $0xCD, s21;
	s23 =	sor.u32 s30, s23  }
0x2a: {  	s26 =	sshrl.u32 s28, $0x3;
	s25 =	sshrl.u32 s28, $0x4;
	[tilespmem:s23+$0xB600] =	vst v0;
	s24 =	ssub.s32 $0x0, s31  }
0x2b: {  	[tilespmem:s23+$0x1A00] =	vst v0;
	s28 =	sshrl.u32 s22, $0xB;
	s23 =	simm.s32 $0x2;
	s29 =	sshll.u32 s24, $0x7  }
.LBB2_4:
0x2c: {  	p0 =	sne.s32 s23, $0x4F  }
0x2d: {  	s26 =	sand.u32 $0x800, s26;
	s29 =	sand.u32 $0x400, s29;
	s24 =	sshll.u32 s24, $0x4  }
0x2e: {  	s25 =	sand.u32 $0x380, s25;
	s28 =	sand.u32 $0x1F, s28;
	s26 =	sor.u32 s29, s26  }
.Ltmp1:
0x2f: {  	s24 =	sand.u32 $0x70, s24;
	s25 =	sor.u32 s26, s25;
	(pc) =	sbr.rel @p0 .LBB2_4-.Ltmp1, $4  }
0x30: {  	s26 =	smul.u32 $0xA, s28;
	s24 =	sor.u32 s24, s25;
	s25 =	smov.u32 s22  }
0x31: {  	s22 =	smul.u32 $0xCD, s23;
	[tilespmem:s24+$0x15200] =	vst v0;
	s24 =	smov.u32 s21;
	s21 =	smov.u32 s23  }
0x32: {  	s24 =	ssub.s32 s24, s26;
	s26 =	sshrl.u32 s25, $0x3;
	s25 =	sshrl.u32 s25, $0x4  }
0x33: {  	s23 =	sadd.s32 $0x1, s23;
	s28 =	sshrl.u32 s22, $0xB;
	s29 =	sshll.u32 s24, $0x7  }
0x34: {  	s23 =	sand.u32 $0x1F, s28  }
0x35: {  	s26 =	sand.u32 $0x800, s26;
	s23 =	smul.u32 $0xA, s23  }
0x36: {  	s31 =	sand.u32 $0x400, s29;
	s24 =	sshll.u32 s24, $0x4;
	s25 =	sand.u32 $0x380, s25  }
0x37: {  	s29 =	sshrl.u32 s22, $0x3;
	s26 =	sor.u32 s31, s26;
	s21 =	ssub.s32 s21, s23  }
0x38: {  	s24 =	sand.u32 $0x70, s24;
	s31 =	sshrl.u32 s22, $0x4;
	s30 =	sshll.u32 s21, $0x7  }
0x39: {  	s28 =	sor.u32 s26, s25;
	s25 =	sand.u32 $0x800, s29;
	s26 =	sand.u32 $0x400, s30  }
0x3a: {  	s22 =	sand.u32 $0x380, s31;
	s21 =	sshll.u32 s21, $0x4;
	s25 =	sor.u32 s26, s25  }
0x3b: {  	s23 =	sor.u32 s24, s28;
	s21 =	sand.u32 $0x70, s21;
	s22 =	sor.u32 s25, s22  }
0x3c: {  	[tilespmem:s23+$0x15200] =	vst v0;
	s21 =	sor.u32 s21, s22  }
0x3d: {  	[tilespmem:s21+$0x15200] =	vst v0;
	s21 =	simm.s32 $0x0  }
0x3e: {  	[tilespmem:s21], [sflag:$0x3] =	stream.linear.gather [hbm4b:s4+s21], $0x680, $0x38;
	[tilespmem:$0x15A00] =	vst v63  }
0x3f: {  	_ =	swait.ge [sflag:s11], $0x680  }
0x40: {  	[sflag:s11] =	ssyncset.done $0x0  }
0x41: {  	[sflag:s11] =	ssyncadd.s32 $0xFFFFF980  }
0x42: {  	[tilespmem:s12], [sflag:$0x3] =	stream.linear.gather [hbm4b:s5+s21], $0x680, $0x38;
	[tilespmem:$0x15A00] =	vst v63  }
0x43: {  	_ =	swait.ge [sflag:s11], $0x680  }
0x44: {  	[sflag:s11] =	ssyncset.done $0x0  }
0x45: {  	[sflag:s11] =	ssyncadd.s32 $0xFFFFF980  }
0x46: {  	[tilespmem:s13], [sflag:$0x3] =	stream.linear.gather [hbm4b:s6+s21], $0x680, $0x38;
	[tilespmem:$0x15A00] =	vst v63  }
0x47: {  	_ =	swait.ge [sflag:s11], $0x680  }
0x48: {  	[sflag:s11] =	ssyncset.done $0x0  }
0x49: {  	[sflag:s11] =	ssyncadd.s32 $0xFFFFF980  }
0x4a: {  	[tilespmem:s14], [sflag:$0x3] =	stream.linear.gather [hbm4b:s7+s21], $0x680, $0x38;
	[tilespmem:$0x15A00] =	vst v63  }
0x4b: {  	_ =	swait.ge [sflag:s11], $0x680  }
0x4c: {  	[sflag:s11] =	ssyncset.done $0x0  }
0x4d: {  	[sflag:s11] =	ssyncadd.s32 $0xFFFFF980  }
.LBB2_6:
0x4e: {  	p0 =	seq.s32 s21, $0x0  }
.Ltmp2:
0x4f: {  	_ = 	snop;
	(pc) =	sbr.rel @p0 .LBB2_10-.Ltmp2, $2  }
0x50: {  	_ =	sdelay $0x2  }
0x51: {  	s22 =	sshll.u32 s21, $0x1  }
0x52: {  	_ =	swait.ge [sflag:s17], $0x9C00  }
0x53: {  	s23 =	sadd.s32 $0xFFFFFFFE, s22;
	[sflag:s17] =	ssyncset.done $0x0  }
0x54: {  	s24 =	simm.s32 $0x0;
	v1 =	vmov s23;
	s23 =	simm.s32 $0x40;
	[sflag:s17] =	ssyncadd.s32 $0xFFFF6400  }
.LBB2_8:
0x55: {  	p1 =	sne.s32 s23, $0x18C0;
	v2 =	vld [tilespmem:s24+$0x0]  }
0x56: {  	v3 =	vld [tilespmem:s24+$0xD00];
	_ =	sdelay $0x2  }
0x57: {  	v4 =	vld [tilespmem:s24+$0x680]  }
0x58: {  	v5 =	vshrl.u32 v2, $0x3  }
0x59: {  	v5 =	vmul.u32 $0x9C00, v5;
	v6 =	vshll.u32 v3, $0x3  }
0x5a: {  	v2 =	vshll.u32 v2, $0x7;
	v6 =	vand.u32 $0xFFFFFC00, v6  }
0x5b: {  	v2 =	vand.u32 $0x380, v2;
	v5 =	vadd.s32 v5, v6  }
0x5c: {  	v3 =	vand.u32 $0x7F, v3;
	vm0 =	veq.s32 v4, v1;
	v2 =	vor.u32 v2, v5  }
0x5d: {  	v2 =	vor.u32 v3, v2  }
.Ltmp3:
0x5e: {  	(pc) =	sbr.rel @p1 .LBB2_8-.Ltmp3, $2  }
0x5f: {  	_ =	sdelay $0x2  }
0x60: {  	s24 =	sshra.s32 s23, $0x2;
	s23 =	sadd.s32 $0x40, s23;
	[tilespmem:v2+s15+$0x0] =	vst.idx.msk vm0, v0  }
0x61: {  	v2 =	vld [tilespmem:s24+$0x0]  }
0x62: {  	v3 =	vld [tilespmem:s24+$0xD00];
	_ =	sdelay $0x2  }
0x63: {  	v4 =	vld [tilespmem:s24+$0x680]  }
0x64: {  	v5 =	vshrl.u32 v2, $0x3  }
0x65: {  	v6 =	vshll.u32 v3, $0x3;
	v5 =	vmul.u32 $0x9C00, v5  }
0x66: {  	v2 =	vshll.u32 v2, $0x7;
	v6 =	vand.u32 $0xFFFFFC00, v6  }
0x67: {  	v2 =	vand.u32 $0x380, v2;
	v5 =	vadd.s32 v5, v6  }
0x68: {  	vm0 =	veq.s32 v4, v1;
	v1 =	vand.u32 $0x7F, v3;
	v2 =	vor.u32 v2, v5  }
0x69: {  	v1 =	vor.u32 v1, v2;
	_ =	sdelay $0x4  }
0x6a: {  	[tilespmem:v1+s15+$0x0] =	vst.idx.msk vm0, v0  }
.LBB2_10:
0x6b: {  	s23 =	smulhi.u32 $0xCCCCCCCD, s21;
	_ =	sdelay $0x1  }
0x6c: {  	s24 =	sshrl.u32 s23, $0x3  }
0x6d: {  	s25 =	simm.s32 $0x0;
	s23 =	smul.u32 $0x680, s24  }
0x6e: {  	s26 =	sand.u32 $0x780, s25  }
0x6f: {  	s25 =	sand.u32 $0x70, s25;
	s26 =	sadd.s32 s23, s26  }
0x70: {  	s26 =	sor.u32 s25, s26  }
0x71: {  	v1 =	vld [tilespmem:s26+$0x0]  }
0x72: {  	v2 =	vld [tilespmem:s26+$0xD00];
	_ =	sdelay $0x2  }
0x73: {  	v3 =	vld [tilespmem:s26+$0x680]  }
0x74: {  	v4 =	vshrl.u32 v1, $0x3  }
0x75: {  	v5 =	vshll.u32 v2, $0x3;
	v4 =	vmul.u32 $0x9C00, v4  }
0x76: {  	v1 =	vshll.u32 v1, $0x7;
	v5 =	vand.u32 $0xFFFFFC00, v5  }
0x77: {  	v4 =	vadd.s32 v4, v5;
	v5 =	vand.u32 $0x380, v1;
	v1 =	vmov s22  }
0x78: {  	v6 =	vand.u32 $0x7F, v2;
	v4 =	vor.u32 v5, v4;
	vm0 =	veq.s32 v3, v1  }
0x79: {  	v2 =	vld [tilespmem:s26+$0x1380];
	v3 =	vor.u32 v6, v4;
	_ =	sdelay $0x1  }
0x7a: {  	s25 =	simm.s32 $0x10  }
0x7b: {  	s28 =	sand.u32 $0x780, s25;
	s26 =	simm.s32 $0x20  }
.LBB2_11:
0x7c: {  	p1 =	sne.s32 s26, $0x630;
	s25 =	sand.u32 $0x70, s25;
	s28 =	sadd.s32 s23, s28  }
0x7d: {  	s28 =	sor.u32 s25, s28;
	[tilespmem:v3+s15+$0x0] =	vst.idx.msk vm0, v2;
	s25 =	smov.u32 s26  }
0x7e: {  	v2 =	vld [tilespmem:s28+$0x0]  }
0x7f: {  	v3 =	vld [tilespmem:s28+$0xD00];
	_ =	sdelay $0x2  }
0x80: {  	v4 =	vld [tilespmem:s28+$0x680]  }
0x81: {  	v5 =	vshrl.u32 v2, $0x3  }
0x82: {  	v5 =	vmul.u32 $0x9C00, v5;
	v6 =	vshll.u32 v3, $0x3  }
0x83: {  	v2 =	vshll.u32 v2, $0x7;
	v6 =	vand.u32 $0xFFFFFC00, v6  }
0x84: {  	v2 =	vand.u32 $0x380, v2;
	v5 =	vadd.s32 v5, v6  }
.Ltmp4:
0x85: {  	v3 =	vand.u32 $0x7F, v3;
	vm0 =	veq.s32 v4, v1;
	v4 =	vor.u32 v2, v5;
	(pc) =	sbr.rel @p1 .LBB2_11-.Ltmp4, $2  }
0x86: {  	v2 =	vld [tilespmem:s28+$0x1380];
	v3 =	vor.u32 v3, v4;
	_ =	sdelay $0x2  }
0x87: {  	s26 =	sadd.s32 $0x10, s26;
	s28 =	sand.u32 $0x780, s25  }
0x88: {  	_ =	sdelay $0x3  }
0x89: {  	s25 =	sand.u32 $0x70, s25;
	s26 =	sadd.s32 s23, s28  }
0x8a: {  	s25 =	sor.u32 s25, s26;
	[tilespmem:v3+s15+$0x0] =	vst.idx.msk vm0, v2  }
0x8b: {  	v2 =	vld [tilespmem:s25+$0x0]  }
0x8c: {  	v3 =	vld [tilespmem:s25+$0xD00];
	_ =	sdelay $0x2  }
0x8d: {  	v4 =	vld [tilespmem:s25+$0x680]  }
0x8e: {  	v5 =	vshrl.u32 v2, $0x3  }
0x8f: {  	v6 =	vshll.u32 v3, $0x3;
	v5 =	vmul.u32 $0x9C00, v5  }
0x90: {  	v2 =	vshll.u32 v2, $0x7;
	v6 =	vand.u32 $0xFFFFFC00, v6  }
0x91: {  	v2 =	vand.u32 $0x380, v2;
	v5 =	vadd.s32 v5, v6  }
0x92: {  	vm15 =	veq.s32 v4, v1;
	v1 =	vand.u32 $0x7F, v3;
	v2 =	vor.u32 v2, v5  }
0x93: {  	s24 =	sadd.s32 s24, s8;
	s31 =	smul.u32 $0x13800, s21;
	v3 =	vld [tilespmem:s25+$0x1380];
	v1 =	vor.u32 v1, v2  }
0x94: {  	s24 =	smul.u32 $0xC3800, s24  }
.Ltmp5:
0x95: {  	_ = 	snop;
	(pc) =	sbr.rel @p0 .LBB2_16-.Ltmp5, $4  }
0x96: {  	s25 =	sadd.s32 s31, s24  }
0x97: {  	s25 =	sshrl.u32 s25, $0x3  }
0x98: {  	s25 =	sadd.s32 s3, s25;
	[tilespmem:v1+s15+$0x0] =	vst.idx.msk vm15, v3  }
0x99: {  	[hbm4b:s25+s2] =	stream.linear.scatter [tilespmem:s15], [sflag:$0x1], $0x9C00, $0x38;
	[tilespmem:$0x15A00] =	vst v63  }
0x9a: {  	s26 =	sadd.s32 $0xFFFFFFFF, s22  }
0x9b: {  	s25 =	smulhi.u32 $0x66666667, s26;
	s28 =	sshra.s32 s26, $0x1F  }
0x9c: {  	s29 =	smul.u32 $0x66666667, s28;
	_ =	sdelay $0x1  }
0x9d: {  	s25 =	sadd.s32 s29, s25  }
0x9e: {  	s29 =	sshrl.u32 s25, $0x1F;
	s25 =	sshra.s32 s25, $0x3  }
0x9f: {  	s29 =	sadd.s32 s29, s25  }
0xa0: {  	s25 =	sadd.s32 s28, s29  }
0xa1: {  	s28 =	simm.s32 $0x0;
	s25 =	smul.u32 $0x680, s25  }
0xa2: {  	_ =	swait.ge [sflag:s18], $0x9C00;
	s30 =	sand.u32 $0x780, s28  }
0xa3: {  	[sflag:s18] =	ssyncset.done $0x0;
	s28 =	sand.u32 $0x70, s28;
	s30 =	sadd.s32 s25, s30  }
0xa4: {  	[sflag:s18] =	ssyncadd.s32 $0xFFFF6400;
	s28 =	sor.u32 s28, s30  }
0xa5: {  	v1 =	vld [tilespmem:s28+$0x0]  }
0xa6: {  	v2 =	vld [tilespmem:s28+$0xD00];
	_ =	sdelay $0x1  }
0xa7: {  	s29 =	smul.u32 $0xFFFFFFEC, s29  }
0xa8: {  	v3 =	vld [tilespmem:s28+$0x680]  }
0xa9: {  	s26 =	sadd.s32 s26, s29;
	v4 =	vshrl.u32 v1, $0x3  }
0xaa: {  	p0 =	slt.s32 s26, $0x0;
	s28 =	sadd.s32 $0x14, s26;
	v5 =	vshll.u32 v2, $0x3;
	v4 =	vmul.u32 $0x9C00, v4  }
0xab: {  	s26 =	smov.u32 @p0 s28;
	v1 =	vshll.u32 v1, $0x7;
	v5 =	vand.u32 $0xFFFFFC00, v5  }
0xac: {  	v63 =	vand.u32 $0x380, v1;
	v1 =	vmov s26;
	v4 =	vadd.s32 v4, v5  }
0xad: {  	v2 =	vand.u32 $0x7F, v2;
	vm0 =	veq.s32 v3, v1;
	v4 =	vor.u32 v63, v4  }
0xae: {  	v2 =	vor.u32 v2, v4;
	_ =	sdelay $0x1  }
0xaf: {  	s26 =	simm.s32 $0x10  }
0xb0: {  	s28 =	simm.s32 $0x20;
	s29 =	sand.u32 $0x780, s26  }
.LBB2_14:
0xb1: {  	p0 =	sne.s32 s28, $0x630;
	s26 =	sand.u32 $0x70, s26;
	s29 =	sadd.s32 s25, s29  }
0xb2: {  	s29 =	sor.u32 s26, s29;
	[tilespmem:v2+s16+$0x0] =	vst.idx.msk vm0, v0;
	s26 =	smov.u32 s28  }
0xb3: {  	v2 =	vld [tilespmem:s29+$0x0]  }
0xb4: {  	v3 =	vld [tilespmem:s29+$0xD00];
	_ =	sdelay $0x2  }
0xb5: {  	v4 =	vld [tilespmem:s29+$0x680]  }
0xb6: {  	v5 =	vshrl.u32 v2, $0x3  }
0xb7: {  	v5 =	vmul.u32 $0x9C00, v5;
	v6 =	vshll.u32 v3, $0x3  }
0xb8: {  	v2 =	vshll.u32 v2, $0x7;
	v6 =	vand.u32 $0xFFFFFC00, v6  }
0xb9: {  	v2 =	vand.u32 $0x380, v2;
	v5 =	vadd.s32 v5, v6  }
.Ltmp6:
0xba: {  	v3 =	vand.u32 $0x7F, v3;
	vm0 =	veq.s32 v4, v1;
	v2 =	vor.u32 v2, v5;
	(pc) =	sbr.rel @p0 .LBB2_14-.Ltmp6, $2  }
0xbb: {  	v2 =	vor.u32 v3, v2;
	_ =	sdelay $0x2  }
0xbc: {  	s28 =	sadd.s32 $0x10, s28;
	s29 =	sand.u32 $0x780, s26  }
0xbd: {  	_ =	sdelay $0x3  }
0xbe: {  	s26 =	sand.u32 $0x70, s26;
	s25 =	sadd.s32 s25, s29  }
0xbf: {  	[tilespmem:v2+s16+$0x0] =	vst.idx.msk vm0, v0;
	s25 =	sor.u32 s26, s25  }
0xc0: {  	v2 =	vld [tilespmem:s25+$0x0]  }
0xc1: {  	v3 =	vld [tilespmem:s25+$0xD00];
	_ =	sdelay $0x2  }
0xc2: {  	v4 =	vld [tilespmem:s25+$0x680]  }
0xc3: {  	v5 =	vshrl.u32 v2, $0x3  }
0xc4: {  	v6 =	vshll.u32 v3, $0x3;
	v5 =	vmul.u32 $0x9C00, v5  }
0xc5: {  	v2 =	vshll.u32 v2, $0x7;
	v6 =	vand.u32 $0xFFFFFC00, v6  }
0xc6: {  	v2 =	vand.u32 $0x380, v2;
	v5 =	vadd.s32 v5, v6  }
0xc7: {  	vm15 =	veq.s32 v4, v1;
	v1 =	vand.u32 $0x7F, v3;
	v2 =	vor.u32 v2, v5  }
0xc8: {  	v1 =	vor.u32 v1, v2;
	_ =	sdelay $0x4  }
0xc9: {  	[tilespmem:v1+s16+$0x0] =	vst.idx.msk vm15, v0  }
.LBB2_16:
0xca: {  	s25 =	simm.s32 $0x0  }
0xcb: {  	s26 =	sand.u32 $0x780, s25  }
0xcc: {  	s25 =	sand.u32 $0x70, s25;
	s26 =	sadd.s32 s23, s26  }
0xcd: {  	s26 =	sor.u32 s25, s26  }
0xce: {  	v1 =	vld [tilespmem:s26+$0x0]  }
0xcf: {  	v2 =	vld [tilespmem:s26+$0xD00];
	_ =	sdelay $0x2  }
0xd0: {  	v3 =	vld [tilespmem:s26+$0x680]  }
0xd1: {  	v4 =	vshrl.u32 v1, $0x3  }
0xd2: {  	v5 =	vshll.u32 v2, $0x3;
	v4 =	vmul.u32 $0x9C00, v4  }
0xd3: {  	s22 =	sor.u32 $0x1, s22;
	v1 =	vshll.u32 v1, $0x7;
	v5 =	vand.u32 $0xFFFFFC00, v5  }
0xd4: {  	v4 =	vadd.s32 v4, v5;
	v5 =	vand.u32 $0x380, v1;
	v1 =	vmov s22  }
0xd5: {  	v6 =	vand.u32 $0x7F, v2;
	v4 =	vor.u32 v5, v4;
	vm0 =	veq.s32 v3, v1  }
0xd6: {  	v2 =	vld [tilespmem:s26+$0x1380];
	v3 =	vor.u32 v6, v4;
	_ =	sdelay $0x1  }
0xd7: {  	s25 =	simm.s32 $0x10  }
0xd8: {  	s28 =	sand.u32 $0x780, s25;
	s26 =	simm.s32 $0x20  }
.LBB2_17:
0xd9: {  	p0 =	sne.s32 s26, $0x630;
	s25 =	sand.u32 $0x70, s25;
	s28 =	sadd.s32 s23, s28  }
0xda: {  	s28 =	sor.u32 s25, s28;
	[tilespmem:v3+s16+$0x0] =	vst.idx.msk vm0, v2;
	s25 =	smov.u32 s26  }
0xdb: {  	v2 =	vld [tilespmem:s28+$0x0]  }
0xdc: {  	v3 =	vld [tilespmem:s28+$0xD00];
	_ =	sdelay $0x2  }
0xdd: {  	v4 =	vld [tilespmem:s28+$0x680]  }
0xde: {  	v5 =	vshrl.u32 v2, $0x3  }
0xdf: {  	v5 =	vmul.u32 $0x9C00, v5;
	v6 =	vshll.u32 v3, $0x3  }
0xe0: {  	v2 =	vshll.u32 v2, $0x7;
	v6 =	vand.u32 $0xFFFFFC00, v6  }
0xe1: {  	v2 =	vand.u32 $0x380, v2;
	v5 =	vadd.s32 v5, v6  }
.Ltmp7:
0xe2: {  	v3 =	vand.u32 $0x7F, v3;
	vm0 =	veq.s32 v4, v1;
	v4 =	vor.u32 v2, v5;
	(pc) =	sbr.rel @p0 .LBB2_17-.Ltmp7, $2  }
0xe3: {  	v2 =	vld [tilespmem:s28+$0x1380];
	v3 =	vor.u32 v3, v4;
	_ =	sdelay $0x2  }
0xe4: {  	s26 =	sadd.s32 $0x10, s26;
	s28 =	sand.u32 $0x780, s25  }
0xe5: {  	_ =	sdelay $0x3  }
0xe6: {  	s25 =	sand.u32 $0x70, s25;
	s23 =	sadd.s32 s23, s28  }
0xe7: {  	s23 =	sor.u32 s25, s23;
	[tilespmem:v3+s16+$0x0] =	vst.idx.msk vm0, v2  }
0xe8: {  	v2 =	vld [tilespmem:s23+$0x0]  }
0xe9: {  	v3 =	vld [tilespmem:s23+$0xD00];
	_ =	sdelay $0x2  }
0xea: {  	v4 =	vld [tilespmem:s23+$0x680]  }
0xeb: {  	v5 =	vshrl.u32 v2, $0x3  }
0xec: {  	v6 =	vshll.u32 v3, $0x3;
	v5 =	vmul.u32 $0x9C00, v5  }
0xed: {  	v2 =	vshll.u32 v2, $0x7;
	v6 =	vand.u32 $0xFFFFFC00, v6  }
0xee: {  	v2 =	vand.u32 $0x380, v2;
	v5 =	vadd.s32 v5, v6  }
0xef: {  	vm15 =	veq.s32 v4, v1;
	v1 =	vand.u32 $0x7F, v3;
	v2 =	vor.u32 v2, v5  }
0xf0: {  	s21 =	sadd.s32 $0x1, s21;
	v3 =	vld [tilespmem:s23+$0x1380];
	v1 =	vor.u32 v1, v2  }
0xf1: {  	s22 =	smul.u32 $0x9C00, s22;
	p0 =	sne.s32 s21, $0xA  }
.Ltmp8:
0xf2: {  	_ = 	snop;
	(pc) =	sbr.rel @p0 .LBB2_6-.Ltmp8, $4  }
0xf3: {  	s22 =	sadd.s32 s24, s22  }
0xf4: {  	s22 =	sshrl.u32 s22, $0x3  }
0xf5: {  	s22 =	sadd.s32 s3, s22;
	[tilespmem:v1+s16+$0x0] =	vst.idx.msk vm15, v3  }
0xf6: {  	[hbm4b:s22+s2] =	stream.linear.scatter [tilespmem:s16], [sflag:$0x2], $0x9C00, $0x38;
	[tilespmem:$0x15A00] =	vst v63  }
0xf7: {  	_ =	swait.ge [sflag:s17], $0x9C00  }
0xf8: {  	[sflag:s17] =	ssyncset.done $0x0  }
0xf9: {  	[sflag:s17] =	ssyncadd.s32 $0xFFFF6400  }
0xfa: {  	_ =	swait.ge [sflag:s18], $0x9C00  }
0xfb: {  	[sflag:s18] =	ssyncset.done $0x0  }
0xfc: {  	s21 =	simm.s32 $0x0;
	[sflag:s18] =	ssyncadd.s32 $0xFFFF6400  }
0xfd: {  	s22 =	simm.s32 $0x40;
	v1 =	vld [tilespmem:s21+$0xD00]  }
.LBB2_20:
0xfe: {  	p0 =	sne.s32 s22, $0x18C0;
	v2 =	vld [tilespmem:s21+$0x0];
	_ =	sdelay $0x2  }
0xff: {  	v3 =	vld [tilespmem:s21+$0x680];
	_ =	sdelay $0x1  }
0x100: {  	v5 =	vshll.u32 v1, $0x3;
	v4 =	vshll.u32 v2, $0x8  }
0x101: {  	v5 =	vand.u32 $0xFFFFFC00, v5;
	v2 =	vshll.u32 v2, $0x7;
	v4 =	vand.u32 $0xFFFFF800, v4  }
0x102: {  	v2 =	vand.u32 $0x380, v2;
	v4 =	vadd.s32 v4, v5  }
0x103: {  	v1 =	vand.u32 $0x7F, v1;
	vm0 =	veq.s32 v3, $0x14;
	v2 =	vor.u32 v2, v4  }
0x104: {  	v3 =	vld [tilespmem:s21+$0x1380];
	v1 =	vor.u32 v1, v2;
	_ =	sdelay $0x1  }
.Ltmp9:
0x105: {  	(pc) =	sbr.rel @p0 .LBB2_20-.Ltmp9, $3  }
0x106: {  	_ =	sdelay $0x1  }
0x107: {  	s21 =	sshra.s32 s22, $0x2;
	[tilespmem:v1+s19+$0x0] =	vst.idx.msk vm0, v3  }
0x108: {  	s22 =	sadd.s32 $0x40, s22;
	v1 =	vld [tilespmem:s21+$0xD00]  }
0x109: {  	v2 =	vld [tilespmem:s21+$0x0];
	_ =	sdelay $0x2  }
0x10a: {  	v3 =	vld [tilespmem:s21+$0x680];
	_ =	sdelay $0x1  }
0x10b: {  	v5 =	vshll.u32 v1, $0x3;
	v4 =	vshll.u32 v2, $0x8  }
0x10c: {  	v5 =	vand.u32 $0xFFFFFC00, v5;
	v2 =	vshll.u32 v2, $0x7;
	v4 =	vand.u32 $0xFFFFF800, v4  }
0x10d: {  	v2 =	vand.u32 $0x380, v2;
	v4 =	vadd.s32 v4, v5  }
0x10e: {  	v1 =	vand.u32 $0x7F, v1;
	vm0 =	veq.s32 v3, $0x14;
	v2 =	vor.u32 v2, v4  }
0x10f: {  	v3 =	vld [tilespmem:s21+$0x1380];
	v1 =	vor.u32 v1, v2;
	_ =	sdelay $0x4  }
0x110: {  	s31 =	simm.s32 $0x0;
	[tilespmem:v1+s19+$0x0] =	vst.idx.msk vm0, v3  }
0x111: {  	[hbm4b:s9+s31] =	stream.linear.scatter [tilespmem:s19], [sflag:$0x1], $0x800, $0x38;
	[tilespmem:$0x15A00] =	vst v63  }
0x112: {  	_ =	swait.ge [sflag:s17], $0x800  }
0x113: {  	[sflag:s17] =	ssyncset.done $0x0  }
0x114: {  	s22 =	simm.s32 $0x0;
	[sflag:s17] =	ssyncadd.s32 $0xFFFFF800  }
0x115: {  	s21 =	simm.s32 $0x40;
	v1 =	vld [tilespmem:s22+$0xD00]  }
.LBB2_22:
0x116: {  	p0 =	sne.s32 s21, $0x18C0;
	v2 =	vld [tilespmem:s22+$0x0];
	_ =	sdelay $0x2  }
0x117: {  	v3 =	vld [tilespmem:s22+$0x680];
	_ =	sdelay $0x1  }
0x118: {  	v5 =	vshll.u32 v1, $0x3;
	v4 =	vshll.u32 v2, $0x8  }
0x119: {  	v5 =	vand.u32 $0xFFFFFC00, v5;
	v2 =	vshll.u32 v2, $0x7;
	v4 =	vand.u32 $0xFFFFF800, v4  }
0x11a: {  	v2 =	vand.u32 $0x380, v2;
	v4 =	vadd.s32 v4, v5  }
0x11b: {  	v1 =	vand.u32 $0x7F, v1;
	vm0 =	veq.s32 v3, $0x14;
	v2 =	vor.u32 v2, v4  }
0x11c: {  	v1 =	vor.u32 v1, v2;
	_ =	sdelay $0x1  }
.Ltmp10:
0x11d: {  	(pc) =	sbr.rel @p0 .LBB2_22-.Ltmp10, $3  }
0x11e: {  	_ =	sdelay $0x1  }
0x11f: {  	s22 =	sshra.s32 s21, $0x2;
	[tilespmem:v1+s19+$0x0] =	vst.idx.msk vm0, v0  }
0x120: {  	s21 =	sadd.s32 $0x40, s21;
	v1 =	vld [tilespmem:s22+$0xD00]  }
0x121: {  	v2 =	vld [tilespmem:s22+$0x0];
	_ =	sdelay $0x2  }
0x122: {  	v3 =	vld [tilespmem:s22+$0x680];
	_ =	sdelay $0x1  }
0x123: {  	v5 =	vshll.u32 v1, $0x3;
	v4 =	vshll.u32 v2, $0x8  }
0x124: {  	v5 =	vand.u32 $0xFFFFFC00, v5;
	v2 =	vshll.u32 v2, $0x7;
	v4 =	vand.u32 $0xFFFFF800, v4  }
0x125: {  	v2 =	vand.u32 $0x380, v2;
	v4 =	vadd.s32 v4, v5  }
0x126: {  	s20 =	sadd.s32 $0x1, s20;
	v1 =	vand.u32 $0x7F, v1;
	vm0 =	veq.s32 v3, $0x14;
	v2 =	vor.u32 v2, v4  }
0x127: {  	p0 =	sne.s32 s20, s10;
	v1 =	vor.u32 v1, v2  }
.Ltmp11:
0x128: {  	_ = 	snop;
	(pc) =	sbr.rel @p0 .LBB2_1-.Ltmp11, $2  }
0x129: {  	_ =	sdelay $0x2  }
0x12a: {  	[tilespmem:v1+s19+$0x0] =	vst.idx.msk vm0, v0  }
0x12b: {  	_ =	sfence.sel $0x180000  }
0x12c: {  	[bflag:$0x0] =	sbarrier.arrive $0xFFFF  }
0x12d: {  	p0 =	sne.s32 s1, $0x0;
	_ =	strace $0x9000004D  }
0x12e: {  	s0 =	sadd.s32 @!p0 $0x100000, s0;
	[bflag:$0x2] =	sbarrier.arrive $0xFFFF  }
0x12f: {  	[sflag:s0] =	ssyncadd.tile.s32 @!p0 $0x1;
	_ =	shalt  }
.Lfunc_end2:
_tile_overlayer_lowered:
.L_overlay_start_2:
0x130: {  	(tag) =	ssettag $0x2  }
0x131: {  	s0 =	rddreg [dreg:$0x0];
	s2 =	stileid.u32  }
0x132: {  	s1 =	rddreg [dreg:$0x1];
	p0 =	sne.s32 s2, $0x0  }
0x133: {  	s3 =	rddreg [dreg:$0x2];
	[bflag:$0x3] =	sbarrier.arrive $0xFFFF;
	s2 =	simm.s32 @!p0 $0x1C03  }
0x134: {  	[timem:s3], [sflag:s2] =	dma.local @!p0 [hbm:s0], s1  }
0x135: {  	s0 =	simm.s32 @!p0 $0x3  }
0x136: {  	_ =	swait.ge @!p0 [sflag:s0], s1  }
0x137: {  	s1 =	ssub.s32 @!p0 $0x0, s1;
	[sflag:s0] =	ssyncset.done @!p0 $0x0  }
0x138: {  	[sflag:s0] =	ssyncadd.s32 @!p0 s1  }
0x139: {  	[bflag:$0x3] =	sbarrier.arrive $0xFFFF  }
0x13a: {  	_ =	shalt  }

// kernel: kernel.19.cloned.1.call-start
scs
__scs_entry_jumppad:
0x0: {  	(pc) =	sbr.rel $0x88, $3  }
0x1: {  	(tag) =	ssettag $0x0;
	lr =	simm.s32 $0x1  }
0x2: {  	[smem:$0x3F9D] =	sst lr;
	_ =	strace $0xD0000000  }
0x3: {  	_ = 	snop  }
0x4: {  	_ = 	snop  }
0x5: {  	_ = 	snop  }
0x6: {  	_ = 	snop  }
0x7: {  	_ = 	snop  }
__scs_overlays_trampoline_lowered:
0x8: {  	[smem:$0x3FAC] =	sst s0  }
0x9: {  	[smem:$0x3FAD] =	sst s1  }
0xa: {  	[smem:$0x3FAE] =	sst s2  }
0xb: {  	[smem:$0x3FAF] =	sst s3  }
0xc: {  	[smem:$0x3FB0] =	sst s4  }
0xd: {  	[smem:$0x3FB1] =	sst s5  }
0xe: {  	[smem:$0x3FB2] =	sst s6  }
0xf: {  	[smem:$0x3FB3] =	sst s7  }
0x10: {  	[smem:$0x3FB4] =	sst s8  }
0x11: {  	[smem:$0x3FB5] =	sst s9;
	s0 =	simm.s32 @!p0 $0x0  }
0x12: {  	s1 =	sld [smem:$0x3F9B];
	s0 =	simm.s32 @p0 $0x1  }
0x13: {  	[smem:$0x3FB6] =	sst s0;
	s0 =	simm.s32 @!p1 $0x0  }
0x14: {  	s2 =	sld [smem:$0x3F9A];
	s0 =	simm.s32 @p1 $0x1  }
0x15: {  	[smem:$0x3FB7] =	sst s0;
	s0 =	simm.s32 @!p2 $0x0  }
0x16: {  	s3 =	sld [smem:$0x3FDB];
	s0 =	simm.s32 @p2 $0x1  }
0x17: {  	s4 =	simm.s32 $0x1BF5;
	[smem:$0x3FB9] =	sst s0  }
0x18: {  	s0 =	sld [smem:$0x3F9C];
	_ =	swait.ge [sflag:s4], $0x0  }
0x19: {  	s7 =	sld [smem:$0x3F9D]  }
0x1a: {  	s8 =	sadd.s32 $0xFFFFE003, lr  }
0x1b: {  	s9 =	sadd.s32 $0xFFFFFEF7, lr;
	s5 =	simm.s32 $0xFFFFFFFF;
	p2 =	slt.u32 s8, $0xFFFFF086  }
0x1c: {  	p1 =	slt.u32 s9, $0xF7A;
	s5 =	simm.s32 @!p2 $0x0  }
0x1d: {  	s5 =	simm.s32 @p1 $0x1;
	p0 =	seq.s32 s7, s2  }
0x1e: {  	s7 =	smul.u32 @!p0 $0xF7A, s2;
	p2 =	seq.s32 @!p0 s5, $0x0  }
0x1f: {  	s9 =	smul.u32 $0xF7A, s1;
	s8 =	simm.s32 @!p0 $0x1BF5;
	p2 =	por !p2, p0  }
0x20: {  	[sflag:s8] =	ssyncset.s32 @!p0 $0xFFFFF086;
	s6 =	sadd.s32 @!p0 s3, s7;
	s7 =	simm.s32 @!p0 $0x108  }
0x21: {  	s3 =	sadd.s32 s3, s9;
	s6 =	sadd.s32 @!p0 $0x88, s6;
	s7 =	simm.s32 @p2 $0x1082  }
0x22: {  	[simem:s7], [sflag:s8] =	dma.local @!p0 [hbm:s6], $0xF7A  }
0x23: {  	s9 =	sor.u32 $0xD0000000, s2;
	s6 =	simm.s32 $0x108;
	_ =	swait.ge @!p0 [sflag:s8], $0x0  }
0x24: {  	s3 =	sadd.s32 $0x88, s3;
	s6 =	simm.s32 @!p1 $0x1082;
	[sflag:s4] =	ssyncset.s32 $0xFFFFF086  }
0x25: {  	[simem:s6], [sflag:s4] =	dma.local [hbm:s3], $0xF7A  }
0x26: {  	[smem:$0x3F9D] =	sst s1;
	(tag) =	ssettag s2;
	_ =	strace s9  }
0x27: {  	s1 =	sld [smem:$0x3FAD]  }
0x28: {  	s2 =	sld [smem:$0x3FAE]  }
0x29: {  	s4 =	sld [smem:$0x3FB0]  }
0x2a: {  	p0 =	seq.s32 s5, $0x0;
	s5 =	sld [smem:$0x3FB1]  }
0x2b: {  	s6 =	sld [smem:$0x3FB2]  }
0x2c: {  	s7 =	sld [smem:$0x3FB3]  }
0x2d: {  	s3 =	simm.s32 $0x108;
	s8 =	sld [smem:$0x3FB4]  }
0x2e: {  	s3 =	simm.s32 @!p0 $0x1082;
	s9 =	sld [smem:$0x3FB5]  }
0x2f: {  	lr =	sadd.s32 s0, s3;
	s0 =	sld [smem:$0x3FAC]  }
0x30: {  	s3 =	sld [smem:$0x3FAF]  }
0x31: {  	[smem:$0x3FB8] =	sst s10  }
0x32: {  	s10 =	sld [smem:$0x3FB6];
	_ =	sdelay $0x3  }
0x33: {  	p0 =	seq.s32 s10, $0x1;
	s10 =	sld [smem:$0x3FB8];
	_ =	sdelay $0x3  }
0x34: {  	[smem:$0x3FB8] =	sst s10  }
0x35: {  	s10 =	sld [smem:$0x3FB7];
	_ =	sdelay $0x3  }
0x36: {  	p1 =	seq.s32 s10, $0x1;
	s10 =	sld [smem:$0x3FB8];
	_ =	sdelay $0x3  }
0x37: {  	[smem:$0x3FB8] =	sst s10  }
0x38: {  	s10 =	sld [smem:$0x3FB9]  }
0x39: {  	_ = 	snop;
	(pc) =	sbr.ind lr, $3  }
0x3a: {  	_ = 	snop  }
0x3b: {  	_ = 	snop  }
0x3c: {  	p2 =	seq.s32 s10, $0x1;
	s10 =	sld [smem:$0x3FB8]  }
0x3d: {  	_ =	shalt  }
0x3e: {  	_ =	shalt  }
0x3f: {  	_ =	shalt  }
0x40: {  	_ =	shalt  }
0x41: {  	_ =	shalt  }
0x42: {  	_ =	shalt  }
0x43: {  	_ =	shalt  }
0x44: {  	_ =	shalt  }
0x45: {  	_ =	shalt  }
0x46: {  	_ =	shalt  }
0x47: {  	_ =	shalt  }
0x48: {  	_ =	shalt  }
0x49: {  	_ =	shalt  }
0x4a: {  	_ =	shalt  }
0x4b: {  	_ =	shalt  }
0x4c: {  	_ =	shalt  }
0x4d: {  	_ =	shalt  }
0x4e: {  	_ =	shalt  }
0x4f: {  	_ =	shalt  }
0x50: {  	_ =	shalt  }
0x51: {  	_ =	shalt  }
0x52: {  	_ =	shalt  }
0x53: {  	_ =	shalt  }
0x54: {  	_ =	shalt  }
0x55: {  	_ =	shalt  }
0x56: {  	_ =	shalt  }
0x57: {  	_ =	shalt  }
0x58: {  	_ =	shalt  }
0x59: {  	_ =	shalt  }
0x5a: {  	_ =	shalt  }
0x5b: {  	_ =	shalt  }
0x5c: {  	_ =	shalt  }
0x5d: {  	_ =	shalt  }
0x5e: {  	_ =	shalt  }
0x5f: {  	_ =	shalt  }
0x60: {  	_ =	shalt  }
0x61: {  	_ =	shalt  }
0x62: {  	_ =	shalt  }
0x63: {  	_ =	shalt  }
0x64: {  	_ =	shalt  }
0x65: {  	_ =	shalt  }
0x66: {  	_ =	shalt  }
0x67: {  	_ =	shalt  }
0x68: {  	_ =	shalt  }
0x69: {  	_ =	shalt  }
0x6a: {  	_ =	shalt  }
0x6b: {  	_ =	shalt  }
0x6c: {  	_ =	shalt  }
0x6d: {  	_ =	shalt  }
0x6e: {  	_ =	shalt  }
0x6f: {  	_ =	shalt  }
0x70: {  	_ =	shalt  }
0x71: {  	_ =	shalt  }
0x72: {  	_ =	shalt  }
0x73: {  	_ =	shalt  }
0x74: {  	_ =	shalt  }
0x75: {  	_ =	shalt  }
0x76: {  	_ =	shalt  }
0x77: {  	_ =	shalt  }
0x78: {  	_ =	shalt  }
0x79: {  	_ =	shalt  }
0x7a: {  	_ =	shalt  }
0x7b: {  	_ =	shalt  }
0x7c: {  	_ =	shalt  }
0x7d: {  	_ =	shalt  }
0x7e: {  	_ =	shalt  }
0x7f: {  	_ =	shalt  }
0x80: {  	_ =	shalt  }
0x81: {  	_ =	shalt  }
0x82: {  	_ =	shalt  }
0x83: {  	_ =	shalt  }
0x84: {  	_ =	shalt  }
0x85: {  	_ =	shalt  }
0x86: {  	_ =	shalt  }
0x87: {  	_ =	shalt  }
.Lfunc_end0:
.L_simem_size_0:
called_computation.3_lowered:
.L_overlay_start_0:
0x88: {  	s2 =	sld [smem:$0x3FD9]  }
0x89: {  	s3 =	sld [smem:$0x3FFE];
	_ =	sdelay $0x1  }
0x8a: {  	s1 =	srdreg.scid  }
0x8b: {  	s0 =	sand.u32 $0x1, s1  }
0x8c: {  	s16 =	sshll.u32 s0, $0xA;
	s2 =	sadd.s32 s3, s2  }
0x8d: {  	s2 =	sadd.s32 s2, s16  }
0x8e: {  	[smem:$0x3FC4] =	sst s2  }
0x8f: {  	_ = 	snop  }
0x90: {  	(tm) =	ssettm $0x1  }
0x91: {  	s17 =	sld [smem:$0x3FFB];
	_ =	sdelay $0x3  }
0x92: {  	_ =	strace s17  }
0x93: {  	s2 =	sld [smem:$0x3FFC];
	_ =	sdelay $0x3  }
0x94: {  	_ =	strace s2  }
0x95: {  	s2 =	sld [smem:$0x3FFD];
	_ =	sdelay $0x3  }
0x96: {  	_ =	strace s2  }
0x97: {  	_ =	strace $0x8FFFFFFF  }
0x98: {  	s18 =	sld [smem:$0x3FDB];
	_ =	sdelay $0x1  }
0x99: {  	s19 =	simm.s32 $_scs_section_size  }
0x9a: {  	s4 =	simm.s32 $_size__tile_overlayer_lowered;
	s5 =	simm.s32 $_tile_overlayer_lowered  }
0x9b: {  	s22 =	simm.s32 $0x1BFF;
	s21 =	sshll.u32 s5, $0x1;
	s2 =	sadd.s32 s19, s18  }
0x9c: {  	s6 =	simm.s32 $0x0;
	s20 =	sshll.u32 s4, $0x1;
	s4 =	sadd.s32 s21, s2  }
0x9d: {  	[timem:s6], [sflag:s22] =	dma.local [hbm:s4], s20  }
0x9e: {  	_ =	swait.ge [sflag:s22], s20  }
0x9f: {  	s3 =	ssub.s32 $0x0, s20;
	[sflag:s22] =	ssyncset.done $0x0  }
0xa0: {  	[sflag:s22] =	ssyncadd.s32 s3;
	_ =	sdelay $0x1  }
0xa1: {  	s23 =	simm.s32 $0x1B8B  }
0xa2: {  	_ =	swait.ge [sflag:s23], $0x1  }
0xa3: {  	[sflag:s23] =	ssyncset.done $0x0  }
0xa4: {  	s25 =	simm.s32 $0x1B8E;
	s24 =	sld [smem:$0x3FFE];
	[sflag:s23] =	ssyncadd.s32 $0xFFFFFFFF  }
0xa5: {  	s26 =	simm.s32 $execute0_lowered;
	[smem:$0x3FD2] =	sst s25  }
0xa6: {  	s4 =	sshll.u32 s26, $0x1;
	_ =	strace $0x8000004F;
	[dreg:$0x1] =	wrdreg $0xFFFFFFFF  }
0xa7: {  	s28 =	simm.s32 $_size_execute0_lowered;
	s2 =	sadd.s32 s2, s4;
	[dreg:$0x0] =	wrdreg $0x0  }
0xa8: {  	s4 =	sshll.u32 s28, $0x1;
	[dreg:$0x2] =	wrdreg s2  }
0xa9: {  	[dreg:$0x3] =	wrdreg s4  }
0xaa: {  	[dreg:$0x4] =	wrdreg $0xC0  }
0xab: {  	_ =	task [dreg:s6], $0x5FFFF  }
0xac: {  	[dreg:$0x1] =	wrdreg $0xFFFFFFFF  }
0xad: {  	[dreg:$0x0] =	wrdreg $0x60  }
0xae: {  	[dreg:$0x2] =	wrdreg s24  }
0xaf: {  	[dreg:$0x3] =	wrdreg $0x9  }
0xb0: {  	_ =	task.clear_ibuf [dreg:s6], $0x4FFFF;
	_ =	strace $0x9000004F  }
0xb1: {  	s29 =	simm.s32 $0x9;
	_ =	strace $0x80000051  }
0xb2: {  	_ =	swait.ge [sflag:s29], $0x1  }
0xb3: {  	[sflag:s29] =	ssyncadd.s32 $0xFFFFFFFF  }
0xb4: {  	_ =	strace $0x90000051  }
0xb5: {  	_ =	sfence  }
0xb6: {  	s30 =	sld [smem:$0x0];
	_ =	sdelay $0x2  }
0xb7: {  	s31 =	sshll.u32 s1, $0xD;
	s1 =	sshrl.u32 s1, $0x2  }
0xb8: {  	s3 =	sand.u32 $0x4000, s31;
	s1 =	sadd.s32 s1, s30  }
0xb9: {  	s0 =	sor.u32 s3, s0;
	s1 =	sshll.u32 s1, $0x11  }
0xba: {  	s0 =	sor.u32 s1, s0  }
0xbb: {  	s0 =	sadd.s32 $0x8F2B, s0  }
0xbc: {  	[sflag:s0] =	ssyncadd.remote.s32 $0x1  }
0xbd: {  	_ =	sfence.sel $0xFFFF  }
0xbe: {  	[dreg:$0x0] =	wrdreg $0xFFFFFFFF;
	(pc) =	sbr.abs _section_cstart, $3  }
0xbf: {  	[dreg:$0x1] =	wrdreg $0xFFFFFFFF  }
0xc0: {  	_ =	task.clear_ibuf [dreg:s6], $0x2FFFF;
	_ =	strace $0x9FFFFFFF  }
0xc1: {  	(tm) =	ssettm $0x7FFFFFFF  }
tec
execute0_lowered:
.L_overlay_start_1:
0x0: {  	(tag) =	ssettag $0x1  }
0x1: {  	s0 =	srdreg.scid  }
0x2: {  	s4 =	rddreg [dreg:$0x0];
	s1 =	stileid.u32  }
0x3: {  	s2 =	simm.s32 $0x0;
	s11 =	simm.s32 $0x3;
	s12 =	simm.s32 $0x680  }
0x4: {  	s13 =	simm.s32 $0xD00;
	s14 =	simm.s32 $0x1380;
	s15 =	simm.s32 $0x1A00  }
0x5: {  	s16 =	simm.s32 $0xB600;
	s17 =	simm.s32 $0x1;
	s3 =	sand.u32 $0x1, s0  }
0x6: {  	s18 =	simm.s32 $0x2;
	s19 =	simm.s32 $0x15200;
	s5 =	sshll.u32 s3, $0x4  }
0x7: {  	s20 =	simm.s32 $0x0;
	s0 =	rddreg [dreg:$0x1];
	s8 =	sor.u32 s1, s5  }
0x8: {  	[smem:$0x7FF] =	sst s2;
	s6 =	ssub.s32 $0x2, s3;
	s5 =	smul.u32 $0xD0, s8  }
0x9: {  	_ =	strace $0x80000050;
	s31 =	sshrl.u32 s6, $0x1;
	s9 =	smul.u32 $0xC3800, s8  }
0xa: {  	s3 =	sadd.s32 $0x2800, s4;
	s10 =	ssub.s32 s6, s31;
	s7 =	sadd.s32 s5, s4  }
0xb: {  	s8 =	sor.u32 $0x60, s8;
	s9 =	sshrl.u32 s9, $0x3;
	s4 =	sadd.s32 $0xC3C200, s7  }
0xc: {  	s5 =	sadd.s32 $0xC41000, s7;
	s6 =	sadd.s32 $0xC42A00, s7;
	s9 =	sadd.s32 s3, s9  }
0xd: {  	v0 =	vimm.f32 $0.0e+00;
	s10 =	smax.u32 s10, $0x1;
	s7 =	sadd.s32 $0xC46200, s7;
	s9 =	sadd.s32 $0x942600, s9  }
.LBB2_1:
0xe: {  	s21 =	sand.u32 $0xFFF8, s2  }
0xf: {  	s21 =	sshrl.u32 s21, $0x3  }
0x10: {  	s22 =	smul.u32 $0xD21, s21;
	_ =	sdelay $0x1  }
0x11: {  	s21 =	simm.s32 $0x1;
	s23 =	sshrl.u32 s22, $0x11  }
0x12: {  	s24 =	sand.u32 $0xFFF8, s21;
	s26 =	smul.u32 $0x138, s23  }
0x13: {  	s25 =	sshrl.u32 s24, $0x3  }
0x14: {  	s23 =	simm.s32 $0x2;
	s24 =	ssub.s32 $0x0, s26;
	s26 =	sshrl.u32 s22, $0x14  }
.LBB2_2:
0x15: {  	p0 =	sne.s32 s23, $0x9BF  }
0x16: {  	s26 =	smul.u32 $0x9C00, s26;
	s28 =	sshll.u32 s24, $0x7;
	s29 =	sshrl.u32 s22, $0xA  }
0x17: {  	s22 =	smul.u32 $0xD21, s25;
	s24 =	sshll.u32 s24, $0x4;
	s28 =	sand.u32 $0xFC00, s28  }
.Ltmp0:
0x18: {  	s25 =	sadd.s32 s28, s26;
	s26 =	sand.u32 $0x380, s29;
	(pc) =	sbr.rel @p0 .LBB2_2-.Ltmp0, $4  }
0x19: {  	s24 =	sand.u32 $0x70, s24;
	s28 =	sshrl.u32 s22, $0x11;
	s25 =	sor.u32 s26, s25  }
0x1a: {  	s26 =	sand.u32 $0xFFF8, s23;
	s28 =	smul.u32 $0x138, s28;
	s29 =	sor.u32 s24, s25  }
0x1b: {  	s25 =	sshrl.u32 s26, $0x3;
	s24 =	smov.u32 s21;
	s21 =	smov.u32 s23;
	[tilespmem:s29+$0xB600] =	vst v0  }
0x1c: {  	s23 =	sadd.s32 $0x1, s23;
	s26 =	sshrl.u32 s22, $0x14;
	s24 =	ssub.s32 s24, s28;
	[tilespmem:s29+$0x1A00] =	vst v0  }
0x1d: {  	s23 =	smul.u32 $0xD21, s25  }
0x1e: {  	s25 =	smul.u32 $0x9C00, s26;
	s31 =	sshll.u32 s24, $0x7  }
0x1f: {  	s22 =	sshrl.u32 s22, $0xA;
	s30 =	sshll.u32 s24, $0x4;
	s26 =	sand.u32 $0xFC00, s31  }
0x20: {  	s22 =	sand.u32 $0x380, s22;
	s24 =	sand.u32 $0x70, s30;
	s28 =	sshrl.u32 s23, $0x11  }
0x21: {  	s25 =	sadd.s32 s26, s25;
	s31 =	smul.u32 $0x138, s28;
	s28 =	sshrl.u32 s23, $0x14  }
0x22: {  	s22 =	sor.u32 s22, s25;
	s30 =	smul.u32 $0x9C00, s28;
	s28 =	simm.s32 $0x0  }
0x23: {  	s23 =	sshrl.u32 s23, $0xA;
	s21 =	ssub.s32 s21, s31;
	s28 =	smul.u32 $0xCD, s28  }
0x24: {  	s22 =	sor.u32 s24, s22;
	s23 =	sand.u32 $0x380, s23;
	s31 =	sshll.u32 s21, $0x7  }
0x25: {  	s21 =	sshll.u32 s21, $0x4;
	s25 =	sand.u32 $0xFC00, s31;
	s26 =	sshrl.u32 s28, $0xB  }
0x26: {  	s24 =	sadd.s32 s25, s30;
	s30 =	sand.u32 $0x70, s21;
	s25 =	sand.u32 $0x1F, s26  }
0x27: {  	[tilespmem:s22+$0xB600] =	vst v0;
	s21 =	simm.s32 $0x1;
	s23 =	sor.u32 s23, s24;
	s31 =	smul.u32 $0xA, s25  }
0x28: {  	[tilespmem:s22+$0x1A00] =	vst v0;
	s22 =	smul.u32 $0xCD, s21;
	s23 =	sor.u32 s30, s23  }
0x29: {  	s26 =	sshrl.u32 s28, $0x3;
	s25 =	sshrl.u32 s28, $0x4;
	[tilespmem:s23+$0xB600] =	vst v0;
	s24 =	ssub.s32 $0x0, s31  }
0x2a: {  	[tilespmem:s23+$0x1A00] =	vst v0;
	s28 =	sshrl.u32 s22, $0xB;
	s23 =	simm.s32 $0x2;
	s29 =	sshll.u32 s24, $0x7  }
.LBB2_4:
0x2b: {  	p0 =	sne.s32 s23, $0x4F  }
0x2c: {  	s26 =	sand.u32 $0x800, s26;
	s29 =	sand.u32 $0x400, s29;
	s24 =	sshll.u32 s24, $0x4  }
0x2d: {  	s25 =	sand.u32 $0x380, s25;
	s28 =	sand.u32 $0x1F, s28;
	s26 =	sor.u32 s29, s26  }
.Ltmp1:
0x2e: {  	s24 =	sand.u32 $0x70, s24;
	s25 =	sor.u32 s26, s25;
	(pc) =	sbr.rel @p0 .LBB2_4-.Ltmp1, $4  }
0x2f: {  	s26 =	smul.u32 $0xA, s28;
	s24 =	sor.u32 s24, s25;
	s25 =	smov.u32 s22  }
0x30: {  	s22 =	smul.u32 $0xCD, s23;
	[tilespmem:s24+$0x15200] =	vst v0;
	s24 =	smov.u32 s21;
	s21 =	smov.u32 s23  }
0x31: {  	s24 =	ssub.s32 s24, s26;
	s26 =	sshrl.u32 s25, $0x3;
	s25 =	sshrl.u32 s25, $0x4  }
0x32: {  	s23 =	sadd.s32 $0x1, s23;
	s28 =	sshrl.u32 s22, $0xB;
	s29 =	sshll.u32 s24, $0x7  }
0x33: {  	s23 =	sand.u32 $0x1F, s28  }
0x34: {  	s26 =	sand.u32 $0x800, s26;
	s23 =	smul.u32 $0xA, s23  }
0x35: {  	s31 =	sand.u32 $0x400, s29;
	s24 =	sshll.u32 s24, $0x4;
	s25 =	sand.u32 $0x380, s25  }
0x36: {  	s29 =	sshrl.u32 s22, $0x3;
	s26 =	sor.u32 s31, s26;
	s21 =	ssub.s32 s21, s23  }
0x37: {  	s24 =	sand.u32 $0x70, s24;
	s31 =	sshrl.u32 s22, $0x4;
	s30 =	sshll.u32 s21, $0x7  }
0x38: {  	s28 =	sor.u32 s26, s25;
	s25 =	sand.u32 $0x800, s29;
	s26 =	sand.u32 $0x400, s30  }
0x39: {  	s22 =	sand.u32 $0x380, s31;
	s21 =	sshll.u32 s21, $0x4;
	s25 =	sor.u32 s26, s25  }
0x3a: {  	s23 =	sor.u32 s24, s28;
	s21 =	sand.u32 $0x70, s21;
	s22 =	sor.u32 s25, s22  }
0x3b: {  	[tilespmem:s23+$0x15200] =	vst v0;
	s21 =	sor.u32 s21, s22  }
0x3c: {  	[tilespmem:s21+$0x15200] =	vst v0;
	s21 =	simm.s32 $0x0  }
0x3d: {  	[tilespmem:s21], [sflag:$0x3] =	stream.linear.gather [hbm4b:s4+s21], $0x680, $0x38;
	[tilespmem:$0x15A00] =	vst v63  }
0x3e: {  	_ =	swait.ge [sflag:s11], $0x680  }
0x3f: {  	[sflag:s11] =	ssyncset.done $0x0  }
0x40: {  	[sflag:s11] =	ssyncadd.s32 $0xFFFFF980  }
0x41: {  	[tilespmem:s12], [sflag:$0x3] =	stream.linear.gather [hbm4b:s5+s21], $0x680, $0x38;
	[tilespmem:$0x15A00] =	vst v63  }
0x42: {  	_ =	swait.ge [sflag:s11], $0x680  }
0x43: {  	[sflag:s11] =	ssyncset.done $0x0  }
0x44: {  	[sflag:s11] =	ssyncadd.s32 $0xFFFFF980  }
0x45: {  	[tilespmem:s13], [sflag:$0x3] =	stream.linear.gather [hbm4b:s6+s21], $0x680, $0x38;
	[tilespmem:$0x15A00] =	vst v63  }
0x46: {  	_ =	swait.ge [sflag:s11], $0x680  }
0x47: {  	[sflag:s11] =	ssyncset.done $0x0  }
0x48: {  	[sflag:s11] =	ssyncadd.s32 $0xFFFFF980  }
0x49: {  	[tilespmem:s14], [sflag:$0x3] =	stream.linear.gather [hbm4b:s7+s21], $0x680, $0x38;
	[tilespmem:$0x15A00] =	vst v63  }
0x4a: {  	_ =	swait.ge [sflag:s11], $0x680  }
0x4b: {  	[sflag:s11] =	ssyncset.done $0x0  }
0x4c: {  	[sflag:s11] =	ssyncadd.s32 $0xFFFFF980  }
.LBB2_6:
0x4d: {  	p0 =	seq.s32 s21, $0x0  }
.Ltmp2:
0x4e: {  	_ = 	snop;
	(pc) =	sbr.rel @p0 .LBB2_10-.Ltmp2, $2  }
0x4f: {  	_ =	sdelay $0x2  }
0x50: {  	s22 =	sshll.u32 s21, $0x1  }
0x51: {  	_ =	swait.ge [sflag:s17], $0x9C00  }
0x52: {  	s23 =	sadd.s32 $0xFFFFFFFE, s22;
	[sflag:s17] =	ssyncset.done $0x0  }
0x53: {  	s24 =	simm.s32 $0x0;
	v1 =	vmov s23;
	s23 =	simm.s32 $0x40;
	[sflag:s17] =	ssyncadd.s32 $0xFFFF6400  }
.LBB2_8:
0x54: {  	p1 =	sne.s32 s23, $0x18C0;
	v2 =	vld [tilespmem:s24+$0x0]  }
0x55: {  	v3 =	vld [tilespmem:s24+$0xD00];
	_ =	sdelay $0x2  }
0x56: {  	v4 =	vld [tilespmem:s24+$0x680]  }
0x57: {  	v5 =	vshrl.u32 v2, $0x3  }
0x58: {  	v5 =	vmul.u32 $0x9C00, v5;
	v6 =	vshll.u32 v3, $0x3  }
0x59: {  	v2 =	vshll.u32 v2, $0x7;
	v6 =	vand.u32 $0xFFFFFC00, v6  }
0x5a: {  	v2 =	vand.u32 $0x380, v2;
	v5 =	vadd.s32 v5, v6  }
0x5b: {  	v3 =	vand.u32 $0x7F, v3;
	vm0 =	veq.s32 v4, v1;
	v2 =	vor.u32 v2, v5  }
0x5c: {  	v2 =	vor.u32 v3, v2  }
.Ltmp3:
0x5d: {  	(pc) =	sbr.rel @p1 .LBB2_8-.Ltmp3, $2  }
0x5e: {  	_ =	sdelay $0x2  }
0x5f: {  	s24 =	sshra.s32 s23, $0x2;
	s23 =	sadd.s32 $0x40, s23;
	[tilespmem:v2+s15+$0x0] =	vst.idx.msk vm0, v0  }
0x60: {  	v2 =	vld [tilespmem:s24+$0x0]  }
0x61: {  	v3 =	vld [tilespmem:s24+$0xD00];
	_ =	sdelay $0x2  }
0x62: {  	v4 =	vld [tilespmem:s24+$0x680]  }
0x63: {  	v5 =	vshrl.u32 v2, $0x3  }
0x64: {  	v6 =	vshll.u32 v3, $0x3;
	v5 =	vmul.u32 $0x9C00, v5  }
0x65: {  	v2 =	vshll.u32 v2, $0x7;
	v6 =	vand.u32 $0xFFFFFC00, v6  }
0x66: {  	v2 =	vand.u32 $0x380, v2;
	v5 =	vadd.s32 v5, v6  }
0x67: {  	vm0 =	veq.s32 v4, v1;
	v1 =	vand.u32 $0x7F, v3;
	v2 =	vor.u32 v2, v5  }
0x68: {  	v1 =	vor.u32 v1, v2;
	_ =	sdelay $0x4  }
0x69: {  	[tilespmem:v1+s15+$0x0] =	vst.idx.msk vm0, v0  }
.LBB2_10:
0x6a: {  	s23 =	smulhi.u32 $0xCCCCCCCD, s21;
	_ =	sdelay $0x1  }
0x6b: {  	s24 =	sshrl.u32 s23, $0x3  }
0x6c: {  	s25 =	simm.s32 $0x0;
	s23 =	smul.u32 $0x680, s24  }
0x6d: {  	s26 =	sand.u32 $0x780, s25  }
0x6e: {  	s25 =	sand.u32 $0x70, s25;
	s26 =	sadd.s32 s23, s26  }
0x6f: {  	s26 =	sor.u32 s25, s26  }
0x70: {  	v1 =	vld [tilespmem:s26+$0x0]  }
0x71: {  	v2 =	vld [tilespmem:s26+$0xD00];
	_ =	sdelay $0x2  }
0x72: {  	v3 =	vld [tilespmem:s26+$0x680]  }
0x73: {  	v4 =	vshrl.u32 v1, $0x3  }
0x74: {  	v5 =	vshll.u32 v2, $0x3;
	v4 =	vmul.u32 $0x9C00, v4  }
0x75: {  	v1 =	vshll.u32 v1, $0x7;
	v5 =	vand.u32 $0xFFFFFC00, v5  }
0x76: {  	v4 =	vadd.s32 v4, v5;
	v5 =	vand.u32 $0x380, v1;
	v1 =	vmov s22  }
0x77: {  	v6 =	vand.u32 $0x7F, v2;
	v4 =	vor.u32 v5, v4;
	vm0 =	veq.s32 v3, v1  }
0x78: {  	v2 =	vld [tilespmem:s26+$0x1380];
	v3 =	vor.u32 v6, v4;
	_ =	sdelay $0x1  }
0x79: {  	s25 =	simm.s32 $0x10  }
0x7a: {  	s28 =	sand.u32 $0x780, s25;
	s26 =	simm.s32 $0x20  }
.LBB2_11:
0x7b: {  	p1 =	sne.s32 s26, $0x630;
	s25 =	sand.u32 $0x70, s25;
	s28 =	sadd.s32 s23, s28  }
0x7c: {  	s28 =	sor.u32 s25, s28;
	[tilespmem:v3+s15+$0x0] =	vst.idx.msk vm0, v2;
	s25 =	smov.u32 s26  }
0x7d: {  	v2 =	vld [tilespmem:s28+$0x0]  }
0x7e: {  	v3 =	vld [tilespmem:s28+$0xD00];
	_ =	sdelay $0x2  }
0x7f: {  	v4 =	vld [tilespmem:s28+$0x680]  }
0x80: {  	v5 =	vshrl.u32 v2, $0x3  }
0x81: {  	v5 =	vmul.u32 $0x9C00, v5;
	v6 =	vshll.u32 v3, $0x3  }
0x82: {  	v2 =	vshll.u32 v2, $0x7;
	v6 =	vand.u32 $0xFFFFFC00, v6  }
0x83: {  	v2 =	vand.u32 $0x380, v2;
	v5 =	vadd.s32 v5, v6  }
.Ltmp4:
0x84: {  	v3 =	vand.u32 $0x7F, v3;
	vm0 =	veq.s32 v4, v1;
	v4 =	vor.u32 v2, v5;
	(pc) =	sbr.rel @p1 .LBB2_11-.Ltmp4, $2  }
0x85: {  	v2 =	vld [tilespmem:s28+$0x1380];
	v3 =	vor.u32 v3, v4;
	_ =	sdelay $0x2  }
0x86: {  	s26 =	sadd.s32 $0x10, s26;
	s28 =	sand.u32 $0x780, s25  }
0x87: {  	_ =	sdelay $0x3  }
0x88: {  	s25 =	sand.u32 $0x70, s25;
	s26 =	sadd.s32 s23, s28  }
0x89: {  	s25 =	sor.u32 s25, s26;
	[tilespmem:v3+s15+$0x0] =	vst.idx.msk vm0, v2  }
0x8a: {  	v2 =	vld [tilespmem:s25+$0x0]  }
0x8b: {  	v3 =	vld [tilespmem:s25+$0xD00];
	_ =	sdelay $0x2  }
0x8c: {  	v4 =	vld [tilespmem:s25+$0x680]  }
0x8d: {  	v5 =	vshrl.u32 v2, $0x3  }
0x8e: {  	v6 =	vshll.u32 v3, $0x3;
	v5 =	vmul.u32 $0x9C00, v5  }
0x8f: {  	v2 =	vshll.u32 v2, $0x7;
	v6 =	vand.u32 $0xFFFFFC00, v6  }
0x90: {  	v2 =	vand.u32 $0x380, v2;
	v5 =	vadd.s32 v5, v6  }
0x91: {  	vm15 =	veq.s32 v4, v1;
	v1 =	vand.u32 $0x7F, v3;
	v2 =	vor.u32 v2, v5  }
0x92: {  	s24 =	sadd.s32 s24, s8;
	s31 =	smul.u32 $0x13800, s21;
	v3 =	vld [tilespmem:s25+$0x1380];
	v1 =	vor.u32 v1, v2  }
0x93: {  	s24 =	smul.u32 $0xC3800, s24  }
.Ltmp5:
0x94: {  	_ = 	snop;
	(pc) =	sbr.rel @p0 .LBB2_16-.Ltmp5, $4  }
0x95: {  	s25 =	sadd.s32 s31, s24  }
0x96: {  	s25 =	sshrl.u32 s25, $0x3  }
0x97: {  	s25 =	sadd.s32 s3, s25;
	[tilespmem:v1+s15+$0x0] =	vst.idx.msk vm15, v3  }
0x98: {  	[hbm4b:s25+s2] =	stream.linear.scatter [tilespmem:s15], [sflag:$0x1], $0x9C00, $0x38;
	[tilespmem:$0x15A00] =	vst v63  }
0x99: {  	s26 =	sadd.s32 $0xFFFFFFFF, s22  }
0x9a: {  	s25 =	smulhi.u32 $0x66666667, s26;
	s28 =	sshra.s32 s26, $0x1F  }
0x9b: {  	s29 =	smul.u32 $0x66666667, s28;
	_ =	sdelay $0x1  }
0x9c: {  	s25 =	sadd.s32 s29, s25  }
0x9d: {  	s29 =	sshrl.u32 s25, $0x1F;
	s25 =	sshra.s32 s25, $0x3  }
0x9e: {  	s29 =	sadd.s32 s29, s25  }
0x9f: {  	s25 =	sadd.s32 s28, s29  }
0xa0: {  	s28 =	simm.s32 $0x0;
	s25 =	smul.u32 $0x680, s25  }
0xa1: {  	_ =	swait.ge [sflag:s18], $0x9C00;
	s30 =	sand.u32 $0x780, s28  }
0xa2: {  	[sflag:s18] =	ssyncset.done $0x0;
	s28 =	sand.u32 $0x70, s28;
	s30 =	sadd.s32 s25, s30  }
0xa3: {  	[sflag:s18] =	ssyncadd.s32 $0xFFFF6400;
	s28 =	sor.u32 s28, s30  }
0xa4: {  	v1 =	vld [tilespmem:s28+$0x0]  }
0xa5: {  	v2 =	vld [tilespmem:s28+$0xD00];
	_ =	sdelay $0x1  }
0xa6: {  	s29 =	smul.u32 $0xFFFFFFEC, s29  }
0xa7: {  	v3 =	vld [tilespmem:s28+$0x680]  }
0xa8: {  	s26 =	sadd.s32 s26, s29;
	v4 =	vshrl.u32 v1, $0x3  }
0xa9: {  	p0 =	slt.s32 s26, $0x0;
	s28 =	sadd.s32 $0x14, s26;
	v5 =	vshll.u32 v2, $0x3;
	v4 =	vmul.u32 $0x9C00, v4  }
0xaa: {  	s26 =	smov.u32 @p0 s28;
	v1 =	vshll.u32 v1, $0x7;
	v5 =	vand.u32 $0xFFFFFC00, v5  }
0xab: {  	v63 =	vand.u32 $0x380, v1;
	v1 =	vmov s26;
	v4 =	vadd.s32 v4, v5  }
0xac: {  	v2 =	vand.u32 $0x7F, v2;
	vm0 =	veq.s32 v3, v1;
	v4 =	vor.u32 v63, v4  }
0xad: {  	v2 =	vor.u32 v2, v4;
	_ =	sdelay $0x1  }
0xae: {  	s26 =	simm.s32 $0x10  }
0xaf: {  	s28 =	simm.s32 $0x20;
	s29 =	sand.u32 $0x780, s26  }
.LBB2_14:
0xb0: {  	p0 =	sne.s32 s28, $0x630;
	s26 =	sand.u32 $0x70, s26;
	s29 =	sadd.s32 s25, s29  }
0xb1: {  	s29 =	sor.u32 s26, s29;
	[tilespmem:v2+s16+$0x0] =	vst.idx.msk vm0, v0;
	s26 =	smov.u32 s28  }
0xb2: {  	v2 =	vld [tilespmem:s29+$0x0]  }
0xb3: {  	v3 =	vld [tilespmem:s29+$0xD00];
	_ =	sdelay $0x2  }
0xb4: {  	v4 =	vld [tilespmem:s29+$0x680]  }
0xb5: {  	v5 =	vshrl.u32 v2, $0x3  }
0xb6: {  	v5 =	vmul.u32 $0x9C00, v5;
	v6 =	vshll.u32 v3, $0x3  }
0xb7: {  	v2 =	vshll.u32 v2, $0x7;
	v6 =	vand.u32 $0xFFFFFC00, v6  }
0xb8: {  	v2 =	vand.u32 $0x380, v2;
	v5 =	vadd.s32 v5, v6  }
.Ltmp6:
0xb9: {  	v3 =	vand.u32 $0x7F, v3;
	vm0 =	veq.s32 v4, v1;
	v2 =	vor.u32 v2, v5;
	(pc) =	sbr.rel @p0 .LBB2_14-.Ltmp6, $2  }
0xba: {  	v2 =	vor.u32 v3, v2;
	_ =	sdelay $0x2  }
0xbb: {  	s28 =	sadd.s32 $0x10, s28;
	s29 =	sand.u32 $0x780, s26  }
0xbc: {  	_ =	sdelay $0x3  }
0xbd: {  	s26 =	sand.u32 $0x70, s26;
	s25 =	sadd.s32 s25, s29  }
0xbe: {  	[tilespmem:v2+s16+$0x0] =	vst.idx.msk vm0, v0;
	s25 =	sor.u32 s26, s25  }
0xbf: {  	v2 =	vld [tilespmem:s25+$0x0]  }
0xc0: {  	v3 =	vld [tilespmem:s25+$0xD00];
	_ =	sdelay $0x2  }
0xc1: {  	v4 =	vld [tilespmem:s25+$0x680]  }
0xc2: {  	v5 =	vshrl.u32 v2, $0x3  }
0xc3: {  	v6 =	vshll.u32 v3, $0x3;
	v5 =	vmul.u32 $0x9C00, v5  }
0xc4: {  	v2 =	vshll.u32 v2, $0x7;
	v6 =	vand.u32 $0xFFFFFC00, v6  }
0xc5: {  	v2 =	vand.u32 $0x380, v2;
	v5 =	vadd.s32 v5, v6  }
0xc6: {  	vm15 =	veq.s32 v4, v1;
	v1 =	vand.u32 $0x7F, v3;
	v2 =	vor.u32 v2, v5  }
0xc7: {  	v1 =	vor.u32 v1, v2;
	_ =	sdelay $0x4  }
0xc8: {  	[tilespmem:v1+s16+$0x0] =	vst.idx.msk vm15, v0  }
.LBB2_16:
0xc9: {  	s25 =	simm.s32 $0x0  }
0xca: {  	s26 =	sand.u32 $0x780, s25  }
0xcb: {  	s25 =	sand.u32 $0x70, s25;
	s26 =	sadd.s32 s23, s26  }
0xcc: {  	s26 =	sor.u32 s25, s26  }
0xcd: {  	v1 =	vld [tilespmem:s26+$0x0]  }
0xce: {  	v2 =	vld [tilespmem:s26+$0xD00];
	_ =	sdelay $0x2  }
0xcf: {  	v3 =	vld [tilespmem:s26+$0x680]  }
0xd0: {  	v4 =	vshrl.u32 v1, $0x3  }
0xd1: {  	v5 =	vshll.u32 v2, $0x3;
	v4 =	vmul.u32 $0x9C00, v4  }
0xd2: {  	s22 =	sor.u32 $0x1, s22;
	v1 =	vshll.u32 v1, $0x7;
	v5 =	vand.u32 $0xFFFFFC00, v5  }
0xd3: {  	v4 =	vadd.s32 v4, v5;
	v5 =	vand.u32 $0x380, v1;
	v1 =	vmov s22  }
0xd4: {  	v6 =	vand.u32 $0x7F, v2;
	v4 =	vor.u32 v5, v4;
	vm0 =	veq.s32 v3, v1  }
0xd5: {  	v2 =	vld [tilespmem:s26+$0x1380];
	v3 =	vor.u32 v6, v4;
	_ =	sdelay $0x1  }
0xd6: {  	s25 =	simm.s32 $0x10  }
0xd7: {  	s28 =	sand.u32 $0x780, s25;
	s26 =	simm.s32 $0x20  }
.LBB2_17:
0xd8: {  	p0 =	sne.s32 s26, $0x630;
	s25 =	sand.u32 $0x70, s25;
	s28 =	sadd.s32 s23, s28  }
0xd9: {  	s28 =	sor.u32 s25, s28;
	[tilespmem:v3+s16+$0x0] =	vst.idx.msk vm0, v2;
	s25 =	smov.u32 s26  }
0xda: {  	v2 =	vld [tilespmem:s28+$0x0]  }
0xdb: {  	v3 =	vld [tilespmem:s28+$0xD00];
	_ =	sdelay $0x2  }
0xdc: {  	v4 =	vld [tilespmem:s28+$0x680]  }
0xdd: {  	v5 =	vshrl.u32 v2, $0x3  }
0xde: {  	v5 =	vmul.u32 $0x9C00, v5;
	v6 =	vshll.u32 v3, $0x3  }
0xdf: {  	v2 =	vshll.u32 v2, $0x7;
	v6 =	vand.u32 $0xFFFFFC00, v6  }
0xe0: {  	v2 =	vand.u32 $0x380, v2;
	v5 =	vadd.s32 v5, v6  }
.Ltmp7:
0xe1: {  	v3 =	vand.u32 $0x7F, v3;
	vm0 =	veq.s32 v4, v1;
	v4 =	vor.u32 v2, v5;
	(pc) =	sbr.rel @p0 .LBB2_17-.Ltmp7, $2  }
0xe2: {  	v2 =	vld [tilespmem:s28+$0x1380];
	v3 =	vor.u32 v3, v4;
	_ =	sdelay $0x2  }
0xe3: {  	s26 =	sadd.s32 $0x10, s26;
	s28 =	sand.u32 $0x780, s25  }
0xe4: {  	_ =	sdelay $0x3  }
0xe5: {  	s25 =	sand.u32 $0x70, s25;
	s23 =	sadd.s32 s23, s28  }
0xe6: {  	s23 =	sor.u32 s25, s23;
	[tilespmem:v3+s16+$0x0] =	vst.idx.msk vm0, v2  }
0xe7: {  	v2 =	vld [tilespmem:s23+$0x0]  }
0xe8: {  	v3 =	vld [tilespmem:s23+$0xD00];
	_ =	sdelay $0x2  }
0xe9: {  	v4 =	vld [tilespmem:s23+$0x680]  }
0xea: {  	v5 =	vshrl.u32 v2, $0x3  }
0xeb: {  	v6 =	vshll.u32 v3, $0x3;
	v5 =	vmul.u32 $0x9C00, v5  }
0xec: {  	v2 =	vshll.u32 v2, $0x7;
	v6 =	vand.u32 $0xFFFFFC00, v6  }
0xed: {  	v2 =	vand.u32 $0x380, v2;
	v5 =	vadd.s32 v5, v6  }
0xee: {  	vm15 =	veq.s32 v4, v1;
	v1 =	vand.u32 $0x7F, v3;
	v2 =	vor.u32 v2, v5  }
0xef: {  	s21 =	sadd.s32 $0x1, s21;
	v3 =	vld [tilespmem:s23+$0x1380];
	v1 =	vor.u32 v1, v2  }
0xf0: {  	s22 =	smul.u32 $0x9C00, s22;
	p0 =	sne.s32 s21, $0xA  }
.Ltmp8:
0xf1: {  	_ = 	snop;
	(pc) =	sbr.rel @p0 .LBB2_6-.Ltmp8, $4  }
0xf2: {  	s22 =	sadd.s32 s24, s22  }
0xf3: {  	s22 =	sshrl.u32 s22, $0x3  }
0xf4: {  	s22 =	sadd.s32 s3, s22;
	[tilespmem:v1+s16+$0x0] =	vst.idx.msk vm15, v3  }
0xf5: {  	[hbm4b:s22+s2] =	stream.linear.scatter [tilespmem:s16], [sflag:$0x2], $0x9C00, $0x38;
	[tilespmem:$0x15A00] =	vst v63  }
0xf6: {  	_ =	swait.ge [sflag:s17], $0x9C00  }
0xf7: {  	[sflag:s17] =	ssyncset.done $0x0  }
0xf8: {  	[sflag:s17] =	ssyncadd.s32 $0xFFFF6400  }
0xf9: {  	_ =	swait.ge [sflag:s18], $0x9C00  }
0xfa: {  	[sflag:s18] =	ssyncset.done $0x0  }
0xfb: {  	s21 =	simm.s32 $0x0;
	[sflag:s18] =	ssyncadd.s32 $0xFFFF6400  }
0xfc: {  	s22 =	simm.s32 $0x40;
	v1 =	vld [tilespmem:s21+$0xD00]  }
.LBB2_20:
0xfd: {  	p0 =	sne.s32 s22, $0x18C0;
	v2 =	vld [tilespmem:s21+$0x0];
	_ =	sdelay $0x2  }
0xfe: {  	v3 =	vld [tilespmem:s21+$0x680];
	_ =	sdelay $0x1  }
0xff: {  	v5 =	vshll.u32 v1, $0x3;
	v4 =	vshll.u32 v2, $0x8  }
0x100: {  	v5 =	vand.u32 $0xFFFFFC00, v5;
	v2 =	vshll.u32 v2, $0x7;
	v4 =	vand.u32 $0xFFFFF800, v4  }
0x101: {  	v2 =	vand.u32 $0x380, v2;
	v4 =	vadd.s32 v4, v5  }
0x102: {  	v1 =	vand.u32 $0x7F, v1;
	vm0 =	veq.s32 v3, $0x14;
	v2 =	vor.u32 v2, v4  }
0x103: {  	v3 =	vld [tilespmem:s21+$0x1380];
	v1 =	vor.u32 v1, v2;
	_ =	sdelay $0x1  }
.Ltmp9:
0x104: {  	(pc) =	sbr.rel @p0 .LBB2_20-.Ltmp9, $3  }
0x105: {  	_ =	sdelay $0x1  }
0x106: {  	s21 =	sshra.s32 s22, $0x2;
	[tilespmem:v1+s19+$0x0] =	vst.idx.msk vm0, v3  }
0x107: {  	s22 =	sadd.s32 $0x40, s22;
	v1 =	vld [tilespmem:s21+$0xD00]  }
0x108: {  	v2 =	vld [tilespmem:s21+$0x0];
	_ =	sdelay $0x2  }
0x109: {  	v3 =	vld [tilespmem:s21+$0x680];
	_ =	sdelay $0x1  }
0x10a: {  	v5 =	vshll.u32 v1, $0x3;
	v4 =	vshll.u32 v2, $0x8  }
0x10b: {  	v5 =	vand.u32 $0xFFFFFC00, v5;
	v2 =	vshll.u32 v2, $0x7;
	v4 =	vand.u32 $0xFFFFF800, v4  }
0x10c: {  	v2 =	vand.u32 $0x380, v2;
	v4 =	vadd.s32 v4, v5  }
0x10d: {  	v1 =	vand.u32 $0x7F, v1;
	vm0 =	veq.s32 v3, $0x14;
	v2 =	vor.u32 v2, v4  }
0x10e: {  	v3 =	vld [tilespmem:s21+$0x1380];
	v1 =	vor.u32 v1, v2;
	_ =	sdelay $0x4  }
0x10f: {  	s31 =	simm.s32 $0x0;
	[tilespmem:v1+s19+$0x0] =	vst.idx.msk vm0, v3  }
0x110: {  	[hbm4b:s9+s31] =	stream.linear.scatter [tilespmem:s19], [sflag:$0x1], $0x800, $0x38;
	[tilespmem:$0x15A00] =	vst v63  }
0x111: {  	_ =	swait.ge [sflag:s17], $0x800  }
0x112: {  	[sflag:s17] =	ssyncset.done $0x0  }
0x113: {  	s22 =	simm.s32 $0x0;
	[sflag:s17] =	ssyncadd.s32 $0xFFFFF800  }
0x114: {  	s21 =	simm.s32 $0x40;
	v1 =	vld [tilespmem:s22+$0xD00]  }
.LBB2_22:
0x115: {  	p0 =	sne.s32 s21, $0x18C0;
	v2 =	vld [tilespmem:s22+$0x0];
	_ =	sdelay $0x2  }
0x116: {  	v3 =	vld [tilespmem:s22+$0x680];
	_ =	sdelay $0x1  }
0x117: {  	v5 =	vshll.u32 v1, $0x3;
	v4 =	vshll.u32 v2, $0x8  }
0x118: {  	v5 =	vand.u32 $0xFFFFFC00, v5;
	v2 =	vshll.u32 v2, $0x7;
	v4 =	vand.u32 $0xFFFFF800, v4  }
0x119: {  	v2 =	vand.u32 $0x380, v2;
	v4 =	vadd.s32 v4, v5  }
0x11a: {  	v1 =	vand.u32 $0x7F, v1;
	vm0 =	veq.s32 v3, $0x14;
	v2 =	vor.u32 v2, v4  }
0x11b: {  	v1 =	vor.u32 v1, v2;
	_ =	sdelay $0x1  }
.Ltmp10:
0x11c: {  	(pc) =	sbr.rel @p0 .LBB2_22-.Ltmp10, $3  }
0x11d: {  	_ =	sdelay $0x1  }
0x11e: {  	s22 =	sshra.s32 s21, $0x2;
	[tilespmem:v1+s19+$0x0] =	vst.idx.msk vm0, v0  }
0x11f: {  	s21 =	sadd.s32 $0x40, s21;
	v1 =	vld [tilespmem:s22+$0xD00]  }
0x120: {  	v2 =	vld [tilespmem:s22+$0x0];
	_ =	sdelay $0x2  }
0x121: {  	v3 =	vld [tilespmem:s22+$0x680];
	_ =	sdelay $0x1  }
0x122: {  	v5 =	vshll.u32 v1, $0x3;
	v4 =	vshll.u32 v2, $0x8  }
0x123: {  	v5 =	vand.u32 $0xFFFFFC00, v5;
	v2 =	vshll.u32 v2, $0x7;
	v4 =	vand.u32 $0xFFFFF800, v4  }
0x124: {  	v2 =	vand.u32 $0x380, v2;
	v4 =	vadd.s32 v4, v5  }
0x125: {  	s20 =	sadd.s32 $0x1, s20;
	v1 =	vand.u32 $0x7F, v1;
	vm0 =	veq.s32 v3, $0x14;
	v2 =	vor.u32 v2, v4  }
0x126: {  	p0 =	sne.s32 s20, s10;
	v1 =	vor.u32 v1, v2  }
.Ltmp11:
0x127: {  	_ = 	snop;
	(pc) =	sbr.rel @p0 .LBB2_1-.Ltmp11, $2  }
0x128: {  	_ =	sdelay $0x2  }
0x129: {  	[tilespmem:v1+s19+$0x0] =	vst.idx.msk vm0, v0  }
0x12a: {  	_ =	sfence.sel $0x180000  }
0x12b: {  	[bflag:$0x0] =	sbarrier.arrive $0xFFFF  }
0x12c: {  	p0 =	sne.s32 s1, $0x0;
	_ =	strace $0x90000050  }
0x12d: {  	s0 =	sadd.s32 @!p0 $0x100000, s0;
	[bflag:$0x2] =	sbarrier.arrive $0xFFFF  }
0x12e: {  	[sflag:s0] =	ssyncadd.tile.s32 @!p0 $0x1;
	_ =	shalt  }
.Lfunc_end2:
_tile_overlayer_lowered:
.L_overlay_start_2:
0x12f: {  	(tag) =	ssettag $0x2  }
0x130: {  	s0 =	rddreg [dreg:$0x0];
	s2 =	stileid.u32  }
0x131: {  	s1 =	rddreg [dreg:$0x1];
	p0 =	sne.s32 s2, $0x0  }
0x132: {  	s3 =	rddreg [dreg:$0x2];
	[bflag:$0x3] =	sbarrier.arrive $0xFFFF;
	s2 =	simm.s32 @!p0 $0x1C03  }
0x133: {  	[timem:s3], [sflag:s2] =	dma.local @!p0 [hbm:s0], s1  }
0x134: {  	s0 =	simm.s32 @!p0 $0x3  }
0x135: {  	_ =	swait.ge @!p0 [sflag:s0], s1  }
0x136: {  	s1 =	ssub.s32 @!p0 $0x0, s1;
	[sflag:s0] =	ssyncset.done @!p0 $0x0  }
0x137: {  	[sflag:s0] =	ssyncadd.s32 @!p0 s1  }
0x138: {  	[bflag:$0x3] =	sbarrier.arrive $0xFFFF  }
0x139: {  	_ =	shalt  }

</sc_bundles>
